<compile_context>
chip_gen: v7x
topology: tpu7x:2x2x1
jax: 0.10.2.dev20260603
libtpu: 0.0.44.dev20260713+nightly
codegen_flags: <defaults>
</compile_context>

<pallas_src>
import functools

import jax
import jax.numpy as jnp
from jax import lax
from jax.experimental import pallas as pl
from jax.experimental.pallas import tpu as pltpu
from jax.experimental.pallas import tpu_sc as plsc

NUM_CORES = 2
NUM_SUBCORES = 16
NUM_WORKERS = NUM_CORES * NUM_SUBCORES
LANES = 1024

_SC_PARAMS = dict(
    mesh=plsc.VectorSubcoreMesh(core_axis_name="c", subcore_axis_name="s", num_cores=NUM_CORES, num_subcores=NUM_SUBCORES),
    compiler_params=pltpu.CompilerParams(needs_layout_passes=False),
)


def _make_deg_kernel(e_pad, np_pad):
    epw = e_pad // NUM_WORKERS
    windows = epw // LANES
    assert windows % 4 == 0 and windows >= 8
    tpt = np_pad // NUM_SUBCORES

    @functools.partial(
        pl.kernel,
        out_type=jax.ShapeDtypeStruct((NUM_CORES, np_pad), jnp.float32),
        scratch_types=(
            [pltpu.VMEM_SHARED((np_pad,), jnp.float32)]
            + [pltpu.VMEM((LANES,), jnp.int32) for _ in range(4)]
            + [pltpu.VMEM((LANES,), jnp.float32)]
            + [pltpu.SemaphoreType.DMA for _ in range(6)]
        ),
        **_SC_PARAMS,
    )
    def deg_kernel(dst_hbm, ones_hbm, zeros_hbm, deg_out, *scratch):
        deg_sh = scratch[0]
        idxd = scratch[1:5]
        ones_v = scratch[5]
        sems = scratch[6:]
        sid, ss = sems[0:4], sems[4:6]
        c = lax.axis_index("c")
        s = lax.axis_index("s")
        wid = c * NUM_SUBCORES + s
        sl = pl.ds(s * tpt, tpt)
        pltpu.sync_copy(zeros_hbm.at[sl], deg_sh.at[sl])
        pltpu.sync_copy(ones_hbm, ones_v)
        plsc.subcore_barrier()
        base = wid * epw

        def win(o):
            return pl.ds(base + o * LANES, LANES)

        def start_idx(o, q):
            pltpu.async_copy(dst_hbm.at[win(o)], idxd[q], sid[q])

        def wait_idx(o, q):
            pltpu.make_async_copy(dst_hbm.at[win(o)], idxd[q], sid[q]).wait()

        start_idx(0, 0)
        start_idx(1, 1)

        def outer(i, carry):
            for q in range(4):
                o = i * 4 + q
                b = q & 1
                wait_idx(o, q)

                @pl.when(o >= 2)
                def _():
                    pltpu.make_async_copy(ones_v, deg_sh.at[idxd[q]], ss[b]).wait()

                pltpu.async_copy(ones_v, deg_sh.at[idxd[q]], ss[b], add=True)

                @pl.when(o + 2 < windows)
                def _():
                    start_idx(o + 2, (q + 2) % 4)
            return carry

        lax.fori_loop(0, windows // 4, outer, 0)
        pltpu.make_async_copy(ones_v, deg_sh.at[idxd[2]], ss[0]).wait()
        pltpu.make_async_copy(ones_v, deg_sh.at[idxd[3]], ss[1]).wait()
        plsc.subcore_barrier()
        pltpu.sync_copy(deg_sh.at[sl], deg_out.at[c, sl])

    return deg_kernel


def _make_prop_kernel(e_pad, np_pad, d, d_pad):
    epw = e_pad // NUM_WORKERS
    windows = epw // LANES
    assert windows % 4 == 0 and windows >= 8
    tpt = np_pad // NUM_SUBCORES

    @functools.partial(
        pl.kernel,
        out_type=jax.ShapeDtypeStruct((NUM_CORES, d_pad, np_pad), jnp.float32),
        scratch_types=(
            [pltpu.VMEM_SHARED((np_pad,), jnp.float32) for _ in range(2 * d)]
            + [pltpu.VMEM((LANES,), jnp.int32) for _ in range(8)]
            + [pltpu.VMEM((LANES,), jnp.float32) for _ in range(2 * d)]
            + [pltpu.SemaphoreType.DMA for _ in range(12)]
        ),
        **_SC_PARAMS,
    )
    def prop_kernel(src_hbm, dst_hbm, tab_hbm, zeros_hbm, acc_out, *scratch):
        tabs = scratch[:d]
        accs = scratch[d:2 * d]
        idxs = scratch[2 * d:2 * d + 4]
        idxd = scratch[2 * d + 4:2 * d + 8]
        cols = [scratch[2 * d + 8 + b * d:2 * d + 8 + (b + 1) * d]
                for b in range(2)]
        sems = scratch[4 * d + 8:]
        sis, sid = sems[0:4], sems[4:8]
        sg, ss = sems[8:10], sems[10:12]
        c = lax.axis_index("c")
        s = lax.axis_index("s")
        wid = c * NUM_SUBCORES + s
        sl = pl.ds(s * tpt, tpt)
        for f in range(d):
            pltpu.sync_copy(tab_hbm.at[f, sl], tabs[f].at[sl])
            pltpu.sync_copy(zeros_hbm.at[sl], accs[f].at[sl])
        plsc.subcore_barrier()
        base = wid * epw

        def win(o):
            return pl.ds(base + o * LANES, LANES)

        def start_idx(o, q):
            pltpu.async_copy(src_hbm.at[win(o)], idxs[q], sis[q])
            pltpu.async_copy(dst_hbm.at[win(o)], idxd[q], sid[q])

        def wait_idx(o, q):
            pltpu.make_async_copy(src_hbm.at[win(o)], idxs[q], sis[q]).wait()
            pltpu.make_async_copy(dst_hbm.at[win(o)], idxd[q], sid[q]).wait()

        def start_gathers(q, b):
            for f in range(d):
                pltpu.async_copy(tabs[f].at[idxs[q]], cols[b][f], sg[b])

        def wait_gathers(q, b):
            for f in range(d):
                pltpu.make_async_copy(tabs[f].at[idxs[q]], cols[b][f], sg[b]).wait()

        def start_scatters(q, b):
            for f in range(d):
                pltpu.async_copy(cols[b][f], accs[f].at[idxd[q]], ss[b], add=True)

        def wait_scatters(q, b):
            for f in range(d):
                pltpu.make_async_copy(cols[b][f], accs[f].at[idxd[q]], ss[b]).wait()

        start_idx(0, 0)
        start_idx(1, 1)

        def outer(i, carry):
            for q in range(4):
                o = i * 4 + q
                b = q & 1
                wait_idx(o, q)

                @pl.when(o >= 2)
                def _():
                    wait_scatters(q, b)

                start_gathers(q, b)

                @pl.when(o + 2 < windows)
                def _():
                    start_idx(o + 2, (q + 2) % 4)

                wait_gathers(q, b)
                start_scatters(q, b)
            return carry

        lax.fori_loop(0, windows // 4, outer, 0)
        wait_scatters(2, 0)
        wait_scatters(3, 1)
        plsc.subcore_barrier()
        for f in range(d):
            pltpu.sync_copy(accs[f].at[sl], acc_out.at[c, f, sl])

    return prop_kernel


def _tc1_body(deg_ref, x4t_ref, xs4t_ref, dis_ref):
    dsum = deg_ref[0:1, :] + deg_ref[1:2, :] + 1.0
    dis = lax.rsqrt(dsum)
    xs4t_ref[...] = x4t_ref[...] * dis
    dis_ref[...] = dis


def _tc2_body(p_ref, xs4t_ref, dis_ref, w1t_ref, b1c_ref, w2t_ref, gs8t_ref):
    dis = dis_ref[...]
    t3 = (p_ref[0][:3, :] + p_ref[1][:3, :] + xs4t_ref[...][:3, :]) * dis
    h = jnp.dot(w1t_ref[...], t3, preferred_element_type=jnp.float32) + b1c_ref[...]
    h = jnp.maximum(h, 0.0)
    g8 = jnp.dot(w2t_ref[...], h, preferred_element_type=jnp.float32)
    gs8t_ref[...] = g8 * dis


def _tc3_body(q_ref, gs8t_ref, dis_ref, b2c_ref, out_ref):
    u = (q_ref[0][:7, :] + q_ref[1][:7, :] + gs8t_ref[...][:7, :]) * dis_ref[...]
    z = u + b2c_ref[...]
    m = jnp.max(z, axis=0, keepdims=True)
    e = jnp.exp(z - m)
    ls = z - m - jnp.log(jnp.sum(e, axis=0, keepdims=True))
    out_ref[...] = ls.T


def kernel(x, edge_index, W1, b1, W2, b2):
    n = x.shape[0]
    e = edge_index.shape[1]
    np_pad = ((n + 256 + 2047) // 2048) * 2048
    epw4 = NUM_WORKERS * LANES * 4
    e_pad = ((e + epw4 - 1) // epw4) * epw4

    src = edge_index[0].astype(jnp.int32)
    dst = edge_index[1].astype(jnp.int32)
    sent = (jnp.arange(e_pad - e, dtype=jnp.int32) % 256) + n
    src1d = jnp.concatenate([src, sent])
    dst1d = jnp.concatenate([dst, sent])

    x4t = jnp.pad(x, ((0, np_pad - n), (0, 1))).T
    w1t = W1.T
    b1c = b1.reshape(16, 1)
    w2t = jnp.pad(W2, ((0, 0), (0, 1))).T
    b2c = b2.reshape(7, 1)
    ones128 = jnp.ones((LANES,), jnp.float32)
    z1 = jnp.zeros((np_pad,), jnp.float32)

    deg2 = _make_deg_kernel(e_pad, np_pad)(dst1d, ones128, z1)

    grid = 16
    r = np_pad // grid
    xs4t, dis = pl.pallas_call(
        _tc1_body,
        grid=(grid,),
        in_specs=[
            pl.BlockSpec((2, r), lambda i: (0, i)),
            pl.BlockSpec((4, r), lambda i: (0, i)),
        ],
        out_specs=[
            pl.BlockSpec((4, r), lambda i: (0, i)),
            pl.BlockSpec((1, r), lambda i: (0, i)),
        ],
        out_shape=[
            jax.ShapeDtypeStruct((4, np_pad), jnp.float32),
            jax.ShapeDtypeStruct((1, np_pad), jnp.float32),
        ],
    )(deg2, x4t)

    p2 = _make_prop_kernel(e_pad, np_pad, 3, 4)(src1d, dst1d, xs4t, z1)

    gs8t = pl.pallas_call(
        _tc2_body,
        grid=(grid,),
        in_specs=[
            pl.BlockSpec((2, 4, r), lambda i: (0, 0, i)),
            pl.BlockSpec((4, r), lambda i: (0, i)),
            pl.BlockSpec((1, r), lambda i: (0, i)),
            pl.BlockSpec((16, 3), lambda i: (0, 0)),
            pl.BlockSpec((16, 1), lambda i: (0, 0)),
            pl.BlockSpec((8, 16), lambda i: (0, 0)),
        ],
        out_specs=pl.BlockSpec((8, r), lambda i: (0, i)),
        out_shape=jax.ShapeDtypeStruct((8, np_pad), jnp.float32),
    )(p2, xs4t, dis, w1t, b1c, w2t)

    q2 = _make_prop_kernel(e_pad, np_pad, 7, 8)(src1d, dst1d, gs8t, z1)

    out = pl.pallas_call(
        _tc3_body,
        grid=(grid,),
        in_specs=[
            pl.BlockSpec((2, 8, r), lambda i: (0, 0, i)),
            pl.BlockSpec((8, r), lambda i: (0, i)),
            pl.BlockSpec((1, r), lambda i: (0, i)),
            pl.BlockSpec((7, 1), lambda i: (0, 0)),
        ],
        out_specs=pl.BlockSpec((r, 7), lambda i: (i, 0)),
        out_shape=jax.ShapeDtypeStruct((np_pad, 7), jnp.float32),
    )(q2, gs8t, dis, b2c)

    return out[:n]

# --- scband reference (transcript-rebuilt; emitter-appended) ---
"""Pipeline reference for scband-gcn-3951369912440 (READ-ONLY COPY).

The authoritative reference and input builder live on the scoring server;
editing this copy changes nothing except your own understanding.
"""

import jax, jax.numpy as jnp
import numpy as np

N_NODES = 100000
N_EDGES = 6400000

def setup_inputs(seed: int = 0) -> dict:
    key = jax.random.key(seed)
    k1, k2, k3, k4, k5, k6 = jax.random.split(key, 6)
    x = jax.random.normal(k1, (N_NODES, 3), dtype=jnp.float32)
    edge_index = jax.random.randint(k2, (2, N_EDGES), 0, N_NODES, dtype=jnp.int64)
    # GCNConv(3,16) params (glorot weight, zero bias like PyG defaults)
    W1 = jax.random.normal(k3, (3, 16), dtype=jnp.float32) * (1.0 / np.sqrt(3))
    b1 = jnp.zeros((16,), dtype=jnp.float32)
    # GCNConv(16,7) params
    W2 = jax.random.normal(k4, (16, 7), dtype=jnp.float32) * (1.0 / np.sqrt(16))
    b2 = jnp.zeros((7,), dtype=jnp.float32)
    return {"x": x, "edge_index": edge_index, "W1": W1, "b1": b1, "W2": W2, "b2": b2}


def _gcn_conv(x, src, dst, W, b, num_nodes):
    # x' = D^{-1/2} (A + I) D^{-1/2} X W + b  (PyG GCNConv with add_self_loops=True)
    h = x @ W
    deg = jnp.zeros((num_nodes,), dtype=h.dtype).at[dst].add(1.0)
    dis = jnp.where(deg > 0, jax.lax.rsqrt(deg), 0.0)
    norm = dis[src] * dis[dst]
    msg = h[src] * norm[:, None]
    out = jnp.zeros((num_nodes, h.shape[1]), dtype=h.dtype).at[dst].add(msg)
    return out + b


def reference(x, edge_index, W1, b1, W2, b2):
    num_nodes = x.shape[0]
    self_idx = jnp.arange(num_nodes, dtype=edge_index.dtype)
    src = jnp.concatenate([edge_index[0], self_idx])
    dst = jnp.concatenate([edge_index[1], self_idx])
    h = _gcn_conv(x, src, dst, W1, b1, num_nodes)
    h = jax.nn.relu(h)
    h = _gcn_conv(h, src, dst, W2, b2, num_nodes)
    return jax.nn.log_softmax(h, axis=1)

if __name__ == "__main__":
    import jax
    _d = setup_inputs()
    print(jax.jit(kernel)(*tuple(_d.values())))

</pallas_src>

<mosaic_0001>
#map = affine_map<(d0, d1) -> (0)>
#map1 = affine_map<(d0, d1) -> (0, 0)>
#map2 = affine_map<(d0, d1) -> (0, 0, 0)>
module attributes {stable_mosaic.version = 14 : i64} {
  func.func @prop_kernel(%arg0: i32, %arg1: i32, %arg2: memref<6422528xi32, #tpu.memory_space<hbm>>, %arg3: memref<6422528xi32, #tpu.memory_space<hbm>>, %arg4: memref<8x100352xf32, #tpu.memory_space<hbm>>, %arg5: memref<100352xf32, #tpu.memory_space<hbm>>, %arg6: memref<2x8x100352xf32, #tpu.memory_space<hbm>>, %arg7: memref<100352xf32, #tpu.memory_space<vmem_shared>>, %arg8: memref<100352xf32, #tpu.memory_space<vmem_shared>>, %arg9: memref<100352xf32, #tpu.memory_space<vmem_shared>>, %arg10: memref<100352xf32, #tpu.memory_space<vmem_shared>>, %arg11: memref<100352xf32, #tpu.memory_space<vmem_shared>>, %arg12: memref<100352xf32, #tpu.memory_space<vmem_shared>>, %arg13: memref<100352xf32, #tpu.memory_space<vmem_shared>>, %arg14: memref<100352xf32, #tpu.memory_space<vmem_shared>>, %arg15: memref<100352xf32, #tpu.memory_space<vmem_shared>>, %arg16: memref<100352xf32, #tpu.memory_space<vmem_shared>>, %arg17: memref<100352xf32, #tpu.memory_space<vmem_shared>>, %arg18: memref<100352xf32, #tpu.memory_space<vmem_shared>>, %arg19: memref<100352xf32, #tpu.memory_space<vmem_shared>>, %arg20: memref<100352xf32, #tpu.memory_space<vmem_shared>>, %arg21: memref<1024xi32, #tpu.memory_space<vmem>>, %arg22: memref<1024xi32, #tpu.memory_space<vmem>>, %arg23: memref<1024xi32, #tpu.memory_space<vmem>>, %arg24: memref<1024xi32, #tpu.memory_space<vmem>>, %arg25: memref<1024xi32, #tpu.memory_space<vmem>>, %arg26: memref<1024xi32, #tpu.memory_space<vmem>>, %arg27: memref<1024xi32, #tpu.memory_space<vmem>>, %arg28: memref<1024xi32, #tpu.memory_space<vmem>>, %arg29: memref<1024xf32, #tpu.memory_space<vmem>>, %arg30: memref<1024xf32, #tpu.memory_space<vmem>>, %arg31: memref<1024xf32, #tpu.memory_space<vmem>>, %arg32: memref<1024xf32, #tpu.memory_space<vmem>>, %arg33: memref<1024xf32, #tpu.memory_space<vmem>>, %arg34: memref<1024xf32, #tpu.memory_space<vmem>>, %arg35: memref<1024xf32, #tpu.memory_space<vmem>>, %arg36: memref<1024xf32, #tpu.memory_space<vmem>>, %arg37: memref<1024xf32, #tpu.memory_space<vmem>>, %arg38: memref<1024xf32, #tpu.memory_space<vmem>>, %arg39: memref<1024xf32, #tpu.memory_space<vmem>>, %arg40: memref<1024xf32, #tpu.memory_space<vmem>>, %arg41: memref<1024xf32, #tpu.memory_space<vmem>>, %arg42: memref<1024xf32, #tpu.memory_space<vmem>>, %arg43: memref<!tpu.dma_semaphore, #tpu.memory_space<semaphore_mem>>, %arg44: memref<!tpu.dma_semaphore, #tpu.memory_space<semaphore_mem>>, %arg45: memref<!tpu.dma_semaphore, #tpu.memory_space<semaphore_mem>>, %arg46: memref<!tpu.dma_semaphore, #tpu.memory_space<semaphore_mem>>, %arg47: memref<!tpu.dma_semaphore, #tpu.memory_space<semaphore_mem>>, %arg48: memref<!tpu.dma_semaphore, #tpu.memory_space<semaphore_mem>>, %arg49: memref<!tpu.dma_semaphore, #tpu.memory_space<semaphore_mem>>, %arg50: memref<!tpu.dma_semaphore, #tpu.memory_space<semaphore_mem>>, %arg51: memref<!tpu.dma_semaphore, #tpu.memory_space<semaphore_mem>>, %arg52: memref<!tpu.dma_semaphore, #tpu.memory_space<semaphore_mem>>, %arg53: memref<!tpu.dma_semaphore, #tpu.memory_space<semaphore_mem>>, %arg54: memref<!tpu.dma_semaphore, #tpu.memory_space<semaphore_mem>>) attributes {dimension_semantics = [#tpu.dimension_semantics<core_parallel>, #tpu.dimension_semantics<subcore_parallel>], iteration_bounds = array<i64: 2, 16>, scalar_prefetch = 0 : i64, scratch_operands = 48 : i64, tpu.core_type = #tpu.core_type<sc_vector_subcore>, window_params = [{transform_indices = #map}, {transform_indices = #map}, {transform_indices = #map1}, {transform_indices = #map}, {transform_indices = #map2}]} {
    %mul3A = arith.constant 16 : i32
    %mul3A_0 = arith.muli %arg0, %mul3A : i32
    %add3A = arith.addi %mul3A_0, %arg1 : i32
    %mul3A_1 = arith.constant 6272 : i32
    %mul3A_2 = arith.muli %arg1, %mul3A_1 : i32
    %run_scoped3A = arith.constant 0 : i32
    "tpu.region"() ({
      %run_scoped3A_66 = tpu.sem_alloc : memref<!tpu.dma_semaphore, #tpu.memory_space<semaphore_mem>>
      %dma_start3A_67 = tpu.memref_slice %arg7[%mul3A_2] : memref<100352xf32, #tpu.memory_space<vmem_shared>> -> memref<6272xf32, #tpu.memory_space<vmem_shared>>
      %dma_start3A_68 = tpu.memref_slice %arg4[%run_scoped3A, %mul3A_2] : memref<8x100352xf32, #tpu.memory_space<hbm>> -> memref<1x6272xf32, #tpu.memory_space<hbm>>
      %dma_start3A_69 = tpu.memref_squeeze %dma_start3A_68 : memref<1x6272xf32, #tpu.memory_space<hbm>> -> memref<6272xf32, #tpu.memory_space<hbm>>
      tpu.enqueue_dma source(%dma_start3A_69 : memref<6272xf32, #tpu.memory_space<hbm>>) target(%dma_start3A_67 : memref<6272xf32, #tpu.memory_space<vmem_shared>>) target_semaphore(%run_scoped3A_66 : memref<!tpu.dma_semaphore, #tpu.memory_space<semaphore_mem>>)
      %dma_wait3A_70 = tpu.memref_slice %arg7[%mul3A_2] : memref<100352xf32, #tpu.memory_space<vmem_shared>> -> memref<6272xf32, #tpu.memory_space<vmem_shared>>
      %dma_wait3A_71 = tpu.memref_slice %arg4[%run_scoped3A, %mul3A_2] : memref<8x100352xf32, #tpu.memory_space<hbm>> -> memref<1x6272xf32, #tpu.memory_space<hbm>>
      %dma_wait3A_72 = tpu.memref_squeeze %dma_wait3A_71 : memref<1x6272xf32, #tpu.memory_space<hbm>> -> memref<6272xf32, #tpu.memory_space<hbm>>
      tpu.wait_dma2 semaphore(%run_scoped3A_66 : memref<!tpu.dma_semaphore, #tpu.memory_space<semaphore_mem>>) src(%dma_wait3A_72 : memref<6272xf32, #tpu.memory_space<hbm>>) dst(%dma_wait3A_70 : memref<6272xf32, #tpu.memory_space<vmem_shared>>)
      tpu.yield
    }) : () -> ()
    "tpu.region"() ({
      %run_scoped3A_66 = tpu.sem_alloc : memref<!tpu.dma_semaphore, #tpu.memory_space<semaphore_mem>>
      %dma_start3A_67 = tpu.memref_slice %arg14[%mul3A_2] : memref<100352xf32, #tpu.memory_space<vmem_shared>> -> memref<6272xf32, #tpu.memory_space<vmem_shared>>
      %dma_start3A_68 = tpu.memref_slice %arg5[%mul3A_2] : memref<100352xf32, #tpu.memory_space<hbm>> -> memref<6272xf32, #tpu.memory_space<hbm>>
      tpu.enqueue_dma source(%dma_start3A_68 : memref<6272xf32, #tpu.memory_space<hbm>>) target(%dma_start3A_67 : memref<6272xf32, #tpu.memory_space<vmem_shared>>) target_semaphore(%run_scoped3A_66 : memref<!tpu.dma_semaphore, #tpu.memory_space<semaphore_mem>>)
      %dma_wait3A_69 = tpu.memref_slice %arg14[%mul3A_2] : memref<100352xf32, #tpu.memory_space<vmem_shared>> -> memref<6272xf32, #tpu.memory_space<vmem_shared>>
      %dma_wait3A_70 = tpu.memref_slice %arg5[%mul3A_2] : memref<100352xf32, #tpu.memory_space<hbm>> -> memref<6272xf32, #tpu.memory_space<hbm>>
      tpu.wait_dma2 semaphore(%run_scoped3A_66 : memref<!tpu.dma_semaphore, #tpu.memory_space<semaphore_mem>>) src(%dma_wait3A_70 : memref<6272xf32, #tpu.memory_space<hbm>>) dst(%dma_wait3A_69 : memref<6272xf32, #tpu.memory_space<vmem_shared>>)
      tpu.yield
    }) : () -> ()
    %run_scoped3A_3 = arith.constant 1 : i32
    "tpu.region"() ({
      %run_scoped3A_66 = tpu.sem_alloc : memref<!tpu.dma_semaphore, #tpu.memory_space<semaphore_mem>>
      %dma_start3A_67 = tpu.memref_slice %arg8[%mul3A_2] : memref<100352xf32, #tpu.memory_space<vmem_shared>> -> memref<6272xf32, #tpu.memory_space<vmem_shared>>
      %dma_start3A_68 = tpu.memref_slice %arg4[%run_scoped3A_3, %mul3A_2] : memref<8x100352xf32, #tpu.memory_space<hbm>> -> memref<1x6272xf32, #tpu.memory_space<hbm>>
      %dma_start3A_69 = tpu.memref_squeeze %dma_start3A_68 : memref<1x6272xf32, #tpu.memory_space<hbm>> -> memref<6272xf32, #tpu.memory_space<hbm>>
      tpu.enqueue_dma source(%dma_start3A_69 : memref<6272xf32, #tpu.memory_space<hbm>>) target(%dma_start3A_67 : memref<6272xf32, #tpu.memory_space<vmem_shared>>) target_semaphore(%run_scoped3A_66 : memref<!tpu.dma_semaphore, #tpu.memory_space<semaphore_mem>>)
      %dma_wait3A_70 = tpu.memref_slice %arg8[%mul3A_2] : memref<100352xf32, #tpu.memory_space<vmem_shared>> -> memref<6272xf32, #tpu.memory_space<vmem_shared>>
      %dma_wait3A_71 = tpu.memref_slice %arg4[%run_scoped3A_3, %mul3A_2] : memref<8x100352xf32, #tpu.memory_space<hbm>> -> memref<1x6272xf32, #tpu.memory_space<hbm>>
      %dma_wait3A_72 = tpu.memref_squeeze %dma_wait3A_71 : memref<1x6272xf32, #tpu.memory_space<hbm>> -> memref<6272xf32, #tpu.memory_space<hbm>>
      tpu.wait_dma2 semaphore(%run_scoped3A_66 : memref<!tpu.dma_semaphore, #tpu.memory_space<semaphore_mem>>) src(%dma_wait3A_72 : memref<6272xf32, #tpu.memory_space<hbm>>) dst(%dma_wait3A_70 : memref<6272xf32, #tpu.memory_space<vmem_shared>>)
      tpu.yield
    }) : () -> ()
    "tpu.region"() ({
      %run_scoped3A_66 = tpu.sem_alloc : memref<!tpu.dma_semaphore, #tpu.memory_space<semaphore_mem>>
      %dma_start3A_67 = tpu.memref_slice %arg15[%mul3A_2] : memref<100352xf32, #tpu.memory_space<vmem_shared>> -> memref<6272xf32, #tpu.memory_space<vmem_shared>>
      %dma_start3A_68 = tpu.memref_slice %arg5[%mul3A_2] : memref<100352xf32, #tpu.memory_space<hbm>> -> memref<6272xf32, #tpu.memory_space<hbm>>
      tpu.enqueue_dma source(%dma_start3A_68 : memref<6272xf32, #tpu.memory_space<hbm>>) target(%dma_start3A_67 : memref<6272xf32, #tpu.memory_space<vmem_shared>>) target_semaphore(%run_scoped3A_66 : memref<!tpu.dma_semaphore, #tpu.memory_space<semaphore_mem>>)
      %dma_wait3A_69 = tpu.memref_slice %arg15[%mul3A_2] : memref<100352xf32, #tpu.memory_space<vmem_shared>> -> memref<6272xf32, #tpu.memory_space<vmem_shared>>
      %dma_wait3A_70 = tpu.memref_slice %arg5[%mul3A_2] : memref<100352xf32, #tpu.memory_space<hbm>> -> memref<6272xf32, #tpu.memory_space<hbm>>
      tpu.wait_dma2 semaphore(%run_scoped3A_66 : memref<!tpu.dma_semaphore, #tpu.memory_space<semaphore_mem>>) src(%dma_wait3A_70 : memref<6272xf32, #tpu.memory_space<hbm>>) dst(%dma_wait3A_69 : memref<6272xf32, #tpu.memory_space<vmem_shared>>)
      tpu.yield
    }) : () -> ()
    %run_scoped3A_4 = arith.constant 2 : i32
    "tpu.region"() ({
      %run_scoped3A_66 = tpu.sem_alloc : memref<!tpu.dma_semaphore, #tpu.memory_space<semaphore_mem>>
      %dma_start3A_67 = tpu.memref_slice %arg9[%mul3A_2] : memref<100352xf32, #tpu.memory_space<vmem_shared>> -> memref<6272xf32, #tpu.memory_space<vmem_shared>>
      %dma_start3A_68 = tpu.memref_slice %arg4[%run_scoped3A_4, %mul3A_2] : memref<8x100352xf32, #tpu.memory_space<hbm>> -> memref<1x6272xf32, #tpu.memory_space<hbm>>
      %dma_start3A_69 = tpu.memref_squeeze %dma_start3A_68 : memref<1x6272xf32, #tpu.memory_space<hbm>> -> memref<6272xf32, #tpu.memory_space<hbm>>
      tpu.enqueue_dma source(%dma_start3A_69 : memref<6272xf32, #tpu.memory_space<hbm>>) target(%dma_start3A_67 : memref<6272xf32, #tpu.memory_space<vmem_shared>>) target_semaphore(%run_scoped3A_66 : memref<!tpu.dma_semaphore, #tpu.memory_space<semaphore_mem>>)
      %dma_wait3A_70 = tpu.memref_slice %arg9[%mul3A_2] : memref<100352xf32, #tpu.memory_space<vmem_shared>> -> memref<6272xf32, #tpu.memory_space<vmem_shared>>
      %dma_wait3A_71 = tpu.memref_slice %arg4[%run_scoped3A_4, %mul3A_2] : memref<8x100352xf32, #tpu.memory_space<hbm>> -> memref<1x6272xf32, #tpu.memory_space<hbm>>
      %dma_wait3A_72 = tpu.memref_squeeze %dma_wait3A_71 : memref<1x6272xf32, #tpu.memory_space<hbm>> -> memref<6272xf32, #tpu.memory_space<hbm>>
      tpu.wait_dma2 semaphore(%run_scoped3A_66 : memref<!tpu.dma_semaphore, #tpu.memory_space<semaphore_mem>>) src(%dma_wait3A_72 : memref<6272xf32, #tpu.memory_space<hbm>>) dst(%dma_wait3A_70 : memref<6272xf32, #tpu.memory_space<vmem_shared>>)
      tpu.yield
    }) : () -> ()
    "tpu.region"() ({
      %run_scoped3A_66 = tpu.sem_alloc : memref<!tpu.dma_semaphore, #tpu.memory_space<semaphore_mem>>
      %dma_start3A_67 = tpu.memref_slice %arg16[%mul3A_2] : memref<100352xf32, #tpu.memory_space<vmem_shared>> -> memref<6272xf32, #tpu.memory_space<vmem_shared>>
      %dma_start3A_68 = tpu.memref_slice %arg5[%mul3A_2] : memref<100352xf32, #tpu.memory_space<hbm>> -> memref<6272xf32, #tpu.memory_space<hbm>>
      tpu.enqueue_dma source(%dma_start3A_68 : memref<6272xf32, #tpu.memory_space<hbm>>) target(%dma_start3A_67 : memref<6272xf32, #tpu.memory_space<vmem_shared>>) target_semaphore(%run_scoped3A_66 : memref<!tpu.dma_semaphore, #tpu.memory_space<semaphore_mem>>)
      %dma_wait3A_69 = tpu.memref_slice %arg16[%mul3A_2] : memref<100352xf32, #tpu.memory_space<vmem_shared>> -> memref<6272xf32, #tpu.memory_space<vmem_shared>>
      %dma_wait3A_70 = tpu.memref_slice %arg5[%mul3A_2] : memref<100352xf32, #tpu.memory_space<hbm>> -> memref<6272xf32, #tpu.memory_space<hbm>>
      tpu.wait_dma2 semaphore(%run_scoped3A_66 : memref<!tpu.dma_semaphore, #tpu.memory_space<semaphore_mem>>) src(%dma_wait3A_70 : memref<6272xf32, #tpu.memory_space<hbm>>) dst(%dma_wait3A_69 : memref<6272xf32, #tpu.memory_space<vmem_shared>>)
      tpu.yield
    }) : () -> ()
    %run_scoped3A_5 = arith.constant 3 : i32
    "tpu.region"() ({
      %run_scoped3A_66 = tpu.sem_alloc : memref<!tpu.dma_semaphore, #tpu.memory_space<semaphore_mem>>
      %dma_start3A_67 = tpu.memref_slice %arg10[%mul3A_2] : memref<100352xf32, #tpu.memory_space<vmem_shared>> -> memref<6272xf32, #tpu.memory_space<vmem_shared>>
      %dma_start3A_68 = tpu.memref_slice %arg4[%run_scoped3A_5, %mul3A_2] : memref<8x100352xf32, #tpu.memory_space<hbm>> -> memref<1x6272xf32, #tpu.memory_space<hbm>>
      %dma_start3A_69 = tpu.memref_squeeze %dma_start3A_68 : memref<1x6272xf32, #tpu.memory_space<hbm>> -> memref<6272xf32, #tpu.memory_space<hbm>>
      tpu.enqueue_dma source(%dma_start3A_69 : memref<6272xf32, #tpu.memory_space<hbm>>) target(%dma_start3A_67 : memref<6272xf32, #tpu.memory_space<vmem_shared>>) target_semaphore(%run_scoped3A_66 : memref<!tpu.dma_semaphore, #tpu.memory_space<semaphore_mem>>)
      %dma_wait3A_70 = tpu.memref_slice %arg10[%mul3A_2] : memref<100352xf32, #tpu.memory_space<vmem_shared>> -> memref<6272xf32, #tpu.memory_space<vmem_shared>>
      %dma_wait3A_71 = tpu.memref_slice %arg4[%run_scoped3A_5, %mul3A_2] : memref<8x100352xf32, #tpu.memory_space<hbm>> -> memref<1x6272xf32, #tpu.memory_space<hbm>>
      %dma_wait3A_72 = tpu.memref_squeeze %dma_wait3A_71 : memref<1x6272xf32, #tpu.memory_space<hbm>> -> memref<6272xf32, #tpu.memory_space<hbm>>
      tpu.wait_dma2 semaphore(%run_scoped3A_66 : memref<!tpu.dma_semaphore, #tpu.memory_space<semaphore_mem>>) src(%dma_wait3A_72 : memref<6272xf32, #tpu.memory_space<hbm>>) dst(%dma_wait3A_70 : memref<6272xf32, #tpu.memory_space<vmem_shared>>)
      tpu.yield
    }) : () -> ()
    "tpu.region"() ({
      %run_scoped3A_66 = tpu.sem_alloc : memref<!tpu.dma_semaphore, #tpu.memory_space<semaphore_mem>>
      %dma_start3A_67 = tpu.memref_slice %arg17[%mul3A_2] : memref<100352xf32, #tpu.memory_space<vmem_shared>> -> memref<6272xf32, #tpu.memory_space<vmem_shared>>
      %dma_start3A_68 = tpu.memref_slice %arg5[%mul3A_2] : memref<100352xf32, #tpu.memory_space<hbm>> -> memref<6272xf32, #tpu.memory_space<hbm>>
      tpu.enqueue_dma source(%dma_start3A_68 : memref<6272xf32, #tpu.memory_space<hbm>>) target(%dma_start3A_67 : memref<6272xf32, #tpu.memory_space<vmem_shared>>) target_semaphore(%run_scoped3A_66 : memref<!tpu.dma_semaphore, #tpu.memory_space<semaphore_mem>>)
      %dma_wait3A_69 = tpu.memref_slice %arg17[%mul3A_2] : memref<100352xf32, #tpu.memory_space<vmem_shared>> -> memref<6272xf32, #tpu.memory_space<vmem_shared>>
      %dma_wait3A_70 = tpu.memref_slice %arg5[%mul3A_2] : memref<100352xf32, #tpu.memory_space<hbm>> -> memref<6272xf32, #tpu.memory_space<hbm>>
      tpu.wait_dma2 semaphore(%run_scoped3A_66 : memref<!tpu.dma_semaphore, #tpu.memory_space<semaphore_mem>>) src(%dma_wait3A_70 : memref<6272xf32, #tpu.memory_space<hbm>>) dst(%dma_wait3A_69 : memref<6272xf32, #tpu.memory_space<vmem_shared>>)
      tpu.yield
    }) : () -> ()
    %run_scoped3A_6 = arith.constant 4 : i32
    "tpu.region"() ({
      %run_scoped3A_66 = tpu.sem_alloc : memref<!tpu.dma_semaphore, #tpu.memory_space<semaphore_mem>>
      %dma_start3A_67 = tpu.memref_slice %arg11[%mul3A_2] : memref<100352xf32, #tpu.memory_space<vmem_shared>> -> memref<6272xf32, #tpu.memory_space<vmem_shared>>
      %dma_start3A_68 = tpu.memref_slice %arg4[%run_scoped3A_6, %mul3A_2] : memref<8x100352xf32, #tpu.memory_space<hbm>> -> memref<1x6272xf32, #tpu.memory_space<hbm>>
      %dma_start3A_69 = tpu.memref_squeeze %dma_start3A_68 : memref<1x6272xf32, #tpu.memory_space<hbm>> -> memref<6272xf32, #tpu.memory_space<hbm>>
      tpu.enqueue_dma source(%dma_start3A_69 : memref<6272xf32, #tpu.memory_space<hbm>>) target(%dma_start3A_67 : memref<6272xf32, #tpu.memory_space<vmem_shared>>) target_semaphore(%run_scoped3A_66 : memref<!tpu.dma_semaphore, #tpu.memory_space<semaphore_mem>>)
      %dma_wait3A_70 = tpu.memref_slice %arg11[%mul3A_2] : memref<100352xf32, #tpu.memory_space<vmem_shared>> -> memref<6272xf32, #tpu.memory_space<vmem_shared>>
      %dma_wait3A_71 = tpu.memref_slice %arg4[%run_scoped3A_6, %mul3A_2] : memref<8x100352xf32, #tpu.memory_space<hbm>> -> memref<1x6272xf32, #tpu.memory_space<hbm>>
      %dma_wait3A_72 = tpu.memref_squeeze %dma_wait3A_71 : memref<1x6272xf32, #tpu.memory_space<hbm>> -> memref<6272xf32, #tpu.memory_space<hbm>>
      tpu.wait_dma2 semaphore(%run_scoped3A_66 : memref<!tpu.dma_semaphore, #tpu.memory_space<semaphore_mem>>) src(%dma_wait3A_72 : memref<6272xf32, #tpu.memory_space<hbm>>) dst(%dma_wait3A_70 : memref<6272xf32, #tpu.memory_space<vmem_shared>>)
      tpu.yield
    }) : () -> ()
    "tpu.region"() ({
      %run_scoped3A_66 = tpu.sem_alloc : memref<!tpu.dma_semaphore, #tpu.memory_space<semaphore_mem>>
      %dma_start3A_67 = tpu.memref_slice %arg18[%mul3A_2] : memref<100352xf32, #tpu.memory_space<vmem_shared>> -> memref<6272xf32, #tpu.memory_space<vmem_shared>>
      %dma_start3A_68 = tpu.memref_slice %arg5[%mul3A_2] : memref<100352xf32, #tpu.memory_space<hbm>> -> memref<6272xf32, #tpu.memory_space<hbm>>
      tpu.enqueue_dma source(%dma_start3A_68 : memref<6272xf32, #tpu.memory_space<hbm>>) target(%dma_start3A_67 : memref<6272xf32, #tpu.memory_space<vmem_shared>>) target_semaphore(%run_scoped3A_66 : memref<!tpu.dma_semaphore, #tpu.memory_space<semaphore_mem>>)
      %dma_wait3A_69 = tpu.memref_slice %arg18[%mul3A_2] : memref<100352xf32, #tpu.memory_space<vmem_shared>> -> memref<6272xf32, #tpu.memory_space<vmem_shared>>
      %dma_wait3A_70 = tpu.memref_slice %arg5[%mul3A_2] : memref<100352xf32, #tpu.memory_space<hbm>> -> memref<6272xf32, #tpu.memory_space<hbm>>
      tpu.wait_dma2 semaphore(%run_scoped3A_66 : memref<!tpu.dma_semaphore, #tpu.memory_space<semaphore_mem>>) src(%dma_wait3A_70 : memref<6272xf32, #tpu.memory_space<hbm>>) dst(%dma_wait3A_69 : memref<6272xf32, #tpu.memory_space<vmem_shared>>)
      tpu.yield
    }) : () -> ()
    %run_scoped3A_7 = arith.constant 5 : i32
    "tpu.region"() ({
      %run_scoped3A_66 = tpu.sem_alloc : memref<!tpu.dma_semaphore, #tpu.memory_space<semaphore_mem>>
      %dma_start3A_67 = tpu.memref_slice %arg12[%mul3A_2] : memref<100352xf32, #tpu.memory_space<vmem_shared>> -> memref<6272xf32, #tpu.memory_space<vmem_shared>>
      %dma_start3A_68 = tpu.memref_slice %arg4[%run_scoped3A_7, %mul3A_2] : memref<8x100352xf32, #tpu.memory_space<hbm>> -> memref<1x6272xf32, #tpu.memory_space<hbm>>
      %dma_start3A_69 = tpu.memref_squeeze %dma_start3A_68 : memref<1x6272xf32, #tpu.memory_space<hbm>> -> memref<6272xf32, #tpu.memory_space<hbm>>
      tpu.enqueue_dma source(%dma_start3A_69 : memref<6272xf32, #tpu.memory_space<hbm>>) target(%dma_start3A_67 : memref<6272xf32, #tpu.memory_space<vmem_shared>>) target_semaphore(%run_scoped3A_66 : memref<!tpu.dma_semaphore, #tpu.memory_space<semaphore_mem>>)
      %dma_wait3A_70 = tpu.memref_slice %arg12[%mul3A_2] : memref<100352xf32, #tpu.memory_space<vmem_shared>> -> memref<6272xf32, #tpu.memory_space<vmem_shared>>
      %dma_wait3A_71 = tpu.memref_slice %arg4[%run_scoped3A_7, %mul3A_2] : memref<8x100352xf32, #tpu.memory_space<hbm>> -> memref<1x6272xf32, #tpu.memory_space<hbm>>
      %dma_wait3A_72 = tpu.memref_squeeze %dma_wait3A_71 : memref<1x6272xf32, #tpu.memory_space<hbm>> -> memref<6272xf32, #tpu.memory_space<hbm>>
      tpu.wait_dma2 semaphore(%run_scoped3A_66 : memref<!tpu.dma_semaphore, #tpu.memory_space<semaphore_mem>>) src(%dma_wait3A_72 : memref<6272xf32, #tpu.memory_space<hbm>>) dst(%dma_wait3A_70 : memref<6272xf32, #tpu.memory_space<vmem_shared>>)
      tpu.yield
    }) : () -> ()
    "tpu.region"() ({
      %run_scoped3A_66 = tpu.sem_alloc : memref<!tpu.dma_semaphore, #tpu.memory_space<semaphore_mem>>
      %dma_start3A_67 = tpu.memref_slice %arg19[%mul3A_2] : memref<100352xf32, #tpu.memory_space<vmem_shared>> -> memref<6272xf32, #tpu.memory_space<vmem_shared>>
      %dma_start3A_68 = tpu.memref_slice %arg5[%mul3A_2] : memref<100352xf32, #tpu.memory_space<hbm>> -> memref<6272xf32, #tpu.memory_space<hbm>>
      tpu.enqueue_dma source(%dma_start3A_68 : memref<6272xf32, #tpu.memory_space<hbm>>) target(%dma_start3A_67 : memref<6272xf32, #tpu.memory_space<vmem_shared>>) target_semaphore(%run_scoped3A_66 : memref<!tpu.dma_semaphore, #tpu.memory_space<semaphore_mem>>)
      %dma_wait3A_69 = tpu.memref_slice %arg19[%mul3A_2] : memref<100352xf32, #tpu.memory_space<vmem_shared>> -> memref<6272xf32, #tpu.memory_space<vmem_shared>>
      %dma_wait3A_70 = tpu.memref_slice %arg5[%mul3A_2] : memref<100352xf32, #tpu.memory_space<hbm>> -> memref<6272xf32, #tpu.memory_space<hbm>>
      tpu.wait_dma2 semaphore(%run_scoped3A_66 : memref<!tpu.dma_semaphore, #tpu.memory_space<semaphore_mem>>) src(%dma_wait3A_70 : memref<6272xf32, #tpu.memory_space<hbm>>) dst(%dma_wait3A_69 : memref<6272xf32, #tpu.memory_space<vmem_shared>>)
      tpu.yield
    }) : () -> ()
    %run_scoped3A_8 = arith.constant 6 : i32
    "tpu.region"() ({
      %run_scoped3A_66 = tpu.sem_alloc : memref<!tpu.dma_semaphore, #tpu.memory_space<semaphore_mem>>
      %dma_start3A_67 = tpu.memref_slice %arg13[%mul3A_2] : memref<100352xf32, #tpu.memory_space<vmem_shared>> -> memref<6272xf32, #tpu.memory_space<vmem_shared>>
      %dma_start3A_68 = tpu.memref_slice %arg4[%run_scoped3A_8, %mul3A_2] : memref<8x100352xf32, #tpu.memory_space<hbm>> -> memref<1x6272xf32, #tpu.memory_space<hbm>>
      %dma_start3A_69 = tpu.memref_squeeze %dma_start3A_68 : memref<1x6272xf32, #tpu.memory_space<hbm>> -> memref<6272xf32, #tpu.memory_space<hbm>>
      tpu.enqueue_dma source(%dma_start3A_69 : memref<6272xf32, #tpu.memory_space<hbm>>) target(%dma_start3A_67 : memref<6272xf32, #tpu.memory_space<vmem_shared>>) target_semaphore(%run_scoped3A_66 : memref<!tpu.dma_semaphore, #tpu.memory_space<semaphore_mem>>)
      %dma_wait3A_70 = tpu.memref_slice %arg13[%mul3A_2] : memref<100352xf32, #tpu.memory_space<vmem_shared>> -> memref<6272xf32, #tpu.memory_space<vmem_shared>>
      %dma_wait3A_71 = tpu.memref_slice %arg4[%run_scoped3A_8, %mul3A_2] : memref<8x100352xf32, #tpu.memory_space<hbm>> -> memref<1x6272xf32, #tpu.memory_space<hbm>>
      %dma_wait3A_72 = tpu.memref_squeeze %dma_wait3A_71 : memref<1x6272xf32, #tpu.memory_space<hbm>> -> memref<6272xf32, #tpu.memory_space<hbm>>
      tpu.wait_dma2 semaphore(%run_scoped3A_66 : memref<!tpu.dma_semaphore, #tpu.memory_space<semaphore_mem>>) src(%dma_wait3A_72 : memref<6272xf32, #tpu.memory_space<hbm>>) dst(%dma_wait3A_70 : memref<6272xf32, #tpu.memory_space<vmem_shared>>)
      tpu.yield
    }) : () -> ()
    "tpu.region"() ({
      %run_scoped3A_66 = tpu.sem_alloc : memref<!tpu.dma_semaphore, #tpu.memory_space<semaphore_mem>>
      %dma_start3A_67 = tpu.memref_slice %arg20[%mul3A_2] : memref<100352xf32, #tpu.memory_space<vmem_shared>> -> memref<6272xf32, #tpu.memory_space<vmem_shared>>
      %dma_start3A_68 = tpu.memref_slice %arg5[%mul3A_2] : memref<100352xf32, #tpu.memory_space<hbm>> -> memref<6272xf32, #tpu.memory_space<hbm>>
      tpu.enqueue_dma source(%dma_start3A_68 : memref<6272xf32, #tpu.memory_space<hbm>>) target(%dma_start3A_67 : memref<6272xf32, #tpu.memory_space<vmem_shared>>) target_semaphore(%run_scoped3A_66 : memref<!tpu.dma_semaphore, #tpu.memory_space<semaphore_mem>>)
      %dma_wait3A_69 = tpu.memref_slice %arg20[%mul3A_2] : memref<100352xf32, #tpu.memory_space<vmem_shared>> -> memref<6272xf32, #tpu.memory_space<vmem_shared>>
      %dma_wait3A_70 = tpu.memref_slice %arg5[%mul3A_2] : memref<100352xf32, #tpu.memory_space<hbm>> -> memref<6272xf32, #tpu.memory_space<hbm>>
      tpu.wait_dma2 semaphore(%run_scoped3A_66 : memref<!tpu.dma_semaphore, #tpu.memory_space<semaphore_mem>>) src(%dma_wait3A_70 : memref<6272xf32, #tpu.memory_space<hbm>>) dst(%dma_wait3A_69 : memref<6272xf32, #tpu.memory_space<vmem_shared>>)
      tpu.yield
    }) : () -> ()
    %barrier3A = arith.constant 0 : index
    tpu.barrier barrier_id(%barrier3A)
    %mul3A_9 = arith.constant 200704 : i32
    %mul3A_10 = arith.muli %add3A, %mul3A_9 : i32
    %add3A_11 = arith.constant 0 : i32
    %add3A_12 = arith.addi %mul3A_10, %add3A_11 : i32
    %dma_start3A = tpu.memref_slice %arg2[%add3A_12] : memref<6422528xi32, #tpu.memory_space<hbm>> -> memref<1024xi32, #tpu.memory_space<hbm>>
    %dma_start3A_13 = tpu.memref_slice %arg2[%add3A_12] : memref<6422528xi32, #tpu.memory_space<hbm>> -> memref<1024xi32, #tpu.memory_space<hbm>>
    tpu.enqueue_dma source(%dma_start3A_13 : memref<1024xi32, #tpu.memory_space<hbm>>) target(%arg21 : memref<1024xi32, #tpu.memory_space<vmem>>) target_semaphore(%arg43 : memref<!tpu.dma_semaphore, #tpu.memory_space<semaphore_mem>>)
    %add3A_14 = arith.constant 0 : i32
    %add3A_15 = arith.addi %mul3A_10, %add3A_14 : i32
    %dma_start3A_16 = tpu.memref_slice %arg3[%add3A_15] : memref<6422528xi32, #tpu.memory_space<hbm>> -> memref<1024xi32, #tpu.memory_space<hbm>>
    %dma_start3A_17 = tpu.memref_slice %arg3[%add3A_15] : memref<6422528xi32, #tpu.memory_space<hbm>> -> memref<1024xi32, #tpu.memory_space<hbm>>
    tpu.enqueue_dma source(%dma_start3A_17 : memref<1024xi32, #tpu.memory_space<hbm>>) target(%arg25 : memref<1024xi32, #tpu.memory_space<vmem>>) target_semaphore(%arg47 : memref<!tpu.dma_semaphore, #tpu.memory_space<semaphore_mem>>)
    %add3A_18 = arith.constant 1024 : i32
    %add3A_19 = arith.addi %mul3A_10, %add3A_18 : i32
    %dma_start3A_20 = tpu.memref_slice %arg2[%add3A_19] : memref<6422528xi32, #tpu.memory_space<hbm>> -> memref<1024xi32, #tpu.memory_space<hbm>>
    %dma_start3A_21 = tpu.memref_slice %arg2[%add3A_19] : memref<6422528xi32, #tpu.memory_space<hbm>> -> memref<1024xi32, #tpu.memory_space<hbm>>
    tpu.enqueue_dma source(%dma_start3A_21 : memref<1024xi32, #tpu.memory_space<hbm>>) target(%arg22 : memref<1024xi32, #tpu.memory_space<vmem>>) target_semaphore(%arg44 : memref<!tpu.dma_semaphore, #tpu.memory_space<semaphore_mem>>)
    %add3A_22 = arith.constant 1024 : i32
    %add3A_23 = arith.addi %mul3A_10, %add3A_22 : i32
    %dma_start3A_24 = tpu.memref_slice %arg3[%add3A_23] : memref<6422528xi32, #tpu.memory_space<hbm>> -> memref<1024xi32, #tpu.memory_space<hbm>>
    %dma_start3A_25 = tpu.memref_slice %arg3[%add3A_23] : memref<6422528xi32, #tpu.memory_space<hbm>> -> memref<1024xi32, #tpu.memory_space<hbm>>
    tpu.enqueue_dma source(%dma_start3A_25 : memref<1024xi32, #tpu.memory_space<hbm>>) target(%arg26 : memref<1024xi32, #tpu.memory_space<vmem>>) target_semaphore(%arg48 : memref<!tpu.dma_semaphore, #tpu.memory_space<semaphore_mem>>)
    %scan3A = arith.constant 0 : i32
    %scan3A_26 = arith.constant 0 : i32
    %scan3A_27 = arith.constant 49 : i32
    %scan3A_28 = arith.addi %scan3A_26, %scan3A_27 : i32
    %scan3A_29 = arith.constant 1 : i32
    scf.for %scan3A_66 = %scan3A_26 to %scan3A_28 step %scan3A_29  : i32 {
      %mul3A_67 = arith.constant 4 : i32
      %mul3A_68 = arith.muli %scan3A_66, %mul3A_67 : i32
      %add3A_69 = arith.constant 0 : i32
      %add3A_70 = arith.addi %mul3A_68, %add3A_69 : i32
      %mul3A_71 = arith.constant 1024 : i32
      %mul3A_72 = arith.muli %add3A_70, %mul3A_71 : i32
      %add3A_73 = arith.addi %mul3A_10, %mul3A_72 : i32
      %dma_wait3A_74 = tpu.memref_slice %arg2[%add3A_73] : memref<6422528xi32, #tpu.memory_space<hbm>> -> memref<1024xi32, #tpu.memory_space<hbm>>
      %dma_wait3A_75 = tpu.memref_slice %arg2[%add3A_73] : memref<6422528xi32, #tpu.memory_space<hbm>> -> memref<1024xi32, #tpu.memory_space<hbm>>
      tpu.wait_dma2 semaphore(%arg43 : memref<!tpu.dma_semaphore, #tpu.memory_space<semaphore_mem>>) src(%dma_wait3A_75 : memref<1024xi32, #tpu.memory_space<hbm>>) dst(%arg21 : memref<1024xi32, #tpu.memory_space<vmem>>)
      %mul3A_76 = arith.constant 1024 : i32
      %mul3A_77 = arith.muli %add3A_70, %mul3A_76 : i32
      %add3A_78 = arith.addi %mul3A_10, %mul3A_77 : i32
      %dma_wait3A_79 = tpu.memref_slice %arg3[%add3A_78] : memref<6422528xi32, #tpu.memory_space<hbm>> -> memref<1024xi32, #tpu.memory_space<hbm>>
      %dma_wait3A_80 = tpu.memref_slice %arg3[%add3A_78] : memref<6422528xi32, #tpu.memory_space<hbm>> -> memref<1024xi32, #tpu.memory_space<hbm>>
      tpu.wait_dma2 semaphore(%arg47 : memref<!tpu.dma_semaphore, #tpu.memory_space<semaphore_mem>>) src(%dma_wait3A_80 : memref<1024xi32, #tpu.memory_space<hbm>>) dst(%arg25 : memref<1024xi32, #tpu.memory_space<vmem>>)
      %ge3A = arith.constant 2 : i32
      %ge3A_81 = arith.cmpi sge, %add3A_70, %ge3A : i32
      %convert_element_type3A = arith.extui %ge3A_81 : i1 to i32
      %cond3A = arith.constant 0 : i32
      %cond3A_82 = arith.cmpi ne, %convert_element_type3A, %cond3A : i32
      scf.if %cond3A_82 {
        %dma_wait3A_335 = arith.constant 0 : i32
        %dma_wait3A_336 = tpu.memref_slice %arg14[%dma_wait3A_335] : memref<100352xf32, #tpu.memory_space<vmem_shared>> -> memref<100352xf32, #tpu.memory_space<vmem_shared>>
        tpu.wait_indirect_dma semaphore(%arg53 : memref<!tpu.dma_semaphore, #tpu.memory_space<semaphore_mem>>) src(%arg29 : memref<1024xf32, #tpu.memory_space<vmem>>) dst(%dma_wait3A_336 : memref<100352xf32, #tpu.memory_space<vmem_shared>>)
        %dma_wait3A_337 = arith.constant 0 : i32
        %dma_wait3A_338 = tpu.memref_slice %arg15[%dma_wait3A_337] : memref<100352xf32, #tpu.memory_space<vmem_shared>> -> memref<100352xf32, #tpu.memory_space<vmem_shared>>
        tpu.wait_indirect_dma semaphore(%arg53 : memref<!tpu.dma_semaphore, #tpu.memory_space<semaphore_mem>>) src(%arg30 : memref<1024xf32, #tpu.memory_space<vmem>>) dst(%dma_wait3A_338 : memref<100352xf32, #tpu.memory_space<vmem_shared>>)
        %dma_wait3A_339 = arith.constant 0 : i32
        %dma_wait3A_340 = tpu.memref_slice %arg16[%dma_wait3A_339] : memref<100352xf32, #tpu.memory_space<vmem_shared>> -> memref<100352xf32, #tpu.memory_space<vmem_shared>>
        tpu.wait_indirect_dma semaphore(%arg53 : memref<!tpu.dma_semaphore, #tpu.memory_space<semaphore_mem>>) src(%arg31 : memref<1024xf32, #tpu.memory_space<vmem>>) dst(%dma_wait3A_340 : memref<100352xf32, #tpu.memory_space<vmem_shared>>)
        %dma_wait3A_341 = arith.constant 0 : i32
        %dma_wait3A_342 = tpu.memref_slice %arg17[%dma_wait3A_341] : memref<100352xf32, #tpu.memory_space<vmem_shared>> -> memref<100352xf32, #tpu.memory_space<vmem_shared>>
        tpu.wait_indirect_dma semaphore(%arg53 : memref<!tpu.dma_semaphore, #tpu.memory_space<semaphore_mem>>) src(%arg32 : memref<1024xf32, #tpu.memory_space<vmem>>) dst(%dma_wait3A_342 : memref<100352xf32, #tpu.memory_space<vmem_shared>>)
        %dma_wait3A_343 = arith.constant 0 : i32
        %dma_wait3A_344 = tpu.memref_slice %arg18[%dma_wait3A_343] : memref<100352xf32, #tpu.memory_space<vmem_shared>> -> memref<100352xf32, #tpu.memory_space<vmem_shared>>
        tpu.wait_indirect_dma semaphore(%arg53 : memref<!tpu.dma_semaphore, #tpu.memory_space<semaphore_mem>>) src(%arg33 : memref<1024xf32, #tpu.memory_space<vmem>>) dst(%dma_wait3A_344 : memref<100352xf32, #tpu.memory_space<vmem_shared>>)
        %dma_wait3A_345 = arith.constant 0 : i32
        %dma_wait3A_346 = tpu.memref_slice %arg19[%dma_wait3A_345] : memref<100352xf32, #tpu.memory_space<vmem_shared>> -> memref<100352xf32, #tpu.memory_space<vmem_shared>>
        tpu.wait_indirect_dma semaphore(%arg53 : memref<!tpu.dma_semaphore, #tpu.memory_space<semaphore_mem>>) src(%arg34 : memref<1024xf32, #tpu.memory_space<vmem>>) dst(%dma_wait3A_346 : memref<100352xf32, #tpu.memory_space<vmem_shared>>)
        %dma_wait3A_347 = arith.constant 0 : i32
        %dma_wait3A_348 = tpu.memref_slice %arg20[%dma_wait3A_347] : memref<100352xf32, #tpu.memory_space<vmem_shared>> -> memref<100352xf32, #tpu.memory_space<vmem_shared>>
        tpu.wait_indirect_dma semaphore(%arg53 : memref<!tpu.dma_semaphore, #tpu.memory_space<semaphore_mem>>) src(%arg35 : memref<1024xf32, #tpu.memory_space<vmem>>) dst(%dma_wait3A_348 : memref<100352xf32, #tpu.memory_space<vmem_shared>>)
      } else {
      }
      %dma_start3A_83 = arith.constant 0 : i32
      %dma_start3A_84 = tpu.memref_slice %arg7[%dma_start3A_83] : memref<100352xf32, #tpu.memory_space<vmem_shared>> -> memref<100352xf32, #tpu.memory_space<vmem_shared>>
      tpu.enqueue_indirect_dma source(%dma_start3A_84 : memref<100352xf32, #tpu.memory_space<vmem_shared>>) target(%arg29 : memref<1024xf32, #tpu.memory_space<vmem>>) offsets(%arg21 : memref<1024xi32, #tpu.memory_space<vmem>>) semaphore(%arg51 : memref<!tpu.dma_semaphore, #tpu.memory_space<semaphore_mem>>)
      %dma_start3A_85 = arith.constant 0 : i32
      %dma_start3A_86 = tpu.memref_slice %arg8[%dma_start3A_85] : memref<100352xf32, #tpu.memory_space<vmem_shared>> -> memref<100352xf32, #tpu.memory_space<vmem_shared>>
      tpu.enqueue_indirect_dma source(%dma_start3A_86 : memref<100352xf32, #tpu.memory_space<vmem_shared>>) target(%arg30 : memref<1024xf32, #tpu.memory_space<vmem>>) offsets(%arg21 : memref<1024xi32, #tpu.memory_space<vmem>>) semaphore(%arg51 : memref<!tpu.dma_semaphore, #tpu.memory_space<semaphore_mem>>)
      %dma_start3A_87 = arith.constant 0 : i32
      %dma_start3A_88 = tpu.memref_slice %arg9[%dma_start3A_87] : memref<100352xf32, #tpu.memory_space<vmem_shared>> -> memref<100352xf32, #tpu.memory_space<vmem_shared>>
      tpu.enqueue_indirect_dma source(%dma_start3A_88 : memref<100352xf32, #tpu.memory_space<vmem_shared>>) target(%arg31 : memref<1024xf32, #tpu.memory_space<vmem>>) offsets(%arg21 : memref<1024xi32, #tpu.memory_space<vmem>>) semaphore(%arg51 : memref<!tpu.dma_semaphore, #tpu.memory_space<semaphore_mem>>)
      %dma_start3A_89 = arith.constant 0 : i32
      %dma_start3A_90 = tpu.memref_slice %arg10[%dma_start3A_89] : memref<100352xf32, #tpu.memory_space<vmem_shared>> -> memref<100352xf32, #tpu.memory_space<vmem_shared>>
      tpu.enqueue_indirect_dma source(%dma_start3A_90 : memref<100352xf32, #tpu.memory_space<vmem_shared>>) target(%arg32 : memref<1024xf32, #tpu.memory_space<vmem>>) offsets(%arg21 : memref<1024xi32, #tpu.memory_space<vmem>>) semaphore(%arg51 : memref<!tpu.dma_semaphore, #tpu.memory_space<semaphore_mem>>)
      %dma_start3A_91 = arith.constant 0 : i32
      %dma_start3A_92 = tpu.memref_slice %arg11[%dma_start3A_91] : memref<100352xf32, #tpu.memory_space<vmem_shared>> -> memref<100352xf32, #tpu.memory_space<vmem_shared>>
      tpu.enqueue_indirect_dma source(%dma_start3A_92 : memref<100352xf32, #tpu.memory_space<vmem_shared>>) target(%arg33 : memref<1024xf32, #tpu.memory_space<vmem>>) offsets(%arg21 : memref<1024xi32, #tpu.memory_space<vmem>>) semaphore(%arg51 : memref<!tpu.dma_semaphore, #tpu.memory_space<semaphore_mem>>)
      %dma_start3A_93 = arith.constant 0 : i32
      %dma_start3A_94 = tpu.memref_slice %arg12[%dma_start3A_93] : memref<100352xf32, #tpu.memory_space<vmem_shared>> -> memref<100352xf32, #tpu.memory_space<vmem_shared>>
      tpu.enqueue_indirect_dma source(%dma_start3A_94 : memref<100352xf32, #tpu.memory_space<vmem_shared>>) target(%arg34 : memref<1024xf32, #tpu.memory_space<vmem>>) offsets(%arg21 : memref<1024xi32, #tpu.memory_space<vmem>>) semaphore(%arg51 : memref<!tpu.dma_semaphore, #tpu.memory_space<semaphore_mem>>)
      %dma_start3A_95 = arith.constant 0 : i32
      %dma_start3A_96 = tpu.memref_slice %arg13[%dma_start3A_95] : memref<100352xf32, #tpu.memory_space<vmem_shared>> -> memref<100352xf32, #tpu.memory_space<vmem_shared>>
      tpu.enqueue_indirect_dma source(%dma_start3A_96 : memref<100352xf32, #tpu.memory_space<vmem_shared>>) target(%arg35 : memref<1024xf32, #tpu.memory_space<vmem>>) offsets(%arg21 : memref<1024xi32, #tpu.memory_space<vmem>>) semaphore(%arg51 : memref<!tpu.dma_semaphore, #tpu.memory_space<semaphore_mem>>)
      %add3A_97 = arith.constant 2 : i32
      %add3A_98 = arith.addi %add3A_70, %add3A_97 : i32
      %lt3A = arith.constant 196 : i32
      %lt3A_99 = arith.cmpi slt, %add3A_98, %lt3A : i32
      %convert_element_type3A_100 = arith.extui %lt3A_99 : i1 to i32
      %cond3A_101 = arith.constant 0 : i32
      %cond3A_102 = arith.cmpi ne, %convert_element_type3A_100, %cond3A_101 : i32
      scf.if %cond3A_102 {
        %add3A_335 = arith.constant 2 : i32
        %add3A_336 = arith.addi %add3A_70, %add3A_335 : i32
        %mul3A_337 = arith.constant 1024 : i32
        %mul3A_338 = arith.muli %add3A_336, %mul3A_337 : i32
        %add3A_339 = arith.addi %mul3A_10, %mul3A_338 : i32
        %dma_start3A_340 = tpu.memref_slice %arg2[%add3A_339] : memref<6422528xi32, #tpu.memory_space<hbm>> -> memref<1024xi32, #tpu.memory_space<hbm>>
        %dma_start3A_341 = tpu.memref_slice %arg2[%add3A_339] : memref<6422528xi32, #tpu.memory_space<hbm>> -> memref<1024xi32, #tpu.memory_space<hbm>>
        tpu.enqueue_dma source(%dma_start3A_341 : memref<1024xi32, #tpu.memory_space<hbm>>) target(%arg23 : memref<1024xi32, #tpu.memory_space<vmem>>) target_semaphore(%arg45 : memref<!tpu.dma_semaphore, #tpu.memory_space<semaphore_mem>>)
        %mul3A_342 = arith.constant 1024 : i32
        %mul3A_343 = arith.muli %add3A_336, %mul3A_342 : i32
        %add3A_344 = arith.addi %mul3A_10, %mul3A_343 : i32
        %dma_start3A_345 = tpu.memref_slice %arg3[%add3A_344] : memref<6422528xi32, #tpu.memory_space<hbm>> -> memref<1024xi32, #tpu.memory_space<hbm>>
        %dma_start3A_346 = tpu.memref_slice %arg3[%add3A_344] : memref<6422528xi32, #tpu.memory_space<hbm>> -> memref<1024xi32, #tpu.memory_space<hbm>>
        tpu.enqueue_dma source(%dma_start3A_346 : memref<1024xi32, #tpu.memory_space<hbm>>) target(%arg27 : memref<1024xi32, #tpu.memory_space<vmem>>) target_semaphore(%arg49 : memref<!tpu.dma_semaphore, #tpu.memory_space<semaphore_mem>>)
      } else {
      }
      %dma_wait3A_103 = arith.constant 0 : i32
      %dma_wait3A_104 = tpu.memref_slice %arg7[%dma_wait3A_103] : memref<100352xf32, #tpu.memory_space<vmem_shared>> -> memref<100352xf32, #tpu.memory_space<vmem_shared>>
      tpu.wait_indirect_dma semaphore(%arg51 : memref<!tpu.dma_semaphore, #tpu.memory_space<semaphore_mem>>) src(%dma_wait3A_104 : memref<100352xf32, #tpu.memory_space<vmem_shared>>) dst(%arg29 : memref<1024xf32, #tpu.memory_space<vmem>>)
      %dma_wait3A_105 = arith.constant 0 : i32
      %dma_wait3A_106 = tpu.memref_slice %arg8[%dma_wait3A_105] : memref<100352xf32, #tpu.memory_space<vmem_shared>> -> memref<100352xf32, #tpu.memory_space<vmem_shared>>
      tpu.wait_indirect_dma semaphore(%arg51 : memref<!tpu.dma_semaphore, #tpu.memory_space<semaphore_mem>>) src(%dma_wait3A_106 : memref<100352xf32, #tpu.memory_space<vmem_shared>>) dst(%arg30 : memref<1024xf32, #tpu.memory_space<vmem>>)
      %dma_wait3A_107 = arith.constant 0 : i32
      %dma_wait3A_108 = tpu.memref_slice %arg9[%dma_wait3A_107] : memref<100352xf32, #tpu.memory_space<vmem_shared>> -> memref<100352xf32, #tpu.memory_space<vmem_shared>>
      tpu.wait_indirect_dma semaphore(%arg51 : memref<!tpu.dma_semaphore, #tpu.memory_space<semaphore_mem>>) src(%dma_wait3A_108 : memref<100352xf32, #tpu.memory_space<vmem_shared>>) dst(%arg31 : memref<1024xf32, #tpu.memory_space<vmem>>)
      %dma_wait3A_109 = arith.constant 0 : i32
      %dma_wait3A_110 = tpu.memref_slice %arg10[%dma_wait3A_109] : memref<100352xf32, #tpu.memory_space<vmem_shared>> -> memref<100352xf32, #tpu.memory_space<vmem_shared>>
      tpu.wait_indirect_dma semaphore(%arg51 : memref<!tpu.dma_semaphore, #tpu.memory_space<semaphore_mem>>) src(%dma_wait3A_110 : memref<100352xf32, #tpu.memory_space<vmem_shared>>) dst(%arg32 : memref<1024xf32, #tpu.memory_space<vmem>>)
      %dma_wait3A_111 = arith.constant 0 : i32
      %dma_wait3A_112 = tpu.memref_slice %arg11[%dma_wait3A_111] : memref<100352xf32, #tpu.memory_space<vmem_shared>> -> memref<100352xf32, #tpu.memory_space<vmem_shared>>
      tpu.wait_indirect_dma semaphore(%arg51 : memref<!tpu.dma_semaphore, #tpu.memory_space<semaphore_mem>>) src(%dma_wait3A_112 : memref<100352xf32, #tpu.memory_space<vmem_shared>>) dst(%arg33 : memref<1024xf32, #tpu.memory_space<vmem>>)
      %dma_wait3A_113 = arith.constant 0 : i32
      %dma_wait3A_114 = tpu.memref_slice %arg12[%dma_wait3A_113] : memref<100352xf32, #tpu.memory_space<vmem_shared>> -> memref<100352xf32, #tpu.memory_space<vmem_shared>>
      tpu.wait_indirect_dma semaphore(%arg51 : memref<!tpu.dma_semaphore, #tpu.memory_space<semaphore_mem>>) src(%dma_wait3A_114 : memref<100352xf32, #tpu.memory_space<vmem_shared>>) dst(%arg34 : memref<1024xf32, #tpu.memory_space<vmem>>)
      %dma_wait3A_115 = arith.constant 0 : i32
      %dma_wait3A_116 = tpu.memref_slice %arg13[%dma_wait3A_115] : memref<100352xf32, #tpu.memory_space<vmem_shared>> -> memref<100352xf32, #tpu.memory_space<vmem_shared>>
      tpu.wait_indirect_dma semaphore(%arg51 : memref<!tpu.dma_semaphore, #tpu.memory_space<semaphore_mem>>) src(%dma_wait3A_116 : memref<100352xf32, #tpu.memory_space<vmem_shared>>) dst(%arg35 : memref<1024xf32, #tpu.memory_space<vmem>>)
      %dma_start3A_117 = arith.constant 0 : i32
      %dma_start3A_118 = tpu.memref_slice %arg14[%dma_start3A_117] : memref<100352xf32, #tpu.memory_space<vmem_shared>> -> memref<100352xf32, #tpu.memory_space<vmem_shared>>
      tpu.enqueue_indirect_dma source(%arg29 : memref<1024xf32, #tpu.memory_space<vmem>>) target(%dma_start3A_118 : memref<100352xf32, #tpu.memory_space<vmem_shared>>) offsets(%arg25 : memref<1024xi32, #tpu.memory_space<vmem>>) semaphore(%arg53 : memref<!tpu.dma_semaphore, #tpu.memory_space<semaphore_mem>>) {add = true}
      %dma_start3A_119 = arith.constant 0 : i32
      %dma_start3A_120 = tpu.memref_slice %arg15[%dma_start3A_119] : memref<100352xf32, #tpu.memory_space<vmem_shared>> -> memref<100352xf32, #tpu.memory_space<vmem_shared>>
      tpu.enqueue_indirect_dma source(%arg30 : memref<1024xf32, #tpu.memory_space<vmem>>) target(%dma_start3A_120 : memref<100352xf32, #tpu.memory_space<vmem_shared>>) offsets(%arg25 : memref<1024xi32, #tpu.memory_space<vmem>>) semaphore(%arg53 : memref<!tpu.dma_semaphore, #tpu.memory_space<semaphore_mem>>) {add = true}
      %dma_start3A_121 = arith.constant 0 : i32
      %dma_start3A_122 = tpu.memref_slice %arg16[%dma_start3A_121] : memref<100352xf32, #tpu.memory_space<vmem_shared>> -> memref<100352xf32, #tpu.memory_space<vmem_shared>>
      tpu.enqueue_indirect_dma source(%arg31 : memref<1024xf32, #tpu.memory_space<vmem>>) target(%dma_start3A_122 : memref<100352xf32, #tpu.memory_space<vmem_shared>>) offsets(%arg25 : memref<1024xi32, #tpu.memory_space<vmem>>) semaphore(%arg53 : memref<!tpu.dma_semaphore, #tpu.memory_space<semaphore_mem>>) {add = true}
      %dma_start3A_123 = arith.constant 0 : i32
      %dma_start3A_124 = tpu.memref_slice %arg17[%dma_start3A_123] : memref<100352xf32, #tpu.memory_space<vmem_shared>> -> memref<100352xf32, #tpu.memory_space<vmem_shared>>
      tpu.enqueue_indirect_dma source(%arg32 : memref<1024xf32, #tpu.memory_space<vmem>>) target(%dma_start3A_124 : memref<100352xf32, #tpu.memory_space<vmem_shared>>) offsets(%arg25 : memref<1024xi32, #tpu.memory_space<vmem>>) semaphore(%arg53 : memref<!tpu.dma_semaphore, #tpu.memory_space<semaphore_mem>>) {add = true}
      %dma_start3A_125 = arith.constant 0 : i32
      %dma_start3A_126 = tpu.memref_slice %arg18[%dma_start3A_125] : memref<100352xf32, #tpu.memory_space<vmem_shared>> -> memref<100352xf32, #tpu.memory_space<vmem_shared>>
      tpu.enqueue_indirect_dma source(%arg33 : memref<1024xf32, #tpu.memory_space<vmem>>) target(%dma_start3A_126 : memref<100352xf32, #tpu.memory_space<vmem_shared>>) offsets(%arg25 : memref<1024xi32, #tpu.memory_space<vmem>>) semaphore(%arg53 : memref<!tpu.dma_semaphore, #tpu.memory_space<semaphore_mem>>) {add = true}
      %dma_start3A_127 = arith.constant 0 : i32
      %dma_start3A_128 = tpu.memref_slice %arg19[%dma_start3A_127] : memref<100352xf32, #tpu.memory_space<vmem_shared>> -> memref<100352xf32, #tpu.memory_space<vmem_shared>>
      tpu.enqueue_indirect_dma source(%arg34 : memref<1024xf32, #tpu.memory_space<vmem>>) target(%dma_start3A_128 : memref<100352xf32, #tpu.memory_space<vmem_shared>>) offsets(%arg25 : memref<1024xi32, #tpu.memory_space<vmem>>) semaphore(%arg53 : memref<!tpu.dma_semaphore, #tpu.memory_space<semaphore_mem>>) {add = true}
      %dma_start3A_129 = arith.constant 0 : i32
      %dma_start3A_130 = tpu.memref_slice %arg20[%dma_start3A_129] : memref<100352xf32, #tpu.memory_space<vmem_shared>> -> memref<100352xf32, #tpu.memory_space<vmem_shared>>
      tpu.enqueue_indirect_dma source(%arg35 : memref<1024xf32, #tpu.memory_space<vmem>>) target(%dma_start3A_130 : memref<100352xf32, #tpu.memory_space<vmem_shared>>) offsets(%arg25 : memref<1024xi32, #tpu.memory_space<vmem>>) semaphore(%arg53 : memref<!tpu.dma_semaphore, #tpu.memory_space<semaphore_mem>>) {add = true}
      %mul3A_131 = arith.constant 4 : i32
      %mul3A_132 = arith.muli %scan3A_66, %mul3A_131 : i32
      %add3A_133 = arith.constant 1 : i32
      %add3A_134 = arith.addi %mul3A_132, %add3A_133 : i32
      %mul3A_135 = arith.constant 1024 : i32
      %mul3A_136 = arith.muli %add3A_134, %mul3A_135 : i32
      %add3A_137 = arith.addi %mul3A_10, %mul3A_136 : i32
      %dma_wait3A_138 = tpu.memref_slice %arg2[%add3A_137] : memref<6422528xi32, #tpu.memory_space<hbm>> -> memref<1024xi32, #tpu.memory_space<hbm>>
      %dma_wait3A_139 = tpu.memref_slice %arg2[%add3A_137] : memref<6422528xi32, #tpu.memory_space<hbm>> -> memref<1024xi32, #tpu.memory_space<hbm>>
      tpu.wait_dma2 semaphore(%arg44 : memref<!tpu.dma_semaphore, #tpu.memory_space<semaphore_mem>>) src(%dma_wait3A_139 : memref<1024xi32, #tpu.memory_space<hbm>>) dst(%arg22 : memref<1024xi32, #tpu.memory_space<vmem>>)
      %mul3A_140 = arith.constant 1024 : i32
      %mul3A_141 = arith.muli %add3A_134, %mul3A_140 : i32
      %add3A_142 = arith.addi %mul3A_10, %mul3A_141 : i32
      %dma_wait3A_143 = tpu.memref_slice %arg3[%add3A_142] : memref<6422528xi32, #tpu.memory_space<hbm>> -> memref<1024xi32, #tpu.memory_space<hbm>>
      %dma_wait3A_144 = tpu.memref_slice %arg3[%add3A_142] : memref<6422528xi32, #tpu.memory_space<hbm>> -> memref<1024xi32, #tpu.memory_space<hbm>>
      tpu.wait_dma2 semaphore(%arg48 : memref<!tpu.dma_semaphore, #tpu.memory_space<semaphore_mem>>) src(%dma_wait3A_144 : memref<1024xi32, #tpu.memory_space<hbm>>) dst(%arg26 : memref<1024xi32, #tpu.memory_space<vmem>>)
      %ge3A_145 = arith.constant 2 : i32
      %ge3A_146 = arith.cmpi sge, %add3A_134, %ge3A_145 : i32
      %convert_element_type3A_147 = arith.extui %ge3A_146 : i1 to i32
      %cond3A_148 = arith.constant 0 : i32
      %cond3A_149 = arith.cmpi ne, %convert_element_type3A_147, %cond3A_148 : i32
      scf.if %cond3A_149 {
        %dma_wait3A_335 = arith.constant 0 : i32
        %dma_wait3A_336 = tpu.memref_slice %arg14[%dma_wait3A_335] : memref<100352xf32, #tpu.memory_space<vmem_shared>> -> memref<100352xf32, #tpu.memory_space<vmem_shared>>
        tpu.wait_indirect_dma semaphore(%arg54 : memref<!tpu.dma_semaphore, #tpu.memory_space<semaphore_mem>>) src(%arg36 : memref<1024xf32, #tpu.memory_space<vmem>>) dst(%dma_wait3A_336 : memref<100352xf32, #tpu.memory_space<vmem_shared>>)
        %dma_wait3A_337 = arith.constant 0 : i32
        %dma_wait3A_338 = tpu.memref_slice %arg15[%dma_wait3A_337] : memref<100352xf32, #tpu.memory_space<vmem_shared>> -> memref<100352xf32, #tpu.memory_space<vmem_shared>>
        tpu.wait_indirect_dma semaphore(%arg54 : memref<!tpu.dma_semaphore, #tpu.memory_space<semaphore_mem>>) src(%arg37 : memref<1024xf32, #tpu.memory_space<vmem>>) dst(%dma_wait3A_338 : memref<100352xf32, #tpu.memory_space<vmem_shared>>)
        %dma_wait3A_339 = arith.constant 0 : i32
        %dma_wait3A_340 = tpu.memref_slice %arg16[%dma_wait3A_339] : memref<100352xf32, #tpu.memory_space<vmem_shared>> -> memref<100352xf32, #tpu.memory_space<vmem_shared>>
        tpu.wait_indirect_dma semaphore(%arg54 : memref<!tpu.dma_semaphore, #tpu.memory_space<semaphore_mem>>) src(%arg38 : memref<1024xf32, #tpu.memory_space<vmem>>) dst(%dma_wait3A_340 : memref<100352xf32, #tpu.memory_space<vmem_shared>>)
        %dma_wait3A_341 = arith.constant 0 : i32
        %dma_wait3A_342 = tpu.memref_slice %arg17[%dma_wait3A_341] : memref<100352xf32, #tpu.memory_space<vmem_shared>> -> memref<100352xf32, #tpu.memory_space<vmem_shared>>
        tpu.wait_indirect_dma semaphore(%arg54 : memref<!tpu.dma_semaphore, #tpu.memory_space<semaphore_mem>>) src(%arg39 : memref<1024xf32, #tpu.memory_space<vmem>>) dst(%dma_wait3A_342 : memref<100352xf32, #tpu.memory_space<vmem_shared>>)
        %dma_wait3A_343 = arith.constant 0 : i32
        %dma_wait3A_344 = tpu.memref_slice %arg18[%dma_wait3A_343] : memref<100352xf32, #tpu.memory_space<vmem_shared>> -> memref<100352xf32, #tpu.memory_space<vmem_shared>>
        tpu.wait_indirect_dma semaphore(%arg54 : memref<!tpu.dma_semaphore, #tpu.memory_space<semaphore_mem>>) src(%arg40 : memref<1024xf32, #tpu.memory_space<vmem>>) dst(%dma_wait3A_344 : memref<100352xf32, #tpu.memory_space<vmem_shared>>)
        %dma_wait3A_345 = arith.constant 0 : i32
        %dma_wait3A_346 = tpu.memref_slice %arg19[%dma_wait3A_345] : memref<100352xf32, #tpu.memory_space<vmem_shared>> -> memref<100352xf32, #tpu.memory_space<vmem_shared>>
        tpu.wait_indirect_dma semaphore(%arg54 : memref<!tpu.dma_semaphore, #tpu.memory_space<semaphore_mem>>) src(%arg41 : memref<1024xf32, #tpu.memory_space<vmem>>) dst(%dma_wait3A_346 : memref<100352xf32, #tpu.memory_space<vmem_shared>>)
        %dma_wait3A_347 = arith.constant 0 : i32
        %dma_wait3A_348 = tpu.memref_slice %arg20[%dma_wait3A_347] : memref<100352xf32, #tpu.memory_space<vmem_shared>> -> memref<100352xf32, #tpu.memory_space<vmem_shared>>
        tpu.wait_indirect_dma semaphore(%arg54 : memref<!tpu.dma_semaphore, #tpu.memory_space<semaphore_mem>>) src(%arg42 : memref<1024xf32, #tpu.memory_space<vmem>>) dst(%dma_wait3A_348 : memref<100352xf32, #tpu.memory_space<vmem_shared>>)
      } else {
      }
      %dma_start3A_150 = arith.constant 0 : i32
      %dma_start3A_151 = tpu.memref_slice %arg7[%dma_start3A_150] : memref<100352xf32, #tpu.memory_space<vmem_shared>> -> memref<100352xf32, #tpu.memory_space<vmem_shared>>
      tpu.enqueue_indirect_dma source(%dma_start3A_151 : memref<100352xf32, #tpu.memory_space<vmem_shared>>) target(%arg36 : memref<1024xf32, #tpu.memory_space<vmem>>) offsets(%arg22 : memref<1024xi32, #tpu.memory_space<vmem>>) semaphore(%arg52 : memref<!tpu.dma_semaphore, #tpu.memory_space<semaphore_mem>>)
      %dma_start3A_152 = arith.constant 0 : i32
      %dma_start3A_153 = tpu.memref_slice %arg8[%dma_start3A_152] : memref<100352xf32, #tpu.memory_space<vmem_shared>> -> memref<100352xf32, #tpu.memory_space<vmem_shared>>
      tpu.enqueue_indirect_dma source(%dma_start3A_153 : memref<100352xf32, #tpu.memory_space<vmem_shared>>) target(%arg37 : memref<1024xf32, #tpu.memory_space<vmem>>) offsets(%arg22 : memref<1024xi32, #tpu.memory_space<vmem>>) semaphore(%arg52 : memref<!tpu.dma_semaphore, #tpu.memory_space<semaphore_mem>>)
      %dma_start3A_154 = arith.constant 0 : i32
      %dma_start3A_155 = tpu.memref_slice %arg9[%dma_start3A_154] : memref<100352xf32, #tpu.memory_space<vmem_shared>> -> memref<100352xf32, #tpu.memory_space<vmem_shared>>
      tpu.enqueue_indirect_dma source(%dma_start3A_155 : memref<100352xf32, #tpu.memory_space<vmem_shared>>) target(%arg38 : memref<1024xf32, #tpu.memory_space<vmem>>) offsets(%arg22 : memref<1024xi32, #tpu.memory_space<vmem>>) semaphore(%arg52 : memref<!tpu.dma_semaphore, #tpu.memory_space<semaphore_mem>>)
      %dma_start3A_156 = arith.constant 0 : i32
      %dma_start3A_157 = tpu.memref_slice %arg10[%dma_start3A_156] : memref<100352xf32, #tpu.memory_space<vmem_shared>> -> memref<100352xf32, #tpu.memory_space<vmem_shared>>
      tpu.enqueue_indirect_dma source(%dma_start3A_157 : memref<100352xf32, #tpu.memory_space<vmem_shared>>) target(%arg39 : memref<1024xf32, #tpu.memory_space<vmem>>) offsets(%arg22 : memref<1024xi32, #tpu.memory_space<vmem>>) semaphore(%arg52 : memref<!tpu.dma_semaphore, #tpu.memory_space<semaphore_mem>>)
      %dma_start3A_158 = arith.constant 0 : i32
      %dma_start3A_159 = tpu.memref_slice %arg11[%dma_start3A_158] : memref<100352xf32, #tpu.memory_space<vmem_shared>> -> memref<100352xf32, #tpu.memory_space<vmem_shared>>
      tpu.enqueue_indirect_dma source(%dma_start3A_159 : memref<100352xf32, #tpu.memory_space<vmem_shared>>) target(%arg40 : memref<1024xf32, #tpu.memory_space<vmem>>) offsets(%arg22 : memref<1024xi32, #tpu.memory_space<vmem>>) semaphore(%arg52 : memref<!tpu.dma_semaphore, #tpu.memory_space<semaphore_mem>>)
      %dma_start3A_160 = arith.constant 0 : i32
      %dma_start3A_161 = tpu.memref_slice %arg12[%dma_start3A_160] : memref<100352xf32, #tpu.memory_space<vmem_shared>> -> memref<100352xf32, #tpu.memory_space<vmem_shared>>
      tpu.enqueue_indirect_dma source(%dma_start3A_161 : memref<100352xf32, #tpu.memory_space<vmem_shared>>) target(%arg41 : memref<1024xf32, #tpu.memory_space<vmem>>) offsets(%arg22 : memref<1024xi32, #tpu.memory_space<vmem>>) semaphore(%arg52 : memref<!tpu.dma_semaphore, #tpu.memory_space<semaphore_mem>>)
      %dma_start3A_162 = arith.constant 0 : i32
      %dma_start3A_163 = tpu.memref_slice %arg13[%dma_start3A_162] : memref<100352xf32, #tpu.memory_space<vmem_shared>> -> memref<100352xf32, #tpu.memory_space<vmem_shared>>
      tpu.enqueue_indirect_dma source(%dma_start3A_163 : memref<100352xf32, #tpu.memory_space<vmem_shared>>) target(%arg42 : memref<1024xf32, #tpu.memory_space<vmem>>) offsets(%arg22 : memref<1024xi32, #tpu.memory_space<vmem>>) semaphore(%arg52 : memref<!tpu.dma_semaphore, #tpu.memory_space<semaphore_mem>>)
      %add3A_164 = arith.constant 2 : i32
      %add3A_165 = arith.addi %add3A_134, %add3A_164 : i32
      %lt3A_166 = arith.constant 196 : i32
      %lt3A_167 = arith.cmpi slt, %add3A_165, %lt3A_166 : i32
      %convert_element_type3A_168 = arith.extui %lt3A_167 : i1 to i32
      %cond3A_169 = arith.constant 0 : i32
      %cond3A_170 = arith.cmpi ne, %convert_element_type3A_168, %cond3A_169 : i32
      scf.if %cond3A_170 {
        %add3A_335 = arith.constant 2 : i32
        %add3A_336 = arith.addi %add3A_134, %add3A_335 : i32
        %mul3A_337 = arith.constant 1024 : i32
        %mul3A_338 = arith.muli %add3A_336, %mul3A_337 : i32
        %add3A_339 = arith.addi %mul3A_10, %mul3A_338 : i32
        %dma_start3A_340 = tpu.memref_slice %arg2[%add3A_339] : memref<6422528xi32, #tpu.memory_space<hbm>> -> memref<1024xi32, #tpu.memory_space<hbm>>
        %dma_start3A_341 = tpu.memref_slice %arg2[%add3A_339] : memref<6422528xi32, #tpu.memory_space<hbm>> -> memref<1024xi32, #tpu.memory_space<hbm>>
        tpu.enqueue_dma source(%dma_start3A_341 : memref<1024xi32, #tpu.memory_space<hbm>>) target(%arg24 : memref<1024xi32, #tpu.memory_space<vmem>>) target_semaphore(%arg46 : memref<!tpu.dma_semaphore, #tpu.memory_space<semaphore_mem>>)
        %mul3A_342 = arith.constant 1024 : i32
        %mul3A_343 = arith.muli %add3A_336, %mul3A_342 : i32
        %add3A_344 = arith.addi %mul3A_10, %mul3A_343 : i32
        %dma_start3A_345 = tpu.memref_slice %arg3[%add3A_344] : memref<6422528xi32, #tpu.memory_space<hbm>> -> memref<1024xi32, #tpu.memory_space<hbm>>
        %dma_start3A_346 = tpu.memref_slice %arg3[%add3A_344] : memref<6422528xi32, #tpu.memory_space<hbm>> -> memref<1024xi32, #tpu.memory_space<hbm>>
        tpu.enqueue_dma source(%dma_start3A_346 : memref<1024xi32, #tpu.memory_space<hbm>>) target(%arg28 : memref<1024xi32, #tpu.memory_space<vmem>>) target_semaphore(%arg50 : memref<!tpu.dma_semaphore, #tpu.memory_space<semaphore_mem>>)
      } else {
      }
      %dma_wait3A_171 = arith.constant 0 : i32
      %dma_wait3A_172 = tpu.memref_slice %arg7[%dma_wait3A_171] : memref<100352xf32, #tpu.memory_space<vmem_shared>> -> memref<100352xf32, #tpu.memory_space<vmem_shared>>
      tpu.wait_indirect_dma semaphore(%arg52 : memref<!tpu.dma_semaphore, #tpu.memory_space<semaphore_mem>>) src(%dma_wait3A_172 : memref<100352xf32, #tpu.memory_space<vmem_shared>>) dst(%arg36 : memref<1024xf32, #tpu.memory_space<vmem>>)
      %dma_wait3A_173 = arith.constant 0 : i32
      %dma_wait3A_174 = tpu.memref_slice %arg8[%dma_wait3A_173] : memref<100352xf32, #tpu.memory_space<vmem_shared>> -> memref<100352xf32, #tpu.memory_space<vmem_shared>>
      tpu.wait_indirect_dma semaphore(%arg52 : memref<!tpu.dma_semaphore, #tpu.memory_space<semaphore_mem>>) src(%dma_wait3A_174 : memref<100352xf32, #tpu.memory_space<vmem_shared>>) dst(%arg37 : memref<1024xf32, #tpu.memory_space<vmem>>)
      %dma_wait3A_175 = arith.constant 0 : i32
      %dma_wait3A_176 = tpu.memref_slice %arg9[%dma_wait3A_175] : memref<100352xf32, #tpu.memory_space<vmem_shared>> -> memref<100352xf32, #tpu.memory_space<vmem_shared>>
      tpu.wait_indirect_dma semaphore(%arg52 : memref<!tpu.dma_semaphore, #tpu.memory_space<semaphore_mem>>) src(%dma_wait3A_176 : memref<100352xf32, #tpu.memory_space<vmem_shared>>) dst(%arg38 : memref<1024xf32, #tpu.memory_space<vmem>>)
      %dma_wait3A_177 = arith.constant 0 : i32
      %dma_wait3A_178 = tpu.memref_slice %arg10[%dma_wait3A_177] : memref<100352xf32, #tpu.memory_space<vmem_shared>> -> memref<100352xf32, #tpu.memory_space<vmem_shared>>
      tpu.wait_indirect_dma semaphore(%arg52 : memref<!tpu.dma_semaphore, #tpu.memory_space<semaphore_mem>>) src(%dma_wait3A_178 : memref<100352xf32, #tpu.memory_space<vmem_shared>>) dst(%arg39 : memref<1024xf32, #tpu.memory_space<vmem>>)
      %dma_wait3A_179 = arith.constant 0 : i32
      %dma_wait3A_180 = tpu.memref_slice %arg11[%dma_wait3A_179] : memref<100352xf32, #tpu.memory_space<vmem_shared>> -> memref<100352xf32, #tpu.memory_space<vmem_shared>>
      tpu.wait_indirect_dma semaphore(%arg52 : memref<!tpu.dma_semaphore, #tpu.memory_space<semaphore_mem>>) src(%dma_wait3A_180 : memref<100352xf32, #tpu.memory_space<vmem_shared>>) dst(%arg40 : memref<1024xf32, #tpu.memory_space<vmem>>)
      %dma_wait3A_181 = arith.constant 0 : i32
      %dma_wait3A_182 = tpu.memref_slice %arg12[%dma_wait3A_181] : memref<100352xf32, #tpu.memory_space<vmem_shared>> -> memref<100352xf32, #tpu.memory_space<vmem_shared>>
      tpu.wait_indirect_dma semaphore(%arg52 : memref<!tpu.dma_semaphore, #tpu.memory_space<semaphore_mem>>) src(%dma_wait3A_182 : memref<100352xf32, #tpu.memory_space<vmem_shared>>) dst(%arg41 : memref<1024xf32, #tpu.memory_space<vmem>>)
      %dma_wait3A_183 = arith.constant 0 : i32
      %dma_wait3A_184 = tpu.memref_slice %arg13[%dma_wait3A_183] : memref<100352xf32, #tpu.memory_space<vmem_shared>> -> memref<100352xf32, #tpu.memory_space<vmem_shared>>
      tpu.wait_indirect_dma semaphore(%arg52 : memref<!tpu.dma_semaphore, #tpu.memory_space<semaphore_mem>>) src(%dma_wait3A_184 : memref<100352xf32, #tpu.memory_space<vmem_shared>>) dst(%arg42 : memref<1024xf32, #tpu.memory_space<vmem>>)
      %dma_start3A_185 = arith.constant 0 : i32
      %dma_start3A_186 = tpu.memref_slice %arg14[%dma_start3A_185] : memref<100352xf32, #tpu.memory_space<vmem_shared>> -> memref<100352xf32, #tpu.memory_space<vmem_shared>>
      tpu.enqueue_indirect_dma source(%arg36 : memref<1024xf32, #tpu.memory_space<vmem>>) target(%dma_start3A_186 : memref<100352xf32, #tpu.memory_space<vmem_shared>>) offsets(%arg26 : memref<1024xi32, #tpu.memory_space<vmem>>) semaphore(%arg54 : memref<!tpu.dma_semaphore, #tpu.memory_space<semaphore_mem>>) {add = true}
      %dma_start3A_187 = arith.constant 0 : i32
      %dma_start3A_188 = tpu.memref_slice %arg15[%dma_start3A_187] : memref<100352xf32, #tpu.memory_space<vmem_shared>> -> memref<100352xf32, #tpu.memory_space<vmem_shared>>
      tpu.enqueue_indirect_dma source(%arg37 : memref<1024xf32, #tpu.memory_space<vmem>>) target(%dma_start3A_188 : memref<100352xf32, #tpu.memory_space<vmem_shared>>) offsets(%arg26 : memref<1024xi32, #tpu.memory_space<vmem>>) semaphore(%arg54 : memref<!tpu.dma_semaphore, #tpu.memory_space<semaphore_mem>>) {add = true}
      %dma_start3A_189 = arith.constant 0 : i32
      %dma_start3A_190 = tpu.memref_slice %arg16[%dma_start3A_189] : memref<100352xf32, #tpu.memory_space<vmem_shared>> -> memref<100352xf32, #tpu.memory_space<vmem_shared>>
      tpu.enqueue_indirect_dma source(%arg38 : memref<1024xf32, #tpu.memory_space<vmem>>) target(%dma_start3A_190 : memref<100352xf32, #tpu.memory_space<vmem_shared>>) offsets(%arg26 : memref<1024xi32, #tpu.memory_space<vmem>>) semaphore(%arg54 : memref<!tpu.dma_semaphore, #tpu.memory_space<semaphore_mem>>) {add = true}
      %dma_start3A_191 = arith.constant 0 : i32
      %dma_start3A_192 = tpu.memref_slice %arg17[%dma_start3A_191] : memref<100352xf32, #tpu.memory_space<vmem_shared>> -> memref<100352xf32, #tpu.memory_space<vmem_shared>>
      tpu.enqueue_indirect_dma source(%arg39 : memref<1024xf32, #tpu.memory_space<vmem>>) target(%dma_start3A_192 : memref<100352xf32, #tpu.memory_space<vmem_shared>>) offsets(%arg26 : memref<1024xi32, #tpu.memory_space<vmem>>) semaphore(%arg54 : memref<!tpu.dma_semaphore, #tpu.memory_space<semaphore_mem>>) {add = true}
      %dma_start3A_193 = arith.constant 0 : i32
      %dma_start3A_194 = tpu.memref_slice %arg18[%dma_start3A_193] : memref<100352xf32, #tpu.memory_space<vmem_shared>> -> memref<100352xf32, #tpu.memory_space<vmem_shared>>
      tpu.enqueue_indirect_dma source(%arg40 : memref<1024xf32, #tpu.memory_space<vmem>>) target(%dma_start3A_194 : memref<100352xf32, #tpu.memory_space<vmem_shared>>) offsets(%arg26 : memref<1024xi32, #tpu.memory_space<vmem>>) semaphore(%arg54 : memref<!tpu.dma_semaphore, #tpu.memory_space<semaphore_mem>>) {add = true}
      %dma_start3A_195 = arith.constant 0 : i32
      %dma_start3A_196 = tpu.memref_slice %arg19[%dma_start3A_195] : memref<100352xf32, #tpu.memory_space<vmem_shared>> -> memref<100352xf32, #tpu.memory_space<vmem_shared>>
      tpu.enqueue_indirect_dma source(%arg41 : memref<1024xf32, #tpu.memory_space<vmem>>) target(%dma_start3A_196 : memref<100352xf32, #tpu.memory_space<vmem_shared>>) offsets(%arg26 : memref<1024xi32, #tpu.memory_space<vmem>>) semaphore(%arg54 : memref<!tpu.dma_semaphore, #tpu.memory_space<semaphore_mem>>) {add = true}
      %dma_start3A_197 = arith.constant 0 : i32
      %dma_start3A_198 = tpu.memref_slice %arg20[%dma_start3A_197] : memref<100352xf32, #tpu.memory_space<vmem_shared>> -> memref<100352xf32, #tpu.memory_space<vmem_shared>>
      tpu.enqueue_indirect_dma source(%arg42 : memref<1024xf32, #tpu.memory_space<vmem>>) target(%dma_start3A_198 : memref<100352xf32, #tpu.memory_space<vmem_shared>>) offsets(%arg26 : memref<1024xi32, #tpu.memory_space<vmem>>) semaphore(%arg54 : memref<!tpu.dma_semaphore, #tpu.memory_space<semaphore_mem>>) {add = true}
      %mul3A_199 = arith.constant 4 : i32
      %mul3A_200 = arith.muli %scan3A_66, %mul3A_199 : i32
      %add3A_201 = arith.constant 2 : i32
      %add3A_202 = arith.addi %mul3A_200, %add3A_201 : i32
      %mul3A_203 = arith.constant 1024 : i32
      %mul3A_204 = arith.muli %add3A_202, %mul3A_203 : i32
      %add3A_205 = arith.addi %mul3A_10, %mul3A_204 : i32
      %dma_wait3A_206 = tpu.memref_slice %arg2[%add3A_205] : memref<6422528xi32, #tpu.memory_space<hbm>> -> memref<1024xi32, #tpu.memory_space<hbm>>
      %dma_wait3A_207 = tpu.memref_slice %arg2[%add3A_205] : memref<6422528xi32, #tpu.memory_space<hbm>> -> memref<1024xi32, #tpu.memory_space<hbm>>
      tpu.wait_dma2 semaphore(%arg45 : memref<!tpu.dma_semaphore, #tpu.memory_space<semaphore_mem>>) src(%dma_wait3A_207 : memref<1024xi32, #tpu.memory_space<hbm>>) dst(%arg23 : memref<1024xi32, #tpu.memory_space<vmem>>)
      %mul3A_208 = arith.constant 1024 : i32
      %mul3A_209 = arith.muli %add3A_202, %mul3A_208 : i32
      %add3A_210 = arith.addi %mul3A_10, %mul3A_209 : i32
      %dma_wait3A_211 = tpu.memref_slice %arg3[%add3A_210] : memref<6422528xi32, #tpu.memory_space<hbm>> -> memref<1024xi32, #tpu.memory_space<hbm>>
      %dma_wait3A_212 = tpu.memref_slice %arg3[%add3A_210] : memref<6422528xi32, #tpu.memory_space<hbm>> -> memref<1024xi32, #tpu.memory_space<hbm>>
      tpu.wait_dma2 semaphore(%arg49 : memref<!tpu.dma_semaphore, #tpu.memory_space<semaphore_mem>>) src(%dma_wait3A_212 : memref<1024xi32, #tpu.memory_space<hbm>>) dst(%arg27 : memref<1024xi32, #tpu.memory_space<vmem>>)
      %ge3A_213 = arith.constant 2 : i32
      %ge3A_214 = arith.cmpi sge, %add3A_202, %ge3A_213 : i32
      %convert_element_type3A_215 = arith.extui %ge3A_214 : i1 to i32
      %cond3A_216 = arith.constant 0 : i32
      %cond3A_217 = arith.cmpi ne, %convert_element_type3A_215, %cond3A_216 : i32
      scf.if %cond3A_217 {
        %dma_wait3A_335 = arith.constant 0 : i32
        %dma_wait3A_336 = tpu.memref_slice %arg14[%dma_wait3A_335] : memref<100352xf32, #tpu.memory_space<vmem_shared>> -> memref<100352xf32, #tpu.memory_space<vmem_shared>>
        tpu.wait_indirect_dma semaphore(%arg53 : memref<!tpu.dma_semaphore, #tpu.memory_space<semaphore_mem>>) src(%arg29 : memref<1024xf32, #tpu.memory_space<vmem>>) dst(%dma_wait3A_336 : memref<100352xf32, #tpu.memory_space<vmem_shared>>)
        %dma_wait3A_337 = arith.constant 0 : i32
        %dma_wait3A_338 = tpu.memref_slice %arg15[%dma_wait3A_337] : memref<100352xf32, #tpu.memory_space<vmem_shared>> -> memref<100352xf32, #tpu.memory_space<vmem_shared>>
        tpu.wait_indirect_dma semaphore(%arg53 : memref<!tpu.dma_semaphore, #tpu.memory_space<semaphore_mem>>) src(%arg30 : memref<1024xf32, #tpu.memory_space<vmem>>) dst(%dma_wait3A_338 : memref<100352xf32, #tpu.memory_space<vmem_shared>>)
        %dma_wait3A_339 = arith.constant 0 : i32
        %dma_wait3A_340 = tpu.memref_slice %arg16[%dma_wait3A_339] : memref<100352xf32, #tpu.memory_space<vmem_shared>> -> memref<100352xf32, #tpu.memory_space<vmem_shared>>
        tpu.wait_indirect_dma semaphore(%arg53 : memref<!tpu.dma_semaphore, #tpu.memory_space<semaphore_mem>>) src(%arg31 : memref<1024xf32, #tpu.memory_space<vmem>>) dst(%dma_wait3A_340 : memref<100352xf32, #tpu.memory_space<vmem_shared>>)
        %dma_wait3A_341 = arith.constant 0 : i32
        %dma_wait3A_342 = tpu.memref_slice %arg17[%dma_wait3A_341] : memref<100352xf32, #tpu.memory_space<vmem_shared>> -> memref<100352xf32, #tpu.memory_space<vmem_shared>>
        tpu.wait_indirect_dma semaphore(%arg53 : memref<!tpu.dma_semaphore, #tpu.memory_space<semaphore_mem>>) src(%arg32 : memref<1024xf32, #tpu.memory_space<vmem>>) dst(%dma_wait3A_342 : memref<100352xf32, #tpu.memory_space<vmem_shared>>)
        %dma_wait3A_343 = arith.constant 0 : i32
        %dma_wait3A_344 = tpu.memref_slice %arg18[%dma_wait3A_343] : memref<100352xf32, #tpu.memory_space<vmem_shared>> -> memref<100352xf32, #tpu.memory_space<vmem_shared>>
        tpu.wait_indirect_dma semaphore(%arg53 : memref<!tpu.dma_semaphore, #tpu.memory_space<semaphore_mem>>) src(%arg33 : memref<1024xf32, #tpu.memory_space<vmem>>) dst(%dma_wait3A_344 : memref<100352xf32, #tpu.memory_space<vmem_shared>>)
        %dma_wait3A_345 = arith.constant 0 : i32
        %dma_wait3A_346 = tpu.memref_slice %arg19[%dma_wait3A_345] : memref<100352xf32, #tpu.memory_space<vmem_shared>> -> memref<100352xf32, #tpu.memory_space<vmem_shared>>
        tpu.wait_indirect_dma semaphore(%arg53 : memref<!tpu.dma_semaphore, #tpu.memory_space<semaphore_mem>>) src(%arg34 : memref<1024xf32, #tpu.memory_space<vmem>>) dst(%dma_wait3A_346 : memref<100352xf32, #tpu.memory_space<vmem_shared>>)
        %dma_wait3A_347 = arith.constant 0 : i32
        %dma_wait3A_348 = tpu.memref_slice %arg20[%dma_wait3A_347] : memref<100352xf32, #tpu.memory_space<vmem_shared>> -> memref<100352xf32, #tpu.memory_space<vmem_shared>>
        tpu.wait_indirect_dma semaphore(%arg53 : memref<!tpu.dma_semaphore, #tpu.memory_space<semaphore_mem>>) src(%arg35 : memref<1024xf32, #tpu.memory_space<vmem>>) dst(%dma_wait3A_348 : memref<100352xf32, #tpu.memory_space<vmem_shared>>)
      } else {
      }
      %dma_start3A_218 = arith.constant 0 : i32
      %dma_start3A_219 = tpu.memref_slice %arg7[%dma_start3A_218] : memref<100352xf32, #tpu.memory_space<vmem_shared>> -> memref<100352xf32, #tpu.memory_space<vmem_shared>>
      tpu.enqueue_indirect_dma source(%dma_start3A_219 : memref<100352xf32, #tpu.memory_space<vmem_shared>>) target(%arg29 : memref<1024xf32, #tpu.memory_space<vmem>>) offsets(%arg23 : memref<1024xi32, #tpu.memory_space<vmem>>) semaphore(%arg51 : memref<!tpu.dma_semaphore, #tpu.memory_space<semaphore_mem>>)
      %dma_start3A_220 = arith.constant 0 : i32
      %dma_start3A_221 = tpu.memref_slice %arg8[%dma_start3A_220] : memref<100352xf32, #tpu.memory_space<vmem_shared>> -> memref<100352xf32, #tpu.memory_space<vmem_shared>>
      tpu.enqueue_indirect_dma source(%dma_start3A_221 : memref<100352xf32, #tpu.memory_space<vmem_shared>>) target(%arg30 : memref<1024xf32, #tpu.memory_space<vmem>>) offsets(%arg23 : memref<1024xi32, #tpu.memory_space<vmem>>) semaphore(%arg51 : memref<!tpu.dma_semaphore, #tpu.memory_space<semaphore_mem>>)
      %dma_start3A_222 = arith.constant 0 : i32
      %dma_start3A_223 = tpu.memref_slice %arg9[%dma_start3A_222] : memref<100352xf32, #tpu.memory_space<vmem_shared>> -> memref<100352xf32, #tpu.memory_space<vmem_shared>>
      tpu.enqueue_indirect_dma source(%dma_start3A_223 : memref<100352xf32, #tpu.memory_space<vmem_shared>>) target(%arg31 : memref<1024xf32, #tpu.memory_space<vmem>>) offsets(%arg23 : memref<1024xi32, #tpu.memory_space<vmem>>) semaphore(%arg51 : memref<!tpu.dma_semaphore, #tpu.memory_space<semaphore_mem>>)
      %dma_start3A_224 = arith.constant 0 : i32
      %dma_start3A_225 = tpu.memref_slice %arg10[%dma_start3A_224] : memref<100352xf32, #tpu.memory_space<vmem_shared>> -> memref<100352xf32, #tpu.memory_space<vmem_shared>>
      tpu.enqueue_indirect_dma source(%dma_start3A_225 : memref<100352xf32, #tpu.memory_space<vmem_shared>>) target(%arg32 : memref<1024xf32, #tpu.memory_space<vmem>>) offsets(%arg23 : memref<1024xi32, #tpu.memory_space<vmem>>) semaphore(%arg51 : memref<!tpu.dma_semaphore, #tpu.memory_space<semaphore_mem>>)
      %dma_start3A_226 = arith.constant 0 : i32
      %dma_start3A_227 = tpu.memref_slice %arg11[%dma_start3A_226] : memref<100352xf32, #tpu.memory_space<vmem_shared>> -> memref<100352xf32, #tpu.memory_space<vmem_shared>>
      tpu.enqueue_indirect_dma source(%dma_start3A_227 : memref<100352xf32, #tpu.memory_space<vmem_shared>>) target(%arg33 : memref<1024xf32, #tpu.memory_space<vmem>>) offsets(%arg23 : memref<1024xi32, #tpu.memory_space<vmem>>) semaphore(%arg51 : memref<!tpu.dma_semaphore, #tpu.memory_space<semaphore_mem>>)
      %dma_start3A_228 = arith.constant 0 : i32
      %dma_start3A_229 = tpu.memref_slice %arg12[%dma_start3A_228] : memref<100352xf32, #tpu.memory_space<vmem_shared>> -> memref<100352xf32, #tpu.memory_space<vmem_shared>>
      tpu.enqueue_indirect_dma source(%dma_start3A_229 : memref<100352xf32, #tpu.memory_space<vmem_shared>>) target(%arg34 : memref<1024xf32, #tpu.memory_space<vmem>>) offsets(%arg23 : memref<1024xi32, #tpu.memory_space<vmem>>) semaphore(%arg51 : memref<!tpu.dma_semaphore, #tpu.memory_space<semaphore_mem>>)
      %dma_start3A_230 = arith.constant 0 : i32
      %dma_start3A_231 = tpu.memref_slice %arg13[%dma_start3A_230] : memref<100352xf32, #tpu.memory_space<vmem_shared>> -> memref<100352xf32, #tpu.memory_space<vmem_shared>>
      tpu.enqueue_indirect_dma source(%dma_start3A_231 : memref<100352xf32, #tpu.memory_space<vmem_shared>>) target(%arg35 : memref<1024xf32, #tpu.memory_space<vmem>>) offsets(%arg23 : memref<1024xi32, #tpu.memory_space<vmem>>) semaphore(%arg51 : memref<!tpu.dma_semaphore, #tpu.memory_space<semaphore_mem>>)
      %add3A_232 = arith.constant 2 : i32
      %add3A_233 = arith.addi %add3A_202, %add3A_232 : i32
      %lt3A_234 = arith.constant 196 : i32
      %lt3A_235 = arith.cmpi slt, %add3A_233, %lt3A_234 : i32
      %convert_element_type3A_236 = arith.extui %lt3A_235 : i1 to i32
      %cond3A_237 = arith.constant 0 : i32
      %cond3A_238 = arith.cmpi ne, %convert_element_type3A_236, %cond3A_237 : i32
      scf.if %cond3A_238 {
        %add3A_335 = arith.constant 2 : i32
        %add3A_336 = arith.addi %add3A_202, %add3A_335 : i32
        %mul3A_337 = arith.constant 1024 : i32
        %mul3A_338 = arith.muli %add3A_336, %mul3A_337 : i32
        %add3A_339 = arith.addi %mul3A_10, %mul3A_338 : i32
        %dma_start3A_340 = tpu.memref_slice %arg2[%add3A_339] : memref<6422528xi32, #tpu.memory_space<hbm>> -> memref<1024xi32, #tpu.memory_space<hbm>>
        %dma_start3A_341 = tpu.memref_slice %arg2[%add3A_339] : memref<6422528xi32, #tpu.memory_space<hbm>> -> memref<1024xi32, #tpu.memory_space<hbm>>
        tpu.enqueue_dma source(%dma_start3A_341 : memref<1024xi32, #tpu.memory_space<hbm>>) target(%arg21 : memref<1024xi32, #tpu.memory_space<vmem>>) target_semaphore(%arg43 : memref<!tpu.dma_semaphore, #tpu.memory_space<semaphore_mem>>)
        %mul3A_342 = arith.constant 1024 : i32
        %mul3A_343 = arith.muli %add3A_336, %mul3A_342 : i32
        %add3A_344 = arith.addi %mul3A_10, %mul3A_343 : i32
        %dma_start3A_345 = tpu.memref_slice %arg3[%add3A_344] : memref<6422528xi32, #tpu.memory_space<hbm>> -> memref<1024xi32, #tpu.memory_space<hbm>>
        %dma_start3A_346 = tpu.memref_slice %arg3[%add3A_344] : memref<6422528xi32, #tpu.memory_space<hbm>> -> memref<1024xi32, #tpu.memory_space<hbm>>
        tpu.enqueue_dma source(%dma_start3A_346 : memref<1024xi32, #tpu.memory_space<hbm>>) target(%arg25 : memref<1024xi32, #tpu.memory_space<vmem>>) target_semaphore(%arg47 : memref<!tpu.dma_semaphore, #tpu.memory_space<semaphore_mem>>)
      } else {
      }
      %dma_wait3A_239 = arith.constant 0 : i32
      %dma_wait3A_240 = tpu.memref_slice %arg7[%dma_wait3A_239] : memref<100352xf32, #tpu.memory_space<vmem_shared>> -> memref<100352xf32, #tpu.memory_space<vmem_shared>>
      tpu.wait_indirect_dma semaphore(%arg51 : memref<!tpu.dma_semaphore, #tpu.memory_space<semaphore_mem>>) src(%dma_wait3A_240 : memref<100352xf32, #tpu.memory_space<vmem_shared>>) dst(%arg29 : memref<1024xf32, #tpu.memory_space<vmem>>)
      %dma_wait3A_241 = arith.constant 0 : i32
      %dma_wait3A_242 = tpu.memref_slice %arg8[%dma_wait3A_241] : memref<100352xf32, #tpu.memory_space<vmem_shared>> -> memref<100352xf32, #tpu.memory_space<vmem_shared>>
      tpu.wait_indirect_dma semaphore(%arg51 : memref<!tpu.dma_semaphore, #tpu.memory_space<semaphore_mem>>) src(%dma_wait3A_242 : memref<100352xf32, #tpu.memory_space<vmem_shared>>) dst(%arg30 : memref<1024xf32, #tpu.memory_space<vmem>>)
      %dma_wait3A_243 = arith.constant 0 : i32
      %dma_wait3A_244 = tpu.memref_slice %arg9[%dma_wait3A_243] : memref<100352xf32, #tpu.memory_space<vmem_shared>> -> memref<100352xf32, #tpu.memory_space<vmem_shared>>
      tpu.wait_indirect_dma semaphore(%arg51 : memref<!tpu.dma_semaphore, #tpu.memory_space<semaphore_mem>>) src(%dma_wait3A_244 : memref<100352xf32, #tpu.memory_space<vmem_shared>>) dst(%arg31 : memref<1024xf32, #tpu.memory_space<vmem>>)
      %dma_wait3A_245 = arith.constant 0 : i32
      %dma_wait3A_246 = tpu.memref_slice %arg10[%dma_wait3A_245] : memref<100352xf32, #tpu.memory_space<vmem_shared>> -> memref<100352xf32, #tpu.memory_space<vmem_shared>>
      tpu.wait_indirect_dma semaphore(%arg51 : memref<!tpu.dma_semaphore, #tpu.memory_space<semaphore_mem>>) src(%dma_wait3A_246 : memref<100352xf32, #tpu.memory_space<vmem_shared>>) dst(%arg32 : memref<1024xf32, #tpu.memory_space<vmem>>)
      %dma_wait3A_247 = arith.constant 0 : i32
      %dma_wait3A_248 = tpu.memref_slice %arg11[%dma_wait3A_247] : memref<100352xf32, #tpu.memory_space<vmem_shared>> -> memref<100352xf32, #tpu.memory_space<vmem_shared>>
      tpu.wait_indirect_dma semaphore(%arg51 : memref<!tpu.dma_semaphore, #tpu.memory_space<semaphore_mem>>) src(%dma_wait3A_248 : memref<100352xf32, #tpu.memory_space<vmem_shared>>) dst(%arg33 : memref<1024xf32, #tpu.memory_space<vmem>>)
      %dma_wait3A_249 = arith.constant 0 : i32
      %dma_wait3A_250 = tpu.memref_slice %arg12[%dma_wait3A_249] : memref<100352xf32, #tpu.memory_space<vmem_shared>> -> memref<100352xf32, #tpu.memory_space<vmem_shared>>
      tpu.wait_indirect_dma semaphore(%arg51 : memref<!tpu.dma_semaphore, #tpu.memory_space<semaphore_mem>>) src(%dma_wait3A_250 : memref<100352xf32, #tpu.memory_space<vmem_shared>>) dst(%arg34 : memref<1024xf32, #tpu.memory_space<vmem>>)
      %dma_wait3A_251 = arith.constant 0 : i32
      %dma_wait3A_252 = tpu.memref_slice %arg13[%dma_wait3A_251] : memref<100352xf32, #tpu.memory_space<vmem_shared>> -> memref<100352xf32, #tpu.memory_space<vmem_shared>>
      tpu.wait_indirect_dma semaphore(%arg51 : memref<!tpu.dma_semaphore, #tpu.memory_space<semaphore_mem>>) src(%dma_wait3A_252 : memref<100352xf32, #tpu.memory_space<vmem_shared>>) dst(%arg35 : memref<1024xf32, #tpu.memory_space<vmem>>)
      %dma_start3A_253 = arith.constant 0 : i32
      %dma_start3A_254 = tpu.memref_slice %arg14[%dma_start3A_253] : memref<100352xf32, #tpu.memory_space<vmem_shared>> -> memref<100352xf32, #tpu.memory_space<vmem_shared>>
      tpu.enqueue_indirect_dma source(%arg29 : memref<1024xf32, #tpu.memory_space<vmem>>) target(%dma_start3A_254 : memref<100352xf32, #tpu.memory_space<vmem_shared>>) offsets(%arg27 : memref<1024xi32, #tpu.memory_space<vmem>>) semaphore(%arg53 : memref<!tpu.dma_semaphore, #tpu.memory_space<semaphore_mem>>) {add = true}
      %dma_start3A_255 = arith.constant 0 : i32
      %dma_start3A_256 = tpu.memref_slice %arg15[%dma_start3A_255] : memref<100352xf32, #tpu.memory_space<vmem_shared>> -> memref<100352xf32, #tpu.memory_space<vmem_shared>>
      tpu.enqueue_indirect_dma source(%arg30 : memref<1024xf32, #tpu.memory_space<vmem>>) target(%dma_start3A_256 : memref<100352xf32, #tpu.memory_space<vmem_shared>>) offsets(%arg27 : memref<1024xi32, #tpu.memory_space<vmem>>) semaphore(%arg53 : memref<!tpu.dma_semaphore, #tpu.memory_space<semaphore_mem>>) {add = true}
      %dma_start3A_257 = arith.constant 0 : i32
      %dma_start3A_258 = tpu.memref_slice %arg16[%dma_start3A_257] : memref<100352xf32, #tpu.memory_space<vmem_shared>> -> memref<100352xf32, #tpu.memory_space<vmem_shared>>
      tpu.enqueue_indirect_dma source(%arg31 : memref<1024xf32, #tpu.memory_space<vmem>>) target(%dma_start3A_258 : memref<100352xf32, #tpu.memory_space<vmem_shared>>) offsets(%arg27 : memref<1024xi32, #tpu.memory_space<vmem>>) semaphore(%arg53 : memref<!tpu.dma_semaphore, #tpu.memory_space<semaphore_mem>>) {add = true}
      %dma_start3A_259 = arith.constant 0 : i32
      %dma_start3A_260 = tpu.memref_slice %arg17[%dma_start3A_259] : memref<100352xf32, #tpu.memory_space<vmem_shared>> -> memref<100352xf32, #tpu.memory_space<vmem_shared>>
      tpu.enqueue_indirect_dma source(%arg32 : memref<1024xf32, #tpu.memory_space<vmem>>) target(%dma_start3A_260 : memref<100352xf32, #tpu.memory_space<vmem_shared>>) offsets(%arg27 : memref<1024xi32, #tpu.memory_space<vmem>>) semaphore(%arg53 : memref<!tpu.dma_semaphore, #tpu.memory_space<semaphore_mem>>) {add = true}
      %dma_start3A_261 = arith.constant 0 : i32
      %dma_start3A_262 = tpu.memref_slice %arg18[%dma_start3A_261] : memref<100352xf32, #tpu.memory_space<vmem_shared>> -> memref<100352xf32, #tpu.memory_space<vmem_shared>>
      tpu.enqueue_indirect_dma source(%arg33 : memref<1024xf32, #tpu.memory_space<vmem>>) target(%dma_start3A_262 : memref<100352xf32, #tpu.memory_space<vmem_shared>>) offsets(%arg27 : memref<1024xi32, #tpu.memory_space<vmem>>) semaphore(%arg53 : memref<!tpu.dma_semaphore, #tpu.memory_space<semaphore_mem>>) {add = true}
      %dma_start3A_263 = arith.constant 0 : i32
      %dma_start3A_264 = tpu.memref_slice %arg19[%dma_start3A_263] : memref<100352xf32, #tpu.memory_space<vmem_shared>> -> memref<100352xf32, #tpu.memory_space<vmem_shared>>
      tpu.enqueue_indirect_dma source(%arg34 : memref<1024xf32, #tpu.memory_space<vmem>>) target(%dma_start3A_264 : memref<100352xf32, #tpu.memory_space<vmem_shared>>) offsets(%arg27 : memref<1024xi32, #tpu.memory_space<vmem>>) semaphore(%arg53 : memref<!tpu.dma_semaphore, #tpu.memory_space<semaphore_mem>>) {add = true}
      %dma_start3A_265 = arith.constant 0 : i32
      %dma_start3A_266 = tpu.memref_slice %arg20[%dma_start3A_265] : memref<100352xf32, #tpu.memory_space<vmem_shared>> -> memref<100352xf32, #tpu.memory_space<vmem_shared>>
      tpu.enqueue_indirect_dma source(%arg35 : memref<1024xf32, #tpu.memory_space<vmem>>) target(%dma_start3A_266 : memref<100352xf32, #tpu.memory_space<vmem_shared>>) offsets(%arg27 : memref<1024xi32, #tpu.memory_space<vmem>>) semaphore(%arg53 : memref<!tpu.dma_semaphore, #tpu.memory_space<semaphore_mem>>) {add = true}
      %mul3A_267 = arith.constant 4 : i32
      %mul3A_268 = arith.muli %scan3A_66, %mul3A_267 : i32
      %add3A_269 = arith.constant 3 : i32
      %add3A_270 = arith.addi %mul3A_268, %add3A_269 : i32
      %mul3A_271 = arith.constant 1024 : i32
      %mul3A_272 = arith.muli %add3A_270, %mul3A_271 : i32
      %add3A_273 = arith.addi %mul3A_10, %mul3A_272 : i32
      %dma_wait3A_274 = tpu.memref_slice %arg2[%add3A_273] : memref<6422528xi32, #tpu.memory_space<hbm>> -> memref<1024xi32, #tpu.memory_space<hbm>>
      %dma_wait3A_275 = tpu.memref_slice %arg2[%add3A_273] : memref<6422528xi32, #tpu.memory_space<hbm>> -> memref<1024xi32, #tpu.memory_space<hbm>>
      tpu.wait_dma2 semaphore(%arg46 : memref<!tpu.dma_semaphore, #tpu.memory_space<semaphore_mem>>) src(%dma_wait3A_275 : memref<1024xi32, #tpu.memory_space<hbm>>) dst(%arg24 : memref<1024xi32, #tpu.memory_space<vmem>>)
      %mul3A_276 = arith.constant 1024 : i32
      %mul3A_277 = arith.muli %add3A_270, %mul3A_276 : i32
      %add3A_278 = arith.addi %mul3A_10, %mul3A_277 : i32
      %dma_wait3A_279 = tpu.memref_slice %arg3[%add3A_278] : memref<6422528xi32, #tpu.memory_space<hbm>> -> memref<1024xi32, #tpu.memory_space<hbm>>
      %dma_wait3A_280 = tpu.memref_slice %arg3[%add3A_278] : memref<6422528xi32, #tpu.memory_space<hbm>> -> memref<1024xi32, #tpu.memory_space<hbm>>
      tpu.wait_dma2 semaphore(%arg50 : memref<!tpu.dma_semaphore, #tpu.memory_space<semaphore_mem>>) src(%dma_wait3A_280 : memref<1024xi32, #tpu.memory_space<hbm>>) dst(%arg28 : memref<1024xi32, #tpu.memory_space<vmem>>)
      %ge3A_281 = arith.constant 2 : i32
      %ge3A_282 = arith.cmpi sge, %add3A_270, %ge3A_281 : i32
      %convert_element_type3A_283 = arith.extui %ge3A_282 : i1 to i32
      %cond3A_284 = arith.constant 0 : i32
      %cond3A_285 = arith.cmpi ne, %convert_element_type3A_283, %cond3A_284 : i32
      scf.if %cond3A_285 {
        %dma_wait3A_335 = arith.constant 0 : i32
        %dma_wait3A_336 = tpu.memref_slice %arg14[%dma_wait3A_335] : memref<100352xf32, #tpu.memory_space<vmem_shared>> -> memref<100352xf32, #tpu.memory_space<vmem_shared>>
        tpu.wait_indirect_dma semaphore(%arg54 : memref<!tpu.dma_semaphore, #tpu.memory_space<semaphore_mem>>) src(%arg36 : memref<1024xf32, #tpu.memory_space<vmem>>) dst(%dma_wait3A_336 : memref<100352xf32, #tpu.memory_space<vmem_shared>>)
        %dma_wait3A_337 = arith.constant 0 : i32
        %dma_wait3A_338 = tpu.memref_slice %arg15[%dma_wait3A_337] : memref<100352xf32, #tpu.memory_space<vmem_shared>> -> memref<100352xf32, #tpu.memory_space<vmem_shared>>
        tpu.wait_indirect_dma semaphore(%arg54 : memref<!tpu.dma_semaphore, #tpu.memory_space<semaphore_mem>>) src(%arg37 : memref<1024xf32, #tpu.memory_space<vmem>>) dst(%dma_wait3A_338 : memref<100352xf32, #tpu.memory_space<vmem_shared>>)
        %dma_wait3A_339 = arith.constant 0 : i32
        %dma_wait3A_340 = tpu.memref_slice %arg16[%dma_wait3A_339] : memref<100352xf32, #tpu.memory_space<vmem_shared>> -> memref<100352xf32, #tpu.memory_space<vmem_shared>>
        tpu.wait_indirect_dma semaphore(%arg54 : memref<!tpu.dma_semaphore, #tpu.memory_space<semaphore_mem>>) src(%arg38 : memref<1024xf32, #tpu.memory_space<vmem>>) dst(%dma_wait3A_340 : memref<100352xf32, #tpu.memory_space<vmem_shared>>)
        %dma_wait3A_341 = arith.constant 0 : i32
        %dma_wait3A_342 = tpu.memref_slice %arg17[%dma_wait3A_341] : memref<100352xf32, #tpu.memory_space<vmem_shared>> -> memref<100352xf32, #tpu.memory_space<vmem_shared>>
        tpu.wait_indirect_dma semaphore(%arg54 : memref<!tpu.dma_semaphore, #tpu.memory_space<semaphore_mem>>) src(%arg39 : memref<1024xf32, #tpu.memory_space<vmem>>) dst(%dma_wait3A_342 : memref<100352xf32, #tpu.memory_space<vmem_shared>>)
        %dma_wait3A_343 = arith.constant 0 : i32
        %dma_wait3A_344 = tpu.memref_slice %arg18[%dma_wait3A_343] : memref<100352xf32, #tpu.memory_space<vmem_shared>> -> memref<100352xf32, #tpu.memory_space<vmem_shared>>
        tpu.wait_indirect_dma semaphore(%arg54 : memref<!tpu.dma_semaphore, #tpu.memory_space<semaphore_mem>>) src(%arg40 : memref<1024xf32, #tpu.memory_space<vmem>>) dst(%dma_wait3A_344 : memref<100352xf32, #tpu.memory_space<vmem_shared>>)
        %dma_wait3A_345 = arith.constant 0 : i32
        %dma_wait3A_346 = tpu.memref_slice %arg19[%dma_wait3A_345] : memref<100352xf32, #tpu.memory_space<vmem_shared>> -> memref<100352xf32, #tpu.memory_space<vmem_shared>>
        tpu.wait_indirect_dma semaphore(%arg54 : memref<!tpu.dma_semaphore, #tpu.memory_space<semaphore_mem>>) src(%arg41 : memref<1024xf32, #tpu.memory_space<vmem>>) dst(%dma_wait3A_346 : memref<100352xf32, #tpu.memory_space<vmem_shared>>)
        %dma_wait3A_347 = arith.constant 0 : i32
        %dma_wait3A_348 = tpu.memref_slice %arg20[%dma_wait3A_347] : memref<100352xf32, #tpu.memory_space<vmem_shared>> -> memref<100352xf32, #tpu.memory_space<vmem_shared>>
        tpu.wait_indirect_dma semaphore(%arg54 : memref<!tpu.dma_semaphore, #tpu.memory_space<semaphore_mem>>) src(%arg42 : memref<1024xf32, #tpu.memory_space<vmem>>) dst(%dma_wait3A_348 : memref<100352xf32, #tpu.memory_space<vmem_shared>>)
      } else {
      }
      %dma_start3A_286 = arith.constant 0 : i32
      %dma_start3A_287 = tpu.memref_slice %arg7[%dma_start3A_286] : memref<100352xf32, #tpu.memory_space<vmem_shared>> -> memref<100352xf32, #tpu.memory_space<vmem_shared>>
      tpu.enqueue_indirect_dma source(%dma_start3A_287 : memref<100352xf32, #tpu.memory_space<vmem_shared>>) target(%arg36 : memref<1024xf32, #tpu.memory_space<vmem>>) offsets(%arg24 : memref<1024xi32, #tpu.memory_space<vmem>>) semaphore(%arg52 : memref<!tpu.dma_semaphore, #tpu.memory_space<semaphore_mem>>)
      %dma_start3A_288 = arith.constant 0 : i32
      %dma_start3A_289 = tpu.memref_slice %arg8[%dma_start3A_288] : memref<100352xf32, #tpu.memory_space<vmem_shared>> -> memref<100352xf32, #tpu.memory_space<vmem_shared>>
      tpu.enqueue_indirect_dma source(%dma_start3A_289 : memref<100352xf32, #tpu.memory_space<vmem_shared>>) target(%arg37 : memref<1024xf32, #tpu.memory_space<vmem>>) offsets(%arg24 : memref<1024xi32, #tpu.memory_space<vmem>>) semaphore(%arg52 : memref<!tpu.dma_semaphore, #tpu.memory_space<semaphore_mem>>)
      %dma_start3A_290 = arith.constant 0 : i32
      %dma_start3A_291 = tpu.memref_slice %arg9[%dma_start3A_290] : memref<100352xf32, #tpu.memory_space<vmem_shared>> -> memref<100352xf32, #tpu.memory_space<vmem_shared>>
      tpu.enqueue_indirect_dma source(%dma_start3A_291 : memref<100352xf32, #tpu.memory_space<vmem_shared>>) target(%arg38 : memref<1024xf32, #tpu.memory_space<vmem>>) offsets(%arg24 : memref<1024xi32, #tpu.memory_space<vmem>>) semaphore(%arg52 : memref<!tpu.dma_semaphore, #tpu.memory_space<semaphore_mem>>)
      %dma_start3A_292 = arith.constant 0 : i32
      %dma_start3A_293 = tpu.memref_slice %arg10[%dma_start3A_292] : memref<100352xf32, #tpu.memory_space<vmem_shared>> -> memref<100352xf32, #tpu.memory_space<vmem_shared>>
      tpu.enqueue_indirect_dma source(%dma_start3A_293 : memref<100352xf32, #tpu.memory_space<vmem_shared>>) target(%arg39 : memref<1024xf32, #tpu.memory_space<vmem>>) offsets(%arg24 : memref<1024xi32, #tpu.memory_space<vmem>>) semaphore(%arg52 : memref<!tpu.dma_semaphore, #tpu.memory_space<semaphore_mem>>)
      %dma_start3A_294 = arith.constant 0 : i32
      %dma_start3A_295 = tpu.memref_slice %arg11[%dma_start3A_294] : memref<100352xf32, #tpu.memory_space<vmem_shared>> -> memref<100352xf32, #tpu.memory_space<vmem_shared>>
      tpu.enqueue_indirect_dma source(%dma_start3A_295 : memref<100352xf32, #tpu.memory_space<vmem_shared>>) target(%arg40 : memref<1024xf32, #tpu.memory_space<vmem>>) offsets(%arg24 : memref<1024xi32, #tpu.memory_space<vmem>>) semaphore(%arg52 : memref<!tpu.dma_semaphore, #tpu.memory_space<semaphore_mem>>)
      %dma_start3A_296 = arith.constant 0 : i32
      %dma_start3A_297 = tpu.memref_slice %arg12[%dma_start3A_296] : memref<100352xf32, #tpu.memory_space<vmem_shared>> -> memref<100352xf32, #tpu.memory_space<vmem_shared>>
      tpu.enqueue_indirect_dma source(%dma_start3A_297 : memref<100352xf32, #tpu.memory_space<vmem_shared>>) target(%arg41 : memref<1024xf32, #tpu.memory_space<vmem>>) offsets(%arg24 : memref<1024xi32, #tpu.memory_space<vmem>>) semaphore(%arg52 : memref<!tpu.dma_semaphore, #tpu.memory_space<semaphore_mem>>)
      %dma_start3A_298 = arith.constant 0 : i32
      %dma_start3A_299 = tpu.memref_slice %arg13[%dma_start3A_298] : memref<100352xf32, #tpu.memory_space<vmem_shared>> -> memref<100352xf32, #tpu.memory_space<vmem_shared>>
      tpu.enqueue_indirect_dma source(%dma_start3A_299 : memref<100352xf32, #tpu.memory_space<vmem_shared>>) target(%arg42 : memref<1024xf32, #tpu.memory_space<vmem>>) offsets(%arg24 : memref<1024xi32, #tpu.memory_space<vmem>>) semaphore(%arg52 : memref<!tpu.dma_semaphore, #tpu.memory_space<semaphore_mem>>)
      %add3A_300 = arith.constant 2 : i32
      %add3A_301 = arith.addi %add3A_270, %add3A_300 : i32
      %lt3A_302 = arith.constant 196 : i32
      %lt3A_303 = arith.cmpi slt, %add3A_301, %lt3A_302 : i32
      %convert_element_type3A_304 = arith.extui %lt3A_303 : i1 to i32
      %cond3A_305 = arith.constant 0 : i32
      %cond3A_306 = arith.cmpi ne, %convert_element_type3A_304, %cond3A_305 : i32
      scf.if %cond3A_306 {
        %add3A_335 = arith.constant 2 : i32
        %add3A_336 = arith.addi %add3A_270, %add3A_335 : i32
        %mul3A_337 = arith.constant 1024 : i32
        %mul3A_338 = arith.muli %add3A_336, %mul3A_337 : i32
        %add3A_339 = arith.addi %mul3A_10, %mul3A_338 : i32
        %dma_start3A_340 = tpu.memref_slice %arg2[%add3A_339] : memref<6422528xi32, #tpu.memory_space<hbm>> -> memref<1024xi32, #tpu.memory_space<hbm>>
        %dma_start3A_341 = tpu.memref_slice %arg2[%add3A_339] : memref<6422528xi32, #tpu.memory_space<hbm>> -> memref<1024xi32, #tpu.memory_space<hbm>>
        tpu.enqueue_dma source(%dma_start3A_341 : memref<1024xi32, #tpu.memory_space<hbm>>) target(%arg22 : memref<1024xi32, #tpu.memory_space<vmem>>) target_semaphore(%arg44 : memref<!tpu.dma_semaphore, #tpu.memory_space<semaphore_mem>>)
        %mul3A_342 = arith.constant 1024 : i32
        %mul3A_343 = arith.muli %add3A_336, %mul3A_342 : i32
        %add3A_344 = arith.addi %mul3A_10, %mul3A_343 : i32
        %dma_start3A_345 = tpu.memref_slice %arg3[%add3A_344] : memref<6422528xi32, #tpu.memory_space<hbm>> -> memref<1024xi32, #tpu.memory_space<hbm>>
        %dma_start3A_346 = tpu.memref_slice %arg3[%add3A_344] : memref<6422528xi32, #tpu.memory_space<hbm>> -> memref<1024xi32, #tpu.memory_space<hbm>>
        tpu.enqueue_dma source(%dma_start3A_346 : memref<1024xi32, #tpu.memory_space<hbm>>) target(%arg26 : memref<1024xi32, #tpu.memory_space<vmem>>) target_semaphore(%arg48 : memref<!tpu.dma_semaphore, #tpu.memory_space<semaphore_mem>>)
      } else {
      }
      %dma_wait3A_307 = arith.constant 0 : i32
      %dma_wait3A_308 = tpu.memref_slice %arg7[%dma_wait3A_307] : memref<100352xf32, #tpu.memory_space<vmem_shared>> -> memref<100352xf32, #tpu.memory_space<vmem_shared>>
      tpu.wait_indirect_dma semaphore(%arg52 : memref<!tpu.dma_semaphore, #tpu.memory_space<semaphore_mem>>) src(%dma_wait3A_308 : memref<100352xf32, #tpu.memory_space<vmem_shared>>) dst(%arg36 : memref<1024xf32, #tpu.memory_space<vmem>>)
      %dma_wait3A_309 = arith.constant 0 : i32
      %dma_wait3A_310 = tpu.memref_slice %arg8[%dma_wait3A_309] : memref<100352xf32, #tpu.memory_space<vmem_shared>> -> memref<100352xf32, #tpu.memory_space<vmem_shared>>
      tpu.wait_indirect_dma semaphore(%arg52 : memref<!tpu.dma_semaphore, #tpu.memory_space<semaphore_mem>>) src(%dma_wait3A_310 : memref<100352xf32, #tpu.memory_space<vmem_shared>>) dst(%arg37 : memref<1024xf32, #tpu.memory_space<vmem>>)
      %dma_wait3A_311 = arith.constant 0 : i32
      %dma_wait3A_312 = tpu.memref_slice %arg9[%dma_wait3A_311] : memref<100352xf32, #tpu.memory_space<vmem_shared>> -> memref<100352xf32, #tpu.memory_space<vmem_shared>>
      tpu.wait_indirect_dma semaphore(%arg52 : memref<!tpu.dma_semaphore, #tpu.memory_space<semaphore_mem>>) src(%dma_wait3A_312 : memref<100352xf32, #tpu.memory_space<vmem_shared>>) dst(%arg38 : memref<1024xf32, #tpu.memory_space<vmem>>)
      %dma_wait3A_313 = arith.constant 0 : i32
      %dma_wait3A_314 = tpu.memref_slice %arg10[%dma_wait3A_313] : memref<100352xf32, #tpu.memory_space<vmem_shared>> -> memref<100352xf32, #tpu.memory_space<vmem_shared>>
      tpu.wait_indirect_dma semaphore(%arg52 : memref<!tpu.dma_semaphore, #tpu.memory_space<semaphore_mem>>) src(%dma_wait3A_314 : memref<100352xf32, #tpu.memory_space<vmem_shared>>) dst(%arg39 : memref<1024xf32, #tpu.memory_space<vmem>>)
      %dma_wait3A_315 = arith.constant 0 : i32
      %dma_wait3A_316 = tpu.memref_slice %arg11[%dma_wait3A_315] : memref<100352xf32, #tpu.memory_space<vmem_shared>> -> memref<100352xf32, #tpu.memory_space<vmem_shared>>
      tpu.wait_indirect_dma semaphore(%arg52 : memref<!tpu.dma_semaphore, #tpu.memory_space<semaphore_mem>>) src(%dma_wait3A_316 : memref<100352xf32, #tpu.memory_space<vmem_shared>>) dst(%arg40 : memref<1024xf32, #tpu.memory_space<vmem>>)
      %dma_wait3A_317 = arith.constant 0 : i32
      %dma_wait3A_318 = tpu.memref_slice %arg12[%dma_wait3A_317] : memref<100352xf32, #tpu.memory_space<vmem_shared>> -> memref<100352xf32, #tpu.memory_space<vmem_shared>>
      tpu.wait_indirect_dma semaphore(%arg52 : memref<!tpu.dma_semaphore, #tpu.memory_space<semaphore_mem>>) src(%dma_wait3A_318 : memref<100352xf32, #tpu.memory_space<vmem_shared>>) dst(%arg41 : memref<1024xf32, #tpu.memory_space<vmem>>)
      %dma_wait3A_319 = arith.constant 0 : i32
      %dma_wait3A_320 = tpu.memref_slice %arg13[%dma_wait3A_319] : memref<100352xf32, #tpu.memory_space<vmem_shared>> -> memref<100352xf32, #tpu.memory_space<vmem_shared>>
      tpu.wait_indirect_dma semaphore(%arg52 : memref<!tpu.dma_semaphore, #tpu.memory_space<semaphore_mem>>) src(%dma_wait3A_320 : memref<100352xf32, #tpu.memory_space<vmem_shared>>) dst(%arg42 : memref<1024xf32, #tpu.memory_space<vmem>>)
      %dma_start3A_321 = arith.constant 0 : i32
      %dma_start3A_322 = tpu.memref_slice %arg14[%dma_start3A_321] : memref<100352xf32, #tpu.memory_space<vmem_shared>> -> memref<100352xf32, #tpu.memory_space<vmem_shared>>
      tpu.enqueue_indirect_dma source(%arg36 : memref<1024xf32, #tpu.memory_space<vmem>>) target(%dma_start3A_322 : memref<100352xf32, #tpu.memory_space<vmem_shared>>) offsets(%arg28 : memref<1024xi32, #tpu.memory_space<vmem>>) semaphore(%arg54 : memref<!tpu.dma_semaphore, #tpu.memory_space<semaphore_mem>>) {add = true}
      %dma_start3A_323 = arith.constant 0 : i32
      %dma_start3A_324 = tpu.memref_slice %arg15[%dma_start3A_323] : memref<100352xf32, #tpu.memory_space<vmem_shared>> -> memref<100352xf32, #tpu.memory_space<vmem_shared>>
      tpu.enqueue_indirect_dma source(%arg37 : memref<1024xf32, #tpu.memory_space<vmem>>) target(%dma_start3A_324 : memref<100352xf32, #tpu.memory_space<vmem_shared>>) offsets(%arg28 : memref<1024xi32, #tpu.memory_space<vmem>>) semaphore(%arg54 : memref<!tpu.dma_semaphore, #tpu.memory_space<semaphore_mem>>) {add = true}
      %dma_start3A_325 = arith.constant 0 : i32
      %dma_start3A_326 = tpu.memref_slice %arg16[%dma_start3A_325] : memref<100352xf32, #tpu.memory_space<vmem_shared>> -> memref<100352xf32, #tpu.memory_space<vmem_shared>>
      tpu.enqueue_indirect_dma source(%arg38 : memref<1024xf32, #tpu.memory_space<vmem>>) target(%dma_start3A_326 : memref<100352xf32, #tpu.memory_space<vmem_shared>>) offsets(%arg28 : memref<1024xi32, #tpu.memory_space<vmem>>) semaphore(%arg54 : memref<!tpu.dma_semaphore, #tpu.memory_space<semaphore_mem>>) {add = true}
      %dma_start3A_327 = arith.constant 0 : i32
      %dma_start3A_328 = tpu.memref_slice %arg17[%dma_start3A_327] : memref<100352xf32, #tpu.memory_space<vmem_shared>> -> memref<100352xf32, #tpu.memory_space<vmem_shared>>
      tpu.enqueue_indirect_dma source(%arg39 : memref<1024xf32, #tpu.memory_space<vmem>>) target(%dma_start3A_328 : memref<100352xf32, #tpu.memory_space<vmem_shared>>) offsets(%arg28 : memref<1024xi32, #tpu.memory_space<vmem>>) semaphore(%arg54 : memref<!tpu.dma_semaphore, #tpu.memory_space<semaphore_mem>>) {add = true}
      %dma_start3A_329 = arith.constant 0 : i32
      %dma_start3A_330 = tpu.memref_slice %arg18[%dma_start3A_329] : memref<100352xf32, #tpu.memory_space<vmem_shared>> -> memref<100352xf32, #tpu.memory_space<vmem_shared>>
      tpu.enqueue_indirect_dma source(%arg40 : memref<1024xf32, #tpu.memory_space<vmem>>) target(%dma_start3A_330 : memref<100352xf32, #tpu.memory_space<vmem_shared>>) offsets(%arg28 : memref<1024xi32, #tpu.memory_space<vmem>>) semaphore(%arg54 : memref<!tpu.dma_semaphore, #tpu.memory_space<semaphore_mem>>) {add = true}
      %dma_start3A_331 = arith.constant 0 : i32
      %dma_start3A_332 = tpu.memref_slice %arg19[%dma_start3A_331] : memref<100352xf32, #tpu.memory_space<vmem_shared>> -> memref<100352xf32, #tpu.memory_space<vmem_shared>>
      tpu.enqueue_indirect_dma source(%arg41 : memref<1024xf32, #tpu.memory_space<vmem>>) target(%dma_start3A_332 : memref<100352xf32, #tpu.memory_space<vmem_shared>>) offsets(%arg28 : memref<1024xi32, #tpu.memory_space<vmem>>) semaphore(%arg54 : memref<!tpu.dma_semaphore, #tpu.memory_space<semaphore_mem>>) {add = true}
      %dma_start3A_333 = arith.constant 0 : i32
      %dma_start3A_334 = tpu.memref_slice %arg20[%dma_start3A_333] : memref<100352xf32, #tpu.memory_space<vmem_shared>> -> memref<100352xf32, #tpu.memory_space<vmem_shared>>
      tpu.enqueue_indirect_dma source(%arg42 : memref<1024xf32, #tpu.memory_space<vmem>>) target(%dma_start3A_334 : memref<100352xf32, #tpu.memory_space<vmem_shared>>) offsets(%arg28 : memref<1024xi32, #tpu.memory_space<vmem>>) semaphore(%arg54 : memref<!tpu.dma_semaphore, #tpu.memory_space<semaphore_mem>>) {add = true}
    }
    %scan3A_30 = arith.constant 49 : i32
    %dma_wait3A = arith.constant 0 : i32
    %dma_wait3A_31 = tpu.memref_slice %arg14[%dma_wait3A] : memref<100352xf32, #tpu.memory_space<vmem_shared>> -> memref<100352xf32, #tpu.memory_space<vmem_shared>>
    tpu.wait_indirect_dma semaphore(%arg53 : memref<!tpu.dma_semaphore, #tpu.memory_space<semaphore_mem>>) src(%arg29 : memref<1024xf32, #tpu.memory_space<vmem>>) dst(%dma_wait3A_31 : memref<100352xf32, #tpu.memory_space<vmem_shared>>)
    %dma_wait3A_32 = arith.constant 0 : i32
    %dma_wait3A_33 = tpu.memref_slice %arg15[%dma_wait3A_32] : memref<100352xf32, #tpu.memory_space<vmem_shared>> -> memref<100352xf32, #tpu.memory_space<vmem_shared>>
    tpu.wait_indirect_dma semaphore(%arg53 : memref<!tpu.dma_semaphore, #tpu.memory_space<semaphore_mem>>) src(%arg30 : memref<1024xf32, #tpu.memory_space<vmem>>) dst(%dma_wait3A_33 : memref<100352xf32, #tpu.memory_space<vmem_shared>>)
    %dma_wait3A_34 = arith.constant 0 : i32
    %dma_wait3A_35 = tpu.memref_slice %arg16[%dma_wait3A_34] : memref<100352xf32, #tpu.memory_space<vmem_shared>> -> memref<100352xf32, #tpu.memory_space<vmem_shared>>
    tpu.wait_indirect_dma semaphore(%arg53 : memref<!tpu.dma_semaphore, #tpu.memory_space<semaphore_mem>>) src(%arg31 : memref<1024xf32, #tpu.memory_space<vmem>>) dst(%dma_wait3A_35 : memref<100352xf32, #tpu.memory_space<vmem_shared>>)
    %dma_wait3A_36 = arith.constant 0 : i32
    %dma_wait3A_37 = tpu.memref_slice %arg17[%dma_wait3A_36] : memref<100352xf32, #tpu.memory_space<vmem_shared>> -> memref<100352xf32, #tpu.memory_space<vmem_shared>>
    tpu.wait_indirect_dma semaphore(%arg53 : memref<!tpu.dma_semaphore, #tpu.memory_space<semaphore_mem>>) src(%arg32 : memref<1024xf32, #tpu.memory_space<vmem>>) dst(%dma_wait3A_37 : memref<100352xf32, #tpu.memory_space<vmem_shared>>)
    %dma_wait3A_38 = arith.constant 0 : i32
    %dma_wait3A_39 = tpu.memref_slice %arg18[%dma_wait3A_38] : memref<100352xf32, #tpu.memory_space<vmem_shared>> -> memref<100352xf32, #tpu.memory_space<vmem_shared>>
    tpu.wait_indirect_dma semaphore(%arg53 : memref<!tpu.dma_semaphore, #tpu.memory_space<semaphore_mem>>) src(%arg33 : memref<1024xf32, #tpu.memory_space<vmem>>) dst(%dma_wait3A_39 : memref<100352xf32, #tpu.memory_space<vmem_shared>>)
    %dma_wait3A_40 = arith.constant 0 : i32
    %dma_wait3A_41 = tpu.memref_slice %arg19[%dma_wait3A_40] : memref<100352xf32, #tpu.memory_space<vmem_shared>> -> memref<100352xf32, #tpu.memory_space<vmem_shared>>
    tpu.wait_indirect_dma semaphore(%arg53 : memref<!tpu.dma_semaphore, #tpu.memory_space<semaphore_mem>>) src(%arg34 : memref<1024xf32, #tpu.memory_space<vmem>>) dst(%dma_wait3A_41 : memref<100352xf32, #tpu.memory_space<vmem_shared>>)
    %dma_wait3A_42 = arith.constant 0 : i32
    %dma_wait3A_43 = tpu.memref_slice %arg20[%dma_wait3A_42] : memref<100352xf32, #tpu.memory_space<vmem_shared>> -> memref<100352xf32, #tpu.memory_space<vmem_shared>>
    tpu.wait_indirect_dma semaphore(%arg53 : memref<!tpu.dma_semaphore, #tpu.memory_space<semaphore_mem>>) src(%arg35 : memref<1024xf32, #tpu.memory_space<vmem>>) dst(%dma_wait3A_43 : memref<100352xf32, #tpu.memory_space<vmem_shared>>)
    %dma_wait3A_44 = arith.constant 0 : i32
    %dma_wait3A_45 = tpu.memref_slice %arg14[%dma_wait3A_44] : memref<100352xf32, #tpu.memory_space<vmem_shared>> -> memref<100352xf32, #tpu.memory_space<vmem_shared>>
    tpu.wait_indirect_dma semaphore(%arg54 : memref<!tpu.dma_semaphore, #tpu.memory_space<semaphore_mem>>) src(%arg36 : memref<1024xf32, #tpu.memory_space<vmem>>) dst(%dma_wait3A_45 : memref<100352xf32, #tpu.memory_space<vmem_shared>>)
    %dma_wait3A_46 = arith.constant 0 : i32
    %dma_wait3A_47 = tpu.memref_slice %arg15[%dma_wait3A_46] : memref<100352xf32, #tpu.memory_space<vmem_shared>> -> memref<100352xf32, #tpu.memory_space<vmem_shared>>
    tpu.wait_indirect_dma semaphore(%arg54 : memref<!tpu.dma_semaphore, #tpu.memory_space<semaphore_mem>>) src(%arg37 : memref<1024xf32, #tpu.memory_space<vmem>>) dst(%dma_wait3A_47 : memref<100352xf32, #tpu.memory_space<vmem_shared>>)
    %dma_wait3A_48 = arith.constant 0 : i32
    %dma_wait3A_49 = tpu.memref_slice %arg16[%dma_wait3A_48] : memref<100352xf32, #tpu.memory_space<vmem_shared>> -> memref<100352xf32, #tpu.memory_space<vmem_shared>>
    tpu.wait_indirect_dma semaphore(%arg54 : memref<!tpu.dma_semaphore, #tpu.memory_space<semaphore_mem>>) src(%arg38 : memref<1024xf32, #tpu.memory_space<vmem>>) dst(%dma_wait3A_49 : memref<100352xf32, #tpu.memory_space<vmem_shared>>)
    %dma_wait3A_50 = arith.constant 0 : i32
    %dma_wait3A_51 = tpu.memref_slice %arg17[%dma_wait3A_50] : memref<100352xf32, #tpu.memory_space<vmem_shared>> -> memref<100352xf32, #tpu.memory_space<vmem_shared>>
    tpu.wait_indirect_dma semaphore(%arg54 : memref<!tpu.dma_semaphore, #tpu.memory_space<semaphore_mem>>) src(%arg39 : memref<1024xf32, #tpu.memory_space<vmem>>) dst(%dma_wait3A_51 : memref<100352xf32, #tpu.memory_space<vmem_shared>>)
    %dma_wait3A_52 = arith.constant 0 : i32
    %dma_wait3A_53 = tpu.memref_slice %arg18[%dma_wait3A_52] : memref<100352xf32, #tpu.memory_space<vmem_shared>> -> memref<100352xf32, #tpu.memory_space<vmem_shared>>
    tpu.wait_indirect_dma semaphore(%arg54 : memref<!tpu.dma_semaphore, #tpu.memory_space<semaphore_mem>>) src(%arg40 : memref<1024xf32, #tpu.memory_space<vmem>>) dst(%dma_wait3A_53 : memref<100352xf32, #tpu.memory_space<vmem_shared>>)
    %dma_wait3A_54 = arith.constant 0 : i32
    %dma_wait3A_55 = tpu.memref_slice %arg19[%dma_wait3A_54] : memref<100352xf32, #tpu.memory_space<vmem_shared>> -> memref<100352xf32, #tpu.memory_space<vmem_shared>>
    tpu.wait_indirect_dma semaphore(%arg54 : memref<!tpu.dma_semaphore, #tpu.memory_space<semaphore_mem>>) src(%arg41 : memref<1024xf32, #tpu.memory_space<vmem>>) dst(%dma_wait3A_55 : memref<100352xf32, #tpu.memory_space<vmem_shared>>)
    %dma_wait3A_56 = arith.constant 0 : i32
    %dma_wait3A_57 = tpu.memref_slice %arg20[%dma_wait3A_56] : memref<100352xf32, #tpu.memory_space<vmem_shared>> -> memref<100352xf32, #tpu.memory_space<vmem_shared>>
    tpu.wait_indirect_dma semaphore(%arg54 : memref<!tpu.dma_semaphore, #tpu.memory_space<semaphore_mem>>) src(%arg42 : memref<1024xf32, #tpu.memory_space<vmem>>) dst(%dma_wait3A_57 : memref<100352xf32, #tpu.memory_space<vmem_shared>>)
    %barrier3A_58 = arith.constant 0 : index
    tpu.barrier barrier_id(%barrier3A_58)
    %run_scoped3A_59 = arith.constant 0 : i32
    "tpu.region"() ({
      %run_scoped3A_66 = tpu.sem_alloc : memref<!tpu.dma_semaphore, #tpu.memory_space<semaphore_mem>>
      %dma_start3A_67 = tpu.memref_slice %arg6[%arg0, %run_scoped3A_59, %mul3A_2] : memref<2x8x100352xf32, #tpu.memory_space<hbm>> -> memref<1x1x6272xf32, #tpu.memory_space<hbm>>
      %dma_start3A_68 = tpu.memref_squeeze %dma_start3A_67 : memref<1x1x6272xf32, #tpu.memory_space<hbm>> -> memref<6272xf32, #tpu.memory_space<hbm>>
      %dma_start3A_69 = tpu.memref_slice %arg14[%mul3A_2] : memref<100352xf32, #tpu.memory_space<vmem_shared>> -> memref<6272xf32, #tpu.memory_space<vmem_shared>>
      tpu.enqueue_dma source(%dma_start3A_69 : memref<6272xf32, #tpu.memory_space<vmem_shared>>) target(%dma_start3A_68 : memref<6272xf32, #tpu.memory_space<hbm>>) target_semaphore(%run_scoped3A_66 : memref<!tpu.dma_semaphore, #tpu.memory_space<semaphore_mem>>)
      %dma_wait3A_70 = tpu.memref_slice %arg6[%arg0, %run_scoped3A_59, %mul3A_2] : memref<2x8x100352xf32, #tpu.memory_space<hbm>> -> memref<1x1x6272xf32, #tpu.memory_space<hbm>>
      %dma_wait3A_71 = tpu.memref_squeeze %dma_wait3A_70 : memref<1x1x6272xf32, #tpu.memory_space<hbm>> -> memref<6272xf32, #tpu.memory_space<hbm>>
      %dma_wait3A_72 = tpu.memref_slice %arg14[%mul3A_2] : memref<100352xf32, #tpu.memory_space<vmem_shared>> -> memref<6272xf32, #tpu.memory_space<vmem_shared>>
      tpu.wait_dma2 semaphore(%run_scoped3A_66 : memref<!tpu.dma_semaphore, #tpu.memory_space<semaphore_mem>>) src(%dma_wait3A_72 : memref<6272xf32, #tpu.memory_space<vmem_shared>>) dst(%dma_wait3A_71 : memref<6272xf32, #tpu.memory_space<hbm>>)
      tpu.yield
    }) : () -> ()
    %run_scoped3A_60 = arith.constant 1 : i32
    "tpu.region"() ({
      %run_scoped3A_66 = tpu.sem_alloc : memref<!tpu.dma_semaphore, #tpu.memory_space<semaphore_mem>>
      %dma_start3A_67 = tpu.memref_slice %arg6[%arg0, %run_scoped3A_60, %mul3A_2] : memref<2x8x100352xf32, #tpu.memory_space<hbm>> -> memref<1x1x6272xf32, #tpu.memory_space<hbm>>
      %dma_start3A_68 = tpu.memref_squeeze %dma_start3A_67 : memref<1x1x6272xf32, #tpu.memory_space<hbm>> -> memref<6272xf32, #tpu.memory_space<hbm>>
      %dma_start3A_69 = tpu.memref_slice %arg15[%mul3A_2] : memref<100352xf32, #tpu.memory_space<vmem_shared>> -> memref<6272xf32, #tpu.memory_space<vmem_shared>>
      tpu.enqueue_dma source(%dma_start3A_69 : memref<6272xf32, #tpu.memory_space<vmem_shared>>) target(%dma_start3A_68 : memref<6272xf32, #tpu.memory_space<hbm>>) target_semaphore(%run_scoped3A_66 : memref<!tpu.dma_semaphore, #tpu.memory_space<semaphore_mem>>)
      %dma_wait3A_70 = tpu.memref_slice %arg6[%arg0, %run_scoped3A_60, %mul3A_2] : memref<2x8x100352xf32, #tpu.memory_space<hbm>> -> memref<1x1x6272xf32, #tpu.memory_space<hbm>>
      %dma_wait3A_71 = tpu.memref_squeeze %dma_wait3A_70 : memref<1x1x6272xf32, #tpu.memory_space<hbm>> -> memref<6272xf32, #tpu.memory_space<hbm>>
      %dma_wait3A_72 = tpu.memref_slice %arg15[%mul3A_2] : memref<100352xf32, #tpu.memory_space<vmem_shared>> -> memref<6272xf32, #tpu.memory_space<vmem_shared>>
      tpu.wait_dma2 semaphore(%run_scoped3A_66 : memref<!tpu.dma_semaphore, #tpu.memory_space<semaphore_mem>>) src(%dma_wait3A_72 : memref<6272xf32, #tpu.memory_space<vmem_shared>>) dst(%dma_wait3A_71 : memref<6272xf32, #tpu.memory_space<hbm>>)
      tpu.yield
    }) : () -> ()
    %run_scoped3A_61 = arith.constant 2 : i32
    "tpu.region"() ({
      %run_scoped3A_66 = tpu.sem_alloc : memref<!tpu.dma_semaphore, #tpu.memory_space<semaphore_mem>>
      %dma_start3A_67 = tpu.memref_slice %arg6[%arg0, %run_scoped3A_61, %mul3A_2] : memref<2x8x100352xf32, #tpu.memory_space<hbm>> -> memref<1x1x6272xf32, #tpu.memory_space<hbm>>
      %dma_start3A_68 = tpu.memref_squeeze %dma_start3A_67 : memref<1x1x6272xf32, #tpu.memory_space<hbm>> -> memref<6272xf32, #tpu.memory_space<hbm>>
      %dma_start3A_69 = tpu.memref_slice %arg16[%mul3A_2] : memref<100352xf32, #tpu.memory_space<vmem_shared>> -> memref<6272xf32, #tpu.memory_space<vmem_shared>>
      tpu.enqueue_dma source(%dma_start3A_69 : memref<6272xf32, #tpu.memory_space<vmem_shared>>) target(%dma_start3A_68 : memref<6272xf32, #tpu.memory_space<hbm>>) target_semaphore(%run_scoped3A_66 : memref<!tpu.dma_semaphore, #tpu.memory_space<semaphore_mem>>)
      %dma_wait3A_70 = tpu.memref_slice %arg6[%arg0, %run_scoped3A_61, %mul3A_2] : memref<2x8x100352xf32, #tpu.memory_space<hbm>> -> memref<1x1x6272xf32, #tpu.memory_space<hbm>>
      %dma_wait3A_71 = tpu.memref_squeeze %dma_wait3A_70 : memref<1x1x6272xf32, #tpu.memory_space<hbm>> -> memref<6272xf32, #tpu.memory_space<hbm>>
      %dma_wait3A_72 = tpu.memref_slice %arg16[%mul3A_2] : memref<100352xf32, #tpu.memory_space<vmem_shared>> -> memref<6272xf32, #tpu.memory_space<vmem_shared>>
      tpu.wait_dma2 semaphore(%run_scoped3A_66 : memref<!tpu.dma_semaphore, #tpu.memory_space<semaphore_mem>>) src(%dma_wait3A_72 : memref<6272xf32, #tpu.memory_space<vmem_shared>>) dst(%dma_wait3A_71 : memref<6272xf32, #tpu.memory_space<hbm>>)
      tpu.yield
    }) : () -> ()
    %run_scoped3A_62 = arith.constant 3 : i32
    "tpu.region"() ({
      %run_scoped3A_66 = tpu.sem_alloc : memref<!tpu.dma_semaphore, #tpu.memory_space<semaphore_mem>>
      %dma_start3A_67 = tpu.memref_slice %arg6[%arg0, %run_scoped3A_62, %mul3A_2] : memref<2x8x100352xf32, #tpu.memory_space<hbm>> -> memref<1x1x6272xf32, #tpu.memory_space<hbm>>
      %dma_start3A_68 = tpu.memref_squeeze %dma_start3A_67 : memref<1x1x6272xf32, #tpu.memory_space<hbm>> -> memref<6272xf32, #tpu.memory_space<hbm>>
      %dma_start3A_69 = tpu.memref_slice %arg17[%mul3A_2] : memref<100352xf32, #tpu.memory_space<vmem_shared>> -> memref<6272xf32, #tpu.memory_space<vmem_shared>>
      tpu.enqueue_dma source(%dma_start3A_69 : memref<6272xf32, #tpu.memory_space<vmem_shared>>) target(%dma_start3A_68 : memref<6272xf32, #tpu.memory_space<hbm>>) target_semaphore(%run_scoped3A_66 : memref<!tpu.dma_semaphore, #tpu.memory_space<semaphore_mem>>)
      %dma_wait3A_70 = tpu.memref_slice %arg6[%arg0, %run_scoped3A_62, %mul3A_2] : memref<2x8x100352xf32, #tpu.memory_space<hbm>> -> memref<1x1x6272xf32, #tpu.memory_space<hbm>>
      %dma_wait3A_71 = tpu.memref_squeeze %dma_wait3A_70 : memref<1x1x6272xf32, #tpu.memory_space<hbm>> -> memref<6272xf32, #tpu.memory_space<hbm>>
      %dma_wait3A_72 = tpu.memref_slice %arg17[%mul3A_2] : memref<100352xf32, #tpu.memory_space<vmem_shared>> -> memref<6272xf32, #tpu.memory_space<vmem_shared>>
      tpu.wait_dma2 semaphore(%run_scoped3A_66 : memref<!tpu.dma_semaphore, #tpu.memory_space<semaphore_mem>>) src(%dma_wait3A_72 : memref<6272xf32, #tpu.memory_space<vmem_shared>>) dst(%dma_wait3A_71 : memref<6272xf32, #tpu.memory_space<hbm>>)
      tpu.yield
    }) : () -> ()
    %run_scoped3A_63 = arith.constant 4 : i32
    "tpu.region"() ({
      %run_scoped3A_66 = tpu.sem_alloc : memref<!tpu.dma_semaphore, #tpu.memory_space<semaphore_mem>>
      %dma_start3A_67 = tpu.memref_slice %arg6[%arg0, %run_scoped3A_63, %mul3A_2] : memref<2x8x100352xf32, #tpu.memory_space<hbm>> -> memref<1x1x6272xf32, #tpu.memory_space<hbm>>
      %dma_start3A_68 = tpu.memref_squeeze %dma_start3A_67 : memref<1x1x6272xf32, #tpu.memory_space<hbm>> -> memref<6272xf32, #tpu.memory_space<hbm>>
      %dma_start3A_69 = tpu.memref_slice %arg18[%mul3A_2] : memref<100352xf32, #tpu.memory_space<vmem_shared>> -> memref<6272xf32, #tpu.memory_space<vmem_shared>>
      tpu.enqueue_dma source(%dma_start3A_69 : memref<6272xf32, #tpu.memory_space<vmem_shared>>) target(%dma_start3A_68 : memref<6272xf32, #tpu.memory_space<hbm>>) target_semaphore(%run_scoped3A_66 : memref<!tpu.dma_semaphore, #tpu.memory_space<semaphore_mem>>)
      %dma_wait3A_70 = tpu.memref_slice %arg6[%arg0, %run_scoped3A_63, %mul3A_2] : memref<2x8x100352xf32, #tpu.memory_space<hbm>> -> memref<1x1x6272xf32, #tpu.memory_space<hbm>>
      %dma_wait3A_71 = tpu.memref_squeeze %dma_wait3A_70 : memref<1x1x6272xf32, #tpu.memory_space<hbm>> -> memref<6272xf32, #tpu.memory_space<hbm>>
      %dma_wait3A_72 = tpu.memref_slice %arg18[%mul3A_2] : memref<100352xf32, #tpu.memory_space<vmem_shared>> -> memref<6272xf32, #tpu.memory_space<vmem_shared>>
      tpu.wait_dma2 semaphore(%run_scoped3A_66 : memref<!tpu.dma_semaphore, #tpu.memory_space<semaphore_mem>>) src(%dma_wait3A_72 : memref<6272xf32, #tpu.memory_space<vmem_shared>>) dst(%dma_wait3A_71 : memref<6272xf32, #tpu.memory_space<hbm>>)
      tpu.yield
    }) : () -> ()
    %run_scoped3A_64 = arith.constant 5 : i32
    "tpu.region"() ({
      %run_scoped3A_66 = tpu.sem_alloc : memref<!tpu.dma_semaphore, #tpu.memory_space<semaphore_mem>>
      %dma_start3A_67 = tpu.memref_slice %arg6[%arg0, %run_scoped3A_64, %mul3A_2] : memref<2x8x100352xf32, #tpu.memory_space<hbm>> -> memref<1x1x6272xf32, #tpu.memory_space<hbm>>
      %dma_start3A_68 = tpu.memref_squeeze %dma_start3A_67 : memref<1x1x6272xf32, #tpu.memory_space<hbm>> -> memref<6272xf32, #tpu.memory_space<hbm>>
      %dma_start3A_69 = tpu.memref_slice %arg19[%mul3A_2] : memref<100352xf32, #tpu.memory_space<vmem_shared>> -> memref<6272xf32, #tpu.memory_space<vmem_shared>>
      tpu.enqueue_dma source(%dma_start3A_69 : memref<6272xf32, #tpu.memory_space<vmem_shared>>) target(%dma_start3A_68 : memref<6272xf32, #tpu.memory_space<hbm>>) target_semaphore(%run_scoped3A_66 : memref<!tpu.dma_semaphore, #tpu.memory_space<semaphore_mem>>)
      %dma_wait3A_70 = tpu.memref_slice %arg6[%arg0, %run_scoped3A_64, %mul3A_2] : memref<2x8x100352xf32, #tpu.memory_space<hbm>> -> memref<1x1x6272xf32, #tpu.memory_space<hbm>>
      %dma_wait3A_71 = tpu.memref_squeeze %dma_wait3A_70 : memref<1x1x6272xf32, #tpu.memory_space<hbm>> -> memref<6272xf32, #tpu.memory_space<hbm>>
      %dma_wait3A_72 = tpu.memref_slice %arg19[%mul3A_2] : memref<100352xf32, #tpu.memory_space<vmem_shared>> -> memref<6272xf32, #tpu.memory_space<vmem_shared>>
      tpu.wait_dma2 semaphore(%run_scoped3A_66 : memref<!tpu.dma_semaphore, #tpu.memory_space<semaphore_mem>>) src(%dma_wait3A_72 : memref<6272xf32, #tpu.memory_space<vmem_shared>>) dst(%dma_wait3A_71 : memref<6272xf32, #tpu.memory_space<hbm>>)
      tpu.yield
    }) : () -> ()
    %run_scoped3A_65 = arith.constant 6 : i32
    "tpu.region"() ({
      %run_scoped3A_66 = tpu.sem_alloc : memref<!tpu.dma_semaphore, #tpu.memory_space<semaphore_mem>>
      %dma_start3A_67 = tpu.memref_slice %arg6[%arg0, %run_scoped3A_65, %mul3A_2] : memref<2x8x100352xf32, #tpu.memory_space<hbm>> -> memref<1x1x6272xf32, #tpu.memory_space<hbm>>
      %dma_start3A_68 = tpu.memref_squeeze %dma_start3A_67 : memref<1x1x6272xf32, #tpu.memory_space<hbm>> -> memref<6272xf32, #tpu.memory_space<hbm>>
      %dma_start3A_69 = tpu.memref_slice %arg20[%mul3A_2] : memref<100352xf32, #tpu.memory_space<vmem_shared>> -> memref<6272xf32, #tpu.memory_space<vmem_shared>>
      tpu.enqueue_dma source(%dma_start3A_69 : memref<6272xf32, #tpu.memory_space<vmem_shared>>) target(%dma_start3A_68 : memref<6272xf32, #tpu.memory_space<hbm>>) target_semaphore(%run_scoped3A_66 : memref<!tpu.dma_semaphore, #tpu.memory_space<semaphore_mem>>)
      %dma_wait3A_70 = tpu.memref_slice %arg6[%arg0, %run_scoped3A_65, %mul3A_2] : memref<2x8x100352xf32, #tpu.memory_space<hbm>> -> memref<1x1x6272xf32, #tpu.memory_space<hbm>>
      %dma_wait3A_71 = tpu.memref_squeeze %dma_wait3A_70 : memref<1x1x6272xf32, #tpu.memory_space<hbm>> -> memref<6272xf32, #tpu.memory_space<hbm>>
      %dma_wait3A_72 = tpu.memref_slice %arg20[%mul3A_2] : memref<100352xf32, #tpu.memory_space<vmem_shared>> -> memref<6272xf32, #tpu.memory_space<vmem_shared>>
      tpu.wait_dma2 semaphore(%run_scoped3A_66 : memref<!tpu.dma_semaphore, #tpu.memory_space<semaphore_mem>>) src(%dma_wait3A_72 : memref<6272xf32, #tpu.memory_space<vmem_shared>>) dst(%dma_wait3A_71 : memref<6272xf32, #tpu.memory_space<hbm>>)
      tpu.yield
    }) : () -> ()
    return
  }
}

#map = affine_map<(d0, d1) -> (0)>
#map1 = affine_map<(d0, d1) -> (0, 0)>
module attributes {stable_mosaic.version = 14 : i64} {
  func.func @deg_kernel(%arg0: i32, %arg1: i32, %arg2: memref<6422528xi32, #tpu.memory_space<hbm>>, %arg3: memref<1024xf32, #tpu.memory_space<hbm>>, %arg4: memref<100352xf32, #tpu.memory_space<hbm>>, %arg5: memref<2x100352xf32, #tpu.memory_space<hbm>>, %arg6: memref<100352xf32, #tpu.memory_space<vmem_shared>>, %arg7: memref<1024xi32, #tpu.memory_space<vmem>>, %arg8: memref<1024xi32, #tpu.memory_space<vmem>>, %arg9: memref<1024xi32, #tpu.memory_space<vmem>>, %arg10: memref<1024xi32, #tpu.memory_space<vmem>>, %arg11: memref<1024xf32, #tpu.memory_space<vmem>>, %arg12: memref<!tpu.dma_semaphore, #tpu.memory_space<semaphore_mem>>, %arg13: memref<!tpu.dma_semaphore, #tpu.memory_space<semaphore_mem>>, %arg14: memref<!tpu.dma_semaphore, #tpu.memory_space<semaphore_mem>>, %arg15: memref<!tpu.dma_semaphore, #tpu.memory_space<semaphore_mem>>, %arg16: memref<!tpu.dma_semaphore, #tpu.memory_space<semaphore_mem>>, %arg17: memref<!tpu.dma_semaphore, #tpu.memory_space<semaphore_mem>>) attributes {dimension_semantics = [#tpu.dimension_semantics<core_parallel>, #tpu.dimension_semantics<subcore_parallel>], iteration_bounds = array<i64: 2, 16>, scalar_prefetch = 0 : i64, scratch_operands = 12 : i64, tpu.core_type = #tpu.core_type<sc_vector_subcore>, window_params = [{transform_indices = #map}, {transform_indices = #map}, {transform_indices = #map}, {transform_indices = #map1}]} {
    %mul3A = arith.constant 16 : i32
    %mul3A_0 = arith.muli %arg0, %mul3A : i32
    %add3A = arith.addi %mul3A_0, %arg1 : i32
    %mul3A_1 = arith.constant 6272 : i32
    %mul3A_2 = arith.muli %arg1, %mul3A_1 : i32
    "tpu.region"() ({
      %run_scoped3A = tpu.sem_alloc : memref<!tpu.dma_semaphore, #tpu.memory_space<semaphore_mem>>
      %dma_start3A_21 = tpu.memref_slice %arg6[%mul3A_2] : memref<100352xf32, #tpu.memory_space<vmem_shared>> -> memref<6272xf32, #tpu.memory_space<vmem_shared>>
      %dma_start3A_22 = tpu.memref_slice %arg4[%mul3A_2] : memref<100352xf32, #tpu.memory_space<hbm>> -> memref<6272xf32, #tpu.memory_space<hbm>>
      tpu.enqueue_dma source(%dma_start3A_22 : memref<6272xf32, #tpu.memory_space<hbm>>) target(%dma_start3A_21 : memref<6272xf32, #tpu.memory_space<vmem_shared>>) target_semaphore(%run_scoped3A : memref<!tpu.dma_semaphore, #tpu.memory_space<semaphore_mem>>)
      %dma_wait3A_23 = tpu.memref_slice %arg6[%mul3A_2] : memref<100352xf32, #tpu.memory_space<vmem_shared>> -> memref<6272xf32, #tpu.memory_space<vmem_shared>>
      %dma_wait3A_24 = tpu.memref_slice %arg4[%mul3A_2] : memref<100352xf32, #tpu.memory_space<hbm>> -> memref<6272xf32, #tpu.memory_space<hbm>>
      tpu.wait_dma2 semaphore(%run_scoped3A : memref<!tpu.dma_semaphore, #tpu.memory_space<semaphore_mem>>) src(%dma_wait3A_24 : memref<6272xf32, #tpu.memory_space<hbm>>) dst(%dma_wait3A_23 : memref<6272xf32, #tpu.memory_space<vmem_shared>>)
      tpu.yield
    }) : () -> ()
    "tpu.region"() ({
      %run_scoped3A = tpu.sem_alloc : memref<!tpu.dma_semaphore, #tpu.memory_space<semaphore_mem>>
      tpu.enqueue_dma source(%arg3 : memref<1024xf32, #tpu.memory_space<hbm>>) target(%arg11 : memref<1024xf32, #tpu.memory_space<vmem>>) target_semaphore(%run_scoped3A : memref<!tpu.dma_semaphore, #tpu.memory_space<semaphore_mem>>)
      tpu.wait_dma2 semaphore(%run_scoped3A : memref<!tpu.dma_semaphore, #tpu.memory_space<semaphore_mem>>) src(%arg3 : memref<1024xf32, #tpu.memory_space<hbm>>) dst(%arg11 : memref<1024xf32, #tpu.memory_space<vmem>>)
      tpu.yield
    }) : () -> ()
    %barrier3A = arith.constant 0 : index
    tpu.barrier barrier_id(%barrier3A)
    %mul3A_3 = arith.constant 200704 : i32
    %mul3A_4 = arith.muli %add3A, %mul3A_3 : i32
    %add3A_5 = arith.constant 0 : i32
    %add3A_6 = arith.addi %mul3A_4, %add3A_5 : i32
    %dma_start3A = tpu.memref_slice %arg2[%add3A_6] : memref<6422528xi32, #tpu.memory_space<hbm>> -> memref<1024xi32, #tpu.memory_space<hbm>>
    %dma_start3A_7 = tpu.memref_slice %arg2[%add3A_6] : memref<6422528xi32, #tpu.memory_space<hbm>> -> memref<1024xi32, #tpu.memory_space<hbm>>
    tpu.enqueue_dma source(%dma_start3A_7 : memref<1024xi32, #tpu.memory_space<hbm>>) target(%arg7 : memref<1024xi32, #tpu.memory_space<vmem>>) target_semaphore(%arg12 : memref<!tpu.dma_semaphore, #tpu.memory_space<semaphore_mem>>)
    %add3A_8 = arith.constant 1024 : i32
    %add3A_9 = arith.addi %mul3A_4, %add3A_8 : i32
    %dma_start3A_10 = tpu.memref_slice %arg2[%add3A_9] : memref<6422528xi32, #tpu.memory_space<hbm>> -> memref<1024xi32, #tpu.memory_space<hbm>>
    %dma_start3A_11 = tpu.memref_slice %arg2[%add3A_9] : memref<6422528xi32, #tpu.memory_space<hbm>> -> memref<1024xi32, #tpu.memory_space<hbm>>
    tpu.enqueue_dma source(%dma_start3A_11 : memref<1024xi32, #tpu.memory_space<hbm>>) target(%arg8 : memref<1024xi32, #tpu.memory_space<vmem>>) target_semaphore(%arg13 : memref<!tpu.dma_semaphore, #tpu.memory_space<semaphore_mem>>)
    %scan3A = arith.constant 0 : i32
    %scan3A_12 = arith.constant 0 : i32
    %scan3A_13 = arith.constant 49 : i32
    %scan3A_14 = arith.addi %scan3A_12, %scan3A_13 : i32
    %scan3A_15 = arith.constant 1 : i32
    scf.for %scan3A_21 = %scan3A_12 to %scan3A_14 step %scan3A_15  : i32 {
      %mul3A_22 = arith.constant 4 : i32
      %mul3A_23 = arith.muli %scan3A_21, %mul3A_22 : i32
      %add3A_24 = arith.constant 0 : i32
      %add3A_25 = arith.addi %mul3A_23, %add3A_24 : i32
      %mul3A_26 = arith.constant 1024 : i32
      %mul3A_27 = arith.muli %add3A_25, %mul3A_26 : i32
      %add3A_28 = arith.addi %mul3A_4, %mul3A_27 : i32
      %dma_wait3A_29 = tpu.memref_slice %arg2[%add3A_28] : memref<6422528xi32, #tpu.memory_space<hbm>> -> memref<1024xi32, #tpu.memory_space<hbm>>
      %dma_wait3A_30 = tpu.memref_slice %arg2[%add3A_28] : memref<6422528xi32, #tpu.memory_space<hbm>> -> memref<1024xi32, #tpu.memory_space<hbm>>
      tpu.wait_dma2 semaphore(%arg12 : memref<!tpu.dma_semaphore, #tpu.memory_space<semaphore_mem>>) src(%dma_wait3A_30 : memref<1024xi32, #tpu.memory_space<hbm>>) dst(%arg7 : memref<1024xi32, #tpu.memory_space<vmem>>)
      %ge3A = arith.constant 2 : i32
      %ge3A_31 = arith.cmpi sge, %add3A_25, %ge3A : i32
      %convert_element_type3A = arith.extui %ge3A_31 : i1 to i32
      %cond3A = arith.constant 0 : i32
      %cond3A_32 = arith.cmpi ne, %convert_element_type3A, %cond3A : i32
      scf.if %cond3A_32 {
        %dma_wait3A_110 = arith.constant 0 : i32
        %dma_wait3A_111 = tpu.memref_slice %arg6[%dma_wait3A_110] : memref<100352xf32, #tpu.memory_space<vmem_shared>> -> memref<100352xf32, #tpu.memory_space<vmem_shared>>
        tpu.wait_indirect_dma semaphore(%arg16 : memref<!tpu.dma_semaphore, #tpu.memory_space<semaphore_mem>>) src(%arg11 : memref<1024xf32, #tpu.memory_space<vmem>>) dst(%dma_wait3A_111 : memref<100352xf32, #tpu.memory_space<vmem_shared>>)
      } else {
      }
      %dma_start3A_33 = arith.constant 0 : i32
      %dma_start3A_34 = tpu.memref_slice %arg6[%dma_start3A_33] : memref<100352xf32, #tpu.memory_space<vmem_shared>> -> memref<100352xf32, #tpu.memory_space<vmem_shared>>
      tpu.enqueue_indirect_dma source(%arg11 : memref<1024xf32, #tpu.memory_space<vmem>>) target(%dma_start3A_34 : memref<100352xf32, #tpu.memory_space<vmem_shared>>) offsets(%arg7 : memref<1024xi32, #tpu.memory_space<vmem>>) semaphore(%arg16 : memref<!tpu.dma_semaphore, #tpu.memory_space<semaphore_mem>>) {add = true}
      %add3A_35 = arith.constant 2 : i32
      %add3A_36 = arith.addi %add3A_25, %add3A_35 : i32
      %lt3A = arith.constant 196 : i32
      %lt3A_37 = arith.cmpi slt, %add3A_36, %lt3A : i32
      %convert_element_type3A_38 = arith.extui %lt3A_37 : i1 to i32
      %cond3A_39 = arith.constant 0 : i32
      %cond3A_40 = arith.cmpi ne, %convert_element_type3A_38, %cond3A_39 : i32
      scf.if %cond3A_40 {
        %add3A_110 = arith.constant 2 : i32
        %add3A_111 = arith.addi %add3A_25, %add3A_110 : i32
        %mul3A_112 = arith.constant 1024 : i32
        %mul3A_113 = arith.muli %add3A_111, %mul3A_112 : i32
        %add3A_114 = arith.addi %mul3A_4, %mul3A_113 : i32
        %dma_start3A_115 = tpu.memref_slice %arg2[%add3A_114] : memref<6422528xi32, #tpu.memory_space<hbm>> -> memref<1024xi32, #tpu.memory_space<hbm>>
        %dma_start3A_116 = tpu.memref_slice %arg2[%add3A_114] : memref<6422528xi32, #tpu.memory_space<hbm>> -> memref<1024xi32, #tpu.memory_space<hbm>>
        tpu.enqueue_dma source(%dma_start3A_116 : memref<1024xi32, #tpu.memory_space<hbm>>) target(%arg9 : memref<1024xi32, #tpu.memory_space<vmem>>) target_semaphore(%arg14 : memref<!tpu.dma_semaphore, #tpu.memory_space<semaphore_mem>>)
      } else {
      }
      %mul3A_41 = arith.constant 4 : i32
      %mul3A_42 = arith.muli %scan3A_21, %mul3A_41 : i32
      %add3A_43 = arith.constant 1 : i32
      %add3A_44 = arith.addi %mul3A_42, %add3A_43 : i32
      %mul3A_45 = arith.constant 1024 : i32
      %mul3A_46 = arith.muli %add3A_44, %mul3A_45 : i32
      %add3A_47 = arith.addi %mul3A_4, %mul3A_46 : i32
      %dma_wait3A_48 = tpu.memref_slice %arg2[%add3A_47] : memref<6422528xi32, #tpu.memory_space<hbm>> -> memref<1024xi32, #tpu.memory_space<hbm>>
      %dma_wait3A_49 = tpu.memref_slice %arg2[%add3A_47] : memref<6422528xi32, #tpu.memory_space<hbm>> -> memref<1024xi32, #tpu.memory_space<hbm>>
      tpu.wait_dma2 semaphore(%arg13 : memref<!tpu.dma_semaphore, #tpu.memory_space<semaphore_mem>>) src(%dma_wait3A_49 : memref<1024xi32, #tpu.memory_space<hbm>>) dst(%arg8 : memref<1024xi32, #tpu.memory_space<vmem>>)
      %ge3A_50 = arith.constant 2 : i32
      %ge3A_51 = arith.cmpi sge, %add3A_44, %ge3A_50 : i32
      %convert_element_type3A_52 = arith.extui %ge3A_51 : i1 to i32
      %cond3A_53 = arith.constant 0 : i32
      %cond3A_54 = arith.cmpi ne, %convert_element_type3A_52, %cond3A_53 : i32
      scf.if %cond3A_54 {
        %dma_wait3A_110 = arith.constant 0 : i32
        %dma_wait3A_111 = tpu.memref_slice %arg6[%dma_wait3A_110] : memref<100352xf32, #tpu.memory_space<vmem_shared>> -> memref<100352xf32, #tpu.memory_space<vmem_shared>>
        tpu.wait_indirect_dma semaphore(%arg17 : memref<!tpu.dma_semaphore, #tpu.memory_space<semaphore_mem>>) src(%arg11 : memref<1024xf32, #tpu.memory_space<vmem>>) dst(%dma_wait3A_111 : memref<100352xf32, #tpu.memory_space<vmem_shared>>)
      } else {
      }
      %dma_start3A_55 = arith.constant 0 : i32
      %dma_start3A_56 = tpu.memref_slice %arg6[%dma_start3A_55] : memref<100352xf32, #tpu.memory_space<vmem_shared>> -> memref<100352xf32, #tpu.memory_space<vmem_shared>>
      tpu.enqueue_indirect_dma source(%arg11 : memref<1024xf32, #tpu.memory_space<vmem>>) target(%dma_start3A_56 : memref<100352xf32, #tpu.memory_space<vmem_shared>>) offsets(%arg8 : memref<1024xi32, #tpu.memory_space<vmem>>) semaphore(%arg17 : memref<!tpu.dma_semaphore, #tpu.memory_space<semaphore_mem>>) {add = true}
      %add3A_57 = arith.constant 2 : i32
      %add3A_58 = arith.addi %add3A_44, %add3A_57 : i32
      %lt3A_59 = arith.constant 196 : i32
      %lt3A_60 = arith.cmpi slt, %add3A_58, %lt3A_59 : i32
      %convert_element_type3A_61 = arith.extui %lt3A_60 : i1 to i32
      %cond3A_62 = arith.constant 0 : i32
      %cond3A_63 = arith.cmpi ne, %convert_element_type3A_61, %cond3A_62 : i32
      scf.if %cond3A_63 {
        %add3A_110 = arith.constant 2 : i32
        %add3A_111 = arith.addi %add3A_44, %add3A_110 : i32
        %mul3A_112 = arith.constant 1024 : i32
        %mul3A_113 = arith.muli %add3A_111, %mul3A_112 : i32
        %add3A_114 = arith.addi %mul3A_4, %mul3A_113 : i32
        %dma_start3A_115 = tpu.memref_slice %arg2[%add3A_114] : memref<6422528xi32, #tpu.memory_space<hbm>> -> memref<1024xi32, #tpu.memory_space<hbm>>
        %dma_start3A_116 = tpu.memref_slice %arg2[%add3A_114] : memref<6422528xi32, #tpu.memory_space<hbm>> -> memref<1024xi32, #tpu.memory_space<hbm>>
        tpu.enqueue_dma source(%dma_start3A_116 : memref<1024xi32, #tpu.memory_space<hbm>>) target(%arg10 : memref<1024xi32, #tpu.memory_space<vmem>>) target_semaphore(%arg15 : memref<!tpu.dma_semaphore, #tpu.memory_space<semaphore_mem>>)
      } else {
      }
      %mul3A_64 = arith.constant 4 : i32
      %mul3A_65 = arith.muli %scan3A_21, %mul3A_64 : i32
      %add3A_66 = arith.constant 2 : i32
      %add3A_67 = arith.addi %mul3A_65, %add3A_66 : i32
      %mul3A_68 = arith.constant 1024 : i32
      %mul3A_69 = arith.muli %add3A_67, %mul3A_68 : i32
      %add3A_70 = arith.addi %mul3A_4, %mul3A_69 : i32
      %dma_wait3A_71 = tpu.memref_slice %arg2[%add3A_70] : memref<6422528xi32, #tpu.memory_space<hbm>> -> memref<1024xi32, #tpu.memory_space<hbm>>
      %dma_wait3A_72 = tpu.memref_slice %arg2[%add3A_70] : memref<6422528xi32, #tpu.memory_space<hbm>> -> memref<1024xi32, #tpu.memory_space<hbm>>
      tpu.wait_dma2 semaphore(%arg14 : memref<!tpu.dma_semaphore, #tpu.memory_space<semaphore_mem>>) src(%dma_wait3A_72 : memref<1024xi32, #tpu.memory_space<hbm>>) dst(%arg9 : memref<1024xi32, #tpu.memory_space<vmem>>)
      %ge3A_73 = arith.constant 2 : i32
      %ge3A_74 = arith.cmpi sge, %add3A_67, %ge3A_73 : i32
      %convert_element_type3A_75 = arith.extui %ge3A_74 : i1 to i32
      %cond3A_76 = arith.constant 0 : i32
      %cond3A_77 = arith.cmpi ne, %convert_element_type3A_75, %cond3A_76 : i32
      scf.if %cond3A_77 {
        %dma_wait3A_110 = arith.constant 0 : i32
        %dma_wait3A_111 = tpu.memref_slice %arg6[%dma_wait3A_110] : memref<100352xf32, #tpu.memory_space<vmem_shared>> -> memref<100352xf32, #tpu.memory_space<vmem_shared>>
        tpu.wait_indirect_dma semaphore(%arg16 : memref<!tpu.dma_semaphore, #tpu.memory_space<semaphore_mem>>) src(%arg11 : memref<1024xf32, #tpu.memory_space<vmem>>) dst(%dma_wait3A_111 : memref<100352xf32, #tpu.memory_space<vmem_shared>>)
      } else {
      }
      %dma_start3A_78 = arith.constant 0 : i32
      %dma_start3A_79 = tpu.memref_slice %arg6[%dma_start3A_78] : memref<100352xf32, #tpu.memory_space<vmem_shared>> -> memref<100352xf32, #tpu.memory_space<vmem_shared>>
      tpu.enqueue_indirect_dma source(%arg11 : memref<1024xf32, #tpu.memory_space<vmem>>) target(%dma_start3A_79 : memref<100352xf32, #tpu.memory_space<vmem_shared>>) offsets(%arg9 : memref<1024xi32, #tpu.memory_space<vmem>>) semaphore(%arg16 : memref<!tpu.dma_semaphore, #tpu.memory_space<semaphore_mem>>) {add = true}
      %add3A_80 = arith.constant 2 : i32
      %add3A_81 = arith.addi %add3A_67, %add3A_80 : i32
      %lt3A_82 = arith.constant 196 : i32
      %lt3A_83 = arith.cmpi slt, %add3A_81, %lt3A_82 : i32
      %convert_element_type3A_84 = arith.extui %lt3A_83 : i1 to i32
      %cond3A_85 = arith.constant 0 : i32
      %cond3A_86 = arith.cmpi ne, %convert_element_type3A_84, %cond3A_85 : i32
      scf.if %cond3A_86 {
        %add3A_110 = arith.constant 2 : i32
        %add3A_111 = arith.addi %add3A_67, %add3A_110 : i32
        %mul3A_112 = arith.constant 1024 : i32
        %mul3A_113 = arith.muli %add3A_111, %mul3A_112 : i32
        %add3A_114 = arith.addi %mul3A_4, %mul3A_113 : i32
        %dma_start3A_115 = tpu.memref_slice %arg2[%add3A_114] : memref<6422528xi32, #tpu.memory_space<hbm>> -> memref<1024xi32, #tpu.memory_space<hbm>>
        %dma_start3A_116 = tpu.memref_slice %arg2[%add3A_114] : memref<6422528xi32, #tpu.memory_space<hbm>> -> memref<1024xi32, #tpu.memory_space<hbm>>
        tpu.enqueue_dma source(%dma_start3A_116 : memref<1024xi32, #tpu.memory_space<hbm>>) target(%arg7 : memref<1024xi32, #tpu.memory_space<vmem>>) target_semaphore(%arg12 : memref<!tpu.dma_semaphore, #tpu.memory_space<semaphore_mem>>)
      } else {
      }
      %mul3A_87 = arith.constant 4 : i32
      %mul3A_88 = arith.muli %scan3A_21, %mul3A_87 : i32
      %add3A_89 = arith.constant 3 : i32
      %add3A_90 = arith.addi %mul3A_88, %add3A_89 : i32
      %mul3A_91 = arith.constant 1024 : i32
      %mul3A_92 = arith.muli %add3A_90, %mul3A_91 : i32
      %add3A_93 = arith.addi %mul3A_4, %mul3A_92 : i32
      %dma_wait3A_94 = tpu.memref_slice %arg2[%add3A_93] : memref<6422528xi32, #tpu.memory_space<hbm>> -> memref<1024xi32, #tpu.memory_space<hbm>>
      %dma_wait3A_95 = tpu.memref_slice %arg2[%add3A_93] : memref<6422528xi32, #tpu.memory_space<hbm>> -> memref<1024xi32, #tpu.memory_space<hbm>>
      tpu.wait_dma2 semaphore(%arg15 : memref<!tpu.dma_semaphore, #tpu.memory_space<semaphore_mem>>) src(%dma_wait3A_95 : memref<1024xi32, #tpu.memory_space<hbm>>) dst(%arg10 : memref<1024xi32, #tpu.memory_space<vmem>>)
      %ge3A_96 = arith.constant 2 : i32
      %ge3A_97 = arith.cmpi sge, %add3A_90, %ge3A_96 : i32
      %convert_element_type3A_98 = arith.extui %ge3A_97 : i1 to i32
      %cond3A_99 = arith.constant 0 : i32
      %cond3A_100 = arith.cmpi ne, %convert_element_type3A_98, %cond3A_99 : i32
      scf.if %cond3A_100 {
        %dma_wait3A_110 = arith.constant 0 : i32
        %dma_wait3A_111 = tpu.memref_slice %arg6[%dma_wait3A_110] : memref<100352xf32, #tpu.memory_space<vmem_shared>> -> memref<100352xf32, #tpu.memory_space<vmem_shared>>
        tpu.wait_indirect_dma semaphore(%arg17 : memref<!tpu.dma_semaphore, #tpu.memory_space<semaphore_mem>>) src(%arg11 : memref<1024xf32, #tpu.memory_space<vmem>>) dst(%dma_wait3A_111 : memref<100352xf32, #tpu.memory_space<vmem_shared>>)
      } else {
      }
      %dma_start3A_101 = arith.constant 0 : i32
      %dma_start3A_102 = tpu.memref_slice %arg6[%dma_start3A_101] : memref<100352xf32, #tpu.memory_space<vmem_shared>> -> memref<100352xf32, #tpu.memory_space<vmem_shared>>
      tpu.enqueue_indirect_dma source(%arg11 : memref<1024xf32, #tpu.memory_space<vmem>>) target(%dma_start3A_102 : memref<100352xf32, #tpu.memory_space<vmem_shared>>) offsets(%arg10 : memref<1024xi32, #tpu.memory_space<vmem>>) semaphore(%arg17 : memref<!tpu.dma_semaphore, #tpu.memory_space<semaphore_mem>>) {add = true}
      %add3A_103 = arith.constant 2 : i32
      %add3A_104 = arith.addi %add3A_90, %add3A_103 : i32
      %lt3A_105 = arith.constant 196 : i32
      %lt3A_106 = arith.cmpi slt, %add3A_104, %lt3A_105 : i32
      %convert_element_type3A_107 = arith.extui %lt3A_106 : i1 to i32
      %cond3A_108 = arith.constant 0 : i32
      %cond3A_109 = arith.cmpi ne, %convert_element_type3A_107, %cond3A_108 : i32
      scf.if %cond3A_109 {
        %add3A_110 = arith.constant 2 : i32
        %add3A_111 = arith.addi %add3A_90, %add3A_110 : i32
        %mul3A_112 = arith.constant 1024 : i32
        %mul3A_113 = arith.muli %add3A_111, %mul3A_112 : i32
        %add3A_114 = arith.addi %mul3A_4, %mul3A_113 : i32
        %dma_start3A_115 = tpu.memref_slice %arg2[%add3A_114] : memref<6422528xi32, #tpu.memory_space<hbm>> -> memref<1024xi32, #tpu.memory_space<hbm>>
        %dma_start3A_116 = tpu.memref_slice %arg2[%add3A_114] : memref<6422528xi32, #tpu.memory_space<hbm>> -> memref<1024xi32, #tpu.memory_space<hbm>>
        tpu.enqueue_dma source(%dma_start3A_116 : memref<1024xi32, #tpu.memory_space<hbm>>) target(%arg8 : memref<1024xi32, #tpu.memory_space<vmem>>) target_semaphore(%arg13 : memref<!tpu.dma_semaphore, #tpu.memory_space<semaphore_mem>>)
      } else {
      }
    }
    %scan3A_16 = arith.constant 49 : i32
    %dma_wait3A = arith.constant 0 : i32
    %dma_wait3A_17 = tpu.memref_slice %arg6[%dma_wait3A] : memref<100352xf32, #tpu.memory_space<vmem_shared>> -> memref<100352xf32, #tpu.memory_space<vmem_shared>>
    tpu.wait_indirect_dma semaphore(%arg16 : memref<!tpu.dma_semaphore, #tpu.memory_space<semaphore_mem>>) src(%arg11 : memref<1024xf32, #tpu.memory_space<vmem>>) dst(%dma_wait3A_17 : memref<100352xf32, #tpu.memory_space<vmem_shared>>)
    %dma_wait3A_18 = arith.constant 0 : i32
    %dma_wait3A_19 = tpu.memref_slice %arg6[%dma_wait3A_18] : memref<100352xf32, #tpu.memory_space<vmem_shared>> -> memref<100352xf32, #tpu.memory_space<vmem_shared>>
    tpu.wait_indirect_dma semaphore(%arg17 : memref<!tpu.dma_semaphore, #tpu.memory_space<semaphore_mem>>) src(%arg11 : memref<1024xf32, #tpu.memory_space<vmem>>) dst(%dma_wait3A_19 : memref<100352xf32, #tpu.memory_space<vmem_shared>>)
    %barrier3A_20 = arith.constant 0 : index
    tpu.barrier barrier_id(%barrier3A_20)
    "tpu.region"() ({
      %run_scoped3A = tpu.sem_alloc : memref<!tpu.dma_semaphore, #tpu.memory_space<semaphore_mem>>
      %dma_start3A_21 = tpu.memref_slice %arg5[%arg0, %mul3A_2] : memref<2x100352xf32, #tpu.memory_space<hbm>> -> memref<1x6272xf32, #tpu.memory_space<hbm>>
      %dma_start3A_22 = tpu.memref_squeeze %dma_start3A_21 : memref<1x6272xf32, #tpu.memory_space<hbm>> -> memref<6272xf32, #tpu.memory_space<hbm>>
      %dma_start3A_23 = tpu.memref_slice %arg6[%mul3A_2] : memref<100352xf32, #tpu.memory_space<vmem_shared>> -> memref<6272xf32, #tpu.memory_space<vmem_shared>>
      tpu.enqueue_dma source(%dma_start3A_23 : memref<6272xf32, #tpu.memory_space<vmem_shared>>) target(%dma_start3A_22 : memref<6272xf32, #tpu.memory_space<hbm>>) target_semaphore(%run_scoped3A : memref<!tpu.dma_semaphore, #tpu.memory_space<semaphore_mem>>)
      %dma_wait3A_24 = tpu.memref_slice %arg5[%arg0, %mul3A_2] : memref<2x100352xf32, #tpu.memory_space<hbm>> -> memref<1x6272xf32, #tpu.memory_space<hbm>>
      %dma_wait3A_25 = tpu.memref_squeeze %dma_wait3A_24 : memref<1x6272xf32, #tpu.memory_space<hbm>> -> memref<6272xf32, #tpu.memory_space<hbm>>
      %dma_wait3A_26 = tpu.memref_slice %arg6[%mul3A_2] : memref<100352xf32, #tpu.memory_space<vmem_shared>> -> memref<6272xf32, #tpu.memory_space<vmem_shared>>
      tpu.wait_dma2 semaphore(%run_scoped3A : memref<!tpu.dma_semaphore, #tpu.memory_space<semaphore_mem>>) src(%dma_wait3A_26 : memref<6272xf32, #tpu.memory_space<vmem_shared>>) dst(%dma_wait3A_25 : memref<6272xf32, #tpu.memory_space<hbm>>)
      tpu.yield
    }) : () -> ()
    return
  }
}

#map = affine_map<(d0, d1) -> (0)>
#map1 = affine_map<(d0, d1) -> (0, 0)>
#map2 = affine_map<(d0, d1) -> (0, 0, 0)>
module attributes {stable_mosaic.version = 14 : i64} {
  func.func @prop_kernel(%arg0: i32, %arg1: i32, %arg2: memref<6422528xi32, #tpu.memory_space<hbm>>, %arg3: memref<6422528xi32, #tpu.memory_space<hbm>>, %arg4: memref<4x100352xf32, #tpu.memory_space<hbm>>, %arg5: memref<100352xf32, #tpu.memory_space<hbm>>, %arg6: memref<2x4x100352xf32, #tpu.memory_space<hbm>>, %arg7: memref<100352xf32, #tpu.memory_space<vmem_shared>>, %arg8: memref<100352xf32, #tpu.memory_space<vmem_shared>>, %arg9: memref<100352xf32, #tpu.memory_space<vmem_shared>>, %arg10: memref<100352xf32, #tpu.memory_space<vmem_shared>>, %arg11: memref<100352xf32, #tpu.memory_space<vmem_shared>>, %arg12: memref<100352xf32, #tpu.memory_space<vmem_shared>>, %arg13: memref<1024xi32, #tpu.memory_space<vmem>>, %arg14: memref<1024xi32, #tpu.memory_space<vmem>>, %arg15: memref<1024xi32, #tpu.memory_space<vmem>>, %arg16: memref<1024xi32, #tpu.memory_space<vmem>>, %arg17: memref<1024xi32, #tpu.memory_space<vmem>>, %arg18: memref<1024xi32, #tpu.memory_space<vmem>>, %arg19: memref<1024xi32, #tpu.memory_space<vmem>>, %arg20: memref<1024xi32, #tpu.memory_space<vmem>>, %arg21: memref<1024xf32, #tpu.memory_space<vmem>>, %arg22: memref<1024xf32, #tpu.memory_space<vmem>>, %arg23: memref<1024xf32, #tpu.memory_space<vmem>>, %arg24: memref<1024xf32, #tpu.memory_space<vmem>>, %arg25: memref<1024xf32, #tpu.memory_space<vmem>>, %arg26: memref<1024xf32, #tpu.memory_space<vmem>>, %arg27: memref<!tpu.dma_semaphore, #tpu.memory_space<semaphore_mem>>, %arg28: memref<!tpu.dma_semaphore, #tpu.memory_space<semaphore_mem>>, %arg29: memref<!tpu.dma_semaphore, #tpu.memory_space<semaphore_mem>>, %arg30: memref<!tpu.dma_semaphore, #tpu.memory_space<semaphore_mem>>, %arg31: memref<!tpu.dma_semaphore, #tpu.memory_space<semaphore_mem>>, %arg32: memref<!tpu.dma_semaphore, #tpu.memory_space<semaphore_mem>>, %arg33: memref<!tpu.dma_semaphore, #tpu.memory_space<semaphore_mem>>, %arg34: memref<!tpu.dma_semaphore, #tpu.memory_space<semaphore_mem>>, %arg35: memref<!tpu.dma_semaphore, #tpu.memory_space<semaphore_mem>>, %arg36: memref<!tpu.dma_semaphore, #tpu.memory_space<semaphore_mem>>, %arg37: memref<!tpu.dma_semaphore, #tpu.memory_space<semaphore_mem>>, %arg38: memref<!tpu.dma_semaphore, #tpu.memory_space<semaphore_mem>>) attributes {dimension_semantics = [#tpu.dimension_semantics<core_parallel>, #tpu.dimension_semantics<subcore_parallel>], iteration_bounds = array<i64: 2, 16>, scalar_prefetch = 0 : i64, scratch_operands = 32 : i64, tpu.core_type = #tpu.core_type<sc_vector_subcore>, window_params = [{transform_indices = #map}, {transform_indices = #map}, {transform_indices = #map1}, {transform_indices = #map}, {transform_indices = #map2}]} {
    %mul3A = arith.constant 16 : i32
    %mul3A_0 = arith.muli %arg0, %mul3A : i32
    %add3A = arith.addi %mul3A_0, %arg1 : i32
    %mul3A_1 = arith.constant 6272 : i32
    %mul3A_2 = arith.muli %arg1, %mul3A_1 : i32
    %run_scoped3A = arith.constant 0 : i32
    "tpu.region"() ({
      %run_scoped3A_42 = tpu.sem_alloc : memref<!tpu.dma_semaphore, #tpu.memory_space<semaphore_mem>>
      %dma_start3A_43 = tpu.memref_slice %arg7[%mul3A_2] : memref<100352xf32, #tpu.memory_space<vmem_shared>> -> memref<6272xf32, #tpu.memory_space<vmem_shared>>
      %dma_start3A_44 = tpu.memref_slice %arg4[%run_scoped3A, %mul3A_2] : memref<4x100352xf32, #tpu.memory_space<hbm>> -> memref<1x6272xf32, #tpu.memory_space<hbm>>
      %dma_start3A_45 = tpu.memref_squeeze %dma_start3A_44 : memref<1x6272xf32, #tpu.memory_space<hbm>> -> memref<6272xf32, #tpu.memory_space<hbm>>
      tpu.enqueue_dma source(%dma_start3A_45 : memref<6272xf32, #tpu.memory_space<hbm>>) target(%dma_start3A_43 : memref<6272xf32, #tpu.memory_space<vmem_shared>>) target_semaphore(%run_scoped3A_42 : memref<!tpu.dma_semaphore, #tpu.memory_space<semaphore_mem>>)
      %dma_wait3A_46 = tpu.memref_slice %arg7[%mul3A_2] : memref<100352xf32, #tpu.memory_space<vmem_shared>> -> memref<6272xf32, #tpu.memory_space<vmem_shared>>
      %dma_wait3A_47 = tpu.memref_slice %arg4[%run_scoped3A, %mul3A_2] : memref<4x100352xf32, #tpu.memory_space<hbm>> -> memref<1x6272xf32, #tpu.memory_space<hbm>>
      %dma_wait3A_48 = tpu.memref_squeeze %dma_wait3A_47 : memref<1x6272xf32, #tpu.memory_space<hbm>> -> memref<6272xf32, #tpu.memory_space<hbm>>
      tpu.wait_dma2 semaphore(%run_scoped3A_42 : memref<!tpu.dma_semaphore, #tpu.memory_space<semaphore_mem>>) src(%dma_wait3A_48 : memref<6272xf32, #tpu.memory_space<hbm>>) dst(%dma_wait3A_46 : memref<6272xf32, #tpu.memory_space<vmem_shared>>)
      tpu.yield
    }) : () -> ()
    "tpu.region"() ({
      %run_scoped3A_42 = tpu.sem_alloc : memref<!tpu.dma_semaphore, #tpu.memory_space<semaphore_mem>>
      %dma_start3A_43 = tpu.memref_slice %arg10[%mul3A_2] : memref<100352xf32, #tpu.memory_space<vmem_shared>> -> memref<6272xf32, #tpu.memory_space<vmem_shared>>
      %dma_start3A_44 = tpu.memref_slice %arg5[%mul3A_2] : memref<100352xf32, #tpu.memory_space<hbm>> -> memref<6272xf32, #tpu.memory_space<hbm>>
      tpu.enqueue_dma source(%dma_start3A_44 : memref<6272xf32, #tpu.memory_space<hbm>>) target(%dma_start3A_43 : memref<6272xf32, #tpu.memory_space<vmem_shared>>) target_semaphore(%run_scoped3A_42 : memref<!tpu.dma_semaphore, #tpu.memory_space<semaphore_mem>>)
      %dma_wait3A_45 = tpu.memref_slice %arg10[%mul3A_2] : memref<100352xf32, #tpu.memory_space<vmem_shared>> -> memref<6272xf32, #tpu.memory_space<vmem_shared>>
      %dma_wait3A_46 = tpu.memref_slice %arg5[%mul3A_2] : memref<100352xf32, #tpu.memory_space<hbm>> -> memref<6272xf32, #tpu.memory_space<hbm>>
      tpu.wait_dma2 semaphore(%run_scoped3A_42 : memref<!tpu.dma_semaphore, #tpu.memory_space<semaphore_mem>>) src(%dma_wait3A_46 : memref<6272xf32, #tpu.memory_space<hbm>>) dst(%dma_wait3A_45 : memref<6272xf32, #tpu.memory_space<vmem_shared>>)
      tpu.yield
    }) : () -> ()
    %run_scoped3A_3 = arith.constant 1 : i32
    "tpu.region"() ({
      %run_scoped3A_42 = tpu.sem_alloc : memref<!tpu.dma_semaphore, #tpu.memory_space<semaphore_mem>>
      %dma_start3A_43 = tpu.memref_slice %arg8[%mul3A_2] : memref<100352xf32, #tpu.memory_space<vmem_shared>> -> memref<6272xf32, #tpu.memory_space<vmem_shared>>
      %dma_start3A_44 = tpu.memref_slice %arg4[%run_scoped3A_3, %mul3A_2] : memref<4x100352xf32, #tpu.memory_space<hbm>> -> memref<1x6272xf32, #tpu.memory_space<hbm>>
      %dma_start3A_45 = tpu.memref_squeeze %dma_start3A_44 : memref<1x6272xf32, #tpu.memory_space<hbm>> -> memref<6272xf32, #tpu.memory_space<hbm>>
      tpu.enqueue_dma source(%dma_start3A_45 : memref<6272xf32, #tpu.memory_space<hbm>>) target(%dma_start3A_43 : memref<6272xf32, #tpu.memory_space<vmem_shared>>) target_semaphore(%run_scoped3A_42 : memref<!tpu.dma_semaphore, #tpu.memory_space<semaphore_mem>>)
      %dma_wait3A_46 = tpu.memref_slice %arg8[%mul3A_2] : memref<100352xf32, #tpu.memory_space<vmem_shared>> -> memref<6272xf32, #tpu.memory_space<vmem_shared>>
      %dma_wait3A_47 = tpu.memref_slice %arg4[%run_scoped3A_3, %mul3A_2] : memref<4x100352xf32, #tpu.memory_space<hbm>> -> memref<1x6272xf32, #tpu.memory_space<hbm>>
      %dma_wait3A_48 = tpu.memref_squeeze %dma_wait3A_47 : memref<1x6272xf32, #tpu.memory_space<hbm>> -> memref<6272xf32, #tpu.memory_space<hbm>>
      tpu.wait_dma2 semaphore(%run_scoped3A_42 : memref<!tpu.dma_semaphore, #tpu.memory_space<semaphore_mem>>) src(%dma_wait3A_48 : memref<6272xf32, #tpu.memory_space<hbm>>) dst(%dma_wait3A_46 : memref<6272xf32, #tpu.memory_space<vmem_shared>>)
      tpu.yield
    }) : () -> ()
    "tpu.region"() ({
      %run_scoped3A_42 = tpu.sem_alloc : memref<!tpu.dma_semaphore, #tpu.memory_space<semaphore_mem>>
      %dma_start3A_43 = tpu.memref_slice %arg11[%mul3A_2] : memref<100352xf32, #tpu.memory_space<vmem_shared>> -> memref<6272xf32, #tpu.memory_space<vmem_shared>>
      %dma_start3A_44 = tpu.memref_slice %arg5[%mul3A_2] : memref<100352xf32, #tpu.memory_space<hbm>> -> memref<6272xf32, #tpu.memory_space<hbm>>
      tpu.enqueue_dma source(%dma_start3A_44 : memref<6272xf32, #tpu.memory_space<hbm>>) target(%dma_start3A_43 : memref<6272xf32, #tpu.memory_space<vmem_shared>>) target_semaphore(%run_scoped3A_42 : memref<!tpu.dma_semaphore, #tpu.memory_space<semaphore_mem>>)
      %dma_wait3A_45 = tpu.memref_slice %arg11[%mul3A_2] : memref<100352xf32, #tpu.memory_space<vmem_shared>> -> memref<6272xf32, #tpu.memory_space<vmem_shared>>
      %dma_wait3A_46 = tpu.memref_slice %arg5[%mul3A_2] : memref<100352xf32, #tpu.memory_space<hbm>> -> memref<6272xf32, #tpu.memory_space<hbm>>
      tpu.wait_dma2 semaphore(%run_scoped3A_42 : memref<!tpu.dma_semaphore, #tpu.memory_space<semaphore_mem>>) src(%dma_wait3A_46 : memref<6272xf32, #tpu.memory_space<hbm>>) dst(%dma_wait3A_45 : memref<6272xf32, #tpu.memory_space<vmem_shared>>)
      tpu.yield
    }) : () -> ()
    %run_scoped3A_4 = arith.constant 2 : i32
    "tpu.region"() ({
      %run_scoped3A_42 = tpu.sem_alloc : memref<!tpu.dma_semaphore, #tpu.memory_space<semaphore_mem>>
      %dma_start3A_43 = tpu.memref_slice %arg9[%mul3A_2] : memref<100352xf32, #tpu.memory_space<vmem_shared>> -> memref<6272xf32, #tpu.memory_space<vmem_shared>>
      %dma_start3A_44 = tpu.memref_slice %arg4[%run_scoped3A_4, %mul3A_2] : memref<4x100352xf32, #tpu.memory_space<hbm>> -> memref<1x6272xf32, #tpu.memory_space<hbm>>
      %dma_start3A_45 = tpu.memref_squeeze %dma_start3A_44 : memref<1x6272xf32, #tpu.memory_space<hbm>> -> memref<6272xf32, #tpu.memory_space<hbm>>
      tpu.enqueue_dma source(%dma_start3A_45 : memref<6272xf32, #tpu.memory_space<hbm>>) target(%dma_start3A_43 : memref<6272xf32, #tpu.memory_space<vmem_shared>>) target_semaphore(%run_scoped3A_42 : memref<!tpu.dma_semaphore, #tpu.memory_space<semaphore_mem>>)
      %dma_wait3A_46 = tpu.memref_slice %arg9[%mul3A_2] : memref<100352xf32, #tpu.memory_space<vmem_shared>> -> memref<6272xf32, #tpu.memory_space<vmem_shared>>
      %dma_wait3A_47 = tpu.memref_slice %arg4[%run_scoped3A_4, %mul3A_2] : memref<4x100352xf32, #tpu.memory_space<hbm>> -> memref<1x6272xf32, #tpu.memory_space<hbm>>
      %dma_wait3A_48 = tpu.memref_squeeze %dma_wait3A_47 : memref<1x6272xf32, #tpu.memory_space<hbm>> -> memref<6272xf32, #tpu.memory_space<hbm>>
      tpu.wait_dma2 semaphore(%run_scoped3A_42 : memref<!tpu.dma_semaphore, #tpu.memory_space<semaphore_mem>>) src(%dma_wait3A_48 : memref<6272xf32, #tpu.memory_space<hbm>>) dst(%dma_wait3A_46 : memref<6272xf32, #tpu.memory_space<vmem_shared>>)
      tpu.yield
    }) : () -> ()
    "tpu.region"() ({
      %run_scoped3A_42 = tpu.sem_alloc : memref<!tpu.dma_semaphore, #tpu.memory_space<semaphore_mem>>
      %dma_start3A_43 = tpu.memref_slice %arg12[%mul3A_2] : memref<100352xf32, #tpu.memory_space<vmem_shared>> -> memref<6272xf32, #tpu.memory_space<vmem_shared>>
      %dma_start3A_44 = tpu.memref_slice %arg5[%mul3A_2] : memref<100352xf32, #tpu.memory_space<hbm>> -> memref<6272xf32, #tpu.memory_space<hbm>>
      tpu.enqueue_dma source(%dma_start3A_44 : memref<6272xf32, #tpu.memory_space<hbm>>) target(%dma_start3A_43 : memref<6272xf32, #tpu.memory_space<vmem_shared>>) target_semaphore(%run_scoped3A_42 : memref<!tpu.dma_semaphore, #tpu.memory_space<semaphore_mem>>)
      %dma_wait3A_45 = tpu.memref_slice %arg12[%mul3A_2] : memref<100352xf32, #tpu.memory_space<vmem_shared>> -> memref<6272xf32, #tpu.memory_space<vmem_shared>>
      %dma_wait3A_46 = tpu.memref_slice %arg5[%mul3A_2] : memref<100352xf32, #tpu.memory_space<hbm>> -> memref<6272xf32, #tpu.memory_space<hbm>>
      tpu.wait_dma2 semaphore(%run_scoped3A_42 : memref<!tpu.dma_semaphore, #tpu.memory_space<semaphore_mem>>) src(%dma_wait3A_46 : memref<6272xf32, #tpu.memory_space<hbm>>) dst(%dma_wait3A_45 : memref<6272xf32, #tpu.memory_space<vmem_shared>>)
      tpu.yield
    }) : () -> ()
    %barrier3A = arith.constant 0 : index
    tpu.barrier barrier_id(%barrier3A)
    %mul3A_5 = arith.constant 200704 : i32
    %mul3A_6 = arith.muli %add3A, %mul3A_5 : i32
    %add3A_7 = arith.constant 0 : i32
    %add3A_8 = arith.addi %mul3A_6, %add3A_7 : i32
    %dma_start3A = tpu.memref_slice %arg2[%add3A_8] : memref<6422528xi32, #tpu.memory_space<hbm>> -> memref<1024xi32, #tpu.memory_space<hbm>>
    %dma_start3A_9 = tpu.memref_slice %arg2[%add3A_8] : memref<6422528xi32, #tpu.memory_space<hbm>> -> memref<1024xi32, #tpu.memory_space<hbm>>
    tpu.enqueue_dma source(%dma_start3A_9 : memref<1024xi32, #tpu.memory_space<hbm>>) target(%arg13 : memref<1024xi32, #tpu.memory_space<vmem>>) target_semaphore(%arg27 : memref<!tpu.dma_semaphore, #tpu.memory_space<semaphore_mem>>)
    %add3A_10 = arith.constant 0 : i32
    %add3A_11 = arith.addi %mul3A_6, %add3A_10 : i32
    %dma_start3A_12 = tpu.memref_slice %arg3[%add3A_11] : memref<6422528xi32, #tpu.memory_space<hbm>> -> memref<1024xi32, #tpu.memory_space<hbm>>
    %dma_start3A_13 = tpu.memref_slice %arg3[%add3A_11] : memref<6422528xi32, #tpu.memory_space<hbm>> -> memref<1024xi32, #tpu.memory_space<hbm>>
    tpu.enqueue_dma source(%dma_start3A_13 : memref<1024xi32, #tpu.memory_space<hbm>>) target(%arg17 : memref<1024xi32, #tpu.memory_space<vmem>>) target_semaphore(%arg31 : memref<!tpu.dma_semaphore, #tpu.memory_space<semaphore_mem>>)
    %add3A_14 = arith.constant 1024 : i32
    %add3A_15 = arith.addi %mul3A_6, %add3A_14 : i32
    %dma_start3A_16 = tpu.memref_slice %arg2[%add3A_15] : memref<6422528xi32, #tpu.memory_space<hbm>> -> memref<1024xi32, #tpu.memory_space<hbm>>
    %dma_start3A_17 = tpu.memref_slice %arg2[%add3A_15] : memref<6422528xi32, #tpu.memory_space<hbm>> -> memref<1024xi32, #tpu.memory_space<hbm>>
    tpu.enqueue_dma source(%dma_start3A_17 : memref<1024xi32, #tpu.memory_space<hbm>>) target(%arg14 : memref<1024xi32, #tpu.memory_space<vmem>>) target_semaphore(%arg28 : memref<!tpu.dma_semaphore, #tpu.memory_space<semaphore_mem>>)
    %add3A_18 = arith.constant 1024 : i32
    %add3A_19 = arith.addi %mul3A_6, %add3A_18 : i32
    %dma_start3A_20 = tpu.memref_slice %arg3[%add3A_19] : memref<6422528xi32, #tpu.memory_space<hbm>> -> memref<1024xi32, #tpu.memory_space<hbm>>
    %dma_start3A_21 = tpu.memref_slice %arg3[%add3A_19] : memref<6422528xi32, #tpu.memory_space<hbm>> -> memref<1024xi32, #tpu.memory_space<hbm>>
    tpu.enqueue_dma source(%dma_start3A_21 : memref<1024xi32, #tpu.memory_space<hbm>>) target(%arg18 : memref<1024xi32, #tpu.memory_space<vmem>>) target_semaphore(%arg32 : memref<!tpu.dma_semaphore, #tpu.memory_space<semaphore_mem>>)
    %scan3A = arith.constant 0 : i32
    %scan3A_22 = arith.constant 0 : i32
    %scan3A_23 = arith.constant 49 : i32
    %scan3A_24 = arith.addi %scan3A_22, %scan3A_23 : i32
    %scan3A_25 = arith.constant 1 : i32
    scf.for %scan3A_42 = %scan3A_22 to %scan3A_24 step %scan3A_25  : i32 {
      %mul3A_43 = arith.constant 4 : i32
      %mul3A_44 = arith.muli %scan3A_42, %mul3A_43 : i32
      %add3A_45 = arith.constant 0 : i32
      %add3A_46 = arith.addi %mul3A_44, %add3A_45 : i32
      %mul3A_47 = arith.constant 1024 : i32
      %mul3A_48 = arith.muli %add3A_46, %mul3A_47 : i32
      %add3A_49 = arith.addi %mul3A_6, %mul3A_48 : i32
      %dma_wait3A_50 = tpu.memref_slice %arg2[%add3A_49] : memref<6422528xi32, #tpu.memory_space<hbm>> -> memref<1024xi32, #tpu.memory_space<hbm>>
      %dma_wait3A_51 = tpu.memref_slice %arg2[%add3A_49] : memref<6422528xi32, #tpu.memory_space<hbm>> -> memref<1024xi32, #tpu.memory_space<hbm>>
      tpu.wait_dma2 semaphore(%arg27 : memref<!tpu.dma_semaphore, #tpu.memory_space<semaphore_mem>>) src(%dma_wait3A_51 : memref<1024xi32, #tpu.memory_space<hbm>>) dst(%arg13 : memref<1024xi32, #tpu.memory_space<vmem>>)
      %mul3A_52 = arith.constant 1024 : i32
      %mul3A_53 = arith.muli %add3A_46, %mul3A_52 : i32
      %add3A_54 = arith.addi %mul3A_6, %mul3A_53 : i32
      %dma_wait3A_55 = tpu.memref_slice %arg3[%add3A_54] : memref<6422528xi32, #tpu.memory_space<hbm>> -> memref<1024xi32, #tpu.memory_space<hbm>>
      %dma_wait3A_56 = tpu.memref_slice %arg3[%add3A_54] : memref<6422528xi32, #tpu.memory_space<hbm>> -> memref<1024xi32, #tpu.memory_space<hbm>>
      tpu.wait_dma2 semaphore(%arg31 : memref<!tpu.dma_semaphore, #tpu.memory_space<semaphore_mem>>) src(%dma_wait3A_56 : memref<1024xi32, #tpu.memory_space<hbm>>) dst(%arg17 : memref<1024xi32, #tpu.memory_space<vmem>>)
      %ge3A = arith.constant 2 : i32
      %ge3A_57 = arith.cmpi sge, %add3A_46, %ge3A : i32
      %convert_element_type3A = arith.extui %ge3A_57 : i1 to i32
      %cond3A = arith.constant 0 : i32
      %cond3A_58 = arith.cmpi ne, %convert_element_type3A, %cond3A : i32
      scf.if %cond3A_58 {
        %dma_wait3A_215 = arith.constant 0 : i32
        %dma_wait3A_216 = tpu.memref_slice %arg10[%dma_wait3A_215] : memref<100352xf32, #tpu.memory_space<vmem_shared>> -> memref<100352xf32, #tpu.memory_space<vmem_shared>>
        tpu.wait_indirect_dma semaphore(%arg37 : memref<!tpu.dma_semaphore, #tpu.memory_space<semaphore_mem>>) src(%arg21 : memref<1024xf32, #tpu.memory_space<vmem>>) dst(%dma_wait3A_216 : memref<100352xf32, #tpu.memory_space<vmem_shared>>)
        %dma_wait3A_217 = arith.constant 0 : i32
        %dma_wait3A_218 = tpu.memref_slice %arg11[%dma_wait3A_217] : memref<100352xf32, #tpu.memory_space<vmem_shared>> -> memref<100352xf32, #tpu.memory_space<vmem_shared>>
        tpu.wait_indirect_dma semaphore(%arg37 : memref<!tpu.dma_semaphore, #tpu.memory_space<semaphore_mem>>) src(%arg22 : memref<1024xf32, #tpu.memory_space<vmem>>) dst(%dma_wait3A_218 : memref<100352xf32, #tpu.memory_space<vmem_shared>>)
        %dma_wait3A_219 = arith.constant 0 : i32
        %dma_wait3A_220 = tpu.memref_slice %arg12[%dma_wait3A_219] : memref<100352xf32, #tpu.memory_space<vmem_shared>> -> memref<100352xf32, #tpu.memory_space<vmem_shared>>
        tpu.wait_indirect_dma semaphore(%arg37 : memref<!tpu.dma_semaphore, #tpu.memory_space<semaphore_mem>>) src(%arg23 : memref<1024xf32, #tpu.memory_space<vmem>>) dst(%dma_wait3A_220 : memref<100352xf32, #tpu.memory_space<vmem_shared>>)
      } else {
      }
      %dma_start3A_59 = arith.constant 0 : i32
      %dma_start3A_60 = tpu.memref_slice %arg7[%dma_start3A_59] : memref<100352xf32, #tpu.memory_space<vmem_shared>> -> memref<100352xf32, #tpu.memory_space<vmem_shared>>
      tpu.enqueue_indirect_dma source(%dma_start3A_60 : memref<100352xf32, #tpu.memory_space<vmem_shared>>) target(%arg21 : memref<1024xf32, #tpu.memory_space<vmem>>) offsets(%arg13 : memref<1024xi32, #tpu.memory_space<vmem>>) semaphore(%arg35 : memref<!tpu.dma_semaphore, #tpu.memory_space<semaphore_mem>>)
      %dma_start3A_61 = arith.constant 0 : i32
      %dma_start3A_62 = tpu.memref_slice %arg8[%dma_start3A_61] : memref<100352xf32, #tpu.memory_space<vmem_shared>> -> memref<100352xf32, #tpu.memory_space<vmem_shared>>
      tpu.enqueue_indirect_dma source(%dma_start3A_62 : memref<100352xf32, #tpu.memory_space<vmem_shared>>) target(%arg22 : memref<1024xf32, #tpu.memory_space<vmem>>) offsets(%arg13 : memref<1024xi32, #tpu.memory_space<vmem>>) semaphore(%arg35 : memref<!tpu.dma_semaphore, #tpu.memory_space<semaphore_mem>>)
      %dma_start3A_63 = arith.constant 0 : i32
      %dma_start3A_64 = tpu.memref_slice %arg9[%dma_start3A_63] : memref<100352xf32, #tpu.memory_space<vmem_shared>> -> memref<100352xf32, #tpu.memory_space<vmem_shared>>
      tpu.enqueue_indirect_dma source(%dma_start3A_64 : memref<100352xf32, #tpu.memory_space<vmem_shared>>) target(%arg23 : memref<1024xf32, #tpu.memory_space<vmem>>) offsets(%arg13 : memref<1024xi32, #tpu.memory_space<vmem>>) semaphore(%arg35 : memref<!tpu.dma_semaphore, #tpu.memory_space<semaphore_mem>>)
      %add3A_65 = arith.constant 2 : i32
      %add3A_66 = arith.addi %add3A_46, %add3A_65 : i32
      %lt3A = arith.constant 196 : i32
      %lt3A_67 = arith.cmpi slt, %add3A_66, %lt3A : i32
      %convert_element_type3A_68 = arith.extui %lt3A_67 : i1 to i32
      %cond3A_69 = arith.constant 0 : i32
      %cond3A_70 = arith.cmpi ne, %convert_element_type3A_68, %cond3A_69 : i32
      scf.if %cond3A_70 {
        %add3A_215 = arith.constant 2 : i32
        %add3A_216 = arith.addi %add3A_46, %add3A_215 : i32
        %mul3A_217 = arith.constant 1024 : i32
        %mul3A_218 = arith.muli %add3A_216, %mul3A_217 : i32
        %add3A_219 = arith.addi %mul3A_6, %mul3A_218 : i32
        %dma_start3A_220 = tpu.memref_slice %arg2[%add3A_219] : memref<6422528xi32, #tpu.memory_space<hbm>> -> memref<1024xi32, #tpu.memory_space<hbm>>
        %dma_start3A_221 = tpu.memref_slice %arg2[%add3A_219] : memref<6422528xi32, #tpu.memory_space<hbm>> -> memref<1024xi32, #tpu.memory_space<hbm>>
        tpu.enqueue_dma source(%dma_start3A_221 : memref<1024xi32, #tpu.memory_space<hbm>>) target(%arg15 : memref<1024xi32, #tpu.memory_space<vmem>>) target_semaphore(%arg29 : memref<!tpu.dma_semaphore, #tpu.memory_space<semaphore_mem>>)
        %mul3A_222 = arith.constant 1024 : i32
        %mul3A_223 = arith.muli %add3A_216, %mul3A_222 : i32
        %add3A_224 = arith.addi %mul3A_6, %mul3A_223 : i32
        %dma_start3A_225 = tpu.memref_slice %arg3[%add3A_224] : memref<6422528xi32, #tpu.memory_space<hbm>> -> memref<1024xi32, #tpu.memory_space<hbm>>
        %dma_start3A_226 = tpu.memref_slice %arg3[%add3A_224] : memref<6422528xi32, #tpu.memory_space<hbm>> -> memref<1024xi32, #tpu.memory_space<hbm>>
        tpu.enqueue_dma source(%dma_start3A_226 : memref<1024xi32, #tpu.memory_space<hbm>>) target(%arg19 : memref<1024xi32, #tpu.memory_space<vmem>>) target_semaphore(%arg33 : memref<!tpu.dma_semaphore, #tpu.memory_space<semaphore_mem>>)
      } else {
      }
      %dma_wait3A_71 = arith.constant 0 : i32
      %dma_wait3A_72 = tpu.memref_slice %arg7[%dma_wait3A_71] : memref<100352xf32, #tpu.memory_space<vmem_shared>> -> memref<100352xf32, #tpu.memory_space<vmem_shared>>
      tpu.wait_indirect_dma semaphore(%arg35 : memref<!tpu.dma_semaphore, #tpu.memory_space<semaphore_mem>>) src(%dma_wait3A_72 : memref<100352xf32, #tpu.memory_space<vmem_shared>>) dst(%arg21 : memref<1024xf32, #tpu.memory_space<vmem>>)
      %dma_wait3A_73 = arith.constant 0 : i32
      %dma_wait3A_74 = tpu.memref_slice %arg8[%dma_wait3A_73] : memref<100352xf32, #tpu.memory_space<vmem_shared>> -> memref<100352xf32, #tpu.memory_space<vmem_shared>>
      tpu.wait_indirect_dma semaphore(%arg35 : memref<!tpu.dma_semaphore, #tpu.memory_space<semaphore_mem>>) src(%dma_wait3A_74 : memref<100352xf32, #tpu.memory_space<vmem_shared>>) dst(%arg22 : memref<1024xf32, #tpu.memory_space<vmem>>)
      %dma_wait3A_75 = arith.constant 0 : i32
      %dma_wait3A_76 = tpu.memref_slice %arg9[%dma_wait3A_75] : memref<100352xf32, #tpu.memory_space<vmem_shared>> -> memref<100352xf32, #tpu.memory_space<vmem_shared>>
      tpu.wait_indirect_dma semaphore(%arg35 : memref<!tpu.dma_semaphore, #tpu.memory_space<semaphore_mem>>) src(%dma_wait3A_76 : memref<100352xf32, #tpu.memory_space<vmem_shared>>) dst(%arg23 : memref<1024xf32, #tpu.memory_space<vmem>>)
      %dma_start3A_77 = arith.constant 0 : i32
      %dma_start3A_78 = tpu.memref_slice %arg10[%dma_start3A_77] : memref<100352xf32, #tpu.memory_space<vmem_shared>> -> memref<100352xf32, #tpu.memory_space<vmem_shared>>
      tpu.enqueue_indirect_dma source(%arg21 : memref<1024xf32, #tpu.memory_space<vmem>>) target(%dma_start3A_78 : memref<100352xf32, #tpu.memory_space<vmem_shared>>) offsets(%arg17 : memref<1024xi32, #tpu.memory_space<vmem>>) semaphore(%arg37 : memref<!tpu.dma_semaphore, #tpu.memory_space<semaphore_mem>>) {add = true}
      %dma_start3A_79 = arith.constant 0 : i32
      %dma_start3A_80 = tpu.memref_slice %arg11[%dma_start3A_79] : memref<100352xf32, #tpu.memory_space<vmem_shared>> -> memref<100352xf32, #tpu.memory_space<vmem_shared>>
      tpu.enqueue_indirect_dma source(%arg22 : memref<1024xf32, #tpu.memory_space<vmem>>) target(%dma_start3A_80 : memref<100352xf32, #tpu.memory_space<vmem_shared>>) offsets(%arg17 : memref<1024xi32, #tpu.memory_space<vmem>>) semaphore(%arg37 : memref<!tpu.dma_semaphore, #tpu.memory_space<semaphore_mem>>) {add = true}
      %dma_start3A_81 = arith.constant 0 : i32
      %dma_start3A_82 = tpu.memref_slice %arg12[%dma_start3A_81] : memref<100352xf32, #tpu.memory_space<vmem_shared>> -> memref<100352xf32, #tpu.memory_space<vmem_shared>>
      tpu.enqueue_indirect_dma source(%arg23 : memref<1024xf32, #tpu.memory_space<vmem>>) target(%dma_start3A_82 : memref<100352xf32, #tpu.memory_space<vmem_shared>>) offsets(%arg17 : memref<1024xi32, #tpu.memory_space<vmem>>) semaphore(%arg37 : memref<!tpu.dma_semaphore, #tpu.memory_space<semaphore_mem>>) {add = true}
      %mul3A_83 = arith.constant 4 : i32
      %mul3A_84 = arith.muli %scan3A_42, %mul3A_83 : i32
      %add3A_85 = arith.constant 1 : i32
      %add3A_86 = arith.addi %mul3A_84, %add3A_85 : i32
      %mul3A_87 = arith.constant 1024 : i32
      %mul3A_88 = arith.muli %add3A_86, %mul3A_87 : i32
      %add3A_89 = arith.addi %mul3A_6, %mul3A_88 : i32
      %dma_wait3A_90 = tpu.memref_slice %arg2[%add3A_89] : memref<6422528xi32, #tpu.memory_space<hbm>> -> memref<1024xi32, #tpu.memory_space<hbm>>
      %dma_wait3A_91 = tpu.memref_slice %arg2[%add3A_89] : memref<6422528xi32, #tpu.memory_space<hbm>> -> memref<1024xi32, #tpu.memory_space<hbm>>
      tpu.wait_dma2 semaphore(%arg28 : memref<!tpu.dma_semaphore, #tpu.memory_space<semaphore_mem>>) src(%dma_wait3A_91 : memref<1024xi32, #tpu.memory_space<hbm>>) dst(%arg14 : memref<1024xi32, #tpu.memory_space<vmem>>)
      %mul3A_92 = arith.constant 1024 : i32
      %mul3A_93 = arith.muli %add3A_86, %mul3A_92 : i32
      %add3A_94 = arith.addi %mul3A_6, %mul3A_93 : i32
      %dma_wait3A_95 = tpu.memref_slice %arg3[%add3A_94] : memref<6422528xi32, #tpu.memory_space<hbm>> -> memref<1024xi32, #tpu.memory_space<hbm>>
      %dma_wait3A_96 = tpu.memref_slice %arg3[%add3A_94] : memref<6422528xi32, #tpu.memory_space<hbm>> -> memref<1024xi32, #tpu.memory_space<hbm>>
      tpu.wait_dma2 semaphore(%arg32 : memref<!tpu.dma_semaphore, #tpu.memory_space<semaphore_mem>>) src(%dma_wait3A_96 : memref<1024xi32, #tpu.memory_space<hbm>>) dst(%arg18 : memref<1024xi32, #tpu.memory_space<vmem>>)
      %ge3A_97 = arith.constant 2 : i32
      %ge3A_98 = arith.cmpi sge, %add3A_86, %ge3A_97 : i32
      %convert_element_type3A_99 = arith.extui %ge3A_98 : i1 to i32
      %cond3A_100 = arith.constant 0 : i32
      %cond3A_101 = arith.cmpi ne, %convert_element_type3A_99, %cond3A_100 : i32
      scf.if %cond3A_101 {
        %dma_wait3A_215 = arith.constant 0 : i32
        %dma_wait3A_216 = tpu.memref_slice %arg10[%dma_wait3A_215] : memref<100352xf32, #tpu.memory_space<vmem_shared>> -> memref<100352xf32, #tpu.memory_space<vmem_shared>>
        tpu.wait_indirect_dma semaphore(%arg38 : memref<!tpu.dma_semaphore, #tpu.memory_space<semaphore_mem>>) src(%arg24 : memref<1024xf32, #tpu.memory_space<vmem>>) dst(%dma_wait3A_216 : memref<100352xf32, #tpu.memory_space<vmem_shared>>)
        %dma_wait3A_217 = arith.constant 0 : i32
        %dma_wait3A_218 = tpu.memref_slice %arg11[%dma_wait3A_217] : memref<100352xf32, #tpu.memory_space<vmem_shared>> -> memref<100352xf32, #tpu.memory_space<vmem_shared>>
        tpu.wait_indirect_dma semaphore(%arg38 : memref<!tpu.dma_semaphore, #tpu.memory_space<semaphore_mem>>) src(%arg25 : memref<1024xf32, #tpu.memory_space<vmem>>) dst(%dma_wait3A_218 : memref<100352xf32, #tpu.memory_space<vmem_shared>>)
        %dma_wait3A_219 = arith.constant 0 : i32
        %dma_wait3A_220 = tpu.memref_slice %arg12[%dma_wait3A_219] : memref<100352xf32, #tpu.memory_space<vmem_shared>> -> memref<100352xf32, #tpu.memory_space<vmem_shared>>
        tpu.wait_indirect_dma semaphore(%arg38 : memref<!tpu.dma_semaphore, #tpu.memory_space<semaphore_mem>>) src(%arg26 : memref<1024xf32, #tpu.memory_space<vmem>>) dst(%dma_wait3A_220 : memref<100352xf32, #tpu.memory_space<vmem_shared>>)
      } else {
      }
      %dma_start3A_102 = arith.constant 0 : i32
      %dma_start3A_103 = tpu.memref_slice %arg7[%dma_start3A_102] : memref<100352xf32, #tpu.memory_space<vmem_shared>> -> memref<100352xf32, #tpu.memory_space<vmem_shared>>
      tpu.enqueue_indirect_dma source(%dma_start3A_103 : memref<100352xf32, #tpu.memory_space<vmem_shared>>) target(%arg24 : memref<1024xf32, #tpu.memory_space<vmem>>) offsets(%arg14 : memref<1024xi32, #tpu.memory_space<vmem>>) semaphore(%arg36 : memref<!tpu.dma_semaphore, #tpu.memory_space<semaphore_mem>>)
      %dma_start3A_104 = arith.constant 0 : i32
      %dma_start3A_105 = tpu.memref_slice %arg8[%dma_start3A_104] : memref<100352xf32, #tpu.memory_space<vmem_shared>> -> memref<100352xf32, #tpu.memory_space<vmem_shared>>
      tpu.enqueue_indirect_dma source(%dma_start3A_105 : memref<100352xf32, #tpu.memory_space<vmem_shared>>) target(%arg25 : memref<1024xf32, #tpu.memory_space<vmem>>) offsets(%arg14 : memref<1024xi32, #tpu.memory_space<vmem>>) semaphore(%arg36 : memref<!tpu.dma_semaphore, #tpu.memory_space<semaphore_mem>>)
      %dma_start3A_106 = arith.constant 0 : i32
      %dma_start3A_107 = tpu.memref_slice %arg9[%dma_start3A_106] : memref<100352xf32, #tpu.memory_space<vmem_shared>> -> memref<100352xf32, #tpu.memory_space<vmem_shared>>
      tpu.enqueue_indirect_dma source(%dma_start3A_107 : memref<100352xf32, #tpu.memory_space<vmem_shared>>) target(%arg26 : memref<1024xf32, #tpu.memory_space<vmem>>) offsets(%arg14 : memref<1024xi32, #tpu.memory_space<vmem>>) semaphore(%arg36 : memref<!tpu.dma_semaphore, #tpu.memory_space<semaphore_mem>>)
      %add3A_108 = arith.constant 2 : i32
      %add3A_109 = arith.addi %add3A_86, %add3A_108 : i32
      %lt3A_110 = arith.constant 196 : i32
      %lt3A_111 = arith.cmpi slt, %add3A_109, %lt3A_110 : i32
      %convert_element_type3A_112 = arith.extui %lt3A_111 : i1 to i32
      %cond3A_113 = arith.constant 0 : i32
      %cond3A_114 = arith.cmpi ne, %convert_element_type3A_112, %cond3A_113 : i32
      scf.if %cond3A_114 {
        %add3A_215 = arith.constant 2 : i32
        %add3A_216 = arith.addi %add3A_86, %add3A_215 : i32
        %mul3A_217 = arith.constant 1024 : i32
        %mul3A_218 = arith.muli %add3A_216, %mul3A_217 : i32
        %add3A_219 = arith.addi %mul3A_6, %mul3A_218 : i32
        %dma_start3A_220 = tpu.memref_slice %arg2[%add3A_219] : memref<6422528xi32, #tpu.memory_space<hbm>> -> memref<1024xi32, #tpu.memory_space<hbm>>
        %dma_start3A_221 = tpu.memref_slice %arg2[%add3A_219] : memref<6422528xi32, #tpu.memory_space<hbm>> -> memref<1024xi32, #tpu.memory_space<hbm>>
        tpu.enqueue_dma source(%dma_start3A_221 : memref<1024xi32, #tpu.memory_space<hbm>>) target(%arg16 : memref<1024xi32, #tpu.memory_space<vmem>>) target_semaphore(%arg30 : memref<!tpu.dma_semaphore, #tpu.memory_space<semaphore_mem>>)
        %mul3A_222 = arith.constant 1024 : i32
        %mul3A_223 = arith.muli %add3A_216, %mul3A_222 : i32
        %add3A_224 = arith.addi %mul3A_6, %mul3A_223 : i32
        %dma_start3A_225 = tpu.memref_slice %arg3[%add3A_224] : memref<6422528xi32, #tpu.memory_space<hbm>> -> memref<1024xi32, #tpu.memory_space<hbm>>
        %dma_start3A_226 = tpu.memref_slice %arg3[%add3A_224] : memref<6422528xi32, #tpu.memory_space<hbm>> -> memref<1024xi32, #tpu.memory_space<hbm>>
        tpu.enqueue_dma source(%dma_start3A_226 : memref<1024xi32, #tpu.memory_space<hbm>>) target(%arg20 : memref<1024xi32, #tpu.memory_space<vmem>>) target_semaphore(%arg34 : memref<!tpu.dma_semaphore, #tpu.memory_space<semaphore_mem>>)
      } else {
      }
      %dma_wait3A_115 = arith.constant 0 : i32
      %dma_wait3A_116 = tpu.memref_slice %arg7[%dma_wait3A_115] : memref<100352xf32, #tpu.memory_space<vmem_shared>> -> memref<100352xf32, #tpu.memory_space<vmem_shared>>
      tpu.wait_indirect_dma semaphore(%arg36 : memref<!tpu.dma_semaphore, #tpu.memory_space<semaphore_mem>>) src(%dma_wait3A_116 : memref<100352xf32, #tpu.memory_space<vmem_shared>>) dst(%arg24 : memref<1024xf32, #tpu.memory_space<vmem>>)
      %dma_wait3A_117 = arith.constant 0 : i32
      %dma_wait3A_118 = tpu.memref_slice %arg8[%dma_wait3A_117] : memref<100352xf32, #tpu.memory_space<vmem_shared>> -> memref<100352xf32, #tpu.memory_space<vmem_shared>>
      tpu.wait_indirect_dma semaphore(%arg36 : memref<!tpu.dma_semaphore, #tpu.memory_space<semaphore_mem>>) src(%dma_wait3A_118 : memref<100352xf32, #tpu.memory_space<vmem_shared>>) dst(%arg25 : memref<1024xf32, #tpu.memory_space<vmem>>)
      %dma_wait3A_119 = arith.constant 0 : i32
      %dma_wait3A_120 = tpu.memref_slice %arg9[%dma_wait3A_119] : memref<100352xf32, #tpu.memory_space<vmem_shared>> -> memref<100352xf32, #tpu.memory_space<vmem_shared>>
      tpu.wait_indirect_dma semaphore(%arg36 : memref<!tpu.dma_semaphore, #tpu.memory_space<semaphore_mem>>) src(%dma_wait3A_120 : memref<100352xf32, #tpu.memory_space<vmem_shared>>) dst(%arg26 : memref<1024xf32, #tpu.memory_space<vmem>>)
      %dma_start3A_121 = arith.constant 0 : i32
      %dma_start3A_122 = tpu.memref_slice %arg10[%dma_start3A_121] : memref<100352xf32, #tpu.memory_space<vmem_shared>> -> memref<100352xf32, #tpu.memory_space<vmem_shared>>
      tpu.enqueue_indirect_dma source(%arg24 : memref<1024xf32, #tpu.memory_space<vmem>>) target(%dma_start3A_122 : memref<100352xf32, #tpu.memory_space<vmem_shared>>) offsets(%arg18 : memref<1024xi32, #tpu.memory_space<vmem>>) semaphore(%arg38 : memref<!tpu.dma_semaphore, #tpu.memory_space<semaphore_mem>>) {add = true}
      %dma_start3A_123 = arith.constant 0 : i32
      %dma_start3A_124 = tpu.memref_slice %arg11[%dma_start3A_123] : memref<100352xf32, #tpu.memory_space<vmem_shared>> -> memref<100352xf32, #tpu.memory_space<vmem_shared>>
      tpu.enqueue_indirect_dma source(%arg25 : memref<1024xf32, #tpu.memory_space<vmem>>) target(%dma_start3A_124 : memref<100352xf32, #tpu.memory_space<vmem_shared>>) offsets(%arg18 : memref<1024xi32, #tpu.memory_space<vmem>>) semaphore(%arg38 : memref<!tpu.dma_semaphore, #tpu.memory_space<semaphore_mem>>) {add = true}
      %dma_start3A_125 = arith.constant 0 : i32
      %dma_start3A_126 = tpu.memref_slice %arg12[%dma_start3A_125] : memref<100352xf32, #tpu.memory_space<vmem_shared>> -> memref<100352xf32, #tpu.memory_space<vmem_shared>>
      tpu.enqueue_indirect_dma source(%arg26 : memref<1024xf32, #tpu.memory_space<vmem>>) target(%dma_start3A_126 : memref<100352xf32, #tpu.memory_space<vmem_shared>>) offsets(%arg18 : memref<1024xi32, #tpu.memory_space<vmem>>) semaphore(%arg38 : memref<!tpu.dma_semaphore, #tpu.memory_space<semaphore_mem>>) {add = true}
      %mul3A_127 = arith.constant 4 : i32
      %mul3A_128 = arith.muli %scan3A_42, %mul3A_127 : i32
      %add3A_129 = arith.constant 2 : i32
      %add3A_130 = arith.addi %mul3A_128, %add3A_129 : i32
      %mul3A_131 = arith.constant 1024 : i32
      %mul3A_132 = arith.muli %add3A_130, %mul3A_131 : i32
      %add3A_133 = arith.addi %mul3A_6, %mul3A_132 : i32
      %dma_wait3A_134 = tpu.memref_slice %arg2[%add3A_133] : memref<6422528xi32, #tpu.memory_space<hbm>> -> memref<1024xi32, #tpu.memory_space<hbm>>
      %dma_wait3A_135 = tpu.memref_slice %arg2[%add3A_133] : memref<6422528xi32, #tpu.memory_space<hbm>> -> memref<1024xi32, #tpu.memory_space<hbm>>
      tpu.wait_dma2 semaphore(%arg29 : memref<!tpu.dma_semaphore, #tpu.memory_space<semaphore_mem>>) src(%dma_wait3A_135 : memref<1024xi32, #tpu.memory_space<hbm>>) dst(%arg15 : memref<1024xi32, #tpu.memory_space<vmem>>)
      %mul3A_136 = arith.constant 1024 : i32
      %mul3A_137 = arith.muli %add3A_130, %mul3A_136 : i32
      %add3A_138 = arith.addi %mul3A_6, %mul3A_137 : i32
      %dma_wait3A_139 = tpu.memref_slice %arg3[%add3A_138] : memref<6422528xi32, #tpu.memory_space<hbm>> -> memref<1024xi32, #tpu.memory_space<hbm>>
      %dma_wait3A_140 = tpu.memref_slice %arg3[%add3A_138] : memref<6422528xi32, #tpu.memory_space<hbm>> -> memref<1024xi32, #tpu.memory_space<hbm>>
      tpu.wait_dma2 semaphore(%arg33 : memref<!tpu.dma_semaphore, #tpu.memory_space<semaphore_mem>>) src(%dma_wait3A_140 : memref<1024xi32, #tpu.memory_space<hbm>>) dst(%arg19 : memref<1024xi32, #tpu.memory_space<vmem>>)
      %ge3A_141 = arith.constant 2 : i32
      %ge3A_142 = arith.cmpi sge, %add3A_130, %ge3A_141 : i32
      %convert_element_type3A_143 = arith.extui %ge3A_142 : i1 to i32
      %cond3A_144 = arith.constant 0 : i32
      %cond3A_145 = arith.cmpi ne, %convert_element_type3A_143, %cond3A_144 : i32
      scf.if %cond3A_145 {
        %dma_wait3A_215 = arith.constant 0 : i32
        %dma_wait3A_216 = tpu.memref_slice %arg10[%dma_wait3A_215] : memref<100352xf32, #tpu.memory_space<vmem_shared>> -> memref<100352xf32, #tpu.memory_space<vmem_shared>>
        tpu.wait_indirect_dma semaphore(%arg37 : memref<!tpu.dma_semaphore, #tpu.memory_space<semaphore_mem>>) src(%arg21 : memref<1024xf32, #tpu.memory_space<vmem>>) dst(%dma_wait3A_216 : memref<100352xf32, #tpu.memory_space<vmem_shared>>)
        %dma_wait3A_217 = arith.constant 0 : i32
        %dma_wait3A_218 = tpu.memref_slice %arg11[%dma_wait3A_217] : memref<100352xf32, #tpu.memory_space<vmem_shared>> -> memref<100352xf32, #tpu.memory_space<vmem_shared>>
        tpu.wait_indirect_dma semaphore(%arg37 : memref<!tpu.dma_semaphore, #tpu.memory_space<semaphore_mem>>) src(%arg22 : memref<1024xf32, #tpu.memory_space<vmem>>) dst(%dma_wait3A_218 : memref<100352xf32, #tpu.memory_space<vmem_shared>>)
        %dma_wait3A_219 = arith.constant 0 : i32
        %dma_wait3A_220 = tpu.memref_slice %arg12[%dma_wait3A_219] : memref<100352xf32, #tpu.memory_space<vmem_shared>> -> memref<100352xf32, #tpu.memory_space<vmem_shared>>
        tpu.wait_indirect_dma semaphore(%arg37 : memref<!tpu.dma_semaphore, #tpu.memory_space<semaphore_mem>>) src(%arg23 : memref<1024xf32, #tpu.memory_space<vmem>>) dst(%dma_wait3A_220 : memref<100352xf32, #tpu.memory_space<vmem_shared>>)
      } else {
      }
      %dma_start3A_146 = arith.constant 0 : i32
      %dma_start3A_147 = tpu.memref_slice %arg7[%dma_start3A_146] : memref<100352xf32, #tpu.memory_space<vmem_shared>> -> memref<100352xf32, #tpu.memory_space<vmem_shared>>
      tpu.enqueue_indirect_dma source(%dma_start3A_147 : memref<100352xf32, #tpu.memory_space<vmem_shared>>) target(%arg21 : memref<1024xf32, #tpu.memory_space<vmem>>) offsets(%arg15 : memref<1024xi32, #tpu.memory_space<vmem>>) semaphore(%arg35 : memref<!tpu.dma_semaphore, #tpu.memory_space<semaphore_mem>>)
      %dma_start3A_148 = arith.constant 0 : i32
      %dma_start3A_149 = tpu.memref_slice %arg8[%dma_start3A_148] : memref<100352xf32, #tpu.memory_space<vmem_shared>> -> memref<100352xf32, #tpu.memory_space<vmem_shared>>
      tpu.enqueue_indirect_dma source(%dma_start3A_149 : memref<100352xf32, #tpu.memory_space<vmem_shared>>) target(%arg22 : memref<1024xf32, #tpu.memory_space<vmem>>) offsets(%arg15 : memref<1024xi32, #tpu.memory_space<vmem>>) semaphore(%arg35 : memref<!tpu.dma_semaphore, #tpu.memory_space<semaphore_mem>>)
      %dma_start3A_150 = arith.constant 0 : i32
      %dma_start3A_151 = tpu.memref_slice %arg9[%dma_start3A_150] : memref<100352xf32, #tpu.memory_space<vmem_shared>> -> memref<100352xf32, #tpu.memory_space<vmem_shared>>
      tpu.enqueue_indirect_dma source(%dma_start3A_151 : memref<100352xf32, #tpu.memory_space<vmem_shared>>) target(%arg23 : memref<1024xf32, #tpu.memory_space<vmem>>) offsets(%arg15 : memref<1024xi32, #tpu.memory_space<vmem>>) semaphore(%arg35 : memref<!tpu.dma_semaphore, #tpu.memory_space<semaphore_mem>>)
      %add3A_152 = arith.constant 2 : i32
      %add3A_153 = arith.addi %add3A_130, %add3A_152 : i32
      %lt3A_154 = arith.constant 196 : i32
      %lt3A_155 = arith.cmpi slt, %add3A_153, %lt3A_154 : i32
      %convert_element_type3A_156 = arith.extui %lt3A_155 : i1 to i32
      %cond3A_157 = arith.constant 0 : i32
      %cond3A_158 = arith.cmpi ne, %convert_element_type3A_156, %cond3A_157 : i32
      scf.if %cond3A_158 {
        %add3A_215 = arith.constant 2 : i32
        %add3A_216 = arith.addi %add3A_130, %add3A_215 : i32
        %mul3A_217 = arith.constant 1024 : i32
        %mul3A_218 = arith.muli %add3A_216, %mul3A_217 : i32
        %add3A_219 = arith.addi %mul3A_6, %mul3A_218 : i32
        %dma_start3A_220 = tpu.memref_slice %arg2[%add3A_219] : memref<6422528xi32, #tpu.memory_space<hbm>> -> memref<1024xi32, #tpu.memory_space<hbm>>
        %dma_start3A_221 = tpu.memref_slice %arg2[%add3A_219] : memref<6422528xi32, #tpu.memory_space<hbm>> -> memref<1024xi32, #tpu.memory_space<hbm>>
        tpu.enqueue_dma source(%dma_start3A_221 : memref<1024xi32, #tpu.memory_space<hbm>>) target(%arg13 : memref<1024xi32, #tpu.memory_space<vmem>>) target_semaphore(%arg27 : memref<!tpu.dma_semaphore, #tpu.memory_space<semaphore_mem>>)
        %mul3A_222 = arith.constant 1024 : i32
        %mul3A_223 = arith.muli %add3A_216, %mul3A_222 : i32
        %add3A_224 = arith.addi %mul3A_6, %mul3A_223 : i32
        %dma_start3A_225 = tpu.memref_slice %arg3[%add3A_224] : memref<6422528xi32, #tpu.memory_space<hbm>> -> memref<1024xi32, #tpu.memory_space<hbm>>
        %dma_start3A_226 = tpu.memref_slice %arg3[%add3A_224] : memref<6422528xi32, #tpu.memory_space<hbm>> -> memref<1024xi32, #tpu.memory_space<hbm>>
        tpu.enqueue_dma source(%dma_start3A_226 : memref<1024xi32, #tpu.memory_space<hbm>>) target(%arg17 : memref<1024xi32, #tpu.memory_space<vmem>>) target_semaphore(%arg31 : memref<!tpu.dma_semaphore, #tpu.memory_space<semaphore_mem>>)
      } else {
      }
      %dma_wait3A_159 = arith.constant 0 : i32
      %dma_wait3A_160 = tpu.memref_slice %arg7[%dma_wait3A_159] : memref<100352xf32, #tpu.memory_space<vmem_shared>> -> memref<100352xf32, #tpu.memory_space<vmem_shared>>
      tpu.wait_indirect_dma semaphore(%arg35 : memref<!tpu.dma_semaphore, #tpu.memory_space<semaphore_mem>>) src(%dma_wait3A_160 : memref<100352xf32, #tpu.memory_space<vmem_shared>>) dst(%arg21 : memref<1024xf32, #tpu.memory_space<vmem>>)
      %dma_wait3A_161 = arith.constant 0 : i32
      %dma_wait3A_162 = tpu.memref_slice %arg8[%dma_wait3A_161] : memref<100352xf32, #tpu.memory_space<vmem_shared>> -> memref<100352xf32, #tpu.memory_space<vmem_shared>>
      tpu.wait_indirect_dma semaphore(%arg35 : memref<!tpu.dma_semaphore, #tpu.memory_space<semaphore_mem>>) src(%dma_wait3A_162 : memref<100352xf32, #tpu.memory_space<vmem_shared>>) dst(%arg22 : memref<1024xf32, #tpu.memory_space<vmem>>)
      %dma_wait3A_163 = arith.constant 0 : i32
      %dma_wait3A_164 = tpu.memref_slice %arg9[%dma_wait3A_163] : memref<100352xf32, #tpu.memory_space<vmem_shared>> -> memref<100352xf32, #tpu.memory_space<vmem_shared>>
      tpu.wait_indirect_dma semaphore(%arg35 : memref<!tpu.dma_semaphore, #tpu.memory_space<semaphore_mem>>) src(%dma_wait3A_164 : memref<100352xf32, #tpu.memory_space<vmem_shared>>) dst(%arg23 : memref<1024xf32, #tpu.memory_space<vmem>>)
      %dma_start3A_165 = arith.constant 0 : i32
      %dma_start3A_166 = tpu.memref_slice %arg10[%dma_start3A_165] : memref<100352xf32, #tpu.memory_space<vmem_shared>> -> memref<100352xf32, #tpu.memory_space<vmem_shared>>
      tpu.enqueue_indirect_dma source(%arg21 : memref<1024xf32, #tpu.memory_space<vmem>>) target(%dma_start3A_166 : memref<100352xf32, #tpu.memory_space<vmem_shared>>) offsets(%arg19 : memref<1024xi32, #tpu.memory_space<vmem>>) semaphore(%arg37 : memref<!tpu.dma_semaphore, #tpu.memory_space<semaphore_mem>>) {add = true}
      %dma_start3A_167 = arith.constant 0 : i32
      %dma_start3A_168 = tpu.memref_slice %arg11[%dma_start3A_167] : memref<100352xf32, #tpu.memory_space<vmem_shared>> -> memref<100352xf32, #tpu.memory_space<vmem_shared>>
      tpu.enqueue_indirect_dma source(%arg22 : memref<1024xf32, #tpu.memory_space<vmem>>) target(%dma_start3A_168 : memref<100352xf32, #tpu.memory_space<vmem_shared>>) offsets(%arg19 : memref<1024xi32, #tpu.memory_space<vmem>>) semaphore(%arg37 : memref<!tpu.dma_semaphore, #tpu.memory_space<semaphore_mem>>) {add = true}
      %dma_start3A_169 = arith.constant 0 : i32
      %dma_start3A_170 = tpu.memref_slice %arg12[%dma_start3A_169] : memref<100352xf32, #tpu.memory_space<vmem_shared>> -> memref<100352xf32, #tpu.memory_space<vmem_shared>>
      tpu.enqueue_indirect_dma source(%arg23 : memref<1024xf32, #tpu.memory_space<vmem>>) target(%dma_start3A_170 : memref<100352xf32, #tpu.memory_space<vmem_shared>>) offsets(%arg19 : memref<1024xi32, #tpu.memory_space<vmem>>) semaphore(%arg37 : memref<!tpu.dma_semaphore, #tpu.memory_space<semaphore_mem>>) {add = true}
      %mul3A_171 = arith.constant 4 : i32
      %mul3A_172 = arith.muli %scan3A_42, %mul3A_171 : i32
      %add3A_173 = arith.constant 3 : i32
      %add3A_174 = arith.addi %mul3A_172, %add3A_173 : i32
      %mul3A_175 = arith.constant 1024 : i32
      %mul3A_176 = arith.muli %add3A_174, %mul3A_175 : i32
      %add3A_177 = arith.addi %mul3A_6, %mul3A_176 : i32
      %dma_wait3A_178 = tpu.memref_slice %arg2[%add3A_177] : memref<6422528xi32, #tpu.memory_space<hbm>> -> memref<1024xi32, #tpu.memory_space<hbm>>
      %dma_wait3A_179 = tpu.memref_slice %arg2[%add3A_177] : memref<6422528xi32, #tpu.memory_space<hbm>> -> memref<1024xi32, #tpu.memory_space<hbm>>
      tpu.wait_dma2 semaphore(%arg30 : memref<!tpu.dma_semaphore, #tpu.memory_space<semaphore_mem>>) src(%dma_wait3A_179 : memref<1024xi32, #tpu.memory_space<hbm>>) dst(%arg16 : memref<1024xi32, #tpu.memory_space<vmem>>)
      %mul3A_180 = arith.constant 1024 : i32
      %mul3A_181 = arith.muli %add3A_174, %mul3A_180 : i32
      %add3A_182 = arith.addi %mul3A_6, %mul3A_181 : i32
      %dma_wait3A_183 = tpu.memref_slice %arg3[%add3A_182] : memref<6422528xi32, #tpu.memory_space<hbm>> -> memref<1024xi32, #tpu.memory_space<hbm>>
      %dma_wait3A_184 = tpu.memref_slice %arg3[%add3A_182] : memref<6422528xi32, #tpu.memory_space<hbm>> -> memref<1024xi32, #tpu.memory_space<hbm>>
      tpu.wait_dma2 semaphore(%arg34 : memref<!tpu.dma_semaphore, #tpu.memory_space<semaphore_mem>>) src(%dma_wait3A_184 : memref<1024xi32, #tpu.memory_space<hbm>>) dst(%arg20 : memref<1024xi32, #tpu.memory_space<vmem>>)
      %ge3A_185 = arith.constant 2 : i32
      %ge3A_186 = arith.cmpi sge, %add3A_174, %ge3A_185 : i32
      %convert_element_type3A_187 = arith.extui %ge3A_186 : i1 to i32
      %cond3A_188 = arith.constant 0 : i32
      %cond3A_189 = arith.cmpi ne, %convert_element_type3A_187, %cond3A_188 : i32
      scf.if %cond3A_189 {
        %dma_wait3A_215 = arith.constant 0 : i32
        %dma_wait3A_216 = tpu.memref_slice %arg10[%dma_wait3A_215] : memref<100352xf32, #tpu.memory_space<vmem_shared>> -> memref<100352xf32, #tpu.memory_space<vmem_shared>>
        tpu.wait_indirect_dma semaphore(%arg38 : memref<!tpu.dma_semaphore, #tpu.memory_space<semaphore_mem>>) src(%arg24 : memref<1024xf32, #tpu.memory_space<vmem>>) dst(%dma_wait3A_216 : memref<100352xf32, #tpu.memory_space<vmem_shared>>)
        %dma_wait3A_217 = arith.constant 0 : i32
        %dma_wait3A_218 = tpu.memref_slice %arg11[%dma_wait3A_217] : memref<100352xf32, #tpu.memory_space<vmem_shared>> -> memref<100352xf32, #tpu.memory_space<vmem_shared>>
        tpu.wait_indirect_dma semaphore(%arg38 : memref<!tpu.dma_semaphore, #tpu.memory_space<semaphore_mem>>) src(%arg25 : memref<1024xf32, #tpu.memory_space<vmem>>) dst(%dma_wait3A_218 : memref<100352xf32, #tpu.memory_space<vmem_shared>>)
        %dma_wait3A_219 = arith.constant 0 : i32
        %dma_wait3A_220 = tpu.memref_slice %arg12[%dma_wait3A_219] : memref<100352xf32, #tpu.memory_space<vmem_shared>> -> memref<100352xf32, #tpu.memory_space<vmem_shared>>
        tpu.wait_indirect_dma semaphore(%arg38 : memref<!tpu.dma_semaphore, #tpu.memory_space<semaphore_mem>>) src(%arg26 : memref<1024xf32, #tpu.memory_space<vmem>>) dst(%dma_wait3A_220 : memref<100352xf32, #tpu.memory_space<vmem_shared>>)
      } else {
      }
      %dma_start3A_190 = arith.constant 0 : i32
      %dma_start3A_191 = tpu.memref_slice %arg7[%dma_start3A_190] : memref<100352xf32, #tpu.memory_space<vmem_shared>> -> memref<100352xf32, #tpu.memory_space<vmem_shared>>
      tpu.enqueue_indirect_dma source(%dma_start3A_191 : memref<100352xf32, #tpu.memory_space<vmem_shared>>) target(%arg24 : memref<1024xf32, #tpu.memory_space<vmem>>) offsets(%arg16 : memref<1024xi32, #tpu.memory_space<vmem>>) semaphore(%arg36 : memref<!tpu.dma_semaphore, #tpu.memory_space<semaphore_mem>>)
      %dma_start3A_192 = arith.constant 0 : i32
      %dma_start3A_193 = tpu.memref_slice %arg8[%dma_start3A_192] : memref<100352xf32, #tpu.memory_space<vmem_shared>> -> memref<100352xf32, #tpu.memory_space<vmem_shared>>
      tpu.enqueue_indirect_dma source(%dma_start3A_193 : memref<100352xf32, #tpu.memory_space<vmem_shared>>) target(%arg25 : memref<1024xf32, #tpu.memory_space<vmem>>) offsets(%arg16 : memref<1024xi32, #tpu.memory_space<vmem>>) semaphore(%arg36 : memref<!tpu.dma_semaphore, #tpu.memory_space<semaphore_mem>>)
      %dma_start3A_194 = arith.constant 0 : i32
      %dma_start3A_195 = tpu.memref_slice %arg9[%dma_start3A_194] : memref<100352xf32, #tpu.memory_space<vmem_shared>> -> memref<100352xf32, #tpu.memory_space<vmem_shared>>
      tpu.enqueue_indirect_dma source(%dma_start3A_195 : memref<100352xf32, #tpu.memory_space<vmem_shared>>) target(%arg26 : memref<1024xf32, #tpu.memory_space<vmem>>) offsets(%arg16 : memref<1024xi32, #tpu.memory_space<vmem>>) semaphore(%arg36 : memref<!tpu.dma_semaphore, #tpu.memory_space<semaphore_mem>>)
      %add3A_196 = arith.constant 2 : i32
      %add3A_197 = arith.addi %add3A_174, %add3A_196 : i32
      %lt3A_198 = arith.constant 196 : i32
      %lt3A_199 = arith.cmpi slt, %add3A_197, %lt3A_198 : i32
      %convert_element_type3A_200 = arith.extui %lt3A_199 : i1 to i32
      %cond3A_201 = arith.constant 0 : i32
      %cond3A_202 = arith.cmpi ne, %convert_element_type3A_200, %cond3A_201 : i32
      scf.if %cond3A_202 {
        %add3A_215 = arith.constant 2 : i32
        %add3A_216 = arith.addi %add3A_174, %add3A_215 : i32
        %mul3A_217 = arith.constant 1024 : i32
        %mul3A_218 = arith.muli %add3A_216, %mul3A_217 : i32
        %add3A_219 = arith.addi %mul3A_6, %mul3A_218 : i32
        %dma_start3A_220 = tpu.memref_slice %arg2[%add3A_219] : memref<6422528xi32, #tpu.memory_space<hbm>> -> memref<1024xi32, #tpu.memory_space<hbm>>
        %dma_start3A_221 = tpu.memref_slice %arg2[%add3A_219] : memref<6422528xi32, #tpu.memory_space<hbm>> -> memref<1024xi32, #tpu.memory_space<hbm>>
        tpu.enqueue_dma source(%dma_start3A_221 : memref<1024xi32, #tpu.memory_space<hbm>>) target(%arg14 : memref<1024xi32, #tpu.memory_space<vmem>>) target_semaphore(%arg28 : memref<!tpu.dma_semaphore, #tpu.memory_space<semaphore_mem>>)
        %mul3A_222 = arith.constant 1024 : i32
        %mul3A_223 = arith.muli %add3A_216, %mul3A_222 : i32
        %add3A_224 = arith.addi %mul3A_6, %mul3A_223 : i32
        %dma_start3A_225 = tpu.memref_slice %arg3[%add3A_224] : memref<6422528xi32, #tpu.memory_space<hbm>> -> memref<1024xi32, #tpu.memory_space<hbm>>
        %dma_start3A_226 = tpu.memref_slice %arg3[%add3A_224] : memref<6422528xi32, #tpu.memory_space<hbm>> -> memref<1024xi32, #tpu.memory_space<hbm>>
        tpu.enqueue_dma source(%dma_start3A_226 : memref<1024xi32, #tpu.memory_space<hbm>>) target(%arg18 : memref<1024xi32, #tpu.memory_space<vmem>>) target_semaphore(%arg32 : memref<!tpu.dma_semaphore, #tpu.memory_space<semaphore_mem>>)
      } else {
      }
      %dma_wait3A_203 = arith.constant 0 : i32
      %dma_wait3A_204 = tpu.memref_slice %arg7[%dma_wait3A_203] : memref<100352xf32, #tpu.memory_space<vmem_shared>> -> memref<100352xf32, #tpu.memory_space<vmem_shared>>
      tpu.wait_indirect_dma semaphore(%arg36 : memref<!tpu.dma_semaphore, #tpu.memory_space<semaphore_mem>>) src(%dma_wait3A_204 : memref<100352xf32, #tpu.memory_space<vmem_shared>>) dst(%arg24 : memref<1024xf32, #tpu.memory_space<vmem>>)
      %dma_wait3A_205 = arith.constant 0 : i32
      %dma_wait3A_206 = tpu.memref_slice %arg8[%dma_wait3A_205] : memref<100352xf32, #tpu.memory_space<vmem_shared>> -> memref<100352xf32, #tpu.memory_space<vmem_shared>>
      tpu.wait_indirect_dma semaphore(%arg36 : memref<!tpu.dma_semaphore, #tpu.memory_space<semaphore_mem>>) src(%dma_wait3A_206 : memref<100352xf32, #tpu.memory_space<vmem_shared>>) dst(%arg25 : memref<1024xf32, #tpu.memory_space<vmem>>)
      %dma_wait3A_207 = arith.constant 0 : i32
      %dma_wait3A_208 = tpu.memref_slice %arg9[%dma_wait3A_207] : memref<100352xf32, #tpu.memory_space<vmem_shared>> -> memref<100352xf32, #tpu.memory_space<vmem_shared>>
      tpu.wait_indirect_dma semaphore(%arg36 : memref<!tpu.dma_semaphore, #tpu.memory_space<semaphore_mem>>) src(%dma_wait3A_208 : memref<100352xf32, #tpu.memory_space<vmem_shared>>) dst(%arg26 : memref<1024xf32, #tpu.memory_space<vmem>>)
      %dma_start3A_209 = arith.constant 0 : i32
      %dma_start3A_210 = tpu.memref_slice %arg10[%dma_start3A_209] : memref<100352xf32, #tpu.memory_space<vmem_shared>> -> memref<100352xf32, #tpu.memory_space<vmem_shared>>
      tpu.enqueue_indirect_dma source(%arg24 : memref<1024xf32, #tpu.memory_space<vmem>>) target(%dma_start3A_210 : memref<100352xf32, #tpu.memory_space<vmem_shared>>) offsets(%arg20 : memref<1024xi32, #tpu.memory_space<vmem>>) semaphore(%arg38 : memref<!tpu.dma_semaphore, #tpu.memory_space<semaphore_mem>>) {add = true}
      %dma_start3A_211 = arith.constant 0 : i32
      %dma_start3A_212 = tpu.memref_slice %arg11[%dma_start3A_211] : memref<100352xf32, #tpu.memory_space<vmem_shared>> -> memref<100352xf32, #tpu.memory_space<vmem_shared>>
      tpu.enqueue_indirect_dma source(%arg25 : memref<1024xf32, #tpu.memory_space<vmem>>) target(%dma_start3A_212 : memref<100352xf32, #tpu.memory_space<vmem_shared>>) offsets(%arg20 : memref<1024xi32, #tpu.memory_space<vmem>>) semaphore(%arg38 : memref<!tpu.dma_semaphore, #tpu.memory_space<semaphore_mem>>) {add = true}
      %dma_start3A_213 = arith.constant 0 : i32
      %dma_start3A_214 = tpu.memref_slice %arg12[%dma_start3A_213] : memref<100352xf32, #tpu.memory_space<vmem_shared>> -> memref<100352xf32, #tpu.memory_space<vmem_shared>>
      tpu.enqueue_indirect_dma source(%arg26 : memref<1024xf32, #tpu.memory_space<vmem>>) target(%dma_start3A_214 : memref<100352xf32, #tpu.memory_space<vmem_shared>>) offsets(%arg20 : memref<1024xi32, #tpu.memory_space<vmem>>) semaphore(%arg38 : memref<!tpu.dma_semaphore, #tpu.memory_space<semaphore_mem>>) {add = true}
    }
    %scan3A_26 = arith.constant 49 : i32
    %dma_wait3A = arith.constant 0 : i32
    %dma_wait3A_27 = tpu.memref_slice %arg10[%dma_wait3A] : memref<100352xf32, #tpu.memory_space<vmem_shared>> -> memref<100352xf32, #tpu.memory_space<vmem_shared>>
    tpu.wait_indirect_dma semaphore(%arg37 : memref<!tpu.dma_semaphore, #tpu.memory_space<semaphore_mem>>) src(%arg21 : memref<1024xf32, #tpu.memory_space<vmem>>) dst(%dma_wait3A_27 : memref<100352xf32, #tpu.memory_space<vmem_shared>>)
    %dma_wait3A_28 = arith.constant 0 : i32
    %dma_wait3A_29 = tpu.memref_slice %arg11[%dma_wait3A_28] : memref<100352xf32, #tpu.memory_space<vmem_shared>> -> memref<100352xf32, #tpu.memory_space<vmem_shared>>
    tpu.wait_indirect_dma semaphore(%arg37 : memref<!tpu.dma_semaphore, #tpu.memory_space<semaphore_mem>>) src(%arg22 : memref<1024xf32, #tpu.memory_space<vmem>>) dst(%dma_wait3A_29 : memref<100352xf32, #tpu.memory_space<vmem_shared>>)
    %dma_wait3A_30 = arith.constant 0 : i32
    %dma_wait3A_31 = tpu.memref_slice %arg12[%dma_wait3A_30] : memref<100352xf32, #tpu.memory_space<vmem_shared>> -> memref<100352xf32, #tpu.memory_space<vmem_shared>>
    tpu.wait_indirect_dma semaphore(%arg37 : memref<!tpu.dma_semaphore, #tpu.memory_space<semaphore_mem>>) src(%arg23 : memref<1024xf32, #tpu.memory_space<vmem>>) dst(%dma_wait3A_31 : memref<100352xf32, #tpu.memory_space<vmem_shared>>)
    %dma_wait3A_32 = arith.constant 0 : i32
    %dma_wait3A_33 = tpu.memref_slice %arg10[%dma_wait3A_32] : memref<100352xf32, #tpu.memory_space<vmem_shared>> -> memref<100352xf32, #tpu.memory_space<vmem_shared>>
    tpu.wait_indirect_dma semaphore(%arg38 : memref<!tpu.dma_semaphore, #tpu.memory_space<semaphore_mem>>) src(%arg24 : memref<1024xf32, #tpu.memory_space<vmem>>) dst(%dma_wait3A_33 : memref<100352xf32, #tpu.memory_space<vmem_shared>>)
    %dma_wait3A_34 = arith.constant 0 : i32
    %dma_wait3A_35 = tpu.memref_slice %arg11[%dma_wait3A_34] : memref<100352xf32, #tpu.memory_space<vmem_shared>> -> memref<100352xf32, #tpu.memory_space<vmem_shared>>
    tpu.wait_indirect_dma semaphore(%arg38 : memref<!tpu.dma_semaphore, #tpu.memory_space<semaphore_mem>>) src(%arg25 : memref<1024xf32, #tpu.memory_space<vmem>>) dst(%dma_wait3A_35 : memref<100352xf32, #tpu.memory_space<vmem_shared>>)
    %dma_wait3A_36 = arith.constant 0 : i32
    %dma_wait3A_37 = tpu.memref_slice %arg12[%dma_wait3A_36] : memref<100352xf32, #tpu.memory_space<vmem_shared>> -> memref<100352xf32, #tpu.memory_space<vmem_shared>>
    tpu.wait_indirect_dma semaphore(%arg38 : memref<!tpu.dma_semaphore, #tpu.memory_space<semaphore_mem>>) src(%arg26 : memref<1024xf32, #tpu.memory_space<vmem>>) dst(%dma_wait3A_37 : memref<100352xf32, #tpu.memory_space<vmem_shared>>)
    %barrier3A_38 = arith.constant 0 : index
    tpu.barrier barrier_id(%barrier3A_38)
    %run_scoped3A_39 = arith.constant 0 : i32
    "tpu.region"() ({
      %run_scoped3A_42 = tpu.sem_alloc : memref<!tpu.dma_semaphore, #tpu.memory_space<semaphore_mem>>
      %dma_start3A_43 = tpu.memref_slice %arg6[%arg0, %run_scoped3A_39, %mul3A_2] : memref<2x4x100352xf32, #tpu.memory_space<hbm>> -> memref<1x1x6272xf32, #tpu.memory_space<hbm>>
      %dma_start3A_44 = tpu.memref_squeeze %dma_start3A_43 : memref<1x1x6272xf32, #tpu.memory_space<hbm>> -> memref<6272xf32, #tpu.memory_space<hbm>>
      %dma_start3A_45 = tpu.memref_slice %arg10[%mul3A_2] : memref<100352xf32, #tpu.memory_space<vmem_shared>> -> memref<6272xf32, #tpu.memory_space<vmem_shared>>
      tpu.enqueue_dma source(%dma_start3A_45 : memref<6272xf32, #tpu.memory_space<vmem_shared>>) target(%dma_start3A_44 : memref<6272xf32, #tpu.memory_space<hbm>>) target_semaphore(%run_scoped3A_42 : memref<!tpu.dma_semaphore, #tpu.memory_space<semaphore_mem>>)
      %dma_wait3A_46 = tpu.memref_slice %arg6[%arg0, %run_scoped3A_39, %mul3A_2] : memref<2x4x100352xf32, #tpu.memory_space<hbm>> -> memref<1x1x6272xf32, #tpu.memory_space<hbm>>
      %dma_wait3A_47 = tpu.memref_squeeze %dma_wait3A_46 : memref<1x1x6272xf32, #tpu.memory_space<hbm>> -> memref<6272xf32, #tpu.memory_space<hbm>>
      %dma_wait3A_48 = tpu.memref_slice %arg10[%mul3A_2] : memref<100352xf32, #tpu.memory_space<vmem_shared>> -> memref<6272xf32, #tpu.memory_space<vmem_shared>>
      tpu.wait_dma2 semaphore(%run_scoped3A_42 : memref<!tpu.dma_semaphore, #tpu.memory_space<semaphore_mem>>) src(%dma_wait3A_48 : memref<6272xf32, #tpu.memory_space<vmem_shared>>) dst(%dma_wait3A_47 : memref<6272xf32, #tpu.memory_space<hbm>>)
      tpu.yield
    }) : () -> ()
    %run_scoped3A_40 = arith.constant 1 : i32
    "tpu.region"() ({
      %run_scoped3A_42 = tpu.sem_alloc : memref<!tpu.dma_semaphore, #tpu.memory_space<semaphore_mem>>
      %dma_start3A_43 = tpu.memref_slice %arg6[%arg0, %run_scoped3A_40, %mul3A_2] : memref<2x4x100352xf32, #tpu.memory_space<hbm>> -> memref<1x1x6272xf32, #tpu.memory_space<hbm>>
      %dma_start3A_44 = tpu.memref_squeeze %dma_start3A_43 : memref<1x1x6272xf32, #tpu.memory_space<hbm>> -> memref<6272xf32, #tpu.memory_space<hbm>>
      %dma_start3A_45 = tpu.memref_slice %arg11[%mul3A_2] : memref<100352xf32, #tpu.memory_space<vmem_shared>> -> memref<6272xf32, #tpu.memory_space<vmem_shared>>
      tpu.enqueue_dma source(%dma_start3A_45 : memref<6272xf32, #tpu.memory_space<vmem_shared>>) target(%dma_start3A_44 : memref<6272xf32, #tpu.memory_space<hbm>>) target_semaphore(%run_scoped3A_42 : memref<!tpu.dma_semaphore, #tpu.memory_space<semaphore_mem>>)
      %dma_wait3A_46 = tpu.memref_slice %arg6[%arg0, %run_scoped3A_40, %mul3A_2] : memref<2x4x100352xf32, #tpu.memory_space<hbm>> -> memref<1x1x6272xf32, #tpu.memory_space<hbm>>
      %dma_wait3A_47 = tpu.memref_squeeze %dma_wait3A_46 : memref<1x1x6272xf32, #tpu.memory_space<hbm>> -> memref<6272xf32, #tpu.memory_space<hbm>>
      %dma_wait3A_48 = tpu.memref_slice %arg11[%mul3A_2] : memref<100352xf32, #tpu.memory_space<vmem_shared>> -> memref<6272xf32, #tpu.memory_space<vmem_shared>>
      tpu.wait_dma2 semaphore(%run_scoped3A_42 : memref<!tpu.dma_semaphore, #tpu.memory_space<semaphore_mem>>) src(%dma_wait3A_48 : memref<6272xf32, #tpu.memory_space<vmem_shared>>) dst(%dma_wait3A_47 : memref<6272xf32, #tpu.memory_space<hbm>>)
      tpu.yield
    }) : () -> ()
    %run_scoped3A_41 = arith.constant 2 : i32
    "tpu.region"() ({
      %run_scoped3A_42 = tpu.sem_alloc : memref<!tpu.dma_semaphore, #tpu.memory_space<semaphore_mem>>
      %dma_start3A_43 = tpu.memref_slice %arg6[%arg0, %run_scoped3A_41, %mul3A_2] : memref<2x4x100352xf32, #tpu.memory_space<hbm>> -> memref<1x1x6272xf32, #tpu.memory_space<hbm>>
      %dma_start3A_44 = tpu.memref_squeeze %dma_start3A_43 : memref<1x1x6272xf32, #tpu.memory_space<hbm>> -> memref<6272xf32, #tpu.memory_space<hbm>>
      %dma_start3A_45 = tpu.memref_slice %arg12[%mul3A_2] : memref<100352xf32, #tpu.memory_space<vmem_shared>> -> memref<6272xf32, #tpu.memory_space<vmem_shared>>
      tpu.enqueue_dma source(%dma_start3A_45 : memref<6272xf32, #tpu.memory_space<vmem_shared>>) target(%dma_start3A_44 : memref<6272xf32, #tpu.memory_space<hbm>>) target_semaphore(%run_scoped3A_42 : memref<!tpu.dma_semaphore, #tpu.memory_space<semaphore_mem>>)
      %dma_wait3A_46 = tpu.memref_slice %arg6[%arg0, %run_scoped3A_41, %mul3A_2] : memref<2x4x100352xf32, #tpu.memory_space<hbm>> -> memref<1x1x6272xf32, #tpu.memory_space<hbm>>
      %dma_wait3A_47 = tpu.memref_squeeze %dma_wait3A_46 : memref<1x1x6272xf32, #tpu.memory_space<hbm>> -> memref<6272xf32, #tpu.memory_space<hbm>>
      %dma_wait3A_48 = tpu.memref_slice %arg12[%mul3A_2] : memref<100352xf32, #tpu.memory_space<vmem_shared>> -> memref<6272xf32, #tpu.memory_space<vmem_shared>>
      tpu.wait_dma2 semaphore(%run_scoped3A_42 : memref<!tpu.dma_semaphore, #tpu.memory_space<semaphore_mem>>) src(%dma_wait3A_48 : memref<6272xf32, #tpu.memory_space<vmem_shared>>) dst(%dma_wait3A_47 : memref<6272xf32, #tpu.memory_space<hbm>>)
      tpu.yield
    }) : () -> ()
    return
  }
}

module attributes {stable_mosaic.version = 14 : i64} {
  func.func @_tc1_body(%arg0: i32, %arg1: memref<2x6272xf32, #tpu.memory_space<vmem>>, %arg2: memref<4x6272xf32, #tpu.memory_space<vmem>>, %arg3: memref<4x6272xf32, #tpu.memory_space<vmem>>, %arg4: memref<1x6272xf32, #tpu.memory_space<vmem>>) attributes {dimension_semantics = [#tpu.dimension_semantics<arbitrary>], iteration_bounds = array<i64: 16>, scalar_prefetch = 0 : i64, scratch_operands = 0 : i64, tpu.core_type = #tpu.core_type<tc>, window_params = [{transform_indices = @transform_0, window_bounds = array<i64: 2, 6272>}, {transform_indices = @transform_1, window_bounds = array<i64: 4, 6272>}, {transform_indices = @transform_2, window_bounds = array<i64: 4, 6272>}, {transform_indices = @transform_3, window_bounds = array<i64: 1, 6272>}]} {
    %get3A = arith.constant 0 : index
    %get3A_0 = arith.constant 0 : index
    %get3A_1 = vector.load %arg1[%get3A, %get3A_0] : memref<2x6272xf32, #tpu.memory_space<vmem>>, vector<1x6272xf32>
    %get3A_2 = arith.constant 1 : index
    %get3A_3 = arith.constant 0 : index
    %get3A_4 = vector.load %arg1[%get3A_2, %get3A_3] : memref<2x6272xf32, #tpu.memory_space<vmem>>, vector<1x6272xf32>
    %add3A = arith.addf %get3A_1, %get3A_4 : vector<1x6272xf32>
    %add3A_5 = arith.constant 1.000000e+00 : f32
    %add3A_6 = vector.broadcast %add3A_5 : f32 to vector<1x6272xf32>
    %add3A_7 = arith.addf %add3A, %add3A_6 : vector<1x6272xf32>
    %rsqrt3A = math.rsqrt %add3A_7 : vector<1x6272xf32>
    %get3A_8 = arith.constant 0 : index
    %get3A_9 = arith.constant 0 : index
    %get3A_10 = vector.load %arg2[%get3A_8, %get3A_9] : memref<4x6272xf32, #tpu.memory_space<vmem>>, vector<4x6272xf32>
    %mul3A = vector.broadcast %rsqrt3A : vector<1x6272xf32> to vector<4x6272xf32>
    %mul3A_11 = arith.mulf %get3A_10, %mul3A : vector<4x6272xf32>
    %swap3A = arith.constant 0 : index
    %swap3A_12 = arith.constant 0 : index
    %swap3A_13 = vector.load %arg3[%swap3A, %swap3A_12] : memref<4x6272xf32, #tpu.memory_space<vmem>>, vector<4x6272xf32>
    tpu.vector_store %arg3[%swap3A, %swap3A_12], %mul3A_11 {strides = array<i32>} : memref<4x6272xf32, #tpu.memory_space<vmem>>, vector<4x6272xf32>,
    %swap3A_14 = arith.constant 0 : index
    %swap3A_15 = arith.constant 0 : index
    %swap3A_16 = vector.load %arg4[%swap3A_14, %swap3A_15] : memref<1x6272xf32, #tpu.memory_space<vmem>>, vector<1x6272xf32>
    tpu.vector_store %arg4[%swap3A_14, %swap3A_15], %rsqrt3A {strides = array<i32>} : memref<1x6272xf32, #tpu.memory_space<vmem>>, vector<1x6272xf32>,
    return
  }
  func.func @transform_0(%arg0: i32) -> (i32, i32) {
    %c0_i32 = arith.constant 0 : i32
    %c0_i32_0 = arith.constant 0 : i32
    return %c0_i32, %arg0 : i32, i32
  }
  func.func @transform_1(%arg0: i32) -> (i32, i32) {
    %c0_i32 = arith.constant 0 : i32
    %c0_i32_0 = arith.constant 0 : i32
    return %c0_i32, %arg0 : i32, i32
  }
  func.func @transform_2(%arg0: i32) -> (i32, i32) {
    %c0_i32 = arith.constant 0 : i32
    %c0_i32_0 = arith.constant 0 : i32
    return %c0_i32, %arg0 : i32, i32
  }
  func.func @transform_3(%arg0: i32) -> (i32, i32) {
    %c0_i32 = arith.constant 0 : i32
    %c0_i32_0 = arith.constant 0 : i32
    return %c0_i32, %arg0 : i32, i32
  }
}

module attributes {stable_mosaic.version = 14 : i64} {
  func.func @_tc2_body(%arg0: i32, %arg1: memref<2x4x6272xf32, #tpu.memory_space<vmem>>, %arg2: memref<4x6272xf32, #tpu.memory_space<vmem>>, %arg3: memref<1x6272xf32, #tpu.memory_space<vmem>>, %arg4: memref<16x3xf32, #tpu.memory_space<vmem>>, %arg5: memref<16x1xf32, #tpu.memory_space<vmem>>, %arg6: memref<8x16xf32, #tpu.memory_space<vmem>>, %arg7: memref<8x6272xf32, #tpu.memory_space<vmem>>) attributes {dimension_semantics = [#tpu.dimension_semantics<arbitrary>], iteration_bounds = array<i64: 16>, scalar_prefetch = 0 : i64, scratch_operands = 0 : i64, tpu.core_type = #tpu.core_type<tc>, window_params = [{transform_indices = @transform_0, window_bounds = array<i64: 2, 4, 6272>}, {transform_indices = @transform_1, window_bounds = array<i64: 4, 6272>}, {transform_indices = @transform_2, window_bounds = array<i64: 1, 6272>}, {pipeline_mode = #tpu.pipeline_mode<synchronous>, transform_indices = @transform_3, window_bounds = array<i64: 16, 3>}, {pipeline_mode = #tpu.pipeline_mode<synchronous>, transform_indices = @transform_4, window_bounds = array<i64: 16, 1>}, {pipeline_mode = #tpu.pipeline_mode<synchronous>, transform_indices = @transform_5, window_bounds = array<i64: 8, 16>}, {transform_indices = @transform_6, window_bounds = array<i64: 8, 6272>}]} {
    %get3A = arith.constant 0 : index
    %get3A_0 = arith.constant 0 : index
    %get3A_1 = vector.load %arg3[%get3A, %get3A_0] : memref<1x6272xf32, #tpu.memory_space<vmem>>, vector<1x6272xf32>
    %get3A_2 = arith.constant 0 : index
    %get3A_3 = arith.constant 0 : index
    %get3A_4 = arith.constant 0 : index
    %get3A_5 = vector.load %arg1[%get3A_2, %get3A_3, %get3A_4] : memref<2x4x6272xf32, #tpu.memory_space<vmem>>, vector<1x4x6272xf32>
    %get3A_6 = vector.shape_cast %get3A_5 : vector<1x4x6272xf32> to vector<4x6272xf32>
    %slice3A = vector.extract_strided_slice %get3A_6 {offsets = [0, 0], sizes = [3, 6272], strides = [1, 1]} : vector<4x6272xf32> to vector<3x6272xf32>
    %get3A_7 = arith.constant 1 : index
    %get3A_8 = arith.constant 0 : index
    %get3A_9 = arith.constant 0 : index
    %get3A_10 = vector.load %arg1[%get3A_7, %get3A_8, %get3A_9] : memref<2x4x6272xf32, #tpu.memory_space<vmem>>, vector<1x4x6272xf32>
    %get3A_11 = vector.shape_cast %get3A_10 : vector<1x4x6272xf32> to vector<4x6272xf32>
    %slice3A_12 = vector.extract_strided_slice %get3A_11 {offsets = [0, 0], sizes = [3, 6272], strides = [1, 1]} : vector<4x6272xf32> to vector<3x6272xf32>
    %add3A = arith.addf %slice3A, %slice3A_12 : vector<3x6272xf32>
    %get3A_13 = arith.constant 0 : index
    %get3A_14 = arith.constant 0 : index
    %get3A_15 = vector.load %arg2[%get3A_13, %get3A_14] : memref<4x6272xf32, #tpu.memory_space<vmem>>, vector<4x6272xf32>
    %slice3A_16 = vector.extract_strided_slice %get3A_15 {offsets = [0, 0], sizes = [3, 6272], strides = [1, 1]} : vector<4x6272xf32> to vector<3x6272xf32>
    %add3A_17 = arith.addf %add3A, %slice3A_16 : vector<3x6272xf32>
    %mul3A = vector.broadcast %get3A_1 : vector<1x6272xf32> to vector<3x6272xf32>
    %mul3A_18 = arith.mulf %add3A_17, %mul3A : vector<3x6272xf32>
    %get3A_19 = arith.constant 0 : index
    %get3A_20 = arith.constant 0 : index
    %get3A_21 = vector.load %arg4[%get3A_19, %get3A_20] : memref<16x3xf32, #tpu.memory_space<vmem>>, vector<16x3xf32>
    %dot_general3A = arith.constant dense<0.000000e+00> : vector<16x6272xf32>
    %dot_general3A_22 = tpu.matmul %get3A_21, %mul3A_18, %dot_general3A {dimension_numbers = #tpu.dot_dimension_numbers<[1], [0], [0], [1], [0, 0, 1, 1], [], []>, transpose_lhs_hint = false} : vector<16x3xf32>, vector<3x6272xf32>, vector<16x6272xf32> -> vector<16x6272xf32>
    %get3A_23 = arith.constant 0 : index
    %get3A_24 = arith.constant 0 : index
    %get3A_25 = vector.load %arg5[%get3A_23, %get3A_24] : memref<16x1xf32, #tpu.memory_space<vmem>>, vector<16x1xf32>
    %add3A_26 = vector.broadcast %get3A_25 : vector<16x1xf32> to vector<16x6272xf32>
    %add3A_27 = arith.addf %dot_general3A_22, %add3A_26 : vector<16x6272xf32>
    %max3A = arith.constant 0.000000e+00 : f32
    %max3A_28 = vector.broadcast %max3A : f32 to vector<16x6272xf32>
    %max3A_29 = arith.maximumf %add3A_27, %max3A_28 : vector<16x6272xf32>
    %get3A_30 = arith.constant 0 : index
    %get3A_31 = arith.constant 0 : index
    %get3A_32 = vector.load %arg6[%get3A_30, %get3A_31] : memref<8x16xf32, #tpu.memory_space<vmem>>, vector<8x16xf32>
    %dot_general3A_33 = arith.constant dense<0.000000e+00> : vector<8x6272xf32>
    %dot_general3A_34 = tpu.matmul %get3A_32, %max3A_29, %dot_general3A_33 {dimension_numbers = #tpu.dot_dimension_numbers<[1], [0], [0], [1], [0, 0, 1, 1], [], []>, transpose_lhs_hint = false} : vector<8x16xf32>, vector<16x6272xf32>, vector<8x6272xf32> -> vector<8x6272xf32>
    %mul3A_35 = vector.broadcast %get3A_1 : vector<1x6272xf32> to vector<8x6272xf32>
    %mul3A_36 = arith.mulf %dot_general3A_34, %mul3A_35 : vector<8x6272xf32>
    %swap3A = arith.constant 0 : index
    %swap3A_37 = arith.constant 0 : index
    %swap3A_38 = vector.load %arg7[%swap3A, %swap3A_37] : memref<8x6272xf32, #tpu.memory_space<vmem>>, vector<8x6272xf32>
    tpu.vector_store %arg7[%swap3A, %swap3A_37], %mul3A_36 {strides = array<i32>} : memref<8x6272xf32, #tpu.memory_space<vmem>>, vector<8x6272xf32>,
    return
  }
  func.func @transform_0(%arg0: i32) -> (i32, i32, i32) {
    %c0_i32 = arith.constant 0 : i32
    %c0_i32_0 = arith.constant 0 : i32
    %c0_i32_1 = arith.constant 0 : i32
    return %c0_i32, %c0_i32_0, %arg0 : i32, i32, i32
  }
  func.func @transform_1(%arg0: i32) -> (i32, i32) {
    %c0_i32 = arith.constant 0 : i32
    %c0_i32_0 = arith.constant 0 : i32
    return %c0_i32, %arg0 : i32, i32
  }
  func.func @transform_2(%arg0: i32) -> (i32, i32) {
    %c0_i32 = arith.constant 0 : i32
    %c0_i32_0 = arith.constant 0 : i32
    return %c0_i32, %arg0 : i32, i32
  }
  func.func @transform_3(%arg0: i32) -> (i32, i32) {
    %c0_i32 = arith.constant 0 : i32
    %c0_i32_0 = arith.constant 0 : i32
    %c0_i32_1 = arith.constant 0 : i32
    return %c0_i32, %c0_i32_0 : i32, i32
  }
  func.func @transform_4(%arg0: i32) -> (i32, i32) {
    %c0_i32 = arith.constant 0 : i32
    %c0_i32_0 = arith.constant 0 : i32
    %c0_i32_1 = arith.constant 0 : i32
    return %c0_i32, %c0_i32_0 : i32, i32
  }
  func.func @transform_5(%arg0: i32) -> (i32, i32) {
    %c0_i32 = arith.constant 0 : i32
    %c0_i32_0 = arith.constant 0 : i32
    %c0_i32_1 = arith.constant 0 : i32
    return %c0_i32, %c0_i32_0 : i32, i32
  }
  func.func @transform_6(%arg0: i32) -> (i32, i32) {
    %c0_i32 = arith.constant 0 : i32
    %c0_i32_0 = arith.constant 0 : i32
    return %c0_i32, %arg0 : i32, i32
  }
}

module attributes {stable_mosaic.version = 14 : i64} {
  func.func @_tc3_body(%arg0: i32, %arg1: memref<2x8x6272xf32, #tpu.memory_space<vmem>>, %arg2: memref<8x6272xf32, #tpu.memory_space<vmem>>, %arg3: memref<1x6272xf32, #tpu.memory_space<vmem>>, %arg4: memref<7x1xf32, #tpu.memory_space<vmem>>, %arg5: memref<6272x7xf32, #tpu.memory_space<vmem>>) attributes {dimension_semantics = [#tpu.dimension_semantics<arbitrary>], iteration_bounds = array<i64: 16>, scalar_prefetch = 0 : i64, scratch_operands = 0 : i64, tpu.core_type = #tpu.core_type<tc>, window_params = [{transform_indices = @transform_0, window_bounds = array<i64: 2, 8, 6272>}, {transform_indices = @transform_1, window_bounds = array<i64: 8, 6272>}, {transform_indices = @transform_2, window_bounds = array<i64: 1, 6272>}, {pipeline_mode = #tpu.pipeline_mode<synchronous>, transform_indices = @transform_3, window_bounds = array<i64: 7, 1>}, {transform_indices = @transform_4, window_bounds = array<i64: 6272, 7>}]} {
    %get3A = arith.constant 0 : index
    %get3A_0 = arith.constant 0 : index
    %get3A_1 = arith.constant 0 : index
    %get3A_2 = vector.load %arg1[%get3A, %get3A_0, %get3A_1] : memref<2x8x6272xf32, #tpu.memory_space<vmem>>, vector<1x8x6272xf32>
    %get3A_3 = vector.shape_cast %get3A_2 : vector<1x8x6272xf32> to vector<8x6272xf32>
    %slice3A = vector.extract_strided_slice %get3A_3 {offsets = [0, 0], sizes = [7, 6272], strides = [1, 1]} : vector<8x6272xf32> to vector<7x6272xf32>
    %get3A_4 = arith.constant 1 : index
    %get3A_5 = arith.constant 0 : index
    %get3A_6 = arith.constant 0 : index
    %get3A_7 = vector.load %arg1[%get3A_4, %get3A_5, %get3A_6] : memref<2x8x6272xf32, #tpu.memory_space<vmem>>, vector<1x8x6272xf32>
    %get3A_8 = vector.shape_cast %get3A_7 : vector<1x8x6272xf32> to vector<8x6272xf32>
    %slice3A_9 = vector.extract_strided_slice %get3A_8 {offsets = [0, 0], sizes = [7, 6272], strides = [1, 1]} : vector<8x6272xf32> to vector<7x6272xf32>
    %add3A = arith.addf %slice3A, %slice3A_9 : vector<7x6272xf32>
    %get3A_10 = arith.constant 0 : index
    %get3A_11 = arith.constant 0 : index
    %get3A_12 = vector.load %arg2[%get3A_10, %get3A_11] : memref<8x6272xf32, #tpu.memory_space<vmem>>, vector<8x6272xf32>
    %slice3A_13 = vector.extract_strided_slice %get3A_12 {offsets = [0, 0], sizes = [7, 6272], strides = [1, 1]} : vector<8x6272xf32> to vector<7x6272xf32>
    %add3A_14 = arith.addf %add3A, %slice3A_13 : vector<7x6272xf32>
    %get3A_15 = arith.constant 0 : index
    %get3A_16 = arith.constant 0 : index
    %get3A_17 = vector.load %arg3[%get3A_15, %get3A_16] : memref<1x6272xf32, #tpu.memory_space<vmem>>, vector<1x6272xf32>
    %mul3A = vector.broadcast %get3A_17 : vector<1x6272xf32> to vector<7x6272xf32>
    %mul3A_18 = arith.mulf %add3A_14, %mul3A : vector<7x6272xf32>
    %get3A_19 = arith.constant 0 : index
    %get3A_20 = arith.constant 0 : index
    %get3A_21 = vector.load %arg4[%get3A_19, %get3A_20] : memref<7x1xf32, #tpu.memory_space<vmem>>, vector<7x1xf32>
    %add3A_22 = vector.broadcast %get3A_21 : vector<7x1xf32> to vector<7x6272xf32>
    %add3A_23 = arith.addf %mul3A_18, %add3A_22 : vector<7x6272xf32>
    %reduce_max3A = arith.constant dense<0xFF800000> : vector<6272xf32>
    %reduce_max3A_24 = vector.multi_reduction <maximumf>, %add3A_23, %reduce_max3A [0] : vector<7x6272xf32> to vector<6272xf32>
    %broadcast_in_dim3A = vector.shape_cast %reduce_max3A_24 : vector<6272xf32> to vector<1x6272xf32>
    %sub3A = vector.broadcast %broadcast_in_dim3A : vector<1x6272xf32> to vector<7x6272xf32>
    %sub3A_25 = arith.subf %add3A_23, %sub3A : vector<7x6272xf32>
    %exp3A = math.exp %sub3A_25 : vector<7x6272xf32>
    %sub3A_26 = vector.broadcast %broadcast_in_dim3A : vector<1x6272xf32> to vector<7x6272xf32>
    %sub3A_27 = arith.subf %add3A_23, %sub3A_26 : vector<7x6272xf32>
    %reduce_sum3A = arith.constant dense<0.000000e+00> : vector<6272xf32>
    %reduce_sum3A_28 = vector.multi_reduction <add>, %exp3A, %reduce_sum3A [0] : vector<7x6272xf32> to vector<6272xf32>
    %broadcast_in_dim3A_29 = vector.shape_cast %reduce_sum3A_28 : vector<6272xf32> to vector<1x6272xf32>
    %log3A = math.log %broadcast_in_dim3A_29 : vector<1x6272xf32>
    %sub3A_30 = vector.broadcast %log3A : vector<1x6272xf32> to vector<7x6272xf32>
    %sub3A_31 = arith.subf %sub3A_27, %sub3A_30 : vector<7x6272xf32>
    %transpose3A = tpu.transpose %sub3A_31, [1, 0] : vector<7x6272xf32> -> vector<6272x7xf32>
    %swap3A = arith.constant 0 : index
    %swap3A_32 = arith.constant 0 : index
    %swap3A_33 = vector.load %arg5[%swap3A, %swap3A_32] : memref<6272x7xf32, #tpu.memory_space<vmem>>, vector<6272x7xf32>
    tpu.vector_store %arg5[%swap3A, %swap3A_32], %transpose3A {strides = array<i32>} : memref<6272x7xf32, #tpu.memory_space<vmem>>, vector<6272x7xf32>,
    return
  }
  func.func @transform_0(%arg0: i32) -> (i32, i32, i32) {
    %c0_i32 = arith.constant 0 : i32
    %c0_i32_0 = arith.constant 0 : i32
    %c0_i32_1 = arith.constant 0 : i32
    return %c0_i32, %c0_i32_0, %arg0 : i32, i32, i32
  }
  func.func @transform_1(%arg0: i32) -> (i32, i32) {
    %c0_i32 = arith.constant 0 : i32
    %c0_i32_0 = arith.constant 0 : i32
    return %c0_i32, %arg0 : i32, i32
  }
  func.func @transform_2(%arg0: i32) -> (i32, i32) {
    %c0_i32 = arith.constant 0 : i32
    %c0_i32_0 = arith.constant 0 : i32
    return %c0_i32, %arg0 : i32, i32
  }
  func.func @transform_3(%arg0: i32) -> (i32, i32) {
    %c0_i32 = arith.constant 0 : i32
    %c0_i32_0 = arith.constant 0 : i32
    %c0_i32_1 = arith.constant 0 : i32
    return %c0_i32, %c0_i32_0 : i32, i32
  }
  func.func @transform_4(%arg0: i32) -> (i32, i32) {
    %c0_i32 = arith.constant 0 : i32
    %c0_i32_0 = arith.constant 0 : i32
    return %arg0, %c0_i32 : i32, i32
  }
}

</mosaic_0001>

<sc_bundles>
// kernel: kernel.11.cloned.1.call-start
scs
__scs_entry_jumppad:
0x0: {  	(pc) =	sbr.rel $0x88, $3  }
0x1: {  	(tag) =	ssettag $0x0;
	lr =	simm.s32 $0x1  }
0x2: {  	[smem:$0x3F9B] =	sst lr;
	_ =	strace $0xD0000000  }
0x3: {  	_ = 	snop  }
0x4: {  	_ = 	snop  }
0x5: {  	_ = 	snop  }
0x6: {  	_ = 	snop  }
0x7: {  	_ = 	snop  }
__scs_overlays_trampoline_lowered:
0x8: {  	[smem:$0x3FAA] =	sst s0  }
0x9: {  	[smem:$0x3FAB] =	sst s1  }
0xa: {  	[smem:$0x3FAC] =	sst s2  }
0xb: {  	[smem:$0x3FAD] =	sst s3  }
0xc: {  	[smem:$0x3FAE] =	sst s4  }
0xd: {  	[smem:$0x3FAF] =	sst s5  }
0xe: {  	[smem:$0x3FB0] =	sst s6  }
0xf: {  	[smem:$0x3FB1] =	sst s7  }
0x10: {  	[smem:$0x3FB2] =	sst s8  }
0x11: {  	[smem:$0x3FB3] =	sst s9;
	s0 =	simm.s32 @!p0 $0x0  }
0x12: {  	s1 =	sld [smem:$0x3F99];
	s0 =	simm.s32 @p0 $0x1  }
0x13: {  	[smem:$0x3FB4] =	sst s0;
	s0 =	simm.s32 @!p1 $0x0  }
0x14: {  	s2 =	sld [smem:$0x3F98];
	s0 =	simm.s32 @p1 $0x1  }
0x15: {  	[smem:$0x3FB5] =	sst s0;
	s0 =	simm.s32 @!p2 $0x0  }
0x16: {  	s3 =	sld [smem:$0x3FDB];
	s0 =	simm.s32 @p2 $0x1  }
0x17: {  	s4 =	simm.s32 $0x1BF5;
	[smem:$0x3FB7] =	sst s0  }
0x18: {  	s0 =	sld [smem:$0x3F9A];
	_ =	swait.ge [sflag:s4], $0x0  }
0x19: {  	s7 =	sld [smem:$0x3F9B]  }
0x1a: {  	s8 =	sadd.s32 $0xFFFFE003, lr  }
0x1b: {  	s9 =	sadd.s32 $0xFFFFFEF7, lr;
	s5 =	simm.s32 $0xFFFFFFFF;
	p2 =	slt.u32 s8, $0xFFFFF086  }
0x1c: {  	p1 =	slt.u32 s9, $0xF7A;
	s5 =	simm.s32 @!p2 $0x0  }
0x1d: {  	s5 =	simm.s32 @p1 $0x1;
	p0 =	seq.s32 s7, s2  }
0x1e: {  	s7 =	smul.u32 @!p0 $0xF7A, s2;
	p2 =	seq.s32 @!p0 s5, $0x0  }
0x1f: {  	s9 =	smul.u32 $0xF7A, s1;
	s8 =	simm.s32 @!p0 $0x1BF5;
	p2 =	por !p2, p0  }
0x20: {  	[sflag:s8] =	ssyncset.s32 @!p0 $0xFFFFF086;
	s6 =	sadd.s32 @!p0 s3, s7;
	s7 =	simm.s32 @!p0 $0x108  }
0x21: {  	s3 =	sadd.s32 s3, s9;
	s6 =	sadd.s32 @!p0 $0x88, s6;
	s7 =	simm.s32 @p2 $0x1082  }
0x22: {  	[simem:s7], [sflag:s8] =	dma.local @!p0 [hbm:s6], $0xF7A  }
0x23: {  	s9 =	sor.u32 $0xD0000000, s2;
	s6 =	simm.s32 $0x108;
	_ =	swait.ge @!p0 [sflag:s8], $0x0  }
0x24: {  	s3 =	sadd.s32 $0x88, s3;
	s6 =	simm.s32 @!p1 $0x1082;
	[sflag:s4] =	ssyncset.s32 $0xFFFFF086  }
0x25: {  	[simem:s6], [sflag:s4] =	dma.local [hbm:s3], $0xF7A  }
0x26: {  	[smem:$0x3F9B] =	sst s1;
	(tag) =	ssettag s2;
	_ =	strace s9  }
0x27: {  	s1 =	sld [smem:$0x3FAB]  }
0x28: {  	s2 =	sld [smem:$0x3FAC]  }
0x29: {  	s4 =	sld [smem:$0x3FAE]  }
0x2a: {  	p0 =	seq.s32 s5, $0x0;
	s5 =	sld [smem:$0x3FAF]  }
0x2b: {  	s6 =	sld [smem:$0x3FB0]  }
0x2c: {  	s7 =	sld [smem:$0x3FB1]  }
0x2d: {  	s3 =	simm.s32 $0x108;
	s8 =	sld [smem:$0x3FB2]  }
0x2e: {  	s3 =	simm.s32 @!p0 $0x1082;
	s9 =	sld [smem:$0x3FB3]  }
0x2f: {  	lr =	sadd.s32 s0, s3;
	s0 =	sld [smem:$0x3FAA]  }
0x30: {  	s3 =	sld [smem:$0x3FAD]  }
0x31: {  	[smem:$0x3FB6] =	sst s10  }
0x32: {  	s10 =	sld [smem:$0x3FB4];
	_ =	sdelay $0x3  }
0x33: {  	p0 =	seq.s32 s10, $0x1;
	s10 =	sld [smem:$0x3FB6];
	_ =	sdelay $0x3  }
0x34: {  	[smem:$0x3FB6] =	sst s10  }
0x35: {  	s10 =	sld [smem:$0x3FB5];
	_ =	sdelay $0x3  }
0x36: {  	p1 =	seq.s32 s10, $0x1;
	s10 =	sld [smem:$0x3FB6];
	_ =	sdelay $0x3  }
0x37: {  	[smem:$0x3FB6] =	sst s10  }
0x38: {  	s10 =	sld [smem:$0x3FB7]  }
0x39: {  	_ = 	snop;
	(pc) =	sbr.ind lr, $3  }
0x3a: {  	_ = 	snop  }
0x3b: {  	_ = 	snop  }
0x3c: {  	p2 =	seq.s32 s10, $0x1;
	s10 =	sld [smem:$0x3FB6]  }
0x3d: {  	_ =	shalt  }
0x3e: {  	_ =	shalt  }
0x3f: {  	_ =	shalt  }
0x40: {  	_ =	shalt  }
0x41: {  	_ =	shalt  }
0x42: {  	_ =	shalt  }
0x43: {  	_ =	shalt  }
0x44: {  	_ =	shalt  }
0x45: {  	_ =	shalt  }
0x46: {  	_ =	shalt  }
0x47: {  	_ =	shalt  }
0x48: {  	_ =	shalt  }
0x49: {  	_ =	shalt  }
0x4a: {  	_ =	shalt  }
0x4b: {  	_ =	shalt  }
0x4c: {  	_ =	shalt  }
0x4d: {  	_ =	shalt  }
0x4e: {  	_ =	shalt  }
0x4f: {  	_ =	shalt  }
0x50: {  	_ =	shalt  }
0x51: {  	_ =	shalt  }
0x52: {  	_ =	shalt  }
0x53: {  	_ =	shalt  }
0x54: {  	_ =	shalt  }
0x55: {  	_ =	shalt  }
0x56: {  	_ =	shalt  }
0x57: {  	_ =	shalt  }
0x58: {  	_ =	shalt  }
0x59: {  	_ =	shalt  }
0x5a: {  	_ =	shalt  }
0x5b: {  	_ =	shalt  }
0x5c: {  	_ =	shalt  }
0x5d: {  	_ =	shalt  }
0x5e: {  	_ =	shalt  }
0x5f: {  	_ =	shalt  }
0x60: {  	_ =	shalt  }
0x61: {  	_ =	shalt  }
0x62: {  	_ =	shalt  }
0x63: {  	_ =	shalt  }
0x64: {  	_ =	shalt  }
0x65: {  	_ =	shalt  }
0x66: {  	_ =	shalt  }
0x67: {  	_ =	shalt  }
0x68: {  	_ =	shalt  }
0x69: {  	_ =	shalt  }
0x6a: {  	_ =	shalt  }
0x6b: {  	_ =	shalt  }
0x6c: {  	_ =	shalt  }
0x6d: {  	_ =	shalt  }
0x6e: {  	_ =	shalt  }
0x6f: {  	_ =	shalt  }
0x70: {  	_ =	shalt  }
0x71: {  	_ =	shalt  }
0x72: {  	_ =	shalt  }
0x73: {  	_ =	shalt  }
0x74: {  	_ =	shalt  }
0x75: {  	_ =	shalt  }
0x76: {  	_ =	shalt  }
0x77: {  	_ =	shalt  }
0x78: {  	_ =	shalt  }
0x79: {  	_ =	shalt  }
0x7a: {  	_ =	shalt  }
0x7b: {  	_ =	shalt  }
0x7c: {  	_ =	shalt  }
0x7d: {  	_ =	shalt  }
0x7e: {  	_ =	shalt  }
0x7f: {  	_ =	shalt  }
0x80: {  	_ =	shalt  }
0x81: {  	_ =	shalt  }
0x82: {  	_ =	shalt  }
0x83: {  	_ =	shalt  }
0x84: {  	_ =	shalt  }
0x85: {  	_ =	shalt  }
0x86: {  	_ =	shalt  }
0x87: {  	_ =	shalt  }
.Lfunc_end0:
.L_simem_size_0:
called_computation.1_lowered:
.L_overlay_start_0:
0x88: {  	s2 =	sld [smem:$0x3FD9]  }
0x89: {  	s3 =	sld [smem:$0x3FFE];
	_ =	sdelay $0x1  }
0x8a: {  	s1 =	srdreg.scid  }
0x8b: {  	s0 =	sand.u32 $0x1, s1  }
0x8c: {  	s17 =	sshll.u32 s0, $0xA;
	s2 =	sadd.s32 s3, s2  }
0x8d: {  	s2 =	sadd.s32 s2, s17  }
0x8e: {  	[smem:$0x3FC2] =	sst s2  }
0x8f: {  	_ = 	snop  }
0x90: {  	s2 =	sld [smem:$0x3FD0];
	(tm) =	ssettm $0x1  }
0x91: {  	s18 =	sld [smem:$0x3FFB];
	_ =	sdelay $0x3  }
0x92: {  	_ =	strace s18  }
0x93: {  	s3 =	sld [smem:$0x3FFC];
	_ =	sdelay $0x3  }
0x94: {  	_ =	strace s3  }
0x95: {  	s3 =	sld [smem:$0x3FFD];
	_ =	sdelay $0x3  }
0x96: {  	_ =	strace s3  }
0x97: {  	_ =	strace $0x8FFFFFFF  }
0x98: {  	s19 =	sld [smem:$0x3FDB];
	_ =	sdelay $0x1  }
0x99: {  	s4 =	simm.s32 $_scs_section_size  }
0x9a: {  	s5 =	simm.s32 $_size__tile_overlayer_lowered;
	s6 =	simm.s32 $_tile_overlayer_lowered  }
0x9b: {  	s22 =	simm.s32 $0x1BFF;
	s21 =	sshll.u32 s6, $0x1;
	s3 =	sadd.s32 s4, s19  }
0x9c: {  	s7 =	simm.s32 $0x0;
	s20 =	sshll.u32 s5, $0x1;
	s5 =	sadd.s32 s21, s3  }
0x9d: {  	[timem:s7], [sflag:s22] =	dma.local [hbm:s5], s20  }
0x9e: {  	_ =	swait.ge [sflag:s22], s20  }
0x9f: {  	s4 =	ssub.s32 $0x0, s20;
	[sflag:s22] =	ssyncset.done $0x0  }
0xa0: {  	[sflag:s22] =	ssyncadd.s32 s4;
	_ =	sdelay $0x1  }
0xa1: {  	s23 =	simm.s32 $0x1B8B  }
0xa2: {  	_ =	swait.ge [sflag:s23], $0x1  }
0xa3: {  	[sflag:s23] =	ssyncset.done $0x0  }
0xa4: {  	s25 =	simm.s32 $0x1B8E;
	s24 =	sld [smem:$0x3FFE];
	[sflag:s23] =	ssyncadd.s32 $0xFFFFFFFF  }
0xa5: {  	s26 =	simm.s32 $execute0_lowered;
	[smem:$0x3FD2] =	sst s25  }
0xa6: {  	s5 =	sshll.u32 s26, $0x1;
	_ =	strace $0x80000049;
	[dreg:$0x1] =	wrdreg $0xFFFFFFFF  }
0xa7: {  	s28 =	simm.s32 $_size_execute0_lowered;
	s3 =	sadd.s32 s3, s5;
	[dreg:$0x0] =	wrdreg $0x0  }
0xa8: {  	s5 =	sshll.u32 s28, $0x1;
	[dreg:$0x2] =	wrdreg s3  }
0xa9: {  	[dreg:$0x3] =	wrdreg s5  }
0xaa: {  	[dreg:$0x4] =	wrdreg $0xC0  }
0xab: {  	_ =	task [dreg:s7], $0x5FFFF  }
0xac: {  	[dreg:$0x1] =	wrdreg $0xFFFFFFFF  }
0xad: {  	[dreg:$0x0] =	wrdreg $0x60  }
0xae: {  	[dreg:$0x2] =	wrdreg s24  }
0xaf: {  	[dreg:$0x3] =	wrdreg s2  }
0xb0: {  	[dreg:$0x4] =	wrdreg $0x0  }
0xb1: {  	[dreg:$0x5] =	wrdreg $0x49800  }
0xb2: {  	[dreg:$0x6] =	wrdreg $0x18800  }
0xb3: {  	[dreg:$0x7] =	wrdreg $0x62000  }
0xb4: {  	[dreg:$0x8] =	wrdreg $0x31000  }
0xb5: {  	[dreg:$0x9] =	wrdreg $0x7A800  }
0xb6: {  	[dreg:$0xa] =	wrdreg $0x9  }
0xb7: {  	_ =	task.clear_ibuf [dreg:s7], $0xBFFFF;
	_ =	strace $0x90000049  }
0xb8: {  	s29 =	simm.s32 $0x9;
	_ =	strace $0x8000004B  }
0xb9: {  	_ =	swait.ge [sflag:s29], $0x1  }
0xba: {  	[sflag:s29] =	ssyncadd.s32 $0xFFFFFFFF  }
0xbb: {  	_ =	strace $0x9000004B  }
0xbc: {  	_ =	sfence  }
0xbd: {  	s30 =	sld [smem:$0x0];
	_ =	sdelay $0x2  }
0xbe: {  	s31 =	sshll.u32 s1, $0xD;
	s1 =	sshrl.u32 s1, $0x2  }
0xbf: {  	s3 =	sand.u32 $0x4000, s31;
	s1 =	sadd.s32 s1, s30  }
0xc0: {  	s0 =	sor.u32 s3, s0;
	s1 =	sshll.u32 s1, $0x11  }
0xc1: {  	s0 =	sor.u32 s1, s0  }
0xc2: {  	s0 =	sadd.s32 $0x8F2B, s0  }
0xc3: {  	[sflag:s0] =	ssyncadd.remote.s32 $0x1  }
0xc4: {  	_ =	sfence.sel $0xFFFF  }
0xc5: {  	[dreg:$0x0] =	wrdreg $0xFFFFFFFF;
	(pc) =	sbr.abs _section_cstart, $3  }
0xc6: {  	[dreg:$0x1] =	wrdreg $0xFFFFFFFF  }
0xc7: {  	_ =	task.clear_ibuf [dreg:s7], $0x2FFFF;
	_ =	strace $0x9FFFFFFF  }
0xc8: {  	(tm) =	ssettm $0x7FFFFFFF  }
0xc9: {  	_ =	shalt  }
tec
execute0_lowered:
.L_overlay_start_1:
0x0: {  	(tag) =	ssettag $0x1  }
0x1: {  	s1 =	rddreg [dreg:$0x0]  }
0x2: {  	s5 =	rddreg [dreg:$0x1]  }
0x3: {  	s2 =	rddreg [dreg:$0x2]  }
0x4: {  	s3 =	rddreg [dreg:$0x3]  }
0x5: {  	s4 =	rddreg [dreg:$0x4]  }
0x6: {  	s6 =	rddreg [dreg:$0x5]  }
0x7: {  	s7 =	rddreg [dreg:$0x6]  }
0x8: {  	s17 =	stileid.u32;
	s8 =	srdreg.scid  }
0x9: {  	s19 =	rddreg [dreg:$0x7];
	s0 =	simm.s32 $0x0;
	s29 =	simm.s32 $0x40  }
0xa: {  	s30 =	simm.s32 $0xD;
	s28 =	simm.s32 $0x9;
	s10 =	smul.u32 $0x6200, s17  }
0xb: {  	s31 =	simm.s32 $0xAB00;
	s9 =	sand.u32 $0x1, s8;
	s12 =	smul.u32 $0x1880, s17  }
0xc: {  	[smem:$0x7FF] =	sst s0;
	s18 =	sadd.s32 $0x18A000, s1;
	s26 =	smul.u32 $0x31000, s17  }
0xd: {  	s0 =	sadd.s32 $0xC6000, s1;
	s11 =	smul.u32 $0x62000, s9;
	_ =	strace $0x8000004A  }
0xe: {  	s24 =	ssub.s32 $0x2, s9;
	s15 =	sshll.u32 s9, $0x4;
	s9 =	smul.u32 $0x310000, s9  }
0xf: {  	s13 =	sshrl.u32 s12, $0x3;
	s14 =	sshrl.u32 s24, $0x1;
	s25 =	sor.u32 s17, s15  }
0x10: {  	s17 =	sshll.u32 s17, $0x6;
	s23 =	sadd.s32 s12, s6;
	s11 =	sadd.s32 s10, s11  }
0x11: {  	s13 =	sadd.s32 s13, s1;
	s10 =	sshrl.u32 s10, $0x3;
	s20 =	sor.u32 $0x1C0D, s17  }
0x12: {  	s17 =	sadd.s32 s12, s3;
	[dreg:$0x13] =	wrdreg s23;
	s11 =	sshrl.u32 s11, $0x3  }
0x13: {  	s8 =	sadd.s32 s5, s10;
	s5 =	sadd.s32 s26, s9;
	[dreg:$0x11] =	wrdreg s17  }
0x14: {  	s21 =	sadd.s32 $0x2A00, s13;
	[dreg:$0x10] =	wrdreg s20;
	s1 =	sadd.s32 s11, s1  }
0x15: {  	s11 =	ssub.s32 s24, s14;
	[dreg:$0x12] =	wrdreg s21;
	s22 =	sadd.s32 $0x1400, s5  }
0x16: {  	s24 =	smul.u32 $0x31000, s25;
	s17 =	sor.u32 $0x800, s5;
	[dreg:$0xf] =	wrdreg s8  }
0x17: {  	s9 =	sshrl.u32 s22, $0x3;
	s22 =	sshrl.u32 s17, $0x3;
	s17 =	sadd.s32 $0x5C00, s1  }
0x18: {  	s15 =	sor.u32 $0xC00, s5;
	s25 =	sadd.s32 s9, s0;
	[dreg:$0x19] =	wrdreg s17  }
0x19: {  	s26 =	sshrl.u32 s15, $0x3;
	s9 =	sadd.s32 s9, s18;
	[dreg:$0x9] =	wrdreg s25  }
0x1a: {  	s16 =	sadd.s32 s12, s2;
	s15 =	sadd.s32 s26, s0;
	[dreg:$0xa] =	wrdreg s9  }
0x1b: {  	s10 =	sadd.s32 s12, s4;
	s21 =	sadd.s32 s26, s18;
	[dreg:$0xb] =	wrdreg s15  }
0x1c: {  	s23 =	sadd.s32 s22, s0;
	s13 =	sshrl.u32 s24, $0x3;
	[dreg:$0xc] =	wrdreg s21  }
0x1d: {  	s24 =	sadd.s32 s22, s18;
	s22 =	sshrl.u32 s16, $0x3;
	[dreg:$0xd] =	wrdreg s23  }
0x1e: {  	s17 =	simm.s32 $0xC;
	s15 =	sadd.s32 s12, s7;
	[dreg:$0xe] =	wrdreg s24  }
0x1f: {  	s12 =	sadd.s32 s12, s19;
	s25 =	sor.u32 $0x80, s13;
	[dreg:$0x1e] =	wrdreg s22  }
0x20: {  	s9 =	smov.u32 s18;
	s26 =	sadd.s32 s18, s13;
	[dreg:$0x14] =	wrdreg s12  }
0x21: {  	s13 =	sadd.s32 s0, s13;
	s19 =	smax.u32 s11, $0x1;
	[dreg:$0x15] =	wrdreg s26  }
0x22: {  	s21 =	sadd.s32 $0x1000, s5;
	s5 =	smov.u32 s0;
	[dreg:$0x16] =	wrdreg s13  }
0x23: {  	s23 =	sshrl.u32 s10, $0x3;
	s22 =	simm.s32 $0xB300;
	[dreg:$0x1c] =	wrdreg s19  }
0x24: {  	s11 =	simm.s32 $0xB700;
	s10 =	simm.s32 $0xB;
	[dreg:$0x1d] =	wrdreg s21  }
0x25: {  	s14 =	sadd.s32 s18, s25;
	s12 =	sadd.s32 s0, s25;
	[dreg:$0x1f] =	wrdreg s23  }
0x26: {  	s18 =	sadd.s32 $0x5C10, s1;
	s1 =	sadd.s32 $0x5C20, s1;
	[dreg:$0x17] =	wrdreg s14  }
0x27: {  	s0 =	smov.u32 s3;
	s3 =	smov.u32 s6;
	[dreg:$0x18] =	wrdreg s12  }
0x28: {  	s24 =	sshrl.u32 s15, $0x3;
	s15 =	simm.s32 $0x0;
	[dreg:$0x1a] =	wrdreg s18  }
0x29: {  	s25 =	sadd.s32 $0x10, s8;
	s26 =	sadd.s32 $0x20, s8;
	[dreg:$0x1b] =	wrdreg s1  }
0x2a: {  	s19 =	simm.s32 $0x10;
	s21 =	simm.s32 $0x400;
	[smem:$0x7FB] =	sst s24  }
0x2b: {  	s23 =	simm.s32 $0xBB00;
	s13 =	simm.s32 $0x9F00;
	[smem:$0x7FC] =	sst s25  }
0x2c: {  	[smem:$0x7FD] =	sst s26;
	s24 =	simm.s32 $0x9B00;
	s26 =	simm.s32 $0xAB00  }
0x2d: {  	s25 =	simm.s32 $0xC300;
	s12 =	simm.s32 $0xA;
	s1 =	simm.s32 $0x0  }
.LBB2_1:
0x2e: {  	[smem:$0x7F7] =	sst s1  }
0x2f: {  	s6 =	rddreg [dreg:$0xf]  }
0x30: {  	s8 =	rddreg [dreg:$0x1e];
	s18 =	simm.s32 $0x1  }
0x31: {  	[spmem:s8@s19], [sflag:s20] =	dma.strided [hbm:s6@s29], $0x310, s18, $0x10   }
0x32: {  	_ =	swait.ge [sflag:s30], $0x310  }
0x33: {  	s1 =	rddreg [dreg:$0x11]  }
0x34: {  	[sflag:s30] =	ssyncset.done $0x0;
	s6 =	rddreg [dreg:$0x12];
	s8 =	sshrl.u32 s1, $0x3  }
0x35: {  	[sflag:s30] =	ssyncadd.s32 $0xFFFFFCF0;
	[smem:$0x7F8] =	sst s8  }
0x36: {  	[spmem:s8], [sflag:s20] =	dma.local [hbm:s6], $0x310  }
0x37: {  	_ =	swait.ge [sflag:s30], $0x310  }
0x38: {  	s16 =	sld [smem:$0x7FC]  }
0x39: {  	[sflag:s30] =	ssyncset.done $0x0  }
0x3a: {  	s14 =	rddreg [dreg:$0x1f];
	[sflag:s30] =	ssyncadd.s32 $0xFFFFFCF0  }
0x3b: {  	[spmem:s14@s19], [sflag:s20] =	dma.strided [hbm:s16@s29], $0x310, s18, $0x10   }
0x3c: {  	_ =	swait.ge [sflag:s30], $0x310  }
0x3d: {  	s1 =	rddreg [dreg:$0x13]  }
0x3e: {  	[sflag:s30] =	ssyncset.done $0x0;
	s14 =	sshrl.u32 s1, $0x3  }
0x3f: {  	[sflag:s30] =	ssyncadd.s32 $0xFFFFFCF0;
	[smem:$0x7F9] =	sst s14  }
0x40: {  	[spmem:s14], [sflag:s20] =	dma.local [hbm:s6], $0x310  }
0x41: {  	_ =	swait.ge [sflag:s30], $0x310  }
0x42: {  	s16 =	sld [smem:$0x7FB]  }
0x43: {  	s1 =	sld [smem:$0x7FD]  }
0x44: {  	[sflag:s30] =	ssyncset.done $0x0  }
0x45: {  	[sflag:s30] =	ssyncadd.s32 $0xFFFFFCF0  }
0x46: {  	[spmem:s16@s19], [sflag:s20] =	dma.strided [hbm:s1@s29], $0x310, s18, $0x10   }
0x47: {  	_ =	swait.ge [sflag:s30], $0x310  }
0x48: {  	s14 =	rddreg [dreg:$0x14]  }
0x49: {  	[sflag:s30] =	ssyncset.done $0x0;
	s19 =	sshrl.u32 s14, $0x3  }
0x4a: {  	[sflag:s30] =	ssyncadd.s32 $0xFFFFFCF0;
	[smem:$0x7FA] =	sst s19  }
0x4b: {  	[spmem:s19], [sflag:s20] =	dma.local [hbm:s6], $0x310  }
0x4c: {  	_ =	swait.ge [sflag:s30], $0x310  }
0x4d: {  	[sflag:s30] =	ssyncset.done $0x0  }
0x4e: {  	[sflag:s30] =	ssyncadd.s32 $0xFFFFFCF0  }
0x4f: {  	[bflag:$0x0] =	sbarrier.arrive $0xFFFF  }
0x50: {  	s1 =	simm.s32 $0x9300;
	s20 =	rddreg [dreg:$0x15]  }
0x51: {  	[tilespmem:s1], [sflag:$0x1] =	stream.linear.gather [hbm4b:s20+s15], $0x400, $0x38;
	[tilespmem:$0xCB00] =	vst v63  }
0x52: {  	s8 =	simm.s32 $0xA300;
	s29 =	rddreg [dreg:$0x16]  }
0x53: {  	[tilespmem:s8], [sflag:$0x5] =	stream.linear.gather [hbm4b:s29+s15], $0x400, $0x38;
	[tilespmem:$0xCB00] =	vst v63  }
0x54: {  	s14 =	simm.s32 $0x9700;
	s30 =	rddreg [dreg:$0x17]  }
0x55: {  	[tilespmem:s14], [sflag:$0x2] =	stream.linear.gather [hbm4b:s30+s15], $0x400, $0x38;
	[tilespmem:$0xCB00] =	vst v63  }
0x56: {  	s19 =	rddreg [dreg:$0x18];
	s20 =	simm.s32 $0xA700  }
0x57: {  	[tilespmem:s20], [sflag:$0x6] =	stream.linear.gather [hbm4b:s19+s15], $0x400, $0x38;
	[tilespmem:$0xCB00] =	vst v63  }
0x58: {  	_ =	swait.ge [sflag:s18], $0x400  }
0x59: {  	[sflag:s18] =	ssyncset.done $0x0  }
0x5a: {  	s29 =	simm.s32 $0x5;
	[sflag:s18] =	ssyncadd.s32 $0xFFFFFC00  }
0x5b: {  	_ =	swait.ge [sflag:s29], $0x400  }
0x5c: {  	p0 =	por $0x1, $0x1;
	[sflag:s29] =	ssyncset.done $0x0  }
0x5d: {  	s18 =	simm.s32 @!p0 $0xB;
	[sflag:s29] =	ssyncadd.s32 $0xFFFFFC00  }
0x5e: {  	_ =	swait.ge @!p0 [sflag:s18], $0x400  }
0x5f: {  	[sflag:s18] =	ssyncset.done @!p0 $0x0  }
0x60: {  	[sflag:s18] =	ssyncadd.s32 @!p0 $0xFFFFFC00  }
0x61: {  	_ =	swait.ge @!p0 [sflag:s18], $0x400  }
0x62: {  	[sflag:s18] =	ssyncset.done @!p0 $0x0  }
0x63: {  	[sflag:s18] =	ssyncadd.s32 @!p0 $0xFFFFFC00  }
0x64: {  	_ =	swait.ge @!p0 [sflag:s18], $0x400  }
0x65: {  	[sflag:s18] =	ssyncset.done @!p0 $0x0  }
0x66: {  	[sflag:s18] =	ssyncadd.s32 @!p0 $0xFFFFFC00  }
0x67: {  	[tilespmem:s22], [sflag:$0x9] =	stream.indirect.gather [spmem:s2], $0x1, s1, s21, $0xb8;
	[tilespmem:$0xCB00] =	vst v63  }
0x68: {  	_ = 	snop  }
0x69: {  	[tilespmem:s11], [sflag:$0x9] =	stream.indirect.gather [spmem:s4], $0x1, s1, s21, $0xb8;
	[tilespmem:$0xCB00] =	vst v63  }
0x6a: {  	s30 =	rddreg [dreg:$0xe]  }
0x6b: {  	[tilespmem:s23], [sflag:$0x9] =	stream.indirect.gather [spmem:s7], $0x1, s1, s21, $0xb8;
	[tilespmem:$0xCB00] =	vst v63  }
0x6c: {  	s6 =	rddreg [dreg:$0xd];
	s18 =	sadd.s32 $0x0, s30  }
0x6d: {  	[tilespmem:s24], [sflag:$0x3] =	stream.linear.gather [hbm4b:s18+s15], $0x400, $0x38;
	[tilespmem:$0xCB00] =	vst v63  }
0x6e: {  	s24 =	sadd.s32 $0x0, s6  }
0x6f: {  	[tilespmem:s26], [sflag:$0x7] =	stream.linear.gather [hbm4b:s24+s15], $0x400, $0x38;
	[tilespmem:$0xCB00] =	vst v63  }
0x70: {  	_ =	swait.ge [sflag:s28], $0x400  }
0x71: {  	[sflag:s28] =	ssyncset.done $0x0  }
0x72: {  	[sflag:s28] =	ssyncadd.s32 $0xFFFFFC00  }
0x73: {  	_ =	swait.ge [sflag:s28], $0x400  }
0x74: {  	[sflag:s28] =	ssyncset.done $0x0  }
0x75: {  	[sflag:s28] =	ssyncadd.s32 $0xFFFFFC00  }
0x76: {  	_ =	swait.ge [sflag:s28], $0x400  }
0x77: {  	[sflag:s28] =	ssyncset.done $0x0  }
0x78: {  	[sflag:s28] =	ssyncadd.s32 $0xFFFFFC00  }
0x79: {  	[spmem:s0] =	stream.indirect.scatter.add.f32 [tilespmem:s22], [sflag:$0xB], $0x1, s8, s21, $0xb8;
	[tilespmem:$0xCB00] =	vst v63  }
0x7a: {  	_ = 	snop  }
0x7b: {  	[spmem:s3] =	stream.indirect.scatter.add.f32 [tilespmem:s11], [sflag:$0xB], $0x1, s8, s21, $0xb8;
	[tilespmem:$0xCB00] =	vst v63  }
0x7c: {  	s29 =	simm.s32 $0x2;
	s6 =	rddreg [dreg:$0x7]  }
0x7d: {  	[spmem:s6] =	stream.indirect.scatter.add.f32 [tilespmem:s23], [sflag:$0xB], $0x1, s8, s21, $0xb8;
	[tilespmem:$0xCB00] =	vst v63  }
0x7e: {  	_ =	swait.ge [sflag:s29], $0x400  }
0x7f: {  	[sflag:s29] =	ssyncset.done $0x0  }
0x80: {  	s30 =	simm.s32 $0x6;
	[sflag:s29] =	ssyncadd.s32 $0xFFFFFC00  }
0x81: {  	_ =	swait.ge [sflag:s30], $0x400  }
0x82: {  	[sflag:s30] =	ssyncset.done $0x0  }
0x83: {  	s18 =	simm.s32 @!p0 $0xC;
	[sflag:s30] =	ssyncadd.s32 $0xFFFFFC00  }
0x84: {  	_ =	swait.ge @!p0 [sflag:s18], $0x400  }
0x85: {  	[sflag:s18] =	ssyncset.done @!p0 $0x0  }
0x86: {  	[sflag:s18] =	ssyncadd.s32 @!p0 $0xFFFFFC00  }
0x87: {  	_ =	swait.ge @!p0 [sflag:s18], $0x400  }
0x88: {  	[sflag:s18] =	ssyncset.done @!p0 $0x0  }
0x89: {  	[sflag:s18] =	ssyncadd.s32 @!p0 $0xFFFFFC00  }
0x8a: {  	_ =	swait.ge @!p0 [sflag:s18], $0x400  }
0x8b: {  	[sflag:s18] =	ssyncset.done @!p0 $0x0  }
0x8c: {  	s16 =	simm.s32 $0xBF00;
	[sflag:s18] =	ssyncadd.s32 @!p0 $0xFFFFFC00  }
0x8d: {  	[tilespmem:s16], [sflag:$0xA] =	stream.indirect.gather [spmem:s2], $0x1, s14, s21, $0xb8;
	[tilespmem:$0xCB00] =	vst v63  }
0x8e: {  	_ = 	snop  }
0x8f: {  	[tilespmem:s25], [sflag:$0xA] =	stream.indirect.gather [spmem:s4], $0x1, s14, s21, $0xb8;
	[tilespmem:$0xCB00] =	vst v63  }
0x90: {  	s1 =	simm.s32 $0xC700;
	s8 =	rddreg [dreg:$0xc]  }
0x91: {  	[tilespmem:s1], [sflag:$0xA] =	stream.indirect.gather [spmem:s7], $0x1, s14, s21, $0xb8;
	[tilespmem:$0xCB00] =	vst v63  }
0x92: {  	s11 =	rddreg [dreg:$0xb];
	s18 =	sadd.s32 $0x0, s8  }
0x93: {  	[tilespmem:s13], [sflag:$0x4] =	stream.linear.gather [hbm4b:s18+s15], $0x400, $0x38;
	[tilespmem:$0xCB00] =	vst v63  }
0x94: {  	s22 =	simm.s32 $0xAF00;
	s19 =	sadd.s32 $0x0, s11  }
0x95: {  	[tilespmem:s22], [sflag:$0x8] =	stream.linear.gather [hbm4b:s19+s15], $0x400, $0x38;
	[tilespmem:$0xCB00] =	vst v63  }
0x96: {  	_ =	swait.ge [sflag:s12], $0x400  }
0x97: {  	[sflag:s12] =	ssyncset.done $0x0  }
0x98: {  	[sflag:s12] =	ssyncadd.s32 $0xFFFFFC00  }
0x99: {  	_ =	swait.ge [sflag:s12], $0x400  }
0x9a: {  	[sflag:s12] =	ssyncset.done $0x0  }
0x9b: {  	[sflag:s12] =	ssyncadd.s32 $0xFFFFFC00  }
0x9c: {  	_ =	swait.ge [sflag:s12], $0x400  }
0x9d: {  	[sflag:s12] =	ssyncset.done $0x0  }
0x9e: {  	[sflag:s12] =	ssyncadd.s32 $0xFFFFFC00  }
0x9f: {  	[spmem:s0] =	stream.indirect.scatter.add.f32 [tilespmem:s16], [sflag:$0xC], $0x1, s20, s21, $0xb8;
	[tilespmem:$0xCB00] =	vst v63  }
0xa0: {  	_ = 	snop  }
0xa1: {  	[spmem:s3] =	stream.indirect.scatter.add.f32 [tilespmem:s25], [sflag:$0xC], $0x1, s20, s21, $0xb8;
	[tilespmem:$0xCB00] =	vst v63  }
0xa2: {  	_ = 	snop  }
0xa3: {  	[spmem:s6] =	stream.indirect.scatter.add.f32 [tilespmem:s1], [sflag:$0xC], $0x1, s20, s21, $0xb8;
	[tilespmem:$0xCB00] =	vst v63  }
0xa4: {  	s20 =	simm.s32 $0x3  }
0xa5: {  	_ =	swait.ge [sflag:s20], $0x400  }
0xa6: {  	[sflag:s20] =	ssyncset.done $0x0  }
0xa7: {  	s29 =	simm.s32 $0x7;
	[sflag:s20] =	ssyncadd.s32 $0xFFFFFC00  }
0xa8: {  	_ =	swait.ge [sflag:s29], $0x400  }
0xa9: {  	[sflag:s29] =	ssyncset.done $0x0  }
0xaa: {  	[sflag:s29] =	ssyncadd.s32 $0xFFFFFC00  }
0xab: {  	_ =	swait.ge [sflag:s10], $0x400  }
0xac: {  	[sflag:s10] =	ssyncset.done $0x0  }
0xad: {  	[sflag:s10] =	ssyncadd.s32 $0xFFFFFC00  }
0xae: {  	_ =	swait.ge [sflag:s10], $0x400  }
0xaf: {  	[sflag:s10] =	ssyncset.done $0x0  }
0xb0: {  	[sflag:s10] =	ssyncadd.s32 $0xFFFFFC00  }
0xb1: {  	_ =	swait.ge [sflag:s10], $0x400  }
0xb2: {  	[sflag:s10] =	ssyncset.done $0x0  }
0xb3: {  	s26 =	simm.s32 $0x9B00;
	s23 =	simm.s32 $0xB300;
	[sflag:s10] =	ssyncadd.s32 $0xFFFFFC00  }
0xb4: {  	[tilespmem:s23], [sflag:$0x9] =	stream.indirect.gather [spmem:s2], $0x1, s26, s21, $0xb8;
	[tilespmem:$0xCB00] =	vst v63  }
0xb5: {  	s11 =	simm.s32 $0xB700;
	p0 =	por $0x0, $0x0;
	s8 =	rddreg [dreg:$0x1d]  }
0xb6: {  	[tilespmem:s11], [sflag:$0x9] =	stream.indirect.gather [spmem:s4], $0x1, s26, s21, $0xb8;
	[tilespmem:$0xCB00] =	vst v63  }
0xb7: {  	s24 =	simm.s32 $0xBB00;
	s18 =	sshrl.u32 @!p0 s8, $0x3  }
0xb8: {  	[tilespmem:s24], [sflag:$0x9] =	stream.indirect.gather [spmem:s7], $0x1, s26, s21, $0xb8;
	[tilespmem:$0xCB00] =	vst v63  }
0xb9: {  	s19 =	simm.s32 @!p0 $0x0;
	s20 =	simm.s32 @!p0 $0x9300;
	s29 =	sadd.s32 @!p0 s9, s18  }
0xba: {  	[tilespmem:s20], [sflag:$0x1] =	stream.linear.gather @!p0 [hbm4b:s29+s19], $0x400, $0x38;
	[tilespmem:$0xCB00] =	vst v63  }
0xbb: {  	s18 =	sadd.s32 @!p0 s5, s18;
	s20 =	simm.s32 @!p0 $0xA300  }
0xbc: {  	[tilespmem:s20], [sflag:$0x5] =	stream.linear.gather @!p0 [hbm4b:s18+s19], $0x400, $0x38;
	[tilespmem:$0xCB00] =	vst v63  }
0xbd: {  	_ =	swait.ge [sflag:s28], $0x400  }
0xbe: {  	[sflag:s28] =	ssyncset.done $0x0  }
0xbf: {  	[sflag:s28] =	ssyncadd.s32 $0xFFFFFC00  }
0xc0: {  	_ =	swait.ge [sflag:s28], $0x400  }
0xc1: {  	[sflag:s28] =	ssyncset.done $0x0  }
0xc2: {  	[sflag:s28] =	ssyncadd.s32 $0xFFFFFC00  }
0xc3: {  	_ =	swait.ge [sflag:s28], $0x400  }
0xc4: {  	[sflag:s28] =	ssyncset.done $0x0  }
0xc5: {  	[sflag:s28] =	ssyncadd.s32 $0xFFFFFC00  }
0xc6: {  	[spmem:s0] =	stream.indirect.scatter.add.f32 [tilespmem:s23], [sflag:$0xB], $0x1, s31, s21, $0xb8;
	[tilespmem:$0xCB00] =	vst v63  }
0xc7: {  	_ = 	snop  }
0xc8: {  	[spmem:s3] =	stream.indirect.scatter.add.f32 [tilespmem:s11], [sflag:$0xB], $0x1, s31, s21, $0xb8;
	[tilespmem:$0xCB00] =	vst v63  }
0xc9: {  	s30 =	simm.s32 $0x4  }
0xca: {  	[spmem:s6] =	stream.indirect.scatter.add.f32 [tilespmem:s24], [sflag:$0xB], $0x1, s31, s21, $0xb8;
	[tilespmem:$0xCB00] =	vst v63  }
0xcb: {  	_ =	swait.ge [sflag:s30], $0x400  }
0xcc: {  	[sflag:s30] =	ssyncset.done $0x0  }
0xcd: {  	s14 =	simm.s32 $0x8;
	[sflag:s30] =	ssyncadd.s32 $0xFFFFFC00  }
0xce: {  	_ =	swait.ge [sflag:s14], $0x400  }
0xcf: {  	[sflag:s14] =	ssyncset.done $0x0  }
0xd0: {  	[sflag:s14] =	ssyncadd.s32 $0xFFFFFC00  }
0xd1: {  	_ =	swait.ge [sflag:s17], $0x400  }
0xd2: {  	[sflag:s17] =	ssyncset.done $0x0  }
0xd3: {  	[sflag:s17] =	ssyncadd.s32 $0xFFFFFC00  }
0xd4: {  	_ =	swait.ge [sflag:s17], $0x400  }
0xd5: {  	[sflag:s17] =	ssyncset.done $0x0  }
0xd6: {  	[sflag:s17] =	ssyncadd.s32 $0xFFFFFC00  }
0xd7: {  	_ =	swait.ge [sflag:s17], $0x400  }
0xd8: {  	[sflag:s17] =	ssyncset.done $0x0  }
0xd9: {  	s13 =	simm.s32 $0x9F00;
	[sflag:s17] =	ssyncadd.s32 $0xFFFFFC00  }
0xda: {  	[tilespmem:s16], [sflag:$0xA] =	stream.indirect.gather [spmem:s2], $0x1, s13, s21, $0xb8;
	[tilespmem:$0xCB00] =	vst v63  }
0xdb: {  	_ = 	snop  }
0xdc: {  	[tilespmem:s25], [sflag:$0xA] =	stream.indirect.gather [spmem:s4], $0x1, s13, s21, $0xb8;
	[tilespmem:$0xCB00] =	vst v63  }
0xdd: {  	s18 =	rddreg [dreg:$0xa]  }
0xde: {  	[tilespmem:s1], [sflag:$0xA] =	stream.indirect.gather [spmem:s7], $0x1, s13, s21, $0xb8;
	[tilespmem:$0xCB00] =	vst v63  }
0xdf: {  	s29 =	simm.s32 @!p0 $0x9700;
	s20 =	rddreg [dreg:$0x9];
	s18 =	sadd.s32 @!p0 $0x0, s18  }
0xe0: {  	[tilespmem:s29], [sflag:$0x2] =	stream.linear.gather @!p0 [hbm4b:s18+s19], $0x400, $0x38;
	[tilespmem:$0xCB00] =	vst v63  }
0xe1: {  	s20 =	sadd.s32 @!p0 $0x0, s20;
	s18 =	simm.s32 @!p0 $0xA700  }
0xe2: {  	[tilespmem:s18], [sflag:$0x6] =	stream.linear.gather @!p0 [hbm4b:s20+s19], $0x400, $0x38;
	[tilespmem:$0xCB00] =	vst v63  }
0xe3: {  	_ =	swait.ge [sflag:s12], $0x400  }
0xe4: {  	[sflag:s12] =	ssyncset.done $0x0  }
0xe5: {  	[sflag:s12] =	ssyncadd.s32 $0xFFFFFC00  }
0xe6: {  	_ =	swait.ge [sflag:s12], $0x400  }
0xe7: {  	[sflag:s12] =	ssyncset.done $0x0  }
0xe8: {  	[sflag:s12] =	ssyncadd.s32 $0xFFFFFC00  }
0xe9: {  	_ =	swait.ge [sflag:s12], $0x400  }
0xea: {  	[sflag:s12] =	ssyncset.done $0x0  }
0xeb: {  	[sflag:s12] =	ssyncadd.s32 $0xFFFFFC00  }
0xec: {  	[spmem:s0] =	stream.indirect.scatter.add.f32 [tilespmem:s16], [sflag:$0xC], $0x1, s22, s21, $0xb8;
	[tilespmem:$0xCB00] =	vst v63  }
0xed: {  	s18 =	simm.s32 $0x200;
	s19 =	smov.u32 s8  }
0xee: {  	[spmem:s3] =	stream.indirect.scatter.add.f32 [tilespmem:s25], [sflag:$0xC], $0x1, s22, s21, $0xb8;
	[tilespmem:$0xCB00] =	vst v63  }
.LBB2_2:
0xef: {  	s8 =	rddreg [dreg:$0x7]  }
0xf0: {  	s1 =	simm.s32 $0xC700;
	s22 =	simm.s32 $0xAF00;
	s6 =	simm.s32 $0x1  }
0xf1: {  	[spmem:s8] =	stream.indirect.scatter.add.f32 [tilespmem:s1], [sflag:$0xC], $0x1, s22, s21, $0xb8;
	[tilespmem:$0xCB00] =	vst v63  }
0xf2: {  	_ =	swait.ge [sflag:s6], $0x400  }
0xf3: {  	[sflag:s6] =	ssyncset.done $0x0  }
0xf4: {  	s30 =	simm.s32 $0x5;
	[sflag:s6] =	ssyncadd.s32 $0xFFFFFC00  }
0xf5: {  	s20 =	smov.u32 s18;
	_ =	swait.ge [sflag:s30], $0x400  }
0xf6: {  	p1 =	seq.s32 s20, $0x0;
	[sflag:s30] =	ssyncset.done $0x0  }
0xf7: {  	s29 =	simm.s32 @!p1 $0xB;
	[sflag:s30] =	ssyncadd.s32 $0xFFFFFC00  }
0xf8: {  	_ =	swait.ge @!p1 [sflag:s29], $0x400  }
0xf9: {  	[sflag:s29] =	ssyncset.done @!p1 $0x0  }
0xfa: {  	[sflag:s29] =	ssyncadd.s32 @!p1 $0xFFFFFC00  }
0xfb: {  	_ =	swait.ge @!p1 [sflag:s29], $0x400  }
0xfc: {  	[sflag:s29] =	ssyncset.done @!p1 $0x0  }
0xfd: {  	[sflag:s29] =	ssyncadd.s32 @!p1 $0xFFFFFC00  }
0xfe: {  	_ =	swait.ge @!p1 [sflag:s29], $0x400  }
0xff: {  	[sflag:s29] =	ssyncset.done @!p1 $0x0  }
0x100: {  	s6 =	simm.s32 $0x9300;
	[sflag:s29] =	ssyncadd.s32 @!p1 $0xFFFFFC00  }
0x101: {  	[tilespmem:s23], [sflag:$0x9] =	stream.indirect.gather [spmem:s2], $0x1, s6, s21, $0xb8;
	[tilespmem:$0xCB00] =	vst v63  }
0x102: {  	_ = 	snop  }
0x103: {  	[tilespmem:s11], [sflag:$0x9] =	stream.indirect.gather [spmem:s4], $0x1, s6, s21, $0xb8;
	[tilespmem:$0xCB00] =	vst v63  }
0x104: {  	s29 =	rddreg [dreg:$0xe]  }
0x105: {  	[tilespmem:s24], [sflag:$0x9] =	stream.indirect.gather [spmem:s7], $0x1, s6, s21, $0xb8;
	[tilespmem:$0xCB00] =	vst v63  }
0x106: {  	s30 =	rddreg [dreg:$0xd];
	s29 =	sadd.s32 s20, s29  }
0x107: {  	[tilespmem:s26], [sflag:$0x3] =	stream.linear.gather [hbm4b:s29+s15], $0x400, $0x38;
	[tilespmem:$0xCB00] =	vst v63  }
0x108: {  	s6 =	sadd.s32 s20, s30  }
0x109: {  	[tilespmem:s31], [sflag:$0x7] =	stream.linear.gather [hbm4b:s6+s15], $0x400, $0x38;
	[tilespmem:$0xCB00] =	vst v63  }
0x10a: {  	_ =	swait.ge [sflag:s28], $0x400  }
0x10b: {  	[sflag:s28] =	ssyncset.done $0x0  }
0x10c: {  	[sflag:s28] =	ssyncadd.s32 $0xFFFFFC00  }
0x10d: {  	_ =	swait.ge [sflag:s28], $0x400  }
0x10e: {  	[sflag:s28] =	ssyncset.done $0x0  }
0x10f: {  	[sflag:s28] =	ssyncadd.s32 $0xFFFFFC00  }
0x110: {  	_ =	swait.ge [sflag:s28], $0x400  }
0x111: {  	[sflag:s28] =	ssyncset.done $0x0  }
0x112: {  	s30 =	simm.s32 $0xA300;
	[sflag:s28] =	ssyncadd.s32 $0xFFFFFC00  }
0x113: {  	[spmem:s0] =	stream.indirect.scatter.add.f32 [tilespmem:s23], [sflag:$0xB], $0x1, s30, s21, $0xb8;
	[tilespmem:$0xCB00] =	vst v63  }
0x114: {  	_ = 	snop  }
0x115: {  	[spmem:s3] =	stream.indirect.scatter.add.f32 [tilespmem:s11], [sflag:$0xB], $0x1, s30, s21, $0xb8;
	[tilespmem:$0xCB00] =	vst v63  }
0x116: {  	s29 =	simm.s32 $0x2  }
0x117: {  	[spmem:s8] =	stream.indirect.scatter.add.f32 [tilespmem:s24], [sflag:$0xB], $0x1, s30, s21, $0xb8;
	[tilespmem:$0xCB00] =	vst v63  }
0x118: {  	_ =	swait.ge [sflag:s29], $0x400  }
0x119: {  	[sflag:s29] =	ssyncset.done $0x0  }
0x11a: {  	s30 =	simm.s32 $0x6;
	[sflag:s29] =	ssyncadd.s32 $0xFFFFFC00  }
0x11b: {  	_ =	swait.ge [sflag:s30], $0x400  }
0x11c: {  	[sflag:s30] =	ssyncset.done $0x0  }
0x11d: {  	s29 =	simm.s32 @!p1 $0xC;
	[sflag:s30] =	ssyncadd.s32 $0xFFFFFC00  }
0x11e: {  	_ =	swait.ge @!p1 [sflag:s29], $0x400  }
0x11f: {  	[sflag:s29] =	ssyncset.done @!p1 $0x0  }
0x120: {  	[sflag:s29] =	ssyncadd.s32 @!p1 $0xFFFFFC00  }
0x121: {  	_ =	swait.ge @!p1 [sflag:s29], $0x400  }
0x122: {  	[sflag:s29] =	ssyncset.done @!p1 $0x0  }
0x123: {  	[sflag:s29] =	ssyncadd.s32 @!p1 $0xFFFFFC00  }
0x124: {  	_ =	swait.ge @!p1 [sflag:s29], $0x400  }
0x125: {  	[sflag:s29] =	ssyncset.done @!p1 $0x0  }
0x126: {  	s6 =	simm.s32 $0x9700;
	[sflag:s29] =	ssyncadd.s32 @!p1 $0xFFFFFC00  }
0x127: {  	[tilespmem:s16], [sflag:$0xA] =	stream.indirect.gather [spmem:s2], $0x1, s6, s21, $0xb8;
	[tilespmem:$0xCB00] =	vst v63  }
0x128: {  	_ = 	snop  }
0x129: {  	[tilespmem:s25], [sflag:$0xA] =	stream.indirect.gather [spmem:s4], $0x1, s6, s21, $0xb8;
	[tilespmem:$0xCB00] =	vst v63  }
0x12a: {  	s29 =	rddreg [dreg:$0xc]  }
0x12b: {  	[tilespmem:s1], [sflag:$0xA] =	stream.indirect.gather [spmem:s7], $0x1, s6, s21, $0xb8;
	[tilespmem:$0xCB00] =	vst v63  }
0x12c: {  	s30 =	rddreg [dreg:$0xb];
	s29 =	sadd.s32 s20, s29  }
0x12d: {  	[tilespmem:s13], [sflag:$0x4] =	stream.linear.gather [hbm4b:s29+s15], $0x400, $0x38;
	[tilespmem:$0xCB00] =	vst v63  }
0x12e: {  	s6 =	sadd.s32 s20, s30  }
0x12f: {  	[tilespmem:s22], [sflag:$0x8] =	stream.linear.gather [hbm4b:s6+s15], $0x400, $0x38;
	[tilespmem:$0xCB00] =	vst v63  }
0x130: {  	_ =	swait.ge [sflag:s12], $0x400  }
0x131: {  	[sflag:s12] =	ssyncset.done $0x0  }
0x132: {  	[sflag:s12] =	ssyncadd.s32 $0xFFFFFC00  }
0x133: {  	_ =	swait.ge [sflag:s12], $0x400  }
0x134: {  	[sflag:s12] =	ssyncset.done $0x0  }
0x135: {  	[sflag:s12] =	ssyncadd.s32 $0xFFFFFC00  }
0x136: {  	_ =	swait.ge [sflag:s12], $0x400  }
0x137: {  	[sflag:s12] =	ssyncset.done $0x0  }
0x138: {  	s15 =	simm.s32 $0xA700;
	[sflag:s12] =	ssyncadd.s32 $0xFFFFFC00  }
0x139: {  	[spmem:s0] =	stream.indirect.scatter.add.f32 [tilespmem:s16], [sflag:$0xC], $0x1, s15, s21, $0xb8;
	[tilespmem:$0xCB00] =	vst v63  }
0x13a: {  	_ = 	snop  }
0x13b: {  	[spmem:s3] =	stream.indirect.scatter.add.f32 [tilespmem:s25], [sflag:$0xC], $0x1, s15, s21, $0xb8;
	[tilespmem:$0xCB00] =	vst v63  }
0x13c: {  	s25 =	simm.s32 $0x3  }
0x13d: {  	[spmem:s8] =	stream.indirect.scatter.add.f32 [tilespmem:s1], [sflag:$0xC], $0x1, s15, s21, $0xb8;
	[tilespmem:$0xCB00] =	vst v63  }
0x13e: {  	_ =	swait.ge [sflag:s25], $0x400  }
0x13f: {  	[sflag:s25] =	ssyncset.done $0x0  }
0x140: {  	s29 =	simm.s32 $0x7;
	[sflag:s25] =	ssyncadd.s32 $0xFFFFFC00  }
0x141: {  	_ =	swait.ge [sflag:s29], $0x400  }
0x142: {  	[sflag:s29] =	ssyncset.done $0x0  }
0x143: {  	[sflag:s29] =	ssyncadd.s32 $0xFFFFFC00  }
0x144: {  	_ =	swait.ge [sflag:s10], $0x400  }
0x145: {  	[sflag:s10] =	ssyncset.done $0x0  }
0x146: {  	[sflag:s10] =	ssyncadd.s32 $0xFFFFFC00  }
0x147: {  	_ =	swait.ge [sflag:s10], $0x400  }
0x148: {  	[sflag:s10] =	ssyncset.done $0x0  }
0x149: {  	[sflag:s10] =	ssyncadd.s32 $0xFFFFFC00  }
0x14a: {  	_ =	swait.ge [sflag:s10], $0x400  }
0x14b: {  	[sflag:s10] =	ssyncset.done $0x0  }
0x14c: {  	[sflag:s10] =	ssyncadd.s32 $0xFFFFFC00  }
0x14d: {  	[tilespmem:s23], [sflag:$0x9] =	stream.indirect.gather [spmem:s2], $0x1, s26, s21, $0xb8;
	[tilespmem:$0xCB00] =	vst v63  }
0x14e: {  	s19 =	sadd.s32 $0x1000, s19;
	p1 =	seq.s32 s20, $0x6000  }
0x14f: {  	[tilespmem:s11], [sflag:$0x9] =	stream.indirect.gather [spmem:s4], $0x1, s26, s21, $0xb8;
	[tilespmem:$0xCB00] =	vst v63  }
0x150: {  	s30 =	sshrl.u32 @!p1 s19, $0x3;
	s16 =	smov.u32 s9  }
0x151: {  	[tilespmem:s24], [sflag:$0x9] =	stream.indirect.gather [spmem:s7], $0x1, s26, s21, $0xb8;
	[tilespmem:$0xCB00] =	vst v63  }
0x152: {  	s9 =	sadd.s32 @!p1 s9, s30;
	s15 =	simm.s32 @!p1 $0x9300;
	s29 =	simm.s32 @!p1 $0x0  }
0x153: {  	[tilespmem:s15], [sflag:$0x1] =	stream.linear.gather @!p1 [hbm4b:s9+s29], $0x400, $0x38;
	[tilespmem:$0xCB00] =	vst v63  }
0x154: {  	s6 =	smov.u32 s5;
	s30 =	sadd.s32 @!p1 s5, s30;
	s5 =	simm.s32 @!p1 $0xA300  }
0x155: {  	[tilespmem:s5], [sflag:$0x5] =	stream.linear.gather @!p1 [hbm4b:s30+s29], $0x400, $0x38;
	[tilespmem:$0xCB00] =	vst v63  }
0x156: {  	_ =	swait.ge [sflag:s28], $0x400  }
0x157: {  	[sflag:s28] =	ssyncset.done $0x0  }
0x158: {  	[sflag:s28] =	ssyncadd.s32 $0xFFFFFC00  }
0x159: {  	_ =	swait.ge [sflag:s28], $0x400  }
0x15a: {  	[sflag:s28] =	ssyncset.done $0x0  }
0x15b: {  	[sflag:s28] =	ssyncadd.s32 $0xFFFFFC00  }
0x15c: {  	_ =	swait.ge [sflag:s28], $0x400  }
0x15d: {  	[sflag:s28] =	ssyncset.done $0x0  }
0x15e: {  	[sflag:s28] =	ssyncadd.s32 $0xFFFFFC00  }
0x15f: {  	[spmem:s0] =	stream.indirect.scatter.add.f32 [tilespmem:s23], [sflag:$0xB], $0x1, s31, s21, $0xb8;
	[tilespmem:$0xCB00] =	vst v63  }
0x160: {  	_ = 	snop  }
0x161: {  	[spmem:s3] =	stream.indirect.scatter.add.f32 [tilespmem:s11], [sflag:$0xB], $0x1, s31, s21, $0xb8;
	[tilespmem:$0xCB00] =	vst v63  }
0x162: {  	s30 =	simm.s32 $0x4  }
0x163: {  	[spmem:s8] =	stream.indirect.scatter.add.f32 [tilespmem:s24], [sflag:$0xB], $0x1, s31, s21, $0xb8;
	[tilespmem:$0xCB00] =	vst v63  }
0x164: {  	_ =	swait.ge [sflag:s30], $0x400  }
0x165: {  	[sflag:s30] =	ssyncset.done $0x0  }
0x166: {  	[sflag:s30] =	ssyncadd.s32 $0xFFFFFC00  }
0x167: {  	_ =	swait.ge [sflag:s14], $0x400  }
0x168: {  	[sflag:s14] =	ssyncset.done $0x0  }
0x169: {  	[sflag:s14] =	ssyncadd.s32 $0xFFFFFC00  }
0x16a: {  	_ =	swait.ge [sflag:s17], $0x400  }
0x16b: {  	[sflag:s17] =	ssyncset.done $0x0  }
0x16c: {  	[sflag:s17] =	ssyncadd.s32 $0xFFFFFC00  }
0x16d: {  	_ =	swait.ge [sflag:s17], $0x400  }
0x16e: {  	[sflag:s17] =	ssyncset.done $0x0  }
0x16f: {  	[sflag:s17] =	ssyncadd.s32 $0xFFFFFC00  }
0x170: {  	_ =	swait.ge [sflag:s17], $0x400  }
0x171: {  	[sflag:s17] =	ssyncset.done $0x0  }
0x172: {  	s25 =	simm.s32 $0xBF00;
	[sflag:s17] =	ssyncadd.s32 $0xFFFFFC00  }
0x173: {  	[tilespmem:s25], [sflag:$0xA] =	stream.indirect.gather [spmem:s2], $0x1, s13, s21, $0xb8;
	[tilespmem:$0xCB00] =	vst v63  }
0x174: {  	s25 =	simm.s32 $0xC300  }
0x175: {  	[tilespmem:s25], [sflag:$0xA] =	stream.indirect.gather [spmem:s4], $0x1, s13, s21, $0xb8;
	[tilespmem:$0xCB00] =	vst v63  }
0x176: {  	s5 =	rddreg [dreg:$0xa]  }
0x177: {  	[tilespmem:s1], [sflag:$0xA] =	stream.indirect.gather [spmem:s7], $0x1, s13, s21, $0xb8;
	[tilespmem:$0xCB00] =	vst v63  }
0x178: {  	s15 =	simm.s32 @!p1 $0x9700;
	s9 =	rddreg [dreg:$0x9];
	s5 =	sadd.s32 @!p1 s20, s5  }
0x179: {  	[tilespmem:s15], [sflag:$0x2] =	stream.linear.gather @!p1 [hbm4b:s5+s29], $0x400, $0x38;
	[tilespmem:$0xCB00] =	vst v63  }
0x17a: {  	s30 =	simm.s32 @!p1 $0xA700;
	s5 =	sadd.s32 @!p1 s20, s9  }
0x17b: {  	[tilespmem:s30], [sflag:$0x6] =	stream.linear.gather @!p1 [hbm4b:s5+s29], $0x400, $0x38;
	[tilespmem:$0xCB00] =	vst v63  }
0x17c: {  	_ =	swait.ge [sflag:s12], $0x400  }
0x17d: {  	[sflag:s12] =	ssyncset.done $0x0  }
0x17e: {  	[sflag:s12] =	ssyncadd.s32 $0xFFFFFC00  }
0x17f: {  	_ =	swait.ge [sflag:s12], $0x400  }
0x180: {  	[sflag:s12] =	ssyncset.done $0x0  }
0x181: {  	s18 =	sadd.s32 $0x200, s18;
	[sflag:s12] =	ssyncadd.s32 $0xFFFFFC00  }
0x182: {  	p0 =	sne.s32 s18, $0x6200;
	_ =	swait.ge [sflag:s12], $0x400  }
.Ltmp0:
0x183: {  	s8 =	simm.s32 $0xC700;
	[sflag:s12] =	ssyncset.done $0x0;
	(pc) =	sbr.rel @p0 .LBB2_2-.Ltmp0, $4  }
0x184: {  	s9 =	smov.u32 s16;
	s16 =	simm.s32 $0xBF00;
	[sflag:s12] =	ssyncadd.s32 $0xFFFFFC00  }
0x185: {  	[spmem:s0] =	stream.indirect.scatter.add.f32 [tilespmem:s16], [sflag:$0xC], $0x1, s22, s21, $0xb8;
	[tilespmem:$0xCB00] =	vst v63  }
0x186: {  	s1 =	simm.s32 $0xAF00;
	s15 =	simm.s32 $0x0;
	s5 =	smov.u32 s6  }
0x187: {  	[spmem:s3] =	stream.indirect.scatter.add.f32 [tilespmem:s25], [sflag:$0xC], $0x1, s22, s21, $0xb8;
	[tilespmem:$0xCB00] =	vst v63  }
0x188: {  	s6 =	rddreg [dreg:$0x7]  }
0x189: {  	[spmem:s6] =	stream.indirect.scatter.add.f32 [tilespmem:s8], [sflag:$0xC], $0x1, s1, s21, $0xb8;
	[tilespmem:$0xCB00] =	vst v63  }
0x18a: {  	_ =	swait.ge [sflag:s10], $0x400  }
0x18b: {  	[sflag:s10] =	ssyncset.done $0x0  }
0x18c: {  	[sflag:s10] =	ssyncadd.s32 $0xFFFFFC00  }
0x18d: {  	_ =	swait.ge [sflag:s10], $0x400  }
0x18e: {  	[sflag:s10] =	ssyncset.done $0x0  }
0x18f: {  	[sflag:s10] =	ssyncadd.s32 $0xFFFFFC00  }
0x190: {  	_ =	swait.ge [sflag:s10], $0x400  }
0x191: {  	[sflag:s10] =	ssyncset.done $0x0  }
0x192: {  	[sflag:s10] =	ssyncadd.s32 $0xFFFFFC00  }
0x193: {  	_ =	swait.ge [sflag:s17], $0x400  }
0x194: {  	[sflag:s17] =	ssyncset.done $0x0  }
0x195: {  	[sflag:s17] =	ssyncadd.s32 $0xFFFFFC00  }
0x196: {  	_ =	swait.ge [sflag:s17], $0x400  }
0x197: {  	[sflag:s17] =	ssyncset.done $0x0  }
0x198: {  	[sflag:s17] =	ssyncadd.s32 $0xFFFFFC00  }
0x199: {  	_ =	swait.ge [sflag:s17], $0x400  }
0x19a: {  	[sflag:s17] =	ssyncset.done $0x0  }
0x19b: {  	[sflag:s17] =	ssyncadd.s32 $0xFFFFFC00  }
0x19c: {  	[bflag:$0x0] =	sbarrier.arrive $0xFFFF  }
0x19d: {  	s14 =	sld [smem:$0x7F8]  }
0x19e: {  	s13 =	simm.s32 $0x1;
	s19 =	simm.s32 $0x10;
	s20 =	rddreg [dreg:$0x10]  }
0x19f: {  	s29 =	simm.s32 $0x40;
	s30 =	simm.s32 $0xD;
	s11 =	rddreg [dreg:$0x19]  }
0x1a0: {  	[hbm:s11@s29], [sflag:s20] =	dma.strided [spmem:s14@s19], $0x310, s13, $0x10   }
0x1a1: {  	_ =	swait.ge [sflag:s30], $0x310  }
0x1a2: {  	s18 =	sld [smem:$0x7F9]  }
0x1a3: {  	[sflag:s30] =	ssyncset.done $0x0  }
0x1a4: {  	s16 =	rddreg [dreg:$0x1a];
	[sflag:s30] =	ssyncadd.s32 $0xFFFFFCF0  }
0x1a5: {  	[hbm:s16@s29], [sflag:s20] =	dma.strided [spmem:s18@s19], $0x310, s13, $0x10   }
0x1a6: {  	_ =	swait.ge [sflag:s30], $0x310  }
0x1a7: {  	s23 =	sld [smem:$0x7FA]  }
0x1a8: {  	[sflag:s30] =	ssyncset.done $0x0  }
0x1a9: {  	s22 =	rddreg [dreg:$0x1b];
	[sflag:s30] =	ssyncadd.s32 $0xFFFFFCF0  }
0x1aa: {  	[hbm:s22@s29], [sflag:s20] =	dma.strided [spmem:s23@s19], $0x310, s13, $0x10   }
0x1ab: {  	_ =	swait.ge [sflag:s30], $0x310  }
0x1ac: {  	s24 =	sld [smem:$0x7F7];
	_ =	sdelay $0x2  }
0x1ad: {  	s26 =	rddreg [dreg:$0x1c];
	s1 =	sadd.s32 $0x1, s24  }
0x1ae: {  	p0 =	sne.s32 s1, s26  }
.Ltmp1:
0x1af: {  	_ = 	snop;
	(pc) =	sbr.rel @p0 .LBB2_1-.Ltmp1, $4  }
0x1b0: {  	_ = 	snop  }
0x1b1: {  	s11 =	simm.s32 $0xB700;
	s22 =	simm.s32 $0xB300  }
0x1b2: {  	s23 =	simm.s32 $0xBB00;
	s13 =	simm.s32 $0x9F00;
	[sflag:s30] =	ssyncset.done $0x0  }
0x1b3: {  	[sflag:s30] =	ssyncadd.s32 $0xFFFFFCF0;
	s24 =	simm.s32 $0x9B00;
	s26 =	simm.s32 $0xAB00  }
0x1b4: {  	_ =	sfence.sel $0x180000  }
0x1b5: {  	[bflag:$0x0] =	sbarrier.arrive $0xFFFF  }
0x1b6: {  	_ =	strace $0x9000004A  }
0x1b7: {  	s0 =	stileid.u32;
	[bflag:$0x2] =	sbarrier.arrive $0xFFFF  }
0x1b8: {  	p0 =	sne.s32 s0, $0x0;
	s0 =	rddreg [dreg:$0x8]  }
0x1b9: {  	s0 =	sadd.s32 @!p0 $0x100000, s0  }
0x1ba: {  	[sflag:s0] =	ssyncadd.tile.s32 @!p0 $0x1;
	_ =	shalt  }
.Lfunc_end2:
_tile_overlayer_lowered:
.L_overlay_start_2:
0x1bb: {  	(tag) =	ssettag $0x2  }
0x1bc: {  	s0 =	rddreg [dreg:$0x0];
	s2 =	stileid.u32  }
0x1bd: {  	s1 =	rddreg [dreg:$0x1];
	p0 =	sne.s32 s2, $0x0  }
0x1be: {  	s3 =	rddreg [dreg:$0x2];
	[bflag:$0x3] =	sbarrier.arrive $0xFFFF;
	s2 =	simm.s32 @!p0 $0x1C0D  }
0x1bf: {  	[timem:s3], [sflag:s2] =	dma.local @!p0 [hbm:s0], s1  }
0x1c0: {  	s0 =	simm.s32 @!p0 $0xD  }
0x1c1: {  	_ =	swait.ge @!p0 [sflag:s0], s1  }
0x1c2: {  	s1 =	ssub.s32 @!p0 $0x0, s1;
	[sflag:s0] =	ssyncset.done @!p0 $0x0  }
0x1c3: {  	[sflag:s0] =	ssyncadd.s32 @!p0 s1  }
0x1c4: {  	[bflag:$0x3] =	sbarrier.arrive $0xFFFF  }
0x1c5: {  	_ =	shalt  }

// kernel: kernel.14.cloned.1.call-start
scs
__scs_entry_jumppad:
0x0: {  	(pc) =	sbr.rel $0x88, $3  }
0x1: {  	(tag) =	ssettag $0x0;
	lr =	simm.s32 $0x1  }
0x2: {  	[smem:$0x3F9B] =	sst lr;
	_ =	strace $0xD0000000  }
0x3: {  	_ = 	snop  }
0x4: {  	_ = 	snop  }
0x5: {  	_ = 	snop  }
0x6: {  	_ = 	snop  }
0x7: {  	_ = 	snop  }
__scs_overlays_trampoline_lowered:
0x8: {  	[smem:$0x3FAA] =	sst s0  }
0x9: {  	[smem:$0x3FAB] =	sst s1  }
0xa: {  	[smem:$0x3FAC] =	sst s2  }
0xb: {  	[smem:$0x3FAD] =	sst s3  }
0xc: {  	[smem:$0x3FAE] =	sst s4  }
0xd: {  	[smem:$0x3FAF] =	sst s5  }
0xe: {  	[smem:$0x3FB0] =	sst s6  }
0xf: {  	[smem:$0x3FB1] =	sst s7  }
0x10: {  	[smem:$0x3FB2] =	sst s8  }
0x11: {  	[smem:$0x3FB3] =	sst s9;
	s0 =	simm.s32 @!p0 $0x0  }
0x12: {  	s1 =	sld [smem:$0x3F99];
	s0 =	simm.s32 @p0 $0x1  }
0x13: {  	[smem:$0x3FB4] =	sst s0;
	s0 =	simm.s32 @!p1 $0x0  }
0x14: {  	s2 =	sld [smem:$0x3F98];
	s0 =	simm.s32 @p1 $0x1  }
0x15: {  	[smem:$0x3FB5] =	sst s0;
	s0 =	simm.s32 @!p2 $0x0  }
0x16: {  	s3 =	sld [smem:$0x3FDB];
	s0 =	simm.s32 @p2 $0x1  }
0x17: {  	s4 =	simm.s32 $0x1BF5;
	[smem:$0x3FB7] =	sst s0  }
0x18: {  	s0 =	sld [smem:$0x3F9A];
	_ =	swait.ge [sflag:s4], $0x0  }
0x19: {  	s7 =	sld [smem:$0x3F9B]  }
0x1a: {  	s8 =	sadd.s32 $0xFFFFE003, lr  }
0x1b: {  	s9 =	sadd.s32 $0xFFFFFEF7, lr;
	s5 =	simm.s32 $0xFFFFFFFF;
	p2 =	slt.u32 s8, $0xFFFFF086  }
0x1c: {  	p1 =	slt.u32 s9, $0xF7A;
	s5 =	simm.s32 @!p2 $0x0  }
0x1d: {  	s5 =	simm.s32 @p1 $0x1;
	p0 =	seq.s32 s7, s2  }
0x1e: {  	s7 =	smul.u32 @!p0 $0xF7A, s2;
	p2 =	seq.s32 @!p0 s5, $0x0  }
0x1f: {  	s9 =	smul.u32 $0xF7A, s1;
	s8 =	simm.s32 @!p0 $0x1BF5;
	p2 =	por !p2, p0  }
0x20: {  	[sflag:s8] =	ssyncset.s32 @!p0 $0xFFFFF086;
	s6 =	sadd.s32 @!p0 s3, s7;
	s7 =	simm.s32 @!p0 $0x108  }
0x21: {  	s3 =	sadd.s32 s3, s9;
	s6 =	sadd.s32 @!p0 $0x88, s6;
	s7 =	simm.s32 @p2 $0x1082  }
0x22: {  	[simem:s7], [sflag:s8] =	dma.local @!p0 [hbm:s6], $0xF7A  }
0x23: {  	s9 =	sor.u32 $0xD0000000, s2;
	s6 =	simm.s32 $0x108;
	_ =	swait.ge @!p0 [sflag:s8], $0x0  }
0x24: {  	s3 =	sadd.s32 $0x88, s3;
	s6 =	simm.s32 @!p1 $0x1082;
	[sflag:s4] =	ssyncset.s32 $0xFFFFF086  }
0x25: {  	[simem:s6], [sflag:s4] =	dma.local [hbm:s3], $0xF7A  }
0x26: {  	[smem:$0x3F9B] =	sst s1;
	(tag) =	ssettag s2;
	_ =	strace s9  }
0x27: {  	s1 =	sld [smem:$0x3FAB]  }
0x28: {  	s2 =	sld [smem:$0x3FAC]  }
0x29: {  	s4 =	sld [smem:$0x3FAE]  }
0x2a: {  	p0 =	seq.s32 s5, $0x0;
	s5 =	sld [smem:$0x3FAF]  }
0x2b: {  	s6 =	sld [smem:$0x3FB0]  }
0x2c: {  	s7 =	sld [smem:$0x3FB1]  }
0x2d: {  	s3 =	simm.s32 $0x108;
	s8 =	sld [smem:$0x3FB2]  }
0x2e: {  	s3 =	simm.s32 @!p0 $0x1082;
	s9 =	sld [smem:$0x3FB3]  }
0x2f: {  	lr =	sadd.s32 s0, s3;
	s0 =	sld [smem:$0x3FAA]  }
0x30: {  	s3 =	sld [smem:$0x3FAD]  }
0x31: {  	[smem:$0x3FB6] =	sst s10  }
0x32: {  	s10 =	sld [smem:$0x3FB4];
	_ =	sdelay $0x3  }
0x33: {  	p0 =	seq.s32 s10, $0x1;
	s10 =	sld [smem:$0x3FB6];
	_ =	sdelay $0x3  }
0x34: {  	[smem:$0x3FB6] =	sst s10  }
0x35: {  	s10 =	sld [smem:$0x3FB5];
	_ =	sdelay $0x3  }
0x36: {  	p1 =	seq.s32 s10, $0x1;
	s10 =	sld [smem:$0x3FB6];
	_ =	sdelay $0x3  }
0x37: {  	[smem:$0x3FB6] =	sst s10  }
0x38: {  	s10 =	sld [smem:$0x3FB7]  }
0x39: {  	_ = 	snop;
	(pc) =	sbr.ind lr, $3  }
0x3a: {  	_ = 	snop  }
0x3b: {  	_ = 	snop  }
0x3c: {  	p2 =	seq.s32 s10, $0x1;
	s10 =	sld [smem:$0x3FB6]  }
0x3d: {  	_ =	shalt  }
0x3e: {  	_ =	shalt  }
0x3f: {  	_ =	shalt  }
0x40: {  	_ =	shalt  }
0x41: {  	_ =	shalt  }
0x42: {  	_ =	shalt  }
0x43: {  	_ =	shalt  }
0x44: {  	_ =	shalt  }
0x45: {  	_ =	shalt  }
0x46: {  	_ =	shalt  }
0x47: {  	_ =	shalt  }
0x48: {  	_ =	shalt  }
0x49: {  	_ =	shalt  }
0x4a: {  	_ =	shalt  }
0x4b: {  	_ =	shalt  }
0x4c: {  	_ =	shalt  }
0x4d: {  	_ =	shalt  }
0x4e: {  	_ =	shalt  }
0x4f: {  	_ =	shalt  }
0x50: {  	_ =	shalt  }
0x51: {  	_ =	shalt  }
0x52: {  	_ =	shalt  }
0x53: {  	_ =	shalt  }
0x54: {  	_ =	shalt  }
0x55: {  	_ =	shalt  }
0x56: {  	_ =	shalt  }
0x57: {  	_ =	shalt  }
0x58: {  	_ =	shalt  }
0x59: {  	_ =	shalt  }
0x5a: {  	_ =	shalt  }
0x5b: {  	_ =	shalt  }
0x5c: {  	_ =	shalt  }
0x5d: {  	_ =	shalt  }
0x5e: {  	_ =	shalt  }
0x5f: {  	_ =	shalt  }
0x60: {  	_ =	shalt  }
0x61: {  	_ =	shalt  }
0x62: {  	_ =	shalt  }
0x63: {  	_ =	shalt  }
0x64: {  	_ =	shalt  }
0x65: {  	_ =	shalt  }
0x66: {  	_ =	shalt  }
0x67: {  	_ =	shalt  }
0x68: {  	_ =	shalt  }
0x69: {  	_ =	shalt  }
0x6a: {  	_ =	shalt  }
0x6b: {  	_ =	shalt  }
0x6c: {  	_ =	shalt  }
0x6d: {  	_ =	shalt  }
0x6e: {  	_ =	shalt  }
0x6f: {  	_ =	shalt  }
0x70: {  	_ =	shalt  }
0x71: {  	_ =	shalt  }
0x72: {  	_ =	shalt  }
0x73: {  	_ =	shalt  }
0x74: {  	_ =	shalt  }
0x75: {  	_ =	shalt  }
0x76: {  	_ =	shalt  }
0x77: {  	_ =	shalt  }
0x78: {  	_ =	shalt  }
0x79: {  	_ =	shalt  }
0x7a: {  	_ =	shalt  }
0x7b: {  	_ =	shalt  }
0x7c: {  	_ =	shalt  }
0x7d: {  	_ =	shalt  }
0x7e: {  	_ =	shalt  }
0x7f: {  	_ =	shalt  }
0x80: {  	_ =	shalt  }
0x81: {  	_ =	shalt  }
0x82: {  	_ =	shalt  }
0x83: {  	_ =	shalt  }
0x84: {  	_ =	shalt  }
0x85: {  	_ =	shalt  }
0x86: {  	_ =	shalt  }
0x87: {  	_ =	shalt  }
.Lfunc_end0:
.L_simem_size_0:
called_computation.2_lowered:
.L_overlay_start_0:
0x88: {  	s2 =	sld [smem:$0x3FD9]  }
0x89: {  	s3 =	sld [smem:$0x3FFE];
	_ =	sdelay $0x1  }
0x8a: {  	s1 =	srdreg.scid  }
0x8b: {  	s0 =	sand.u32 $0x1, s1  }
0x8c: {  	s11 =	sshll.u32 s0, $0xA;
	s2 =	sadd.s32 s3, s2  }
0x8d: {  	s2 =	sadd.s32 s2, s11  }
0x8e: {  	[smem:$0x3FC2] =	sst s2  }
0x8f: {  	_ = 	snop  }
0x90: {  	(tm) =	ssettm $0x1  }
0x91: {  	s12 =	sld [smem:$0x3FFB];
	_ =	sdelay $0x3  }
0x92: {  	_ =	strace s12  }
0x93: {  	s2 =	sld [smem:$0x3FFC];
	_ =	sdelay $0x3  }
0x94: {  	_ =	strace s2  }
0x95: {  	s2 =	sld [smem:$0x3FFD];
	_ =	sdelay $0x3  }
0x96: {  	_ =	strace s2  }
0x97: {  	_ =	strace $0x8FFFFFFF  }
0x98: {  	s13 =	sld [smem:$0x3FDB];
	_ =	sdelay $0x1  }
0x99: {  	s14 =	simm.s32 $_scs_section_size  }
0x9a: {  	s4 =	simm.s32 $_size__tile_task_arg_handler_lowered;
	s5 =	simm.s32 $_tile_task_arg_handler_lowered  }
0x9b: {  	s17 =	simm.s32 $0x1BFF;
	s16 =	sshll.u32 s5, $0x1;
	s3 =	sadd.s32 s14, s13  }
0x9c: {  	s6 =	simm.s32 $0x60;
	s15 =	sshll.u32 s4, $0x1;
	s4 =	sadd.s32 s16, s3  }
0x9d: {  	[timem:s6], [sflag:s17] =	dma.local [hbm:s4], s15  }
0x9e: {  	_ =	swait.ge [sflag:s17], s15  }
0x9f: {  	s18 =	simm.s32 $_tile_overlayer_lowered;
	s2 =	ssub.s32 $0x0, s15;
	[sflag:s17] =	ssyncset.done $0x0  }
0xa0: {  	s19 =	simm.s32 $_size__tile_overlayer_lowered;
	s4 =	sshll.u32 s18, $0x1;
	[sflag:s17] =	ssyncadd.s32 s2  }
0xa1: {  	s21 =	simm.s32 $0x0;
	s20 =	sshll.u32 s19, $0x1;
	s4 =	sadd.s32 s4, s3  }
0xa2: {  	[timem:s21], [sflag:s17] =	dma.local [hbm:s4], s20  }
0xa3: {  	_ =	swait.ge [sflag:s17], s20  }
0xa4: {  	s22 =	ssub.s32 $0x0, s20;
	[sflag:s17] =	ssyncset.done $0x0  }
0xa5: {  	[sflag:s17] =	ssyncadd.s32 s22;
	_ =	sdelay $0x1  }
0xa6: {  	s23 =	simm.s32 $0x1B8B  }
0xa7: {  	_ =	swait.ge [sflag:s23], $0x1  }
0xa8: {  	[sflag:s23] =	ssyncset.done $0x0  }
0xa9: {  	s25 =	simm.s32 $0x1B8E;
	s24 =	sld [smem:$0x3FFE];
	[sflag:s23] =	ssyncadd.s32 $0xFFFFFFFF  }
0xaa: {  	s26 =	simm.s32 $execute0_lowered;
	[smem:$0x3FD2] =	sst s25  }
0xab: {  	s5 =	sshll.u32 s26, $0x1;
	_ =	strace $0x8000004C;
	[dreg:$0x1] =	wrdreg $0xFFFFFFFF  }
0xac: {  	s28 =	simm.s32 $_size_execute0_lowered;
	s3 =	sadd.s32 s3, s5;
	[dreg:$0x0] =	wrdreg $0x0  }
0xad: {  	s5 =	sshll.u32 s28, $0x1;
	[dreg:$0x2] =	wrdreg s3  }
0xae: {  	[dreg:$0x3] =	wrdreg s5  }
0xaf: {  	[dreg:$0x4] =	wrdreg $0xC0  }
0xb0: {  	_ =	task [dreg:s21], $0x5FFFF  }
0xb1: {  	[dreg:$0x1] =	wrdreg $0xFFFFFFFF  }
0xb2: {  	[dreg:$0x0] =	wrdreg $0x30  }
0xb3: {  	[dreg:$0x2] =	wrdreg $0x0  }
0xb4: {  	[dreg:$0x3] =	wrdreg $0x13E800  }
0xb5: {  	[dreg:$0x4] =	wrdreg $0x9  }
0xb6: {  	_ =	task [dreg:s21], $0x5FFFF  }
0xb7: {  	[dreg:$0x1] =	wrdreg $0xFFFFFFFF  }
0xb8: {  	[dreg:$0x0] =	wrdreg $0x60  }
0xb9: {  	[dreg:$0x2] =	wrdreg s24  }
0xba: {  	[dreg:$0x3] =	wrdreg $0x0  }
0xbb: {  	[dreg:$0x4] =	wrdreg $0xAB800  }
0xbc: {  	[dreg:$0x5] =	wrdreg $0x18800  }
0xbd: {  	[dreg:$0x6] =	wrdreg $0xC4000  }
0xbe: {  	[dreg:$0x7] =	wrdreg $0x31000  }
0xbf: {  	[dreg:$0x8] =	wrdreg $0xDC800  }
0xc0: {  	[dreg:$0x9] =	wrdreg $0x49800  }
0xc1: {  	[dreg:$0xa] =	wrdreg $0xF5000  }
0xc2: {  	[dreg:$0xb] =	wrdreg $0x62000  }
0xc3: {  	[dreg:$0xc] =	wrdreg $0x10D800  }
0xc4: {  	[dreg:$0xd] =	wrdreg $0x7A800  }
0xc5: {  	[dreg:$0xe] =	wrdreg $0x126000  }
0xc6: {  	[dreg:$0xf] =	wrdreg $0x93000  }
0xc7: {  	_ =	task.clear_ibuf [dreg:s21], $0x10FFFF;
	_ =	strace $0x9000004C  }
0xc8: {  	s29 =	simm.s32 $0x9;
	_ =	strace $0x8000004E  }
0xc9: {  	_ =	swait.ge [sflag:s29], $0x1  }
0xca: {  	[sflag:s29] =	ssyncadd.s32 $0xFFFFFFFF  }
0xcb: {  	_ =	strace $0x9000004E  }
0xcc: {  	_ =	sfence  }
0xcd: {  	s30 =	sld [smem:$0x0];
	_ =	sdelay $0x2  }
0xce: {  	s31 =	sshll.u32 s1, $0xD;
	s1 =	sshrl.u32 s1, $0x2  }
0xcf: {  	s4 =	sand.u32 $0x4000, s31;
	s1 =	sadd.s32 s1, s30  }
0xd0: {  	s0 =	sor.u32 s4, s0;
	s1 =	sshll.u32 s1, $0x11  }
0xd1: {  	s0 =	sor.u32 s1, s0  }
0xd2: {  	s0 =	sadd.s32 $0x8F2B, s0  }
0xd3: {  	[sflag:s0] =	ssyncadd.remote.s32 $0x1  }
0xd4: {  	_ =	sfence.sel $0xFFFF  }
0xd5: {  	[dreg:$0x0] =	wrdreg $0xFFFFFFFF;
	(pc) =	sbr.abs _section_cstart, $3  }
0xd6: {  	[dreg:$0x1] =	wrdreg $0xFFFFFFFF  }
0xd7: {  	_ =	task.clear_ibuf [dreg:s21], $0x2FFFF;
	_ =	strace $0x9FFFFFFF  }
0xd8: {  	(tm) =	ssettm $0x7FFFFFFF  }
0xd9: {  	_ =	shalt  }
tec
_tile_task_arg_handler_lowered:
.L_overlay_start_1:
0x0: {  	(tag) =	ssettag $0x1  }
0x1: {  	s0 =	rddreg [dreg:$0x0]  }
0x2: {  	s1 =	rddreg [dreg:$0x1]  }
0x3: {  	s2 =	rddreg [dreg:$0x2]  }
0x4: {  	s3 =	rddreg [dreg:$0x3]  }
0x5: {  	s4 =	rddreg [dreg:$0x4]  }
0x6: {  	s5 =	rddreg [dreg:$0x5]  }
0x7: {  	s6 =	rddreg [dreg:$0x6]  }
0x8: {  	s7 =	rddreg [dreg:$0x7]  }
0x9: {  	s8 =	rddreg [dreg:$0x8]  }
0xa: {  	s9 =	rddreg [dreg:$0x9]  }
0xb: {  	s10 =	rddreg [dreg:$0xa]  }
0xc: {  	s11 =	rddreg [dreg:$0xb]  }
0xd: {  	s12 =	rddreg [dreg:$0xc]  }
0xe: {  	s13 =	rddreg [dreg:$0xd]  }
0xf: {  	[smem:s0] =	sst s1  }
0x10: {  	[smem:s0+$0x1] =	sst s2  }
0x11: {  	[smem:s0+$0x2] =	sst s3  }
0x12: {  	[smem:s0+$0x3] =	sst s4  }
0x13: {  	[smem:s0+$0x4] =	sst s5  }
0x14: {  	[smem:s0+$0x5] =	sst s6  }
0x15: {  	[smem:s0+$0x6] =	sst s7  }
0x16: {  	[smem:s0+$0x7] =	sst s8  }
0x17: {  	[smem:s0+$0x8] =	sst s9  }
0x18: {  	[smem:s0+$0x9] =	sst s10  }
0x19: {  	[smem:s0+$0xA] =	sst s11  }
0x1a: {  	[smem:s0+$0xB] =	sst s12  }
0x1b: {  	[smem:s0+$0xC] =	sst s13;
	_ =	shalt  }
.Lfunc_end2:
execute0_lowered:
.L_overlay_start_2:
0x1c: {  	(tag) =	ssettag $0x2  }
0x1d: {  	s1 =	rddreg [dreg:$0x0]  }
0x1e: {  	s24 =	rddreg [dreg:$0x1]  }
0x1f: {  	s25 =	rddreg [dreg:$0x2]  }
0x20: {  	s29 =	rddreg [dreg:$0x3]  }
0x21: {  	s20 =	rddreg [dreg:$0x4]  }
0x22: {  	s14 =	rddreg [dreg:$0x5]  }
0x23: {  	s22 =	rddreg [dreg:$0x6]  }
0x24: {  	s15 =	rddreg [dreg:$0x7]  }
0x25: {  	s12 =	rddreg [dreg:$0x8]  }
0x26: {  	s19 =	rddreg [dreg:$0x9]  }
0x27: {  	s13 =	rddreg [dreg:$0xa]  }
0x28: {  	s21 =	rddreg [dreg:$0xb]  }
0x29: {  	s0 =	srdreg.scid;
	s11 =	stileid.u32  }
0x2a: {  	s23 =	rddreg [dreg:$0xc];
	s4 =	simm.s32 $0x0;
	s3 =	smul.u32 $0x31000, s11  }
0x2b: {  	s2 =	sand.u32 $0x1, s0;
	[smem:$0x7FF] =	sst s4;
	s10 =	smul.u32 $0xC400, s11  }
0x2c: {  	s0 =	smul.u32 $0x310000, s2;
	s9 =	sld [smem:$0x1]  }
0x2d: {  	s26 =	rddreg [dreg:$0xd];
	s5 =	smul.u32 $0xC4000, s2  }
0x2e: {  	s16 =	sadd.s32 $0xC6000, s1;
	s17 =	sld [smem:$0x0]  }
0x2f: {  	s0 =	sadd.s32 s3, s0;
	s5 =	sadd.s32 s10, s5;
	[dreg:$0x18] =	wrdreg s9  }
0x30: {  	s18 =	sadd.s32 $0x1400, s0;
	s28 =	sor.u32 $0xC00, s0;
	s8 =	sor.u32 $0x800, s0  }
0x31: {  	s0 =	sadd.s32 $0x1000, s0;
	_ =	strace $0x8000004D;
	[dreg:$0x14] =	wrdreg s17  }
0x32: {  	s4 =	sshrl.u32 s18, $0x3;
	s18 =	sadd.s32 $0x18A000, s1;
	[smem:$0x7F6] =	sst s0  }
0x33: {  	s3 =	sshrl.u32 s10, $0x3;
	s6 =	sadd.s32 s4, s16;
	[dreg:$0x16] =	wrdreg s18  }
0x34: {  	s3 =	sadd.s32 s3, s1;
	s4 =	sadd.s32 s4, s18;
	[dreg:$0xe] =	wrdreg s6  }
0x35: {  	s6 =	sshrl.u32 s28, $0x3;
	[dreg:$0xf] =	wrdreg s4;
	s28 =	sadd.s32 $0x5C20, s3  }
0x36: {  	s4 =	smul.u32 $0x1880, s11;
	s7 =	sadd.s32 s6, s16;
	[dreg:$0x1d] =	wrdreg s28  }
0x37: {  	s5 =	sshrl.u32 s5, $0x3;
	s6 =	sadd.s32 s6, s18;
	[dreg:$0x10] =	wrdreg s7  }
0x38: {  	[dreg:$0x11] =	wrdreg s6;
	s7 =	sshrl.u32 s4, $0x3;
	s28 =	sadd.s32 s4, s23  }
0x39: {  	s6 =	sadd.s32 s7, s1;
	s7 =	sshrl.u32 s8, $0x3;
	s8 =	ssub.s32 $0x2, s2  }
0x3a: {  	s1 =	sadd.s32 s5, s1;
	[smem:$0x7E8] =	sst s28;
	s10 =	sadd.s32 s7, s16  }
0x3b: {  	s2 =	sshll.u32 s2, $0x4;
	s7 =	sadd.s32 s7, s18;
	[dreg:$0x12] =	wrdreg s10  }
0x3c: {  	s9 =	sshrl.u32 s8, $0x1;
	s6 =	sadd.s32 $0x2A00, s6;
	[dreg:$0x13] =	wrdreg s7  }
0x3d: {  	s2 =	sor.u32 s11, s2;
	s28 =	sadd.s32 $0x1E410, s1;
	[dreg:$0x1a] =	wrdreg s6  }
0x3e: {  	s5 =	ssub.s32 s8, s9;
	s10 =	sadd.s32 $0x5C00, s3;
	[smem:$0x7EF] =	sst s28  }
0x3f: {  	s9 =	sshll.u32 s11, $0x6;
	s11 =	sadd.s32 $0x5C10, s3;
	[dreg:$0x1b] =	wrdreg s10  }
0x40: {  	s7 =	sadd.s32 $0x5C30, s3;
	[dreg:$0x1c] =	wrdreg s11  }
0x41: {  	s8 =	sadd.s32 $0x5C40, s3;
	[dreg:$0x1e] =	wrdreg s7  }
0x42: {  	s31 =	sor.u32 $0x1C0D, s9;
	[dreg:$0x1f] =	wrdreg s8;
	s9 =	sadd.s32 $0x5C50, s3  }
0x43: {  	s3 =	sadd.s32 $0x5C60, s3;
	[smem:$0x7E1] =	sst s9  }
0x44: {  	s10 =	sadd.s32 s4, s25;
	[smem:$0x7E2] =	sst s3  }
0x45: {  	s11 =	sadd.s32 s4, s20;
	[smem:$0x7E3] =	sst s10  }
0x46: {  	s6 =	sadd.s32 s4, s29;
	s20 =	sadd.s32 s4, s22;
	[smem:$0x7E4] =	sst s11  }
0x47: {  	s7 =	sadd.s32 s4, s14;
	s22 =	sadd.s32 s4, s12;
	[smem:$0x7E5] =	sst s20  }
0x48: {  	s8 =	sadd.s32 s4, s15;
	s25 =	sadd.s32 s4, s13;
	[smem:$0x7E6] =	sst s22  }
0x49: {  	s12 =	smov.u32 s16;
	s3 =	sadd.s32 s4, s24;
	[smem:$0x7E7] =	sst s25  }
0x4a: {  	s9 =	sadd.s32 s4, s19;
	s10 =	sadd.s32 s4, s21;
	[dreg:$0x15] =	wrdreg s12  }
0x4b: {  	s20 =	sadd.s32 s4, s26;
	s4 =	sadd.s32 s4, s17;
	[dreg:$0x19] =	wrdreg s31  }
0x4c: {  	s25 =	sadd.s32 $0x1E400, s1;
	[smem:$0x7E9] =	sst s4  }
0x4d: {  	s2 =	smul.u32 $0x31000, s2;
	s11 =	sadd.s32 $0x1E440, s1;
	[smem:$0x7EE] =	sst s25  }
0x4e: {  	s12 =	sadd.s32 $0x1E450, s1;
	[smem:$0x7F2] =	sst s11  }
0x4f: {  	s2 =	sshrl.u32 s2, $0x3;
	s17 =	sshrl.u32 s6, $0x3;
	[smem:$0x7F3] =	sst s12  }
0x50: {  	s13 =	sadd.s32 s18, s2;
	[smem:$0x7F8] =	sst s17  }
0x51: {  	s22 =	sadd.s32 s16, s2;
	[smem:$0x7EA] =	sst s13  }
0x52: {  	s4 =	sadd.s32 $0x1E430, s1;
	[smem:$0x7EB] =	sst s22  }
0x53: {  	s25 =	sshrl.u32 s10, $0x3;
	[smem:$0x7F1] =	sst s4  }
0x54: {  	s2 =	sor.u32 $0x80, s2;
	s28 =	sshrl.u32 s20, $0x3;
	[smem:$0x7FC] =	sst s25  }
0x55: {  	s23 =	sadd.s32 s18, s2;
	[smem:$0x7FD] =	sst s28  }
0x56: {  	s2 =	sadd.s32 s16, s2;
	[smem:$0x7EC] =	sst s23  }
0x57: {  	s13 =	smax.u32 s5, $0x1;
	[smem:$0x7ED] =	sst s2  }
0x58: {  	s30 =	simm.s32 $0x400;
	s16 =	sshrl.u32 s3, $0x3;
	[smem:$0x7F5] =	sst s13  }
0x59: {  	s17 =	simm.s32 $0x10;
	s18 =	sshrl.u32 s7, $0x3;
	[smem:$0x7F7] =	sst s16  }
0x5a: {  	s12 =	simm.s32 $0xD;
	s22 =	sshrl.u32 s8, $0x3;
	[smem:$0x7F9] =	sst s18  }
0x5b: {  	s4 =	simm.s32 $0x18F00;
	s2 =	sadd.s32 $0x1E420, s1;
	[smem:$0x7FA] =	sst s22  }
0x5c: {  	s8 =	simm.s32 $0xA;
	s1 =	sadd.s32 $0x1E460, s1;
	[smem:$0x7F0] =	sst s2  }
0x5d: {  	s23 =	sshrl.u32 s9, $0x3;
	s18 =	simm.s32 $0x80;
	[smem:$0x7F4] =	sst s1  }
0x5e: {  	s13 =	simm.s32 $0x9;
	[smem:$0x7FB] =	sst s23;
	s1 =	simm.s32 $0x0  }
.LBB3_1:
0x5f: {  	s3 =	sld [smem:$0x7F7]  }
0x60: {  	[smem:$0x7D9] =	sst s1  }
0x61: {  	s9 =	rddreg [dreg:$0x1b];
	s10 =	simm.s32 $0x1  }
0x62: {  	[spmem:s3@s17], [sflag:s31] =	dma.strided [hbm:s9@s18], $0x310, s10, $0x10   }
0x63: {  	_ =	swait.ge [sflag:s12], $0x310  }
0x64: {  	s11 =	sld [smem:$0x7E3];
	_ =	sdelay $0x2  }
0x65: {  	[sflag:s12] =	ssyncset.done $0x0;
	s1 =	rddreg [dreg:$0x1a];
	s16 =	sshrl.u32 s11, $0x3  }
0x66: {  	[sflag:s12] =	ssyncadd.s32 $0xFFFFFCF0;
	[smem:$0x7DA] =	sst s16  }
0x67: {  	[spmem:s16], [sflag:s31] =	dma.local [hbm:s1], $0x310  }
0x68: {  	_ =	swait.ge [sflag:s12], $0x310  }
0x69: {  	s5 =	sld [smem:$0x7F8]  }
0x6a: {  	[sflag:s12] =	ssyncset.done $0x0  }
0x6b: {  	s20 =	rddreg [dreg:$0x1c];
	[sflag:s12] =	ssyncadd.s32 $0xFFFFFCF0  }
0x6c: {  	[spmem:s5@s17], [sflag:s31] =	dma.strided [hbm:s20@s18], $0x310, s10, $0x10   }
0x6d: {  	_ =	swait.ge [sflag:s12], $0x310  }
0x6e: {  	s22 =	sld [smem:$0x7E4];
	_ =	sdelay $0x2  }
0x6f: {  	[sflag:s12] =	ssyncset.done $0x0;
	s3 =	sshrl.u32 s22, $0x3  }
0x70: {  	[sflag:s12] =	ssyncadd.s32 $0xFFFFFCF0;
	[smem:$0x7DB] =	sst s3  }
0x71: {  	[spmem:s3], [sflag:s31] =	dma.local [hbm:s1], $0x310  }
0x72: {  	_ =	swait.ge [sflag:s12], $0x310  }
0x73: {  	s25 =	sld [smem:$0x7F9]  }
0x74: {  	[sflag:s12] =	ssyncset.done $0x0  }
0x75: {  	s23 =	rddreg [dreg:$0x1d];
	[sflag:s12] =	ssyncadd.s32 $0xFFFFFCF0  }
0x76: {  	[spmem:s25@s17], [sflag:s31] =	dma.strided [hbm:s23@s18], $0x310, s10, $0x10   }
0x77: {  	_ =	swait.ge [sflag:s12], $0x310  }
0x78: {  	s28 =	sld [smem:$0x7E5];
	_ =	sdelay $0x2  }
0x79: {  	[sflag:s12] =	ssyncset.done $0x0;
	s3 =	sshrl.u32 s28, $0x3  }
0x7a: {  	[sflag:s12] =	ssyncadd.s32 $0xFFFFFCF0;
	[smem:$0x7DC] =	sst s3  }
0x7b: {  	[spmem:s3], [sflag:s31] =	dma.local [hbm:s1], $0x310  }
0x7c: {  	_ =	swait.ge [sflag:s12], $0x310  }
0x7d: {  	s2 =	sld [smem:$0x7FA]  }
0x7e: {  	[sflag:s12] =	ssyncset.done $0x0  }
0x7f: {  	s0 =	rddreg [dreg:$0x1e];
	[sflag:s12] =	ssyncadd.s32 $0xFFFFFCF0  }
0x80: {  	[spmem:s2@s17], [sflag:s31] =	dma.strided [hbm:s0@s18], $0x310, s10, $0x10   }
0x81: {  	_ =	swait.ge [sflag:s12], $0x310  }
0x82: {  	s6 =	sld [smem:$0x7E6];
	_ =	sdelay $0x2  }
0x83: {  	[sflag:s12] =	ssyncset.done $0x0;
	s3 =	sshrl.u32 s6, $0x3  }
0x84: {  	[sflag:s12] =	ssyncadd.s32 $0xFFFFFCF0;
	[smem:$0x7DD] =	sst s3  }
0x85: {  	[spmem:s3], [sflag:s31] =	dma.local [hbm:s1], $0x310  }
0x86: {  	_ =	swait.ge [sflag:s12], $0x310  }
0x87: {  	s9 =	sld [smem:$0x7FB]  }
0x88: {  	[sflag:s12] =	ssyncset.done $0x0  }
0x89: {  	s7 =	rddreg [dreg:$0x1f];
	[sflag:s12] =	ssyncadd.s32 $0xFFFFFCF0  }
0x8a: {  	[spmem:s9@s17], [sflag:s31] =	dma.strided [hbm:s7@s18], $0x310, s10, $0x10   }
0x8b: {  	_ =	swait.ge [sflag:s12], $0x310  }
0x8c: {  	s11 =	sld [smem:$0x7E7];
	_ =	sdelay $0x2  }
0x8d: {  	[sflag:s12] =	ssyncset.done $0x0;
	s3 =	sshrl.u32 s11, $0x3  }
0x8e: {  	[sflag:s12] =	ssyncadd.s32 $0xFFFFFCF0;
	[smem:$0x7DE] =	sst s3  }
0x8f: {  	[spmem:s3], [sflag:s31] =	dma.local [hbm:s1], $0x310  }
0x90: {  	_ =	swait.ge [sflag:s12], $0x310  }
0x91: {  	s16 =	sld [smem:$0x7E1]  }
0x92: {  	s20 =	sld [smem:$0x7FC]  }
0x93: {  	[sflag:s12] =	ssyncset.done $0x0  }
0x94: {  	[sflag:s12] =	ssyncadd.s32 $0xFFFFFCF0  }
0x95: {  	[spmem:s20@s17], [sflag:s31] =	dma.strided [hbm:s16@s18], $0x310, s10, $0x10   }
0x96: {  	_ =	swait.ge [sflag:s12], $0x310  }
0x97: {  	s22 =	sld [smem:$0x7E8];
	_ =	sdelay $0x2  }
0x98: {  	[sflag:s12] =	ssyncset.done $0x0;
	s3 =	sshrl.u32 s22, $0x3  }
0x99: {  	[sflag:s12] =	ssyncadd.s32 $0xFFFFFCF0;
	[smem:$0x7DF] =	sst s3  }
0x9a: {  	[spmem:s3], [sflag:s31] =	dma.local [hbm:s1], $0x310  }
0x9b: {  	_ =	swait.ge [sflag:s12], $0x310  }
0x9c: {  	s23 =	sld [smem:$0x7E2]  }
0x9d: {  	s25 =	sld [smem:$0x7FD]  }
0x9e: {  	[sflag:s12] =	ssyncset.done $0x0  }
0x9f: {  	[sflag:s12] =	ssyncadd.s32 $0xFFFFFCF0  }
0xa0: {  	[spmem:s25@s17], [sflag:s31] =	dma.strided [hbm:s23@s18], $0x310, s10, $0x10   }
0xa1: {  	_ =	swait.ge [sflag:s12], $0x310  }
0xa2: {  	s28 =	sld [smem:$0x7E9];
	_ =	sdelay $0x2  }
0xa3: {  	[sflag:s12] =	ssyncset.done $0x0;
	s3 =	sshrl.u32 s28, $0x3  }
0xa4: {  	[sflag:s12] =	ssyncadd.s32 $0xFFFFFCF0;
	[smem:$0x7E0] =	sst s3  }
0xa5: {  	[spmem:s3], [sflag:s31] =	dma.local [hbm:s1], $0x310  }
0xa6: {  	_ =	swait.ge [sflag:s12], $0x310  }
0xa7: {  	[sflag:s12] =	ssyncset.done $0x0  }
0xa8: {  	[sflag:s12] =	ssyncadd.s32 $0xFFFFFCF0  }
0xa9: {  	[bflag:$0x0] =	sbarrier.arrive $0xFFFF  }
0xaa: {  	s0 =	sld [smem:$0x7EA];
	_ =	sdelay $0x1  }
0xab: {  	s2 =	simm.s32 $0x15700;
	s6 =	simm.s32 $0x0;
	s7 =	sld [smem:$0x7EB]  }
0xac: {  	[tilespmem:s2], [sflag:$0x1] =	stream.linear.gather [hbm4b:s0+s6], $0x400, $0x38;
	[tilespmem:$0x1AF00] =	vst v63  }
0xad: {  	s5 =	simm.s32 $0x16700;
	s9 =	sld [smem:$0x7EC]  }
0xae: {  	[tilespmem:s5], [sflag:$0x5] =	stream.linear.gather [hbm4b:s7+s6], $0x400, $0x38;
	[tilespmem:$0x1AF00] =	vst v63  }
0xaf: {  	s17 =	simm.s32 $0x15B00;
	s11 =	sld [smem:$0x7ED]  }
0xb0: {  	[tilespmem:s17], [sflag:$0x2] =	stream.linear.gather [hbm4b:s9+s6], $0x400, $0x38;
	[tilespmem:$0x1AF00] =	vst v63  }
0xb1: {  	s31 =	simm.s32 $0x16B00  }
0xb2: {  	[tilespmem:s31], [sflag:$0x6] =	stream.linear.gather [hbm4b:s11+s6], $0x400, $0x38;
	[tilespmem:$0x1AF00] =	vst v63  }
0xb3: {  	_ =	swait.ge [sflag:s10], $0x400  }
0xb4: {  	[sflag:s10] =	ssyncset.done $0x0  }
0xb5: {  	s7 =	simm.s32 $0x5;
	[sflag:s10] =	ssyncadd.s32 $0xFFFFFC00  }
0xb6: {  	_ =	swait.ge [sflag:s7], $0x400  }
0xb7: {  	p0 =	por $0x1, $0x1;
	[sflag:s7] =	ssyncset.done $0x0  }
0xb8: {  	s12 =	simm.s32 @!p0 $0xB;
	[sflag:s7] =	ssyncadd.s32 $0xFFFFFC00  }
0xb9: {  	_ =	swait.ge @!p0 [sflag:s12], $0x400  }
0xba: {  	[sflag:s12] =	ssyncset.done @!p0 $0x0  }
0xbb: {  	[sflag:s12] =	ssyncadd.s32 @!p0 $0xFFFFFC00  }
0xbc: {  	_ =	swait.ge @!p0 [sflag:s12], $0x400  }
0xbd: {  	[sflag:s12] =	ssyncset.done @!p0 $0x0  }
0xbe: {  	[sflag:s12] =	ssyncadd.s32 @!p0 $0xFFFFFC00  }
0xbf: {  	_ =	swait.ge @!p0 [sflag:s12], $0x400  }
0xc0: {  	[sflag:s12] =	ssyncset.done @!p0 $0x0  }
0xc1: {  	[sflag:s12] =	ssyncadd.s32 @!p0 $0xFFFFFC00  }
0xc2: {  	_ =	swait.ge @!p0 [sflag:s12], $0x400  }
0xc3: {  	[sflag:s12] =	ssyncset.done @!p0 $0x0  }
0xc4: {  	[sflag:s12] =	ssyncadd.s32 @!p0 $0xFFFFFC00  }
0xc5: {  	_ =	swait.ge @!p0 [sflag:s12], $0x400  }
0xc6: {  	[sflag:s12] =	ssyncset.done @!p0 $0x0  }
0xc7: {  	[sflag:s12] =	ssyncadd.s32 @!p0 $0xFFFFFC00  }
0xc8: {  	_ =	swait.ge @!p0 [sflag:s12], $0x400  }
0xc9: {  	[sflag:s12] =	ssyncset.done @!p0 $0x0  }
0xca: {  	[sflag:s12] =	ssyncadd.s32 @!p0 $0xFFFFFC00  }
0xcb: {  	_ =	swait.ge @!p0 [sflag:s12], $0x400  }
0xcc: {  	[sflag:s12] =	ssyncset.done @!p0 $0x0  }
0xcd: {  	s0 =	simm.s32 $0x17700;
	[sflag:s12] =	ssyncadd.s32 @!p0 $0xFFFFFC00  }
0xce: {  	[tilespmem:s0], [sflag:$0x9] =	stream.indirect.gather [spmem:s24], $0x1, s2, s30, $0xb8;
	[tilespmem:$0x1AF00] =	vst v63  }
0xcf: {  	s12 =	simm.s32 $0x17B00  }
0xd0: {  	[tilespmem:s12], [sflag:$0x9] =	stream.indirect.gather [spmem:s29], $0x1, s2, s30, $0xb8;
	[tilespmem:$0x1AF00] =	vst v63  }
0xd1: {  	s16 =	simm.s32 $0x17F00  }
0xd2: {  	[tilespmem:s16], [sflag:$0x9] =	stream.indirect.gather [spmem:s14], $0x1, s2, s30, $0xb8;
	[tilespmem:$0x1AF00] =	vst v63  }
0xd3: {  	s18 =	simm.s32 $0x18300  }
0xd4: {  	[tilespmem:s18], [sflag:$0x9] =	stream.indirect.gather [spmem:s15], $0x1, s2, s30, $0xb8;
	[tilespmem:$0x1AF00] =	vst v63  }
0xd5: {  	s22 =	simm.s32 $0x18700  }
0xd6: {  	[tilespmem:s22], [sflag:$0x9] =	stream.indirect.gather [spmem:s19], $0x1, s2, s30, $0xb8;
	[tilespmem:$0x1AF00] =	vst v63  }
0xd7: {  	s28 =	simm.s32 $0x18B00  }
0xd8: {  	[tilespmem:s28], [sflag:$0x9] =	stream.indirect.gather [spmem:s21], $0x1, s2, s30, $0xb8;
	[tilespmem:$0x1AF00] =	vst v63  }
0xd9: {  	s23 =	rddreg [dreg:$0x13]  }
0xda: {  	[tilespmem:s4], [sflag:$0x9] =	stream.indirect.gather [spmem:s26], $0x1, s2, s30, $0xb8;
	[tilespmem:$0x1AF00] =	vst v63  }
0xdb: {  	s0 =	rddreg [dreg:$0x12];
	s12 =	sadd.s32 $0x0, s23;
	s4 =	simm.s32 $0x15F00  }
0xdc: {  	[tilespmem:s4], [sflag:$0x3] =	stream.linear.gather [hbm4b:s12+s6], $0x400, $0x38;
	[tilespmem:$0x1AF00] =	vst v63  }
0xdd: {  	s23 =	simm.s32 $0x16F00;
	s2 =	sadd.s32 $0x0, s0  }
0xde: {  	[tilespmem:s23], [sflag:$0x7] =	stream.linear.gather [hbm4b:s2+s6], $0x400, $0x38;
	[tilespmem:$0x1AF00] =	vst v63  }
0xdf: {  	_ =	swait.ge [sflag:s13], $0x400  }
0xe0: {  	[sflag:s13] =	ssyncset.done $0x0  }
0xe1: {  	[sflag:s13] =	ssyncadd.s32 $0xFFFFFC00  }
0xe2: {  	_ =	swait.ge [sflag:s13], $0x400  }
0xe3: {  	[sflag:s13] =	ssyncset.done $0x0  }
0xe4: {  	[sflag:s13] =	ssyncadd.s32 $0xFFFFFC00  }
0xe5: {  	_ =	swait.ge [sflag:s13], $0x400  }
0xe6: {  	[sflag:s13] =	ssyncset.done $0x0  }
0xe7: {  	[sflag:s13] =	ssyncadd.s32 $0xFFFFFC00  }
0xe8: {  	_ =	swait.ge [sflag:s13], $0x400  }
0xe9: {  	[sflag:s13] =	ssyncset.done $0x0  }
0xea: {  	[sflag:s13] =	ssyncadd.s32 $0xFFFFFC00  }
0xeb: {  	_ =	swait.ge [sflag:s13], $0x400  }
0xec: {  	[sflag:s13] =	ssyncset.done $0x0  }
0xed: {  	[sflag:s13] =	ssyncadd.s32 $0xFFFFFC00  }
0xee: {  	_ =	swait.ge [sflag:s13], $0x400  }
0xef: {  	[sflag:s13] =	ssyncset.done $0x0  }
0xf0: {  	[sflag:s13] =	ssyncadd.s32 $0xFFFFFC00  }
0xf1: {  	_ =	swait.ge [sflag:s13], $0x400  }
0xf2: {  	[sflag:s13] =	ssyncset.done $0x0  }
0xf3: {  	[sflag:s13] =	ssyncadd.s32 $0xFFFFFC00  }
0xf4: {  	s1 =	simm.s32 $0x17700;
	s22 =	rddreg [dreg:$0x2]  }
0xf5: {  	[spmem:s22] =	stream.indirect.scatter.add.f32 [tilespmem:s1], [sflag:$0xB], $0x1, s5, s30, $0xb8;
	[tilespmem:$0x1AF00] =	vst v63  }
0xf6: {  	s20 =	simm.s32 $0x17B00;
	s16 =	rddreg [dreg:$0x4]  }
0xf7: {  	[spmem:s16] =	stream.indirect.scatter.add.f32 [tilespmem:s20], [sflag:$0xB], $0x1, s5, s30, $0xb8;
	[tilespmem:$0x1AF00] =	vst v63  }
0xf8: {  	s25 =	smov.u32 s24;
	s10 =	simm.s32 $0x17F00;
	s24 =	rddreg [dreg:$0x6]  }
0xf9: {  	[spmem:s24] =	stream.indirect.scatter.add.f32 [tilespmem:s10], [sflag:$0xB], $0x1, s5, s30, $0xb8;
	[tilespmem:$0x1AF00] =	vst v63  }
0xfa: {  	s9 =	simm.s32 $0x18300;
	s20 =	rddreg [dreg:$0x8]  }
0xfb: {  	[spmem:s20] =	stream.indirect.scatter.add.f32 [tilespmem:s9], [sflag:$0xB], $0x1, s5, s30, $0xb8;
	[tilespmem:$0x1AF00] =	vst v63  }
0xfc: {  	s7 =	simm.s32 $0x18700;
	s0 =	smov.u32 s26;
	s26 =	rddreg [dreg:$0xa]  }
0xfd: {  	[spmem:s26] =	stream.indirect.scatter.add.f32 [tilespmem:s7], [sflag:$0xB], $0x1, s5, s30, $0xb8;
	[tilespmem:$0x1AF00] =	vst v63  }
0xfe: {  	s18 =	simm.s32 $0x18B00;
	s7 =	rddreg [dreg:$0xc]  }
0xff: {  	[spmem:s7] =	stream.indirect.scatter.add.f32 [tilespmem:s18], [sflag:$0xB], $0x1, s5, s30, $0xb8;
	[tilespmem:$0x1AF00] =	vst v63  }
0x100: {  	s3 =	simm.s32 $0x2;
	s11 =	simm.s32 $0x18F00;
	s10 =	rddreg [dreg:$0x14]  }
0x101: {  	[spmem:s10] =	stream.indirect.scatter.add.f32 [tilespmem:s11], [sflag:$0xB], $0x1, s5, s30, $0xb8;
	[tilespmem:$0x1AF00] =	vst v63  }
0x102: {  	_ =	swait.ge [sflag:s3], $0x400  }
0x103: {  	[sflag:s3] =	ssyncset.done $0x0  }
0x104: {  	s9 =	simm.s32 $0x6;
	[sflag:s3] =	ssyncadd.s32 $0xFFFFFC00  }
0x105: {  	_ =	swait.ge [sflag:s9], $0x400  }
0x106: {  	[sflag:s9] =	ssyncset.done $0x0  }
0x107: {  	s12 =	simm.s32 @!p0 $0xC;
	[sflag:s9] =	ssyncadd.s32 $0xFFFFFC00  }
0x108: {  	_ =	swait.ge @!p0 [sflag:s12], $0x400  }
0x109: {  	[sflag:s12] =	ssyncset.done @!p0 $0x0  }
0x10a: {  	[sflag:s12] =	ssyncadd.s32 @!p0 $0xFFFFFC00  }
0x10b: {  	_ =	swait.ge @!p0 [sflag:s12], $0x400  }
0x10c: {  	[sflag:s12] =	ssyncset.done @!p0 $0x0  }
0x10d: {  	[sflag:s12] =	ssyncadd.s32 @!p0 $0xFFFFFC00  }
0x10e: {  	_ =	swait.ge @!p0 [sflag:s12], $0x400  }
0x10f: {  	[sflag:s12] =	ssyncset.done @!p0 $0x0  }
0x110: {  	[sflag:s12] =	ssyncadd.s32 @!p0 $0xFFFFFC00  }
0x111: {  	_ =	swait.ge @!p0 [sflag:s12], $0x400  }
0x112: {  	[sflag:s12] =	ssyncset.done @!p0 $0x0  }
0x113: {  	[sflag:s12] =	ssyncadd.s32 @!p0 $0xFFFFFC00  }
0x114: {  	_ =	swait.ge @!p0 [sflag:s12], $0x400  }
0x115: {  	[sflag:s12] =	ssyncset.done @!p0 $0x0  }
0x116: {  	[sflag:s12] =	ssyncadd.s32 @!p0 $0xFFFFFC00  }
0x117: {  	_ =	swait.ge @!p0 [sflag:s12], $0x400  }
0x118: {  	[sflag:s12] =	ssyncset.done @!p0 $0x0  }
0x119: {  	[sflag:s12] =	ssyncadd.s32 @!p0 $0xFFFFFC00  }
0x11a: {  	_ =	swait.ge @!p0 [sflag:s12], $0x400  }
0x11b: {  	[sflag:s12] =	ssyncset.done @!p0 $0x0  }
0x11c: {  	s28 =	smov.u32 s14;
	s14 =	simm.s32 $0x19300;
	[sflag:s12] =	ssyncadd.s32 @!p0 $0xFFFFFC00  }
0x11d: {  	[tilespmem:s14], [sflag:$0xA] =	stream.indirect.gather [spmem:s25], $0x1, s17, s30, $0xb8;
	[tilespmem:$0x1AF00] =	vst v63  }
0x11e: {  	s9 =	simm.s32 $0x19700  }
0x11f: {  	[tilespmem:s9], [sflag:$0xA] =	stream.indirect.gather [spmem:s29], $0x1, s17, s30, $0xb8;
	[tilespmem:$0x1AF00] =	vst v63  }
0x120: {  	s11 =	simm.s32 $0x19B00  }
0x121: {  	[tilespmem:s11], [sflag:$0xA] =	stream.indirect.gather [spmem:s28], $0x1, s17, s30, $0xb8;
	[tilespmem:$0x1AF00] =	vst v63  }
0x122: {  	s12 =	simm.s32 $0x19F00  }
0x123: {  	[tilespmem:s12], [sflag:$0xA] =	stream.indirect.gather [spmem:s15], $0x1, s17, s30, $0xb8;
	[tilespmem:$0x1AF00] =	vst v63  }
0x124: {  	s18 =	simm.s32 $0x1A300  }
0x125: {  	[tilespmem:s18], [sflag:$0xA] =	stream.indirect.gather [spmem:s19], $0x1, s17, s30, $0xb8;
	[tilespmem:$0x1AF00] =	vst v63  }
0x126: {  	s5 =	simm.s32 $0x1A700  }
0x127: {  	[tilespmem:s5], [sflag:$0xA] =	stream.indirect.gather [spmem:s21], $0x1, s17, s30, $0xb8;
	[tilespmem:$0x1AF00] =	vst v63  }
0x128: {  	s1 =	simm.s32 $0x1AB00;
	s12 =	rddreg [dreg:$0x11]  }
0x129: {  	[tilespmem:s1], [sflag:$0xA] =	stream.indirect.gather [spmem:s0], $0x1, s17, s30, $0xb8;
	[tilespmem:$0x1AF00] =	vst v63  }
0x12a: {  	s12 =	sadd.s32 $0x0, s12;
	s5 =	rddreg [dreg:$0x10];
	s1 =	simm.s32 $0x16300  }
0x12b: {  	[tilespmem:s1], [sflag:$0x4] =	stream.linear.gather [hbm4b:s12+s6], $0x400, $0x38;
	[tilespmem:$0x1AF00] =	vst v63  }
0x12c: {  	s12 =	sadd.s32 $0x0, s5;
	s5 =	simm.s32 $0x17300  }
0x12d: {  	[tilespmem:s5], [sflag:$0x8] =	stream.linear.gather [hbm4b:s12+s6], $0x400, $0x38;
	[tilespmem:$0x1AF00] =	vst v63  }
0x12e: {  	_ =	swait.ge [sflag:s8], $0x400  }
0x12f: {  	[sflag:s8] =	ssyncset.done $0x0  }
0x130: {  	[sflag:s8] =	ssyncadd.s32 $0xFFFFFC00  }
0x131: {  	_ =	swait.ge [sflag:s8], $0x400  }
0x132: {  	[sflag:s8] =	ssyncset.done $0x0  }
0x133: {  	[sflag:s8] =	ssyncadd.s32 $0xFFFFFC00  }
0x134: {  	_ =	swait.ge [sflag:s8], $0x400  }
0x135: {  	[sflag:s8] =	ssyncset.done $0x0  }
0x136: {  	[sflag:s8] =	ssyncadd.s32 $0xFFFFFC00  }
0x137: {  	_ =	swait.ge [sflag:s8], $0x400  }
0x138: {  	[sflag:s8] =	ssyncset.done $0x0  }
0x139: {  	[sflag:s8] =	ssyncadd.s32 $0xFFFFFC00  }
0x13a: {  	_ =	swait.ge [sflag:s8], $0x400  }
0x13b: {  	[sflag:s8] =	ssyncset.done $0x0  }
0x13c: {  	[sflag:s8] =	ssyncadd.s32 $0xFFFFFC00  }
0x13d: {  	_ =	swait.ge [sflag:s8], $0x400  }
0x13e: {  	[sflag:s8] =	ssyncset.done $0x0  }
0x13f: {  	[sflag:s8] =	ssyncadd.s32 $0xFFFFFC00  }
0x140: {  	_ =	swait.ge [sflag:s8], $0x400  }
0x141: {  	[sflag:s8] =	ssyncset.done $0x0  }
0x142: {  	[sflag:s8] =	ssyncadd.s32 $0xFFFFFC00  }
0x143: {  	[spmem:s22] =	stream.indirect.scatter.add.f32 [tilespmem:s14], [sflag:$0xC], $0x1, s31, s30, $0xb8;
	[tilespmem:$0x1AF00] =	vst v63  }
0x144: {  	_ = 	snop  }
0x145: {  	[spmem:s16] =	stream.indirect.scatter.add.f32 [tilespmem:s9], [sflag:$0xC], $0x1, s31, s30, $0xb8;
	[tilespmem:$0x1AF00] =	vst v63  }
0x146: {  	s2 =	simm.s32 $0x19B00  }
0x147: {  	[spmem:s24] =	stream.indirect.scatter.add.f32 [tilespmem:s2], [sflag:$0xC], $0x1, s31, s30, $0xb8;
	[tilespmem:$0x1AF00] =	vst v63  }
0x148: {  	s3 =	simm.s32 $0x19F00  }
0x149: {  	[spmem:s20] =	stream.indirect.scatter.add.f32 [tilespmem:s3], [sflag:$0xC], $0x1, s31, s30, $0xb8;
	[tilespmem:$0x1AF00] =	vst v63  }
0x14a: {  	s18 =	simm.s32 $0x1A300  }
0x14b: {  	[spmem:s26] =	stream.indirect.scatter.add.f32 [tilespmem:s18], [sflag:$0xC], $0x1, s31, s30, $0xb8;
	[tilespmem:$0x1AF00] =	vst v63  }
0x14c: {  	s11 =	simm.s32 $0x1A700  }
0x14d: {  	[spmem:s7] =	stream.indirect.scatter.add.f32 [tilespmem:s11], [sflag:$0xC], $0x1, s31, s30, $0xb8;
	[tilespmem:$0x1AF00] =	vst v63  }
0x14e: {  	s17 =	simm.s32 $0x1AB00;
	s9 =	simm.s32 $0x3  }
0x14f: {  	[spmem:s10] =	stream.indirect.scatter.add.f32 [tilespmem:s17], [sflag:$0xC], $0x1, s31, s30, $0xb8;
	[tilespmem:$0x1AF00] =	vst v63  }
0x150: {  	_ =	swait.ge [sflag:s9], $0x400  }
0x151: {  	[sflag:s9] =	ssyncset.done $0x0  }
0x152: {  	s11 =	simm.s32 $0x7;
	[sflag:s9] =	ssyncadd.s32 $0xFFFFFC00  }
0x153: {  	_ =	swait.ge [sflag:s11], $0x400  }
0x154: {  	[sflag:s11] =	ssyncset.done $0x0  }
0x155: {  	s12 =	simm.s32 $0xB;
	[sflag:s11] =	ssyncadd.s32 $0xFFFFFC00  }
0x156: {  	_ =	swait.ge [sflag:s12], $0x400  }
0x157: {  	[sflag:s12] =	ssyncset.done $0x0  }
0x158: {  	[sflag:s12] =	ssyncadd.s32 $0xFFFFFC00  }
0x159: {  	_ =	swait.ge [sflag:s12], $0x400  }
0x15a: {  	[sflag:s12] =	ssyncset.done $0x0  }
0x15b: {  	[sflag:s12] =	ssyncadd.s32 $0xFFFFFC00  }
0x15c: {  	_ =	swait.ge [sflag:s12], $0x400  }
0x15d: {  	[sflag:s12] =	ssyncset.done $0x0  }
0x15e: {  	[sflag:s12] =	ssyncadd.s32 $0xFFFFFC00  }
0x15f: {  	_ =	swait.ge [sflag:s12], $0x400  }
0x160: {  	[sflag:s12] =	ssyncset.done $0x0  }
0x161: {  	[sflag:s12] =	ssyncadd.s32 $0xFFFFFC00  }
0x162: {  	_ =	swait.ge [sflag:s12], $0x400  }
0x163: {  	[sflag:s12] =	ssyncset.done $0x0  }
0x164: {  	[sflag:s12] =	ssyncadd.s32 $0xFFFFFC00  }
0x165: {  	_ =	swait.ge [sflag:s12], $0x400  }
0x166: {  	[sflag:s12] =	ssyncset.done $0x0  }
0x167: {  	[sflag:s12] =	ssyncadd.s32 $0xFFFFFC00  }
0x168: {  	_ =	swait.ge [sflag:s12], $0x400  }
0x169: {  	[sflag:s12] =	ssyncset.done $0x0  }
0x16a: {  	s16 =	simm.s32 $0x17700;
	[sflag:s12] =	ssyncadd.s32 $0xFFFFFC00  }
0x16b: {  	[tilespmem:s16], [sflag:$0x9] =	stream.indirect.gather [spmem:s25], $0x1, s4, s30, $0xb8;
	[tilespmem:$0x1AF00] =	vst v63  }
0x16c: {  	s3 =	simm.s32 $0x17B00  }
0x16d: {  	[tilespmem:s3], [sflag:$0x9] =	stream.indirect.gather [spmem:s29], $0x1, s4, s30, $0xb8;
	[tilespmem:$0x1AF00] =	vst v63  }
0x16e: {  	s7 =	simm.s32 $0x17F00  }
0x16f: {  	[tilespmem:s7], [sflag:$0x9] =	stream.indirect.gather [spmem:s28], $0x1, s4, s30, $0xb8;
	[tilespmem:$0x1AF00] =	vst v63  }
0x170: {  	s9 =	simm.s32 $0x18300  }
0x171: {  	[tilespmem:s9], [sflag:$0x9] =	stream.indirect.gather [spmem:s15], $0x1, s4, s30, $0xb8;
	[tilespmem:$0x1AF00] =	vst v63  }
0x172: {  	s17 =	simm.s32 $0x18700  }
0x173: {  	[tilespmem:s17], [sflag:$0x9] =	stream.indirect.gather [spmem:s19], $0x1, s4, s30, $0xb8;
	[tilespmem:$0x1AF00] =	vst v63  }
0x174: {  	s2 =	simm.s32 $0x18B00;
	s20 =	sld [smem:$0x7F6]  }
0x175: {  	[tilespmem:s2], [sflag:$0x9] =	stream.indirect.gather [spmem:s21], $0x1, s4, s30, $0xb8;
	[tilespmem:$0x1AF00] =	vst v63  }
0x176: {  	p0 =	por $0x0, $0x0;
	s6 =	simm.s32 $0x18F00;
	s5 =	smov.u32 s15  }
0x177: {  	[tilespmem:s6], [sflag:$0x9] =	stream.indirect.gather [spmem:s0], $0x1, s4, s30, $0xb8;
	[tilespmem:$0x1AF00] =	vst v63  }
0x178: {  	s12 =	simm.s32 @!p0 $0x0;
	s18 =	sshrl.u32 @!p0 s20, $0x3;
	s4 =	rddreg [dreg:$0x16]  }
0x179: {  	s15 =	simm.s32 @!p0 $0x15700;
	s31 =	sadd.s32 @!p0 s4, s18;
	s4 =	rddreg [dreg:$0x15]  }
0x17a: {  	[tilespmem:s15], [sflag:$0x1] =	stream.linear.gather @!p0 [hbm4b:s31+s12], $0x400, $0x38;
	[tilespmem:$0x1AF00] =	vst v63  }
0x17b: {  	s4 =	sadd.s32 @!p0 s4, s18;
	s15 =	simm.s32 @!p0 $0x16700  }
0x17c: {  	[tilespmem:s15], [sflag:$0x5] =	stream.linear.gather @!p0 [hbm4b:s4+s12], $0x400, $0x38;
	[tilespmem:$0x1AF00] =	vst v63  }
0x17d: {  	_ =	swait.ge [sflag:s13], $0x400  }
0x17e: {  	[sflag:s13] =	ssyncset.done $0x0  }
0x17f: {  	[sflag:s13] =	ssyncadd.s32 $0xFFFFFC00  }
0x180: {  	_ =	swait.ge [sflag:s13], $0x400  }
0x181: {  	[sflag:s13] =	ssyncset.done $0x0  }
0x182: {  	[sflag:s13] =	ssyncadd.s32 $0xFFFFFC00  }
0x183: {  	_ =	swait.ge [sflag:s13], $0x400  }
0x184: {  	[sflag:s13] =	ssyncset.done $0x0  }
0x185: {  	[sflag:s13] =	ssyncadd.s32 $0xFFFFFC00  }
0x186: {  	_ =	swait.ge [sflag:s13], $0x400  }
0x187: {  	[sflag:s13] =	ssyncset.done $0x0  }
0x188: {  	[sflag:s13] =	ssyncadd.s32 $0xFFFFFC00  }
0x189: {  	_ =	swait.ge [sflag:s13], $0x400  }
0x18a: {  	[sflag:s13] =	ssyncset.done $0x0  }
0x18b: {  	[sflag:s13] =	ssyncadd.s32 $0xFFFFFC00  }
0x18c: {  	_ =	swait.ge [sflag:s13], $0x400  }
0x18d: {  	[sflag:s13] =	ssyncset.done $0x0  }
0x18e: {  	[sflag:s13] =	ssyncadd.s32 $0xFFFFFC00  }
0x18f: {  	_ =	swait.ge [sflag:s13], $0x400  }
0x190: {  	[sflag:s13] =	ssyncset.done $0x0  }
0x191: {  	[sflag:s13] =	ssyncadd.s32 $0xFFFFFC00  }
0x192: {  	[spmem:s22] =	stream.indirect.scatter.add.f32 [tilespmem:s16], [sflag:$0xB], $0x1, s23, s30, $0xb8;
	[tilespmem:$0x1AF00] =	vst v63  }
0x193: {  	s11 =	rddreg [dreg:$0x4]  }
0x194: {  	[spmem:s11] =	stream.indirect.scatter.add.f32 [tilespmem:s3], [sflag:$0xB], $0x1, s23, s30, $0xb8;
	[tilespmem:$0x1AF00] =	vst v63  }
0x195: {  	_ = 	snop  }
0x196: {  	[spmem:s24] =	stream.indirect.scatter.add.f32 [tilespmem:s7], [sflag:$0xB], $0x1, s23, s30, $0xb8;
	[tilespmem:$0x1AF00] =	vst v63  }
0x197: {  	s16 =	rddreg [dreg:$0x8]  }
0x198: {  	[spmem:s16] =	stream.indirect.scatter.add.f32 [tilespmem:s9], [sflag:$0xB], $0x1, s23, s30, $0xb8;
	[tilespmem:$0x1AF00] =	vst v63  }
0x199: {  	_ = 	snop  }
0x19a: {  	[spmem:s26] =	stream.indirect.scatter.add.f32 [tilespmem:s17], [sflag:$0xB], $0x1, s23, s30, $0xb8;
	[tilespmem:$0x1AF00] =	vst v63  }
0x19b: {  	s7 =	rddreg [dreg:$0xc]  }
0x19c: {  	[spmem:s7] =	stream.indirect.scatter.add.f32 [tilespmem:s2], [sflag:$0xB], $0x1, s23, s30, $0xb8;
	[tilespmem:$0x1AF00] =	vst v63  }
0x19d: {  	s31 =	simm.s32 $0x4  }
0x19e: {  	[spmem:s10] =	stream.indirect.scatter.add.f32 [tilespmem:s6], [sflag:$0xB], $0x1, s23, s30, $0xb8;
	[tilespmem:$0x1AF00] =	vst v63  }
0x19f: {  	_ =	swait.ge [sflag:s31], $0x400  }
0x1a0: {  	[sflag:s31] =	ssyncset.done $0x0  }
0x1a1: {  	s2 =	simm.s32 $0x8;
	[sflag:s31] =	ssyncadd.s32 $0xFFFFFC00  }
0x1a2: {  	_ =	swait.ge [sflag:s2], $0x400  }
0x1a3: {  	[sflag:s2] =	ssyncset.done $0x0  }
0x1a4: {  	s3 =	simm.s32 $0xC;
	[sflag:s2] =	ssyncadd.s32 $0xFFFFFC00  }
0x1a5: {  	_ =	swait.ge [sflag:s3], $0x400  }
0x1a6: {  	[sflag:s3] =	ssyncset.done $0x0  }
0x1a7: {  	[sflag:s3] =	ssyncadd.s32 $0xFFFFFC00  }
0x1a8: {  	_ =	swait.ge [sflag:s3], $0x400  }
0x1a9: {  	[sflag:s3] =	ssyncset.done $0x0  }
0x1aa: {  	[sflag:s3] =	ssyncadd.s32 $0xFFFFFC00  }
0x1ab: {  	_ =	swait.ge [sflag:s3], $0x400  }
0x1ac: {  	[sflag:s3] =	ssyncset.done $0x0  }
0x1ad: {  	[sflag:s3] =	ssyncadd.s32 $0xFFFFFC00  }
0x1ae: {  	_ =	swait.ge [sflag:s3], $0x400  }
0x1af: {  	[sflag:s3] =	ssyncset.done $0x0  }
0x1b0: {  	[sflag:s3] =	ssyncadd.s32 $0xFFFFFC00  }
0x1b1: {  	_ =	swait.ge [sflag:s3], $0x400  }
0x1b2: {  	[sflag:s3] =	ssyncset.done $0x0  }
0x1b3: {  	[sflag:s3] =	ssyncadd.s32 $0xFFFFFC00  }
0x1b4: {  	_ =	swait.ge [sflag:s3], $0x400  }
0x1b5: {  	[sflag:s3] =	ssyncset.done $0x0  }
0x1b6: {  	[sflag:s3] =	ssyncadd.s32 $0xFFFFFC00  }
0x1b7: {  	_ =	swait.ge [sflag:s3], $0x400  }
0x1b8: {  	[sflag:s3] =	ssyncset.done $0x0  }
0x1b9: {  	[sflag:s3] =	ssyncadd.s32 $0xFFFFFC00  }
0x1ba: {  	[tilespmem:s14], [sflag:$0xA] =	stream.indirect.gather [spmem:s25], $0x1, s1, s30, $0xb8;
	[tilespmem:$0x1AF00] =	vst v63  }
0x1bb: {  	s6 =	simm.s32 $0x19700  }
0x1bc: {  	[tilespmem:s6], [sflag:$0xA] =	stream.indirect.gather [spmem:s29], $0x1, s1, s30, $0xb8;
	[tilespmem:$0x1AF00] =	vst v63  }
0x1bd: {  	s17 =	simm.s32 $0x19B00  }
0x1be: {  	[tilespmem:s17], [sflag:$0xA] =	stream.indirect.gather [spmem:s28], $0x1, s1, s30, $0xb8;
	[tilespmem:$0x1AF00] =	vst v63  }
0x1bf: {  	s18 =	simm.s32 $0x19F00  }
0x1c0: {  	[tilespmem:s18], [sflag:$0xA] =	stream.indirect.gather [spmem:s5], $0x1, s1, s30, $0xb8;
	[tilespmem:$0x1AF00] =	vst v63  }
0x1c1: {  	s23 =	simm.s32 $0x1A300  }
0x1c2: {  	[tilespmem:s23], [sflag:$0xA] =	stream.indirect.gather [spmem:s19], $0x1, s1, s30, $0xb8;
	[tilespmem:$0x1AF00] =	vst v63  }
0x1c3: {  	s25 =	simm.s32 $0x1A700  }
0x1c4: {  	[tilespmem:s25], [sflag:$0xA] =	stream.indirect.gather [spmem:s21], $0x1, s1, s30, $0xb8;
	[tilespmem:$0x1AF00] =	vst v63  }
0x1c5: {  	s4 =	rddreg [dreg:$0xf];
	s28 =	simm.s32 $0x1AB00  }
0x1c6: {  	[tilespmem:s28], [sflag:$0xA] =	stream.indirect.gather [spmem:s0], $0x1, s1, s30, $0xb8;
	[tilespmem:$0x1AF00] =	vst v63  }
0x1c7: {  	s31 =	simm.s32 @!p0 $0x15B00;
	s15 =	rddreg [dreg:$0xe];
	s0 =	sadd.s32 @!p0 $0x0, s4  }
0x1c8: {  	[tilespmem:s31], [sflag:$0x2] =	stream.linear.gather @!p0 [hbm4b:s0+s12], $0x400, $0x38;
	[tilespmem:$0x1AF00] =	vst v63  }
0x1c9: {  	s15 =	sadd.s32 @!p0 $0x0, s15;
	s0 =	simm.s32 @!p0 $0x16B00  }
0x1ca: {  	[tilespmem:s0], [sflag:$0x6] =	stream.linear.gather @!p0 [hbm4b:s15+s12], $0x400, $0x38;
	[tilespmem:$0x1AF00] =	vst v63  }
0x1cb: {  	_ =	swait.ge [sflag:s8], $0x400  }
0x1cc: {  	[sflag:s8] =	ssyncset.done $0x0  }
0x1cd: {  	[sflag:s8] =	ssyncadd.s32 $0xFFFFFC00  }
0x1ce: {  	_ =	swait.ge [sflag:s8], $0x400  }
0x1cf: {  	[sflag:s8] =	ssyncset.done $0x0  }
0x1d0: {  	[sflag:s8] =	ssyncadd.s32 $0xFFFFFC00  }
0x1d1: {  	_ =	swait.ge [sflag:s8], $0x400  }
0x1d2: {  	[sflag:s8] =	ssyncset.done $0x0  }
0x1d3: {  	[sflag:s8] =	ssyncadd.s32 $0xFFFFFC00  }
0x1d4: {  	_ =	swait.ge [sflag:s8], $0x400  }
0x1d5: {  	[sflag:s8] =	ssyncset.done $0x0  }
0x1d6: {  	[sflag:s8] =	ssyncadd.s32 $0xFFFFFC00  }
0x1d7: {  	_ =	swait.ge [sflag:s8], $0x400  }
0x1d8: {  	[sflag:s8] =	ssyncset.done $0x0  }
0x1d9: {  	[sflag:s8] =	ssyncadd.s32 $0xFFFFFC00  }
0x1da: {  	_ =	swait.ge [sflag:s8], $0x400  }
0x1db: {  	[sflag:s8] =	ssyncset.done $0x0  }
0x1dc: {  	[sflag:s8] =	ssyncadd.s32 $0xFFFFFC00  }
0x1dd: {  	_ =	swait.ge [sflag:s8], $0x400  }
0x1de: {  	[sflag:s8] =	ssyncset.done $0x0  }
0x1df: {  	s29 =	simm.s32 $0x17300;
	[sflag:s8] =	ssyncadd.s32 $0xFFFFFC00  }
0x1e0: {  	[spmem:s22] =	stream.indirect.scatter.add.f32 [tilespmem:s14], [sflag:$0xC], $0x1, s29, s30, $0xb8;
	[tilespmem:$0x1AF00] =	vst v63  }
0x1e1: {  	_ = 	snop  }
0x1e2: {  	[spmem:s11] =	stream.indirect.scatter.add.f32 [tilespmem:s6], [sflag:$0xC], $0x1, s29, s30, $0xb8;
	[tilespmem:$0x1AF00] =	vst v63  }
0x1e3: {  	_ = 	snop  }
0x1e4: {  	[spmem:s24] =	stream.indirect.scatter.add.f32 [tilespmem:s17], [sflag:$0xC], $0x1, s29, s30, $0xb8;
	[tilespmem:$0x1AF00] =	vst v63  }
0x1e5: {  	_ = 	snop  }
0x1e6: {  	[spmem:s16] =	stream.indirect.scatter.add.f32 [tilespmem:s18], [sflag:$0xC], $0x1, s29, s30, $0xb8;
	[tilespmem:$0x1AF00] =	vst v63  }
0x1e7: {  	s21 =	simm.s32 $0x19700  }
0x1e8: {  	[spmem:s26] =	stream.indirect.scatter.add.f32 [tilespmem:s23], [sflag:$0xC], $0x1, s29, s30, $0xb8;
	[tilespmem:$0x1AF00] =	vst v63  }
0x1e9: {  	s1 =	simm.s32 $0x200;
	s31 =	simm.s32 $0x17300;
	s16 =	smov.u32 s20  }
0x1ea: {  	[spmem:s7] =	stream.indirect.scatter.add.f32 [tilespmem:s25], [sflag:$0xC], $0x1, s31, s30, $0xb8;
	[tilespmem:$0x1AF00] =	vst v63  }
.LBB3_2:
0x1eb: {  	s0 =	sadd.s32 $0x200, s1;
	s28 =	rddreg [dreg:$0x14];
	s3 =	simm.s32 $0x1AB00  }
0x1ec: {  	s2 =	simm.s32 $0x17300;
	s10 =	simm.s32 $0x1;
	[dreg:$0x17] =	wrdreg s0  }
0x1ed: {  	[spmem:s28] =	stream.indirect.scatter.add.f32 [tilespmem:s3], [sflag:$0xC], $0x1, s2, s30, $0xb8;
	[tilespmem:$0x1AF00] =	vst v63  }
0x1ee: {  	_ =	swait.ge [sflag:s10], $0x400  }
0x1ef: {  	[sflag:s10] =	ssyncset.done $0x0  }
0x1f0: {  	s7 =	simm.s32 $0x5;
	[sflag:s10] =	ssyncadd.s32 $0xFFFFFC00  }
0x1f1: {  	s15 =	smov.u32 s1;
	_ =	swait.ge [sflag:s7], $0x400  }
0x1f2: {  	p1 =	seq.s32 s15, $0x0;
	[sflag:s7] =	ssyncset.done $0x0  }
0x1f3: {  	s31 =	simm.s32 @!p1 $0xB;
	[sflag:s7] =	ssyncadd.s32 $0xFFFFFC00  }
0x1f4: {  	_ =	swait.ge @!p1 [sflag:s31], $0x400  }
0x1f5: {  	[sflag:s31] =	ssyncset.done @!p1 $0x0  }
0x1f6: {  	[sflag:s31] =	ssyncadd.s32 @!p1 $0xFFFFFC00  }
0x1f7: {  	_ =	swait.ge @!p1 [sflag:s31], $0x400  }
0x1f8: {  	[sflag:s31] =	ssyncset.done @!p1 $0x0  }
0x1f9: {  	[sflag:s31] =	ssyncadd.s32 @!p1 $0xFFFFFC00  }
0x1fa: {  	_ =	swait.ge @!p1 [sflag:s31], $0x400  }
0x1fb: {  	[sflag:s31] =	ssyncset.done @!p1 $0x0  }
0x1fc: {  	[sflag:s31] =	ssyncadd.s32 @!p1 $0xFFFFFC00  }
0x1fd: {  	_ =	swait.ge @!p1 [sflag:s31], $0x400  }
0x1fe: {  	[sflag:s31] =	ssyncset.done @!p1 $0x0  }
0x1ff: {  	[sflag:s31] =	ssyncadd.s32 @!p1 $0xFFFFFC00  }
0x200: {  	_ =	swait.ge @!p1 [sflag:s31], $0x400  }
0x201: {  	[sflag:s31] =	ssyncset.done @!p1 $0x0  }
0x202: {  	[sflag:s31] =	ssyncadd.s32 @!p1 $0xFFFFFC00  }
0x203: {  	_ =	swait.ge @!p1 [sflag:s31], $0x400  }
0x204: {  	[sflag:s31] =	ssyncset.done @!p1 $0x0  }
0x205: {  	[sflag:s31] =	ssyncadd.s32 @!p1 $0xFFFFFC00  }
0x206: {  	_ =	swait.ge @!p1 [sflag:s31], $0x400  }
0x207: {  	s17 =	sadd.s32 $0x1000, s16;
	[sflag:s31] =	ssyncset.done @!p1 $0x0;
	s9 =	rddreg [dreg:$0x13]  }
0x208: {  	s1 =	simm.s32 $0x15700;
	s23 =	rddreg [dreg:$0x12];
	[sflag:s31] =	ssyncadd.s32 @!p1 $0xFFFFFC00  }
0x209: {  	p0 =	sne.s32 s0, $0x6200;
	s0 =	simm.s32 $0x17700;
	s16 =	rddreg [dreg:$0x1]  }
0x20a: {  	[tilespmem:s0], [sflag:$0x9] =	stream.indirect.gather [spmem:s16], $0x1, s1, s30, $0xb8;
	[tilespmem:$0x1AF00] =	vst v63  }
0x20b: {  	s2 =	simm.s32 $0x17B00;
	s18 =	rddreg [dreg:$0x3]  }
0x20c: {  	[tilespmem:s2], [sflag:$0x9] =	stream.indirect.gather [spmem:s18], $0x1, s1, s30, $0xb8;
	[tilespmem:$0x1AF00] =	vst v63  }
0x20d: {  	s4 =	simm.s32 $0x17F00;
	s19 =	rddreg [dreg:$0x5]  }
0x20e: {  	[tilespmem:s4], [sflag:$0x9] =	stream.indirect.gather [spmem:s19], $0x1, s1, s30, $0xb8;
	[tilespmem:$0x1AF00] =	vst v63  }
0x20f: {  	s5 =	simm.s32 $0x18300;
	s29 =	rddreg [dreg:$0x7]  }
0x210: {  	[tilespmem:s5], [sflag:$0x9] =	stream.indirect.gather [spmem:s29], $0x1, s1, s30, $0xb8;
	[tilespmem:$0x1AF00] =	vst v63  }
0x211: {  	s7 =	simm.s32 $0x18700;
	s12 =	rddreg [dreg:$0x9]  }
0x212: {  	[tilespmem:s7], [sflag:$0x9] =	stream.indirect.gather [spmem:s12], $0x1, s1, s30, $0xb8;
	[tilespmem:$0x1AF00] =	vst v63  }
0x213: {  	s20 =	simm.s32 $0x18B00;
	s25 =	rddreg [dreg:$0xb]  }
0x214: {  	[tilespmem:s20], [sflag:$0x9] =	stream.indirect.gather [spmem:s25], $0x1, s1, s30, $0xb8;
	[tilespmem:$0x1AF00] =	vst v63  }
0x215: {  	s22 =	simm.s32 $0x18F00;
	s19 =	rddreg [dreg:$0xd]  }
0x216: {  	[tilespmem:s22], [sflag:$0x9] =	stream.indirect.gather [spmem:s19], $0x1, s1, s30, $0xb8;
	[tilespmem:$0x1AF00] =	vst v63  }
0x217: {  	s31 =	sadd.s32 s15, s9;
	s20 =	simm.s32 $0x15F00;
	s1 =	simm.s32 $0x0  }
0x218: {  	[tilespmem:s20], [sflag:$0x3] =	stream.linear.gather [hbm4b:s31+s1], $0x400, $0x38;
	[tilespmem:$0x1AF00] =	vst v63  }
0x219: {  	s23 =	sadd.s32 s15, s23;
	s7 =	simm.s32 $0x16F00  }
0x21a: {  	[tilespmem:s7], [sflag:$0x7] =	stream.linear.gather [hbm4b:s23+s1], $0x400, $0x38;
	[tilespmem:$0x1AF00] =	vst v63  }
0x21b: {  	_ =	swait.ge [sflag:s13], $0x400  }
0x21c: {  	[sflag:s13] =	ssyncset.done $0x0  }
0x21d: {  	[sflag:s13] =	ssyncadd.s32 $0xFFFFFC00  }
0x21e: {  	_ =	swait.ge [sflag:s13], $0x400  }
0x21f: {  	[sflag:s13] =	ssyncset.done $0x0  }
0x220: {  	[sflag:s13] =	ssyncadd.s32 $0xFFFFFC00  }
0x221: {  	_ =	swait.ge [sflag:s13], $0x400  }
0x222: {  	[sflag:s13] =	ssyncset.done $0x0  }
0x223: {  	[sflag:s13] =	ssyncadd.s32 $0xFFFFFC00  }
0x224: {  	_ =	swait.ge [sflag:s13], $0x400  }
0x225: {  	[sflag:s13] =	ssyncset.done $0x0  }
0x226: {  	[sflag:s13] =	ssyncadd.s32 $0xFFFFFC00  }
0x227: {  	_ =	swait.ge [sflag:s13], $0x400  }
0x228: {  	[sflag:s13] =	ssyncset.done $0x0  }
0x229: {  	[sflag:s13] =	ssyncadd.s32 $0xFFFFFC00  }
0x22a: {  	_ =	swait.ge [sflag:s13], $0x400  }
0x22b: {  	[sflag:s13] =	ssyncset.done $0x0  }
0x22c: {  	[sflag:s13] =	ssyncadd.s32 $0xFFFFFC00  }
0x22d: {  	_ =	swait.ge [sflag:s13], $0x400  }
0x22e: {  	[sflag:s13] =	ssyncset.done $0x0  }
0x22f: {  	[sflag:s13] =	ssyncadd.s32 $0xFFFFFC00  }
0x230: {  	s24 =	simm.s32 $0x17700;
	s31 =	simm.s32 $0x16700;
	s22 =	rddreg [dreg:$0x2]  }
0x231: {  	[spmem:s22] =	stream.indirect.scatter.add.f32 [tilespmem:s24], [sflag:$0xB], $0x1, s31, s30, $0xb8;
	[tilespmem:$0x1AF00] =	vst v63  }
0x232: {  	s3 =	simm.s32 $0x17B00;
	s0 =	rddreg [dreg:$0x4]  }
0x233: {  	[spmem:s0] =	stream.indirect.scatter.add.f32 [tilespmem:s3], [sflag:$0xB], $0x1, s31, s30, $0xb8;
	[tilespmem:$0x1AF00] =	vst v63  }
0x234: {  	s4 =	simm.s32 $0x17F00;
	s2 =	rddreg [dreg:$0x6]  }
0x235: {  	[spmem:s2] =	stream.indirect.scatter.add.f32 [tilespmem:s4], [sflag:$0xB], $0x1, s31, s30, $0xb8;
	[tilespmem:$0x1AF00] =	vst v63  }
0x236: {  	s6 =	simm.s32 $0x18300;
	s4 =	rddreg [dreg:$0x8]  }
0x237: {  	[spmem:s4] =	stream.indirect.scatter.add.f32 [tilespmem:s6], [sflag:$0xB], $0x1, s31, s30, $0xb8;
	[tilespmem:$0x1AF00] =	vst v63  }
0x238: {  	s26 =	simm.s32 $0x18700;
	s24 =	rddreg [dreg:$0xa]  }
0x239: {  	[spmem:s24] =	stream.indirect.scatter.add.f32 [tilespmem:s26], [sflag:$0xB], $0x1, s31, s30, $0xb8;
	[tilespmem:$0x1AF00] =	vst v63  }
0x23a: {  	s5 =	simm.s32 $0x18B00;
	s26 =	rddreg [dreg:$0xc]  }
0x23b: {  	[spmem:s26] =	stream.indirect.scatter.add.f32 [tilespmem:s5], [sflag:$0xB], $0x1, s31, s30, $0xb8;
	[tilespmem:$0x1AF00] =	vst v63  }
0x23c: {  	s11 =	simm.s32 $0x18F00;
	s9 =	simm.s32 $0x2  }
0x23d: {  	[spmem:s28] =	stream.indirect.scatter.add.f32 [tilespmem:s11], [sflag:$0xB], $0x1, s31, s30, $0xb8;
	[tilespmem:$0x1AF00] =	vst v63  }
0x23e: {  	_ =	swait.ge [sflag:s9], $0x400  }
0x23f: {  	[sflag:s9] =	ssyncset.done $0x0  }
0x240: {  	s11 =	simm.s32 $0x6;
	[sflag:s9] =	ssyncadd.s32 $0xFFFFFC00  }
0x241: {  	_ =	swait.ge [sflag:s11], $0x400  }
0x242: {  	[sflag:s11] =	ssyncset.done $0x0  }
0x243: {  	s23 =	simm.s32 @!p1 $0xC;
	[sflag:s11] =	ssyncadd.s32 $0xFFFFFC00  }
0x244: {  	_ =	swait.ge @!p1 [sflag:s23], $0x400  }
0x245: {  	[sflag:s23] =	ssyncset.done @!p1 $0x0  }
0x246: {  	[sflag:s23] =	ssyncadd.s32 @!p1 $0xFFFFFC00  }
0x247: {  	_ =	swait.ge @!p1 [sflag:s23], $0x400  }
0x248: {  	[sflag:s23] =	ssyncset.done @!p1 $0x0  }
0x249: {  	[sflag:s23] =	ssyncadd.s32 @!p1 $0xFFFFFC00  }
0x24a: {  	_ =	swait.ge @!p1 [sflag:s23], $0x400  }
0x24b: {  	[sflag:s23] =	ssyncset.done @!p1 $0x0  }
0x24c: {  	[sflag:s23] =	ssyncadd.s32 @!p1 $0xFFFFFC00  }
0x24d: {  	_ =	swait.ge @!p1 [sflag:s23], $0x400  }
0x24e: {  	[sflag:s23] =	ssyncset.done @!p1 $0x0  }
0x24f: {  	[sflag:s23] =	ssyncadd.s32 @!p1 $0xFFFFFC00  }
0x250: {  	_ =	swait.ge @!p1 [sflag:s23], $0x400  }
0x251: {  	[sflag:s23] =	ssyncset.done @!p1 $0x0  }
0x252: {  	[sflag:s23] =	ssyncadd.s32 @!p1 $0xFFFFFC00  }
0x253: {  	_ =	swait.ge @!p1 [sflag:s23], $0x400  }
0x254: {  	[sflag:s23] =	ssyncset.done @!p1 $0x0  }
0x255: {  	[sflag:s23] =	ssyncadd.s32 @!p1 $0xFFFFFC00  }
0x256: {  	_ =	swait.ge @!p1 [sflag:s23], $0x400  }
0x257: {  	[sflag:s23] =	ssyncset.done @!p1 $0x0  }
0x258: {  	s10 =	simm.s32 $0x15B00;
	[sflag:s23] =	ssyncadd.s32 @!p1 $0xFFFFFC00  }
0x259: {  	[tilespmem:s14], [sflag:$0xA] =	stream.indirect.gather [spmem:s16], $0x1, s10, s30, $0xb8;
	[tilespmem:$0x1AF00] =	vst v63  }
0x25a: {  	_ = 	snop  }
0x25b: {  	[tilespmem:s21], [sflag:$0xA] =	stream.indirect.gather [spmem:s18], $0x1, s10, s30, $0xb8;
	[tilespmem:$0x1AF00] =	vst v63  }
0x25c: {  	s5 =	smov.u32 s18;
	s21 =	simm.s32 $0x19B00;
	s18 =	rddreg [dreg:$0x5]  }
0x25d: {  	[tilespmem:s21], [sflag:$0xA] =	stream.indirect.gather [spmem:s18], $0x1, s10, s30, $0xb8;
	[tilespmem:$0x1AF00] =	vst v63  }
0x25e: {  	s23 =	simm.s32 $0x19F00  }
0x25f: {  	[tilespmem:s23], [sflag:$0xA] =	stream.indirect.gather [spmem:s29], $0x1, s10, s30, $0xb8;
	[tilespmem:$0x1AF00] =	vst v63  }
0x260: {  	s6 =	smov.u32 s28;
	s28 =	simm.s32 $0x1A300  }
0x261: {  	[tilespmem:s28], [sflag:$0xA] =	stream.indirect.gather [spmem:s12], $0x1, s10, s30, $0xb8;
	[tilespmem:$0x1AF00] =	vst v63  }
0x262: {  	s31 =	simm.s32 $0x1A700  }
0x263: {  	[tilespmem:s31], [sflag:$0xA] =	stream.indirect.gather [spmem:s25], $0x1, s10, s30, $0xb8;
	[tilespmem:$0x1AF00] =	vst v63  }
0x264: {  	s21 =	simm.s32 $0x1AB00;
	s23 =	rddreg [dreg:$0x11]  }
0x265: {  	[tilespmem:s21], [sflag:$0xA] =	stream.indirect.gather [spmem:s19], $0x1, s10, s30, $0xb8;
	[tilespmem:$0x1AF00] =	vst v63  }
0x266: {  	s11 =	simm.s32 $0x16300;
	s9 =	rddreg [dreg:$0x10];
	s23 =	sadd.s32 s15, s23  }
0x267: {  	[tilespmem:s11], [sflag:$0x4] =	stream.linear.gather [hbm4b:s23+s1], $0x400, $0x38;
	[tilespmem:$0x1AF00] =	vst v63  }
0x268: {  	s10 =	sadd.s32 s15, s9;
	s9 =	simm.s32 $0x17300  }
0x269: {  	[tilespmem:s9], [sflag:$0x8] =	stream.linear.gather [hbm4b:s10+s1], $0x400, $0x38;
	[tilespmem:$0x1AF00] =	vst v63  }
0x26a: {  	_ =	swait.ge [sflag:s8], $0x400  }
0x26b: {  	[sflag:s8] =	ssyncset.done $0x0  }
0x26c: {  	[sflag:s8] =	ssyncadd.s32 $0xFFFFFC00  }
0x26d: {  	_ =	swait.ge [sflag:s8], $0x400  }
0x26e: {  	[sflag:s8] =	ssyncset.done $0x0  }
0x26f: {  	[sflag:s8] =	ssyncadd.s32 $0xFFFFFC00  }
0x270: {  	_ =	swait.ge [sflag:s8], $0x400  }
0x271: {  	[sflag:s8] =	ssyncset.done $0x0  }
0x272: {  	[sflag:s8] =	ssyncadd.s32 $0xFFFFFC00  }
0x273: {  	_ =	swait.ge [sflag:s8], $0x400  }
0x274: {  	[sflag:s8] =	ssyncset.done $0x0  }
0x275: {  	[sflag:s8] =	ssyncadd.s32 $0xFFFFFC00  }
0x276: {  	_ =	swait.ge [sflag:s8], $0x400  }
0x277: {  	[sflag:s8] =	ssyncset.done $0x0  }
0x278: {  	[sflag:s8] =	ssyncadd.s32 $0xFFFFFC00  }
0x279: {  	_ =	swait.ge [sflag:s8], $0x400  }
0x27a: {  	[sflag:s8] =	ssyncset.done $0x0  }
0x27b: {  	[sflag:s8] =	ssyncadd.s32 $0xFFFFFC00  }
0x27c: {  	_ =	swait.ge [sflag:s8], $0x400  }
0x27d: {  	[sflag:s8] =	ssyncset.done $0x0  }
0x27e: {  	s23 =	simm.s32 $0x16B00;
	[sflag:s8] =	ssyncadd.s32 $0xFFFFFC00  }
0x27f: {  	[spmem:s22] =	stream.indirect.scatter.add.f32 [tilespmem:s14], [sflag:$0xC], $0x1, s23, s30, $0xb8;
	[tilespmem:$0x1AF00] =	vst v63  }
0x280: {  	s3 =	simm.s32 $0x19700  }
0x281: {  	[spmem:s0] =	stream.indirect.scatter.add.f32 [tilespmem:s3], [sflag:$0xC], $0x1, s23, s30, $0xb8;
	[tilespmem:$0x1AF00] =	vst v63  }
0x282: {  	s16 =	smov.u32 s25;
	s25 =	simm.s32 $0x19B00  }
0x283: {  	[spmem:s2] =	stream.indirect.scatter.add.f32 [tilespmem:s25], [sflag:$0xC], $0x1, s23, s30, $0xb8;
	[tilespmem:$0x1AF00] =	vst v63  }
0x284: {  	s31 =	simm.s32 $0x19F00  }
0x285: {  	[spmem:s4] =	stream.indirect.scatter.add.f32 [tilespmem:s31], [sflag:$0xC], $0x1, s23, s30, $0xb8;
	[tilespmem:$0x1AF00] =	vst v63  }
0x286: {  	s3 =	simm.s32 $0x1A300  }
0x287: {  	[spmem:s24] =	stream.indirect.scatter.add.f32 [tilespmem:s3], [sflag:$0xC], $0x1, s23, s30, $0xb8;
	[tilespmem:$0x1AF00] =	vst v63  }
0x288: {  	s28 =	simm.s32 $0x1A700  }
0x289: {  	[spmem:s26] =	stream.indirect.scatter.add.f32 [tilespmem:s28], [sflag:$0xC], $0x1, s23, s30, $0xb8;
	[tilespmem:$0x1AF00] =	vst v63  }
0x28a: {  	_ = 	snop  }
0x28b: {  	[spmem:s6] =	stream.indirect.scatter.add.f32 [tilespmem:s21], [sflag:$0xC], $0x1, s23, s30, $0xb8;
	[tilespmem:$0x1AF00] =	vst v63  }
0x28c: {  	s9 =	smov.u32 s6;
	s6 =	simm.s32 $0x3  }
0x28d: {  	_ =	swait.ge [sflag:s6], $0x400  }
0x28e: {  	[sflag:s6] =	ssyncset.done $0x0  }
0x28f: {  	s10 =	simm.s32 $0x7;
	[sflag:s6] =	ssyncadd.s32 $0xFFFFFC00  }
0x290: {  	_ =	swait.ge [sflag:s10], $0x400  }
0x291: {  	[sflag:s10] =	ssyncset.done $0x0  }
0x292: {  	s14 =	simm.s32 $0xB;
	[sflag:s10] =	ssyncadd.s32 $0xFFFFFC00  }
0x293: {  	_ =	swait.ge [sflag:s14], $0x400  }
0x294: {  	[sflag:s14] =	ssyncset.done $0x0  }
0x295: {  	[sflag:s14] =	ssyncadd.s32 $0xFFFFFC00  }
0x296: {  	_ =	swait.ge [sflag:s14], $0x400  }
0x297: {  	[sflag:s14] =	ssyncset.done $0x0  }
0x298: {  	[sflag:s14] =	ssyncadd.s32 $0xFFFFFC00  }
0x299: {  	_ =	swait.ge [sflag:s14], $0x400  }
0x29a: {  	[sflag:s14] =	ssyncset.done $0x0  }
0x29b: {  	[sflag:s14] =	ssyncadd.s32 $0xFFFFFC00  }
0x29c: {  	_ =	swait.ge [sflag:s14], $0x400  }
0x29d: {  	[sflag:s14] =	ssyncset.done $0x0  }
0x29e: {  	[sflag:s14] =	ssyncadd.s32 $0xFFFFFC00  }
0x29f: {  	_ =	swait.ge [sflag:s14], $0x400  }
0x2a0: {  	[sflag:s14] =	ssyncset.done $0x0  }
0x2a1: {  	[sflag:s14] =	ssyncadd.s32 $0xFFFFFC00  }
0x2a2: {  	_ =	swait.ge [sflag:s14], $0x400  }
0x2a3: {  	[sflag:s14] =	ssyncset.done $0x0  }
0x2a4: {  	[sflag:s14] =	ssyncadd.s32 $0xFFFFFC00  }
0x2a5: {  	_ =	swait.ge [sflag:s14], $0x400  }
0x2a6: {  	[sflag:s14] =	ssyncset.done $0x0  }
0x2a7: {  	[sflag:s14] =	ssyncadd.s32 $0xFFFFFC00  }
0x2a8: {  	s6 =	simm.s32 $0x17700;
	s1 =	rddreg [dreg:$0x1]  }
0x2a9: {  	[tilespmem:s6], [sflag:$0x9] =	stream.indirect.gather [spmem:s1], $0x1, s20, s30, $0xb8;
	[tilespmem:$0x1AF00] =	vst v63  }
0x2aa: {  	s28 =	simm.s32 $0x17B00  }
0x2ab: {  	[tilespmem:s28], [sflag:$0x9] =	stream.indirect.gather [spmem:s5], $0x1, s20, s30, $0xb8;
	[tilespmem:$0x1AF00] =	vst v63  }
0x2ac: {  	s5 =	simm.s32 $0x17F00  }
0x2ad: {  	[tilespmem:s5], [sflag:$0x9] =	stream.indirect.gather [spmem:s18], $0x1, s20, s30, $0xb8;
	[tilespmem:$0x1AF00] =	vst v63  }
0x2ae: {  	s14 =	simm.s32 $0x18300  }
0x2af: {  	[tilespmem:s14], [sflag:$0x9] =	stream.indirect.gather [spmem:s29], $0x1, s20, s30, $0xb8;
	[tilespmem:$0x1AF00] =	vst v63  }
0x2b0: {  	p1 =	seq.s32 s15, $0x6000;
	s25 =	simm.s32 $0x18700  }
0x2b1: {  	[tilespmem:s25], [sflag:$0x9] =	stream.indirect.gather [spmem:s12], $0x1, s20, s30, $0xb8;
	[tilespmem:$0x1AF00] =	vst v63  }
0x2b2: {  	s31 =	simm.s32 @!p1 $0x0;
	s12 =	simm.s32 $0x18B00  }
0x2b3: {  	[tilespmem:s12], [sflag:$0x9] =	stream.indirect.gather [spmem:s16], $0x1, s20, s30, $0xb8;
	[tilespmem:$0x1AF00] =	vst v63  }
0x2b4: {  	s3 =	simm.s32 $0x18F00;
	s23 =	sshrl.u32 @!p1 s17, $0x3;
	s1 =	rddreg [dreg:$0x16]  }
0x2b5: {  	[tilespmem:s3], [sflag:$0x9] =	stream.indirect.gather [spmem:s19], $0x1, s20, s30, $0xb8;
	[tilespmem:$0x1AF00] =	vst v63  }
0x2b6: {  	s10 =	sadd.s32 @!p1 s1, s23;
	s1 =	rddreg [dreg:$0x15];
	s20 =	simm.s32 @!p1 $0x15700  }
0x2b7: {  	[tilespmem:s20], [sflag:$0x1] =	stream.linear.gather @!p1 [hbm4b:s10+s31], $0x400, $0x38;
	[tilespmem:$0x1AF00] =	vst v63  }
0x2b8: {  	s21 =	simm.s32 @!p1 $0x16700;
	s23 =	sadd.s32 @!p1 s1, s23  }
0x2b9: {  	[tilespmem:s21], [sflag:$0x5] =	stream.linear.gather @!p1 [hbm4b:s23+s31], $0x400, $0x38;
	[tilespmem:$0x1AF00] =	vst v63  }
0x2ba: {  	_ =	swait.ge [sflag:s13], $0x400  }
0x2bb: {  	[sflag:s13] =	ssyncset.done $0x0  }
0x2bc: {  	[sflag:s13] =	ssyncadd.s32 $0xFFFFFC00  }
0x2bd: {  	_ =	swait.ge [sflag:s13], $0x400  }
0x2be: {  	[sflag:s13] =	ssyncset.done $0x0  }
0x2bf: {  	[sflag:s13] =	ssyncadd.s32 $0xFFFFFC00  }
0x2c0: {  	_ =	swait.ge [sflag:s13], $0x400  }
0x2c1: {  	[sflag:s13] =	ssyncset.done $0x0  }
0x2c2: {  	[sflag:s13] =	ssyncadd.s32 $0xFFFFFC00  }
0x2c3: {  	_ =	swait.ge [sflag:s13], $0x400  }
0x2c4: {  	[sflag:s13] =	ssyncset.done $0x0  }
0x2c5: {  	[sflag:s13] =	ssyncadd.s32 $0xFFFFFC00  }
0x2c6: {  	_ =	swait.ge [sflag:s13], $0x400  }
0x2c7: {  	[sflag:s13] =	ssyncset.done $0x0  }
0x2c8: {  	[sflag:s13] =	ssyncadd.s32 $0xFFFFFC00  }
0x2c9: {  	_ =	swait.ge [sflag:s13], $0x400  }
0x2ca: {  	[sflag:s13] =	ssyncset.done $0x0  }
0x2cb: {  	[sflag:s13] =	ssyncadd.s32 $0xFFFFFC00  }
0x2cc: {  	_ =	swait.ge [sflag:s13], $0x400  }
0x2cd: {  	[sflag:s13] =	ssyncset.done $0x0  }
0x2ce: {  	[sflag:s13] =	ssyncadd.s32 $0xFFFFFC00  }
0x2cf: {  	[spmem:s22] =	stream.indirect.scatter.add.f32 [tilespmem:s6], [sflag:$0xB], $0x1, s7, s30, $0xb8;
	[tilespmem:$0x1AF00] =	vst v63  }
0x2d0: {  	_ = 	snop  }
0x2d1: {  	[spmem:s0] =	stream.indirect.scatter.add.f32 [tilespmem:s28], [sflag:$0xB], $0x1, s7, s30, $0xb8;
	[tilespmem:$0x1AF00] =	vst v63  }
0x2d2: {  	_ = 	snop  }
0x2d3: {  	[spmem:s2] =	stream.indirect.scatter.add.f32 [tilespmem:s5], [sflag:$0xB], $0x1, s7, s30, $0xb8;
	[tilespmem:$0x1AF00] =	vst v63  }
0x2d4: {  	_ = 	snop  }
0x2d5: {  	[spmem:s4] =	stream.indirect.scatter.add.f32 [tilespmem:s14], [sflag:$0xB], $0x1, s7, s30, $0xb8;
	[tilespmem:$0x1AF00] =	vst v63  }
0x2d6: {  	_ = 	snop  }
0x2d7: {  	[spmem:s24] =	stream.indirect.scatter.add.f32 [tilespmem:s25], [sflag:$0xB], $0x1, s7, s30, $0xb8;
	[tilespmem:$0x1AF00] =	vst v63  }
0x2d8: {  	_ = 	snop  }
0x2d9: {  	[spmem:s26] =	stream.indirect.scatter.add.f32 [tilespmem:s12], [sflag:$0xB], $0x1, s7, s30, $0xb8;
	[tilespmem:$0x1AF00] =	vst v63  }
0x2da: {  	s21 =	simm.s32 $0x4  }
0x2db: {  	[spmem:s9] =	stream.indirect.scatter.add.f32 [tilespmem:s3], [sflag:$0xB], $0x1, s7, s30, $0xb8;
	[tilespmem:$0x1AF00] =	vst v63  }
0x2dc: {  	_ =	swait.ge [sflag:s21], $0x400  }
0x2dd: {  	[sflag:s21] =	ssyncset.done $0x0  }
0x2de: {  	s23 =	simm.s32 $0x8;
	[sflag:s21] =	ssyncadd.s32 $0xFFFFFC00  }
0x2df: {  	_ =	swait.ge [sflag:s23], $0x400  }
0x2e0: {  	[sflag:s23] =	ssyncset.done $0x0  }
0x2e1: {  	s25 =	simm.s32 $0xC;
	[sflag:s23] =	ssyncadd.s32 $0xFFFFFC00  }
0x2e2: {  	_ =	swait.ge [sflag:s25], $0x400  }
0x2e3: {  	[sflag:s25] =	ssyncset.done $0x0  }
0x2e4: {  	[sflag:s25] =	ssyncadd.s32 $0xFFFFFC00  }
0x2e5: {  	_ =	swait.ge [sflag:s25], $0x400  }
0x2e6: {  	[sflag:s25] =	ssyncset.done $0x0  }
0x2e7: {  	[sflag:s25] =	ssyncadd.s32 $0xFFFFFC00  }
0x2e8: {  	_ =	swait.ge [sflag:s25], $0x400  }
0x2e9: {  	[sflag:s25] =	ssyncset.done $0x0  }
0x2ea: {  	[sflag:s25] =	ssyncadd.s32 $0xFFFFFC00  }
0x2eb: {  	_ =	swait.ge [sflag:s25], $0x400  }
0x2ec: {  	[sflag:s25] =	ssyncset.done $0x0  }
0x2ed: {  	[sflag:s25] =	ssyncadd.s32 $0xFFFFFC00  }
0x2ee: {  	_ =	swait.ge [sflag:s25], $0x400  }
0x2ef: {  	[sflag:s25] =	ssyncset.done $0x0  }
0x2f0: {  	[sflag:s25] =	ssyncadd.s32 $0xFFFFFC00  }
0x2f1: {  	_ =	swait.ge [sflag:s25], $0x400  }
0x2f2: {  	[sflag:s25] =	ssyncset.done $0x0  }
0x2f3: {  	[sflag:s25] =	ssyncadd.s32 $0xFFFFFC00  }
0x2f4: {  	_ =	swait.ge [sflag:s25], $0x400  }
0x2f5: {  	[sflag:s25] =	ssyncset.done $0x0  }
0x2f6: {  	[sflag:s25] =	ssyncadd.s32 $0xFFFFFC00  }
0x2f7: {  	s16 =	smov.u32 s17;
	s17 =	simm.s32 $0x19300;
	s28 =	rddreg [dreg:$0x1]  }
0x2f8: {  	[tilespmem:s17], [sflag:$0xA] =	stream.indirect.gather [spmem:s28], $0x1, s11, s30, $0xb8;
	[tilespmem:$0x1AF00] =	vst v63  }
0x2f9: {  	s5 =	simm.s32 $0x19700;
	s3 =	rddreg [dreg:$0x3]  }
0x2fa: {  	[tilespmem:s5], [sflag:$0xA] =	stream.indirect.gather [spmem:s3], $0x1, s11, s30, $0xb8;
	[tilespmem:$0x1AF00] =	vst v63  }
0x2fb: {  	s6 =	simm.s32 $0x19B00  }
0x2fc: {  	[tilespmem:s6], [sflag:$0xA] =	stream.indirect.gather [spmem:s18], $0x1, s11, s30, $0xb8;
	[tilespmem:$0x1AF00] =	vst v63  }
0x2fd: {  	s7 =	simm.s32 $0x19F00  }
0x2fe: {  	[tilespmem:s7], [sflag:$0xA] =	stream.indirect.gather [spmem:s29], $0x1, s11, s30, $0xb8;
	[tilespmem:$0x1AF00] =	vst v63  }
0x2ff: {  	s9 =	simm.s32 $0x1A300;
	s10 =	rddreg [dreg:$0x9]  }
0x300: {  	[tilespmem:s9], [sflag:$0xA] =	stream.indirect.gather [spmem:s10], $0x1, s11, s30, $0xb8;
	[tilespmem:$0x1AF00] =	vst v63  }
0x301: {  	s12 =	simm.s32 $0x1A700;
	s25 =	rddreg [dreg:$0xb]  }
0x302: {  	[tilespmem:s12], [sflag:$0xA] =	stream.indirect.gather [spmem:s25], $0x1, s11, s30, $0xb8;
	[tilespmem:$0x1AF00] =	vst v63  }
0x303: {  	s28 =	simm.s32 $0x1AB00;
	s10 =	rddreg [dreg:$0xf]  }
0x304: {  	[tilespmem:s28], [sflag:$0xA] =	stream.indirect.gather [spmem:s19], $0x1, s11, s30, $0xb8;
	[tilespmem:$0x1AF00] =	vst v63  }
0x305: {  	s21 =	simm.s32 @!p1 $0x15B00;
	s20 =	rddreg [dreg:$0xe];
	s10 =	sadd.s32 @!p1 s15, s10  }
0x306: {  	[tilespmem:s21], [sflag:$0x2] =	stream.linear.gather @!p1 [hbm4b:s10+s31], $0x400, $0x38;
	[tilespmem:$0x1AF00] =	vst v63  }
0x307: {  	s23 =	simm.s32 @!p1 $0x16B00;
	s10 =	sadd.s32 @!p1 s15, s20  }
0x308: {  	[tilespmem:s23], [sflag:$0x6] =	stream.linear.gather @!p1 [hbm4b:s10+s31], $0x400, $0x38;
	[tilespmem:$0x1AF00] =	vst v63  }
0x309: {  	_ =	swait.ge [sflag:s8], $0x400  }
0x30a: {  	[sflag:s8] =	ssyncset.done $0x0  }
0x30b: {  	[sflag:s8] =	ssyncadd.s32 $0xFFFFFC00  }
0x30c: {  	_ =	swait.ge [sflag:s8], $0x400  }
0x30d: {  	[sflag:s8] =	ssyncset.done $0x0  }
0x30e: {  	[sflag:s8] =	ssyncadd.s32 $0xFFFFFC00  }
0x30f: {  	_ =	swait.ge [sflag:s8], $0x400  }
0x310: {  	[sflag:s8] =	ssyncset.done $0x0  }
0x311: {  	[sflag:s8] =	ssyncadd.s32 $0xFFFFFC00  }
0x312: {  	_ =	swait.ge [sflag:s8], $0x400  }
0x313: {  	[sflag:s8] =	ssyncset.done $0x0  }
0x314: {  	[sflag:s8] =	ssyncadd.s32 $0xFFFFFC00  }
0x315: {  	_ =	swait.ge [sflag:s8], $0x400  }
0x316: {  	[sflag:s8] =	ssyncset.done $0x0  }
0x317: {  	[sflag:s8] =	ssyncadd.s32 $0xFFFFFC00  }
0x318: {  	_ =	swait.ge [sflag:s8], $0x400  }
0x319: {  	[sflag:s8] =	ssyncset.done $0x0  }
0x31a: {  	[sflag:s8] =	ssyncadd.s32 $0xFFFFFC00  }
0x31b: {  	_ =	swait.ge [sflag:s8], $0x400  }
0x31c: {  	[sflag:s8] =	ssyncset.done $0x0  }
0x31d: {  	s14 =	simm.s32 $0x19300;
	s29 =	simm.s32 $0x17300;
	[sflag:s8] =	ssyncadd.s32 $0xFFFFFC00  }
0x31e: {  	[spmem:s22] =	stream.indirect.scatter.add.f32 [tilespmem:s14], [sflag:$0xC], $0x1, s29, s30, $0xb8;
	[tilespmem:$0x1AF00] =	vst v63  }
0x31f: {  	_ = 	snop  }
0x320: {  	[spmem:s0] =	stream.indirect.scatter.add.f32 [tilespmem:s5], [sflag:$0xC], $0x1, s29, s30, $0xb8;
	[tilespmem:$0x1AF00] =	vst v63  }
0x321: {  	_ = 	snop  }
0x322: {  	[spmem:s2] =	stream.indirect.scatter.add.f32 [tilespmem:s6], [sflag:$0xC], $0x1, s29, s30, $0xb8;
	[tilespmem:$0x1AF00] =	vst v63  }
0x323: {  	_ = 	snop  }
0x324: {  	[spmem:s4] =	stream.indirect.scatter.add.f32 [tilespmem:s7], [sflag:$0xC], $0x1, s29, s30, $0xb8;
	[tilespmem:$0x1AF00] =	vst v63  }
.Ltmp0:
0x325: {  	_ = 	snop;
	(pc) =	sbr.rel @p0 .LBB3_2-.Ltmp0, $4  }
0x326: {  	s17 =	simm.s32 $0x1AB00;
	s21 =	simm.s32 $0x19700  }
0x327: {  	[spmem:s24] =	stream.indirect.scatter.add.f32 [tilespmem:s9], [sflag:$0xC], $0x1, s29, s30, $0xb8;
	[tilespmem:$0x1AF00] =	vst v63  }
0x328: {  	s15 =	simm.s32 $0x17300;
	s31 =	simm.s32 $0x17300;
	s1 =	rddreg [dreg:$0x17]  }
0x329: {  	[spmem:s26] =	stream.indirect.scatter.add.f32 [tilespmem:s12], [sflag:$0xC], $0x1, s31, s30, $0xb8;
	[tilespmem:$0x1AF00] =	vst v63  }
0x32a: {  	s10 =	rddreg [dreg:$0x14];
	s1 =	simm.s32 $0xB  }
0x32b: {  	[spmem:s10] =	stream.indirect.scatter.add.f32 [tilespmem:s17], [sflag:$0xC], $0x1, s15, s30, $0xb8;
	[tilespmem:$0x1AF00] =	vst v63  }
0x32c: {  	_ =	swait.ge [sflag:s1], $0x400  }
0x32d: {  	[sflag:s1] =	ssyncset.done $0x0  }
0x32e: {  	[sflag:s1] =	ssyncadd.s32 $0xFFFFFC00  }
0x32f: {  	_ =	swait.ge [sflag:s1], $0x400  }
0x330: {  	[sflag:s1] =	ssyncset.done $0x0  }
0x331: {  	[sflag:s1] =	ssyncadd.s32 $0xFFFFFC00  }
0x332: {  	_ =	swait.ge [sflag:s1], $0x400  }
0x333: {  	[sflag:s1] =	ssyncset.done $0x0  }
0x334: {  	[sflag:s1] =	ssyncadd.s32 $0xFFFFFC00  }
0x335: {  	_ =	swait.ge [sflag:s1], $0x400  }
0x336: {  	[sflag:s1] =	ssyncset.done $0x0  }
0x337: {  	[sflag:s1] =	ssyncadd.s32 $0xFFFFFC00  }
0x338: {  	_ =	swait.ge [sflag:s1], $0x400  }
0x339: {  	[sflag:s1] =	ssyncset.done $0x0  }
0x33a: {  	[sflag:s1] =	ssyncadd.s32 $0xFFFFFC00  }
0x33b: {  	_ =	swait.ge [sflag:s1], $0x400  }
0x33c: {  	[sflag:s1] =	ssyncset.done $0x0  }
0x33d: {  	[sflag:s1] =	ssyncadd.s32 $0xFFFFFC00  }
0x33e: {  	_ =	swait.ge [sflag:s1], $0x400  }
0x33f: {  	[sflag:s1] =	ssyncset.done $0x0  }
0x340: {  	s4 =	simm.s32 $0xC;
	[sflag:s1] =	ssyncadd.s32 $0xFFFFFC00  }
0x341: {  	_ =	swait.ge [sflag:s4], $0x400  }
0x342: {  	[sflag:s4] =	ssyncset.done $0x0  }
0x343: {  	[sflag:s4] =	ssyncadd.s32 $0xFFFFFC00  }
0x344: {  	_ =	swait.ge [sflag:s4], $0x400  }
0x345: {  	[sflag:s4] =	ssyncset.done $0x0  }
0x346: {  	[sflag:s4] =	ssyncadd.s32 $0xFFFFFC00  }
0x347: {  	_ =	swait.ge [sflag:s4], $0x400  }
0x348: {  	[sflag:s4] =	ssyncset.done $0x0  }
0x349: {  	[sflag:s4] =	ssyncadd.s32 $0xFFFFFC00  }
0x34a: {  	_ =	swait.ge [sflag:s4], $0x400  }
0x34b: {  	[sflag:s4] =	ssyncset.done $0x0  }
0x34c: {  	[sflag:s4] =	ssyncadd.s32 $0xFFFFFC00  }
0x34d: {  	_ =	swait.ge [sflag:s4], $0x400  }
0x34e: {  	[sflag:s4] =	ssyncset.done $0x0  }
0x34f: {  	[sflag:s4] =	ssyncadd.s32 $0xFFFFFC00  }
0x350: {  	_ =	swait.ge [sflag:s4], $0x400  }
0x351: {  	[sflag:s4] =	ssyncset.done $0x0  }
0x352: {  	[sflag:s4] =	ssyncadd.s32 $0xFFFFFC00  }
0x353: {  	_ =	swait.ge [sflag:s4], $0x400  }
0x354: {  	[sflag:s4] =	ssyncset.done $0x0  }
0x355: {  	[sflag:s4] =	ssyncadd.s32 $0xFFFFFC00  }
0x356: {  	[bflag:$0x0] =	sbarrier.arrive $0xFFFF  }
0x357: {  	s5 =	sld [smem:$0x7EE]  }
0x358: {  	s6 =	sld [smem:$0x7DA]  }
0x359: {  	s12 =	simm.s32 $0x1;
	s18 =	simm.s32 $0x80  }
0x35a: {  	s14 =	simm.s32 $0xD;
	s17 =	simm.s32 $0x10;
	s31 =	rddreg [dreg:$0x19]  }
0x35b: {  	[hbm:s5@s18], [sflag:s31] =	dma.strided [spmem:s6@s17], $0x310, s12, $0x10   }
0x35c: {  	_ =	swait.ge [sflag:s14], $0x310  }
0x35d: {  	s7 =	sld [smem:$0x7EF]  }
0x35e: {  	s9 =	sld [smem:$0x7DB]  }
0x35f: {  	[sflag:s14] =	ssyncset.done $0x0  }
0x360: {  	[sflag:s14] =	ssyncadd.s32 $0xFFFFFCF0  }
0x361: {  	[hbm:s7@s18], [sflag:s31] =	dma.strided [spmem:s9@s17], $0x310, s12, $0x10   }
0x362: {  	_ =	swait.ge [sflag:s14], $0x310  }
0x363: {  	s11 =	sld [smem:$0x7F0]  }
0x364: {  	s15 =	sld [smem:$0x7DC]  }
0x365: {  	[sflag:s14] =	ssyncset.done $0x0  }
0x366: {  	[sflag:s14] =	ssyncadd.s32 $0xFFFFFCF0  }
0x367: {  	[hbm:s11@s18], [sflag:s31] =	dma.strided [spmem:s15@s17], $0x310, s12, $0x10   }
0x368: {  	_ =	swait.ge [sflag:s14], $0x310  }
0x369: {  	s16 =	sld [smem:$0x7F1]  }
0x36a: {  	s19 =	sld [smem:$0x7DD]  }
0x36b: {  	[sflag:s14] =	ssyncset.done $0x0  }
0x36c: {  	[sflag:s14] =	ssyncadd.s32 $0xFFFFFCF0  }
0x36d: {  	[hbm:s16@s18], [sflag:s31] =	dma.strided [spmem:s19@s17], $0x310, s12, $0x10   }
0x36e: {  	_ =	swait.ge [sflag:s14], $0x310  }
0x36f: {  	s20 =	sld [smem:$0x7F2]  }
0x370: {  	s21 =	sld [smem:$0x7DE]  }
0x371: {  	[sflag:s14] =	ssyncset.done $0x0  }
0x372: {  	[sflag:s14] =	ssyncadd.s32 $0xFFFFFCF0  }
0x373: {  	[hbm:s20@s18], [sflag:s31] =	dma.strided [spmem:s21@s17], $0x310, s12, $0x10   }
0x374: {  	_ =	swait.ge [sflag:s14], $0x310  }
0x375: {  	s22 =	sld [smem:$0x7F3]  }
0x376: {  	s23 =	sld [smem:$0x7DF]  }
0x377: {  	[sflag:s14] =	ssyncset.done $0x0  }
0x378: {  	[sflag:s14] =	ssyncadd.s32 $0xFFFFFCF0  }
0x379: {  	[hbm:s22@s18], [sflag:s31] =	dma.strided [spmem:s23@s17], $0x310, s12, $0x10   }
0x37a: {  	_ =	swait.ge [sflag:s14], $0x310  }
0x37b: {  	s24 =	sld [smem:$0x7F4]  }
0x37c: {  	s25 =	sld [smem:$0x7E0]  }
0x37d: {  	[sflag:s14] =	ssyncset.done $0x0  }
0x37e: {  	[sflag:s14] =	ssyncadd.s32 $0xFFFFFCF0  }
0x37f: {  	[hbm:s24@s18], [sflag:s31] =	dma.strided [spmem:s25@s17], $0x310, s12, $0x10   }
0x380: {  	s12 =	simm.s32 $0xD  }
0x381: {  	_ =	swait.ge [sflag:s12], $0x310  }
0x382: {  	s26 =	sld [smem:$0x7D9]  }
0x383: {  	[sflag:s12] =	ssyncset.done $0x0;
	s28 =	sld [smem:$0x7F5]  }
0x384: {  	[sflag:s12] =	ssyncadd.s32 $0xFFFFFCF0  }
0x385: {  	s24 =	rddreg [dreg:$0x1];
	s1 =	sadd.s32 $0x1, s26  }
0x386: {  	s29 =	rddreg [dreg:$0x3];
	p0 =	sne.s32 s1, s28  }
.Ltmp1:
0x387: {  	s14 =	rddreg [dreg:$0x5];
	(pc) =	sbr.rel @p0 .LBB3_1-.Ltmp1, $4  }
0x388: {  	s15 =	rddreg [dreg:$0x7]  }
0x389: {  	s19 =	rddreg [dreg:$0x9]  }
0x38a: {  	s21 =	rddreg [dreg:$0xb]  }
0x38b: {  	s4 =	simm.s32 $0x18F00;
	s26 =	rddreg [dreg:$0xd]  }
0x38c: {  	_ =	sfence.sel $0x180000  }
0x38d: {  	[bflag:$0x0] =	sbarrier.arrive $0xFFFF  }
0x38e: {  	_ =	strace $0x9000004D  }
0x38f: {  	s0 =	stileid.u32;
	[bflag:$0x2] =	sbarrier.arrive $0xFFFF  }
0x390: {  	p0 =	sne.s32 s0, $0x0;
	s0 =	rddreg [dreg:$0x18]  }
0x391: {  	s0 =	sadd.s32 @!p0 $0x100000, s0  }
0x392: {  	[sflag:s0] =	ssyncadd.tile.s32 @!p0 $0x1;
	_ =	shalt  }
.Lfunc_end3:
_tile_overlayer_lowered:
.L_overlay_start_3:
0x393: {  	(tag) =	ssettag $0x3  }
0x394: {  	s0 =	rddreg [dreg:$0x0];
	s2 =	stileid.u32  }
0x395: {  	s1 =	rddreg [dreg:$0x1];
	p0 =	sne.s32 s2, $0x0  }
0x396: {  	s3 =	rddreg [dreg:$0x2];
	[bflag:$0x3] =	sbarrier.arrive $0xFFFF;
	s2 =	simm.s32 @!p0 $0x1C0D  }
0x397: {  	[timem:s3], [sflag:s2] =	dma.local @!p0 [hbm:s0], s1  }
0x398: {  	s0 =	simm.s32 @!p0 $0xD  }
0x399: {  	_ =	swait.ge @!p0 [sflag:s0], s1  }
0x39a: {  	s1 =	ssub.s32 @!p0 $0x0, s1;
	[sflag:s0] =	ssyncset.done @!p0 $0x0  }
0x39b: {  	[sflag:s0] =	ssyncadd.s32 @!p0 s1  }
0x39c: {  	[bflag:$0x3] =	sbarrier.arrive $0xFFFF  }
0x39d: {  	_ =	shalt  }

// kernel: kernel.8.cloned.1.call-start
scs
__scs_entry_jumppad:
0x0: {  	(pc) =	sbr.rel $0x88, $3  }
0x1: {  	(tag) =	ssettag $0x0;
	lr =	simm.s32 $0x1  }
0x2: {  	[smem:$0x3F9B] =	sst lr;
	_ =	strace $0xD0000000  }
0x3: {  	_ = 	snop  }
0x4: {  	_ = 	snop  }
0x5: {  	_ = 	snop  }
0x6: {  	_ = 	snop  }
0x7: {  	_ = 	snop  }
__scs_overlays_trampoline_lowered:
0x8: {  	[smem:$0x3FAA] =	sst s0  }
0x9: {  	[smem:$0x3FAB] =	sst s1  }
0xa: {  	[smem:$0x3FAC] =	sst s2  }
0xb: {  	[smem:$0x3FAD] =	sst s3  }
0xc: {  	[smem:$0x3FAE] =	sst s4  }
0xd: {  	[smem:$0x3FAF] =	sst s5  }
0xe: {  	[smem:$0x3FB0] =	sst s6  }
0xf: {  	[smem:$0x3FB1] =	sst s7  }
0x10: {  	[smem:$0x3FB2] =	sst s8  }
0x11: {  	[smem:$0x3FB3] =	sst s9;
	s0 =	simm.s32 @!p0 $0x0  }
0x12: {  	s1 =	sld [smem:$0x3F99];
	s0 =	simm.s32 @p0 $0x1  }
0x13: {  	[smem:$0x3FB4] =	sst s0;
	s0 =	simm.s32 @!p1 $0x0  }
0x14: {  	s2 =	sld [smem:$0x3F98];
	s0 =	simm.s32 @p1 $0x1  }
0x15: {  	[smem:$0x3FB5] =	sst s0;
	s0 =	simm.s32 @!p2 $0x0  }
0x16: {  	s3 =	sld [smem:$0x3FDB];
	s0 =	simm.s32 @p2 $0x1  }
0x17: {  	s4 =	simm.s32 $0x1BF5;
	[smem:$0x3FB7] =	sst s0  }
0x18: {  	s0 =	sld [smem:$0x3F9A];
	_ =	swait.ge [sflag:s4], $0x0  }
0x19: {  	s7 =	sld [smem:$0x3F9B]  }
0x1a: {  	s8 =	sadd.s32 $0xFFFFE003, lr  }
0x1b: {  	s9 =	sadd.s32 $0xFFFFFEF7, lr;
	s5 =	simm.s32 $0xFFFFFFFF;
	p2 =	slt.u32 s8, $0xFFFFF086  }
0x1c: {  	p1 =	slt.u32 s9, $0xF7A;
	s5 =	simm.s32 @!p2 $0x0  }
0x1d: {  	s5 =	simm.s32 @p1 $0x1;
	p0 =	seq.s32 s7, s2  }
0x1e: {  	s7 =	smul.u32 @!p0 $0xF7A, s2;
	p2 =	seq.s32 @!p0 s5, $0x0  }
0x1f: {  	s9 =	smul.u32 $0xF7A, s1;
	s8 =	simm.s32 @!p0 $0x1BF5;
	p2 =	por !p2, p0  }
0x20: {  	[sflag:s8] =	ssyncset.s32 @!p0 $0xFFFFF086;
	s6 =	sadd.s32 @!p0 s3, s7;
	s7 =	simm.s32 @!p0 $0x108  }
0x21: {  	s3 =	sadd.s32 s3, s9;
	s6 =	sadd.s32 @!p0 $0x88, s6;
	s7 =	simm.s32 @p2 $0x1082  }
0x22: {  	[simem:s7], [sflag:s8] =	dma.local @!p0 [hbm:s6], $0xF7A  }
0x23: {  	s9 =	sor.u32 $0xD0000000, s2;
	s6 =	simm.s32 $0x108;
	_ =	swait.ge @!p0 [sflag:s8], $0x0  }
0x24: {  	s3 =	sadd.s32 $0x88, s3;
	s6 =	simm.s32 @!p1 $0x1082;
	[sflag:s4] =	ssyncset.s32 $0xFFFFF086  }
0x25: {  	[simem:s6], [sflag:s4] =	dma.local [hbm:s3], $0xF7A  }
0x26: {  	[smem:$0x3F9B] =	sst s1;
	(tag) =	ssettag s2;
	_ =	strace s9  }
0x27: {  	s1 =	sld [smem:$0x3FAB]  }
0x28: {  	s2 =	sld [smem:$0x3FAC]  }
0x29: {  	s4 =	sld [smem:$0x3FAE]  }
0x2a: {  	p0 =	seq.s32 s5, $0x0;
	s5 =	sld [smem:$0x3FAF]  }
0x2b: {  	s6 =	sld [smem:$0x3FB0]  }
0x2c: {  	s7 =	sld [smem:$0x3FB1]  }
0x2d: {  	s3 =	simm.s32 $0x108;
	s8 =	sld [smem:$0x3FB2]  }
0x2e: {  	s3 =	simm.s32 @!p0 $0x1082;
	s9 =	sld [smem:$0x3FB3]  }
0x2f: {  	lr =	sadd.s32 s0, s3;
	s0 =	sld [smem:$0x3FAA]  }
0x30: {  	s3 =	sld [smem:$0x3FAD]  }
0x31: {  	[smem:$0x3FB6] =	sst s10  }
0x32: {  	s10 =	sld [smem:$0x3FB4];
	_ =	sdelay $0x3  }
0x33: {  	p0 =	seq.s32 s10, $0x1;
	s10 =	sld [smem:$0x3FB6];
	_ =	sdelay $0x3  }
0x34: {  	[smem:$0x3FB6] =	sst s10  }
0x35: {  	s10 =	sld [smem:$0x3FB5];
	_ =	sdelay $0x3  }
0x36: {  	p1 =	seq.s32 s10, $0x1;
	s10 =	sld [smem:$0x3FB6];
	_ =	sdelay $0x3  }
0x37: {  	[smem:$0x3FB6] =	sst s10  }
0x38: {  	s10 =	sld [smem:$0x3FB7]  }
0x39: {  	_ = 	snop;
	(pc) =	sbr.ind lr, $3  }
0x3a: {  	_ = 	snop  }
0x3b: {  	_ = 	snop  }
0x3c: {  	p2 =	seq.s32 s10, $0x1;
	s10 =	sld [smem:$0x3FB6]  }
0x3d: {  	_ =	shalt  }
0x3e: {  	_ =	shalt  }
0x3f: {  	_ =	shalt  }
0x40: {  	_ =	shalt  }
0x41: {  	_ =	shalt  }
0x42: {  	_ =	shalt  }
0x43: {  	_ =	shalt  }
0x44: {  	_ =	shalt  }
0x45: {  	_ =	shalt  }
0x46: {  	_ =	shalt  }
0x47: {  	_ =	shalt  }
0x48: {  	_ =	shalt  }
0x49: {  	_ =	shalt  }
0x4a: {  	_ =	shalt  }
0x4b: {  	_ =	shalt  }
0x4c: {  	_ =	shalt  }
0x4d: {  	_ =	shalt  }
0x4e: {  	_ =	shalt  }
0x4f: {  	_ =	shalt  }
0x50: {  	_ =	shalt  }
0x51: {  	_ =	shalt  }
0x52: {  	_ =	shalt  }
0x53: {  	_ =	shalt  }
0x54: {  	_ =	shalt  }
0x55: {  	_ =	shalt  }
0x56: {  	_ =	shalt  }
0x57: {  	_ =	shalt  }
0x58: {  	_ =	shalt  }
0x59: {  	_ =	shalt  }
0x5a: {  	_ =	shalt  }
0x5b: {  	_ =	shalt  }
0x5c: {  	_ =	shalt  }
0x5d: {  	_ =	shalt  }
0x5e: {  	_ =	shalt  }
0x5f: {  	_ =	shalt  }
0x60: {  	_ =	shalt  }
0x61: {  	_ =	shalt  }
0x62: {  	_ =	shalt  }
0x63: {  	_ =	shalt  }
0x64: {  	_ =	shalt  }
0x65: {  	_ =	shalt  }
0x66: {  	_ =	shalt  }
0x67: {  	_ =	shalt  }
0x68: {  	_ =	shalt  }
0x69: {  	_ =	shalt  }
0x6a: {  	_ =	shalt  }
0x6b: {  	_ =	shalt  }
0x6c: {  	_ =	shalt  }
0x6d: {  	_ =	shalt  }
0x6e: {  	_ =	shalt  }
0x6f: {  	_ =	shalt  }
0x70: {  	_ =	shalt  }
0x71: {  	_ =	shalt  }
0x72: {  	_ =	shalt  }
0x73: {  	_ =	shalt  }
0x74: {  	_ =	shalt  }
0x75: {  	_ =	shalt  }
0x76: {  	_ =	shalt  }
0x77: {  	_ =	shalt  }
0x78: {  	_ =	shalt  }
0x79: {  	_ =	shalt  }
0x7a: {  	_ =	shalt  }
0x7b: {  	_ =	shalt  }
0x7c: {  	_ =	shalt  }
0x7d: {  	_ =	shalt  }
0x7e: {  	_ =	shalt  }
0x7f: {  	_ =	shalt  }
0x80: {  	_ =	shalt  }
0x81: {  	_ =	shalt  }
0x82: {  	_ =	shalt  }
0x83: {  	_ =	shalt  }
0x84: {  	_ =	shalt  }
0x85: {  	_ =	shalt  }
0x86: {  	_ =	shalt  }
0x87: {  	_ =	shalt  }
.Lfunc_end0:
.L_simem_size_0:
called_computation_lowered:
.L_overlay_start_0:
0x88: {  	s2 =	sld [smem:$0x3FD9]  }
0x89: {  	s3 =	sld [smem:$0x3FFE];
	_ =	sdelay $0x1  }
0x8a: {  	s1 =	srdreg.scid  }
0x8b: {  	s0 =	sand.u32 $0x1, s1  }
0x8c: {  	s17 =	sshll.u32 s0, $0xA;
	s2 =	sadd.s32 s3, s2  }
0x8d: {  	s2 =	sadd.s32 s2, s17  }
0x8e: {  	[smem:$0x3FC2] =	sst s2  }
0x8f: {  	_ = 	snop  }
0x90: {  	s2 =	sld [smem:$0x3FD0];
	(tm) =	ssettm $0x1  }
0x91: {  	s18 =	sld [smem:$0x3FFB];
	_ =	sdelay $0x3  }
0x92: {  	_ =	strace s18  }
0x93: {  	s3 =	sld [smem:$0x3FFC];
	_ =	sdelay $0x3  }
0x94: {  	_ =	strace s3  }
0x95: {  	s3 =	sld [smem:$0x3FFD];
	_ =	sdelay $0x3  }
0x96: {  	_ =	strace s3  }
0x97: {  	_ =	strace $0x8FFFFFFF  }
0x98: {  	s19 =	sld [smem:$0x3FDB];
	_ =	sdelay $0x1  }
0x99: {  	s4 =	simm.s32 $_scs_section_size  }
0x9a: {  	s5 =	simm.s32 $_size__tile_overlayer_lowered;
	s6 =	simm.s32 $_tile_overlayer_lowered  }
0x9b: {  	s22 =	simm.s32 $0x1BFF;
	s21 =	sshll.u32 s6, $0x1;
	s3 =	sadd.s32 s4, s19  }
0x9c: {  	s7 =	simm.s32 $0x0;
	s20 =	sshll.u32 s5, $0x1;
	s5 =	sadd.s32 s21, s3  }
0x9d: {  	[timem:s7], [sflag:s22] =	dma.local [hbm:s5], s20  }
0x9e: {  	_ =	swait.ge [sflag:s22], s20  }
0x9f: {  	s4 =	ssub.s32 $0x0, s20;
	[sflag:s22] =	ssyncset.done $0x0  }
0xa0: {  	[sflag:s22] =	ssyncadd.s32 s4;
	_ =	sdelay $0x1  }
0xa1: {  	s23 =	simm.s32 $0x1B8B  }
0xa2: {  	_ =	swait.ge [sflag:s23], $0x1  }
0xa3: {  	[sflag:s23] =	ssyncset.done $0x0  }
0xa4: {  	s25 =	simm.s32 $0x1B8E;
	s24 =	sld [smem:$0x3FFE];
	[sflag:s23] =	ssyncadd.s32 $0xFFFFFFFF  }
0xa5: {  	s26 =	simm.s32 $execute0_lowered;
	[smem:$0x3FD2] =	sst s25  }
0xa6: {  	s5 =	sshll.u32 s26, $0x1;
	_ =	strace $0x80000046;
	[dreg:$0x1] =	wrdreg $0xFFFFFFFF  }
0xa7: {  	s28 =	simm.s32 $_size_execute0_lowered;
	s3 =	sadd.s32 s3, s5;
	[dreg:$0x0] =	wrdreg $0x0  }
0xa8: {  	s5 =	sshll.u32 s28, $0x1;
	[dreg:$0x2] =	wrdreg s3  }
0xa9: {  	[dreg:$0x3] =	wrdreg s5  }
0xaa: {  	[dreg:$0x4] =	wrdreg $0xC0  }
0xab: {  	_ =	task [dreg:s7], $0x5FFFF  }
0xac: {  	[dreg:$0x1] =	wrdreg $0xFFFFFFFF  }
0xad: {  	[dreg:$0x0] =	wrdreg $0x60  }
0xae: {  	[dreg:$0x2] =	wrdreg s24  }
0xaf: {  	[dreg:$0x3] =	wrdreg s2  }
0xb0: {  	[dreg:$0x4] =	wrdreg $0x0  }
0xb1: {  	[dreg:$0x5] =	wrdreg $0x9  }
0xb2: {  	_ =	task.clear_ibuf [dreg:s7], $0x6FFFF;
	_ =	strace $0x90000046  }
0xb3: {  	s29 =	simm.s32 $0x9;
	_ =	strace $0x80000048  }
0xb4: {  	_ =	swait.ge [sflag:s29], $0x1  }
0xb5: {  	[sflag:s29] =	ssyncadd.s32 $0xFFFFFFFF  }
0xb6: {  	_ =	strace $0x90000048  }
0xb7: {  	_ =	sfence  }
0xb8: {  	s30 =	sld [smem:$0x0];
	_ =	sdelay $0x2  }
0xb9: {  	s31 =	sshll.u32 s1, $0xD;
	s1 =	sshrl.u32 s1, $0x2  }
0xba: {  	s3 =	sand.u32 $0x4000, s31;
	s1 =	sadd.s32 s1, s30  }
0xbb: {  	s0 =	sor.u32 s3, s0;
	s1 =	sshll.u32 s1, $0x11  }
0xbc: {  	s0 =	sor.u32 s1, s0  }
0xbd: {  	s0 =	sadd.s32 $0x8F2B, s0  }
0xbe: {  	[sflag:s0] =	ssyncadd.remote.s32 $0x1  }
0xbf: {  	_ =	sfence.sel $0xFFFF  }
0xc0: {  	[dreg:$0x0] =	wrdreg $0xFFFFFFFF;
	(pc) =	sbr.abs _section_cstart, $3  }
0xc1: {  	[dreg:$0x1] =	wrdreg $0xFFFFFFFF  }
0xc2: {  	_ =	task.clear_ibuf [dreg:s7], $0x2FFFF;
	_ =	strace $0x9FFFFFFF  }
0xc3: {  	(tm) =	ssettm $0x7FFFFFFF  }
tec
execute0_lowered:
.L_overlay_start_1:
0x0: {  	(tag) =	ssettag $0x1  }
0x1: {  	s0 =	rddreg [dreg:$0x0]  }
0x2: {  	s1 =	rddreg [dreg:$0x1]  }
0x3: {  	s2 =	rddreg [dreg:$0x2]  }
0x4: {  	s3 =	simm.s32 $0x0;
	s12 =	stileid.u32;
	s4 =	srdreg.scid  }
0x5: {  	s28 =	simm.s32 $0x2;
	s29 =	simm.s32 $0x2480;
	s30 =	simm.s32 $0x3  }
0x6: {  	s31 =	simm.s32 $0x5;
	[smem:$0x7FF] =	sst s3;
	s5 =	smul.u32 $0x1880, s12  }
0x7: {  	s4 =	sand.u32 $0x1, s4;
	s18 =	sadd.s32 $0xC6000, s0;
	s6 =	sadd.s32 $0x5C00, s0  }
0x8: {  	s15 =	sshll.u32 s12, $0x6;
	s11 =	smul.u32 $0x3100, s12;
	_ =	strace $0x80000047  }
0x9: {  	[dreg:$0x4] =	wrdreg s6;
	s13 =	sshll.u32 s4, $0x4;
	s8 =	ssub.s32 $0x2, s4  }
0xa: {  	s17 =	sshll.u32 s4, $0x7;
	s4 =	smul.u32 $0x310000, s4;
	s7 =	sshrl.u32 s5, $0x3  }
0xb: {  	s6 =	sor.u32 s12, s13;
	s14 =	sshrl.u32 s8, $0x1;
	s12 =	smul.u32 $0x31000, s12  }
0xc: {  	s5 =	sadd.s32 s5, s2;
	s0 =	sadd.s32 s7, s0;
	s9 =	smul.u32 $0x31000, s6  }
0xd: {  	s10 =	ssub.s32 s8, s14;
	s6 =	sor.u32 $0x1C07, s15;
	s0 =	sadd.s32 $0x2A00, s0  }
0xe: {  	s10 =	smax.u32 s10, $0x1;
	s4 =	sadd.s32 s12, s4;
	[dreg:$0x5] =	wrdreg s0  }
0xf: {  	s16 =	sshrl.u32 s9, $0x3;
	s0 =	sor.u32 s17, s11;
	s20 =	sor.u32 $0x800, s9  }
0x10: {  	s13 =	sor.u32 $0xC00, s9;
	s23 =	sadd.s32 $0x2400, s4;
	s24 =	sadd.s32 $0x2000, s4  }
0x11: {  	s25 =	sadd.s32 $0x1C00, s4;
	s4 =	sadd.s32 $0x1800, s4;
	s7 =	sadd.s32 s18, s16  }
0x12: {  	s0 =	sshrl.u32 s0, $0x3;
	s21 =	sshrl.u32 s20, $0x3;
	s22 =	sshrl.u32 s13, $0x3  }
0x13: {  	s26 =	sshrl.u32 s4, $0x3;
	s20 =	simm.s32 $0x7;
	s4 =	simm.s32 $0x0  }
0x14: {  	s19 =	sadd.s32 $0x80, s7;
	s9 =	sadd.s32 s1, s0;
	s11 =	sadd.s32 s18, s21  }
0x15: {  	s12 =	sadd.s32 s18, s22;
	s13 =	sadd.s32 $0x200, s7;
	s14 =	sadd.s32 $0x280, s7  }
0x16: {  	s0 =	sshrl.u32 s23, $0x3;
	s1 =	sshrl.u32 s25, $0x3;
	s21 =	simm.s32 $0x2880  }
.Ltmp0:
0x17: {  	s22 =	simm.s32 $0x1880;
	s23 =	simm.s32 $0x1C80;
	(pc) =	sbr.rel .LBB2_1-.Ltmp0, $4  }
0x18: {  	s25 =	simm.s32 $0x400;
	[dreg:$0x6] =	wrdreg s19;
	s15 =	sadd.s32 s0, s18  }
0x19: {  	s0 =	sshrl.u32 s24, $0x3;
	s17 =	sadd.s32 s1, s18;
	s19 =	sshrl.u32 s5, $0x3  }
0x1a: {  	s24 =	simm.s32 $0x1;
	s1 =	simm.s32 $0x6;
	s16 =	sadd.s32 s0, s18  }
0x1b: {  	s18 =	sadd.s32 s26, s18;
	s26 =	simm.s32 $0x2080;
	s0 =	simm.s32 $0x4  }
.LBB2_4:
0x1c: {  	_ =	swait.ge [sflag:s0], $0x400  }
0x1d: {  	[sflag:s0] =	ssyncset.done $0x0  }
0x1e: {  	[sflag:s0] =	ssyncadd.s32 $0xFFFFFC00  }
0x1f: {  	_ =	swait.ge [sflag:s1], $0x400  }
0x20: {  	[sflag:s1] =	ssyncset.done $0x0  }
0x21: {  	[sflag:s1] =	ssyncadd.s32 $0xFFFFFC00  }
0x22: {  	[spmem:s2] =	stream.indirect.scatter.add.f32 [tilespmem:s21], [sflag:$0x6], $0x1, s29, s25, $0xb8;
	[tilespmem:$0x2C80] =	vst v63  }
0x23: {  	_ =	swait.ge [sflag:s31], $0x400  }
0x24: {  	[sflag:s31] =	ssyncset.done $0x0  }
0x25: {  	[sflag:s31] =	ssyncadd.s32 $0xFFFFFC00  }
0x26: {  	_ =	swait.ge [sflag:s1], $0x400  }
0x27: {  	s4 =	sadd.s32 $0x1, s4;
	[sflag:s1] =	ssyncset.done $0x0  }
0x28: {  	s5 =	simm.s32 $0x20;
	p0 =	sne.s32 s4, s10;
	[sflag:s1] =	ssyncadd.s32 $0xFFFFFC00  }
.Ltmp1:
0x29: {  	s8 =	simm.s32 $0x10;
	[bflag:$0x0] =	sbarrier.arrive $0xFFFF;
	(pc) =	sbr.rel @!p0 .LBB2_5-.Ltmp1, $4  }
0x2a: {  	[hbm:s9@s5], [sflag:s6] =	dma.strided [spmem:s19@s8], $0x310, s24, $0x10   }
0x2b: {  	_ =	swait.ge [sflag:s20], $0x310  }
0x2c: {  	[sflag:s20] =	ssyncset.done $0x0  }
0x2d: {  	[sflag:s20] =	ssyncadd.s32 $0xFFFFFCF0  }
.LBB2_1:
0x2e: {  	s5 =	rddreg [dreg:$0x5]  }
0x2f: {  	[spmem:s19], [sflag:s6] =	dma.local [hbm:s5], $0x310  }
0x30: {  	_ =	swait.ge [sflag:s20], $0x310  }
0x31: {  	[sflag:s20] =	ssyncset.done $0x0  }
0x32: {  	s8 =	rddreg [dreg:$0x4];
	[sflag:s20] =	ssyncadd.s32 $0xFFFFFCF0  }
0x33: {  	[tilespmem:s21], [sflag:$0x7] =	stream.linear.gather [hbm4b:s8+s3], $0x400, $0x38;
	[tilespmem:$0x2C80] =	vst v63  }
0x34: {  	_ =	swait.ge [sflag:s20], $0x400  }
0x35: {  	[sflag:s20] =	ssyncset.done $0x0  }
0x36: {  	[sflag:s20] =	ssyncadd.s32 $0xFFFFFC00  }
0x37: {  	[bflag:$0x0] =	sbarrier.arrive $0xFFFF  }
0x38: {  	[tilespmem:s22], [sflag:$0x1] =	stream.linear.gather [hbm4b:s7+s3], $0x400, $0x38;
	[tilespmem:$0x2C80] =	vst v63  }
0x39: {  	s8 =	rddreg [dreg:$0x6]  }
0x3a: {  	[tilespmem:s23], [sflag:$0x2] =	stream.linear.gather [hbm4b:s8+s3], $0x400, $0x38;
	[tilespmem:$0x2C80] =	vst v63  }
0x3b: {  	_ =	swait.ge [sflag:s24], $0x400  }
0x3c: {  	[sflag:s24] =	ssyncset.done $0x0  }
0x3d: {  	[sflag:s24] =	ssyncadd.s32 $0xFFFFFC00  }
0x3e: {  	[spmem:s2] =	stream.indirect.scatter.add.f32 [tilespmem:s21], [sflag:$0x5], $0x1, s22, s25, $0xb8;
	[tilespmem:$0x2C80] =	vst v63  }
0x3f: {  	_ = 	snop  }
0x40: {  	[tilespmem:s26], [sflag:$0x3] =	stream.linear.gather [hbm4b:s11+s3], $0x400, $0x38;
	[tilespmem:$0x2C80] =	vst v63  }
0x41: {  	_ =	swait.ge [sflag:s28], $0x400  }
0x42: {  	[sflag:s28] =	ssyncset.done $0x0  }
0x43: {  	[sflag:s28] =	ssyncadd.s32 $0xFFFFFC00  }
0x44: {  	[spmem:s2] =	stream.indirect.scatter.add.f32 [tilespmem:s21], [sflag:$0x6], $0x1, s23, s25, $0xb8;
	[tilespmem:$0x2C80] =	vst v63  }
0x45: {  	_ = 	snop  }
0x46: {  	[tilespmem:s29], [sflag:$0x4] =	stream.linear.gather [hbm4b:s12+s3], $0x400, $0x38;
	[tilespmem:$0x2C80] =	vst v63  }
0x47: {  	_ =	swait.ge [sflag:s30], $0x400  }
0x48: {  	[sflag:s30] =	ssyncset.done $0x0  }
0x49: {  	[sflag:s30] =	ssyncadd.s32 $0xFFFFFC00  }
0x4a: {  	_ =	swait.ge [sflag:s31], $0x400  }
0x4b: {  	[sflag:s31] =	ssyncset.done $0x0  }
0x4c: {  	[sflag:s31] =	ssyncadd.s32 $0xFFFFFC00  }
0x4d: {  	[spmem:s2] =	stream.indirect.scatter.add.f32 [tilespmem:s21], [sflag:$0x5], $0x1, s26, s25, $0xb8;
	[tilespmem:$0x2C80] =	vst v63  }
0x4e: {  	_ = 	snop  }
0x4f: {  	[tilespmem:s22], [sflag:$0x1] =	stream.linear.gather [hbm4b:s13+s3], $0x400, $0x38;
	[tilespmem:$0x2C80] =	vst v63  }
0x50: {  	_ =	swait.ge [sflag:s0], $0x400  }
0x51: {  	[sflag:s0] =	ssyncset.done $0x0  }
0x52: {  	[sflag:s0] =	ssyncadd.s32 $0xFFFFFC00  }
0x53: {  	_ =	swait.ge [sflag:s1], $0x400  }
0x54: {  	[sflag:s1] =	ssyncset.done $0x0  }
0x55: {  	[sflag:s1] =	ssyncadd.s32 $0xFFFFFC00  }
0x56: {  	[spmem:s2] =	stream.indirect.scatter.add.f32 [tilespmem:s21], [sflag:$0x6], $0x1, s29, s25, $0xb8;
	[tilespmem:$0x2C80] =	vst v63  }
0x57: {  	s5 =	simm.s32 $0x0  }
0x58: {  	[tilespmem:s23], [sflag:$0x2] =	stream.linear.gather [hbm4b:s14+s3], $0x400, $0x38;
	[tilespmem:$0x2C80] =	vst v63  }
.LBB2_2:
0x59: {  	_ =	swait.ge [sflag:s24], $0x400  }
0x5a: {  	[sflag:s24] =	ssyncset.done $0x0  }
0x5b: {  	[sflag:s24] =	ssyncadd.s32 $0xFFFFFC00  }
0x5c: {  	_ =	swait.ge [sflag:s31], $0x400  }
0x5d: {  	[sflag:s31] =	ssyncset.done $0x0  }
0x5e: {  	[sflag:s31] =	ssyncadd.s32 $0xFFFFFC00  }
0x5f: {  	[spmem:s2] =	stream.indirect.scatter.add.f32 [tilespmem:s21], [sflag:$0x5], $0x1, s22, s25, $0xb8;
	[tilespmem:$0x2C80] =	vst v63  }
0x60: {  	s8 =	sadd.s32 s5, s18  }
0x61: {  	[tilespmem:s26], [sflag:$0x3] =	stream.linear.gather [hbm4b:s8+s3], $0x400, $0x38;
	[tilespmem:$0x2C80] =	vst v63  }
0x62: {  	_ =	swait.ge [sflag:s28], $0x400  }
0x63: {  	[sflag:s28] =	ssyncset.done $0x0  }
0x64: {  	[sflag:s28] =	ssyncadd.s32 $0xFFFFFC00  }
0x65: {  	_ =	swait.ge [sflag:s1], $0x400  }
0x66: {  	[sflag:s1] =	ssyncset.done $0x0  }
0x67: {  	[sflag:s1] =	ssyncadd.s32 $0xFFFFFC00  }
0x68: {  	[spmem:s2] =	stream.indirect.scatter.add.f32 [tilespmem:s21], [sflag:$0x6], $0x1, s23, s25, $0xb8;
	[tilespmem:$0x2C80] =	vst v63  }
0x69: {  	s8 =	sadd.s32 s5, s17  }
0x6a: {  	[tilespmem:s29], [sflag:$0x4] =	stream.linear.gather [hbm4b:s8+s3], $0x400, $0x38;
	[tilespmem:$0x2C80] =	vst v63  }
0x6b: {  	_ =	swait.ge [sflag:s30], $0x400  }
0x6c: {  	p0 =	seq.s32 s5, $0x5E00;
	[sflag:s30] =	ssyncset.done $0x0  }
.Ltmp2:
0x6d: {  	[sflag:s30] =	ssyncadd.s32 $0xFFFFFC00;
	(pc) =	sbr.rel @p0 .LBB2_4-.Ltmp2, $4  }
0x6e: {  	_ =	swait.ge [sflag:s31], $0x400  }
0x6f: {  	[sflag:s31] =	ssyncset.done $0x0  }
0x70: {  	[sflag:s31] =	ssyncadd.s32 $0xFFFFFC00  }
0x71: {  	[spmem:s2] =	stream.indirect.scatter.add.f32 [tilespmem:s21], [sflag:$0x5], $0x1, s26, s25, $0xb8;
	[tilespmem:$0x2C80] =	vst v63  }
0x72: {  	s8 =	sadd.s32 s5, s16  }
0x73: {  	[tilespmem:s22], [sflag:$0x1] =	stream.linear.gather [hbm4b:s8+s3], $0x400, $0x38;
	[tilespmem:$0x2C80] =	vst v63  }
0x74: {  	_ =	swait.ge [sflag:s0], $0x400  }
0x75: {  	[sflag:s0] =	ssyncset.done $0x0  }
0x76: {  	[sflag:s0] =	ssyncadd.s32 $0xFFFFFC00  }
0x77: {  	_ =	swait.ge [sflag:s1], $0x400  }
.Ltmp3:
0x78: {  	[sflag:s1] =	ssyncset.done $0x0;
	(pc) =	sbr.rel .LBB2_2-.Ltmp3, $4  }
0x79: {  	[sflag:s1] =	ssyncadd.s32 $0xFFFFFC00  }
0x7a: {  	[spmem:s2] =	stream.indirect.scatter.add.f32 [tilespmem:s21], [sflag:$0x6], $0x1, s29, s25, $0xb8;
	[tilespmem:$0x2C80] =	vst v63  }
0x7b: {  	s8 =	sadd.s32 s5, s15;
	s5 =	sadd.s32 $0x200, s5  }
0x7c: {  	[tilespmem:s23], [sflag:$0x2] =	stream.linear.gather [hbm4b:s8+s3], $0x400, $0x38;
	[tilespmem:$0x2C80] =	vst v63  }
.LBB2_5:
0x7d: {  	_ =	sfence.sel $0x180000  }
0x7e: {  	[bflag:$0x0] =	sbarrier.arrive $0xFFFF  }
0x7f: {  	_ =	strace $0x90000047  }
0x80: {  	s0 =	stileid.u32;
	[bflag:$0x2] =	sbarrier.arrive $0xFFFF  }
0x81: {  	p0 =	sne.s32 s0, $0x0;
	s0 =	rddreg [dreg:$0x3]  }
0x82: {  	s0 =	sadd.s32 @!p0 $0x100000, s0  }
0x83: {  	[sflag:s0] =	ssyncadd.tile.s32 @!p0 $0x1;
	_ =	shalt  }
.Lfunc_end2:
_tile_overlayer_lowered:
.L_overlay_start_2:
0x84: {  	(tag) =	ssettag $0x2  }
0x85: {  	s0 =	rddreg [dreg:$0x0];
	s2 =	stileid.u32  }
0x86: {  	s1 =	rddreg [dreg:$0x1];
	p0 =	sne.s32 s2, $0x0  }
0x87: {  	s3 =	rddreg [dreg:$0x2];
	[bflag:$0x3] =	sbarrier.arrive $0xFFFF;
	s2 =	simm.s32 @!p0 $0x1C07  }
0x88: {  	[timem:s3], [sflag:s2] =	dma.local @!p0 [hbm:s0], s1  }
0x89: {  	s0 =	simm.s32 @!p0 $0x7  }
0x8a: {  	_ =	swait.ge @!p0 [sflag:s0], s1  }
0x8b: {  	s1 =	ssub.s32 @!p0 $0x0, s1;
	[sflag:s0] =	ssyncset.done @!p0 $0x0  }
0x8c: {  	[sflag:s0] =	ssyncadd.s32 @!p0 s1  }
0x8d: {  	[bflag:$0x3] =	sbarrier.arrive $0xFFFF  }
0x8e: {  	_ =	shalt  }

</sc_bundles>
